<compile_context>
chip_gen: v7x
topology: tpu7x:2x2x1
jax: 0.10.2.dev20260603
libtpu: 0.0.44.dev20260713+nightly
codegen_flags: <defaults>
</compile_context>

<pallas_src>
import functools

import jax
import jax.numpy as jnp
from jax import lax
from jax.experimental import pallas as pl
from jax.experimental.pallas import tpu as pltpu
from jax.experimental.pallas import tpu_sc as plsc

_N_NODES = 100000
_E = 1600000
_NC = 2
_NS = 16
_NW = _NC * _NS
_CHUNK = 512
_EPW = _E // _NW
_NCHUNKS = -(-_EPW // _CHUNK)
_NCHUNKS += _NCHUNKS % 2


def _rsqrt(x):
    i = plsc.bitcast(x, jnp.int32)
    i = jnp.int32(0x5F3759DF) - (i >> 1)
    y = plsc.bitcast(i, jnp.float32)
    xh = x * 0.5
    for _ in range(3):
        y = y * (1.5 - xh * y * y)
    return y


def _cvec(v):
    return jnp.full((16,), v, jnp.int32)


def _compute_chunk(xi_b, xj_b, ob):

    def block(b, carry):
        rows = lax.iota(jnp.int32, 16) + b * 16
        qi = [[plsc.load_gather(xi_b, [rows, _cvec(4 * p + c)])
               for c in range(4)] for p in range(4)]
        qj = [[plsc.load_gather(xj_b, [rows, _cvec(4 * p + c)])
               for c in range(4)] for p in range(4)]
        for p in range(4):
            aw, ax, ay, az = qi[p]
            bw, bx, by, bz = qj[p]
            w = aw * bw + ax * bx + ay * by + az * bz
            x = ax * bw - aw * bx - ay * bz + az * by
            y = ay * bw - aw * by + ax * bz - az * bx
            z = az * bw - aw * bz - ax * by + ay * bx
            r = _rsqrt(w * w + x * x + y * y + z * z)
            for c, v in enumerate((w * r, x * r, y * r, z * r)):
                plsc.store_scatter(ob, [rows, _cvec(4 * p + c)], v)
        return carry

    lax.fori_loop(0, _CHUNK // 16, block, 0, unroll=4)


_ROWS_PER_SUB = _N_NODES // _NS


def _sc_body(table_hbm, edges_hbm, out_hbm, dump_hbm,
             ii0, ij0, ii1, ij1, xi0, xj0, xi1, xj1, ob0, ob1,
             si0, si1, sg0, sg1, so0, so1):
    wid = lax.axis_index("s") * _NC + lax.axis_index("c")
    wbase = wid * _EPW
    n = _NCHUNKS

    def idx_issue(slot_ii, slot_ij, sem, base):
        pltpu.async_copy(edges_hbm.at[0, pl.ds(base, _CHUNK)], slot_ii, sem)
        pltpu.async_copy(edges_hbm.at[1, pl.ds(base, _CHUNK)], slot_ij, sem)

    def idx_wait(slot_ii, slot_ij, sem):
        pltpu.make_async_copy(
            edges_hbm.at[0, pl.ds(0, _CHUNK)], slot_ii, sem).wait()
        pltpu.make_async_copy(
            edges_hbm.at[1, pl.ds(0, _CHUNK)], slot_ij, sem).wait()

    def gather_issue(slot_ii, slot_ij, xi_b, xj_b, sem):
        pltpu.async_copy(table_hbm.at[slot_ii], xi_b, sem)
        pltpu.async_copy(table_hbm.at[slot_ij], xj_b, sem)

    def gather_wait(slot_ii, slot_ij, xi_b, xj_b, sem):
        pltpu.make_async_copy(table_hbm.at[slot_ii], xi_b, sem).wait()
        pltpu.make_async_copy(table_hbm.at[slot_ij], xj_b, sem).wait()

    def out_wait(ob, sem):
        pltpu.make_async_copy(ob, out_hbm.at[pl.ds(0, _CHUNK)], sem).wait()

    idx_issue(ii0, ij0, si0, wbase)
    idx_issue(ii1, ij1, si1, wbase + jnp.minimum(_CHUNK, _EPW - _CHUNK))
    idx_wait(ii0, ij0, si0)
    gather_issue(ii0, ij0, xi0, xj0, sg0)
    pltpu.async_copy(ob0, dump_hbm.at[wid, 0], so0)
    pltpu.async_copy(ob1, dump_hbm.at[wid, 1], so1)

    def half_iter(g, cur, nxt):
        (ii_c, ij_c, xi_c, xj_c, ob_c, si_c, sg_c, so_c) = cur
        (ii_n, ij_n, xi_n, xj_n, si_n, sg_n) = nxt
        base_g = wbase + jnp.minimum(g * _CHUNK, _EPW - _CHUNK)
        base_p = wbase + jnp.minimum((g + 2) * _CHUNK, _EPW - _CHUNK)
        idx_wait(ii_n, ij_n, si_n)
        gather_issue(ii_n, ij_n, xi_n, xj_n, sg_n)
        gather_wait(ii_c, ij_c, xi_c, xj_c, sg_c)
        idx_issue(ii_c, ij_c, si_c, base_p)
        out_wait(ob_c, so_c)
        _compute_chunk(xi_c, xj_c, ob_c)
        pltpu.async_copy(ob_c, out_hbm.at[pl.ds(base_g, _CHUNK)], so_c)

    slot0 = (ii0, ij0, xi0, xj0, ob0, si0, sg0, so0)
    slot1 = (ii1, ij1, xi1, xj1, ob1, si1, sg1, so1)
    nxt0 = (ii0, ij0, xi0, xj0, si0, sg0)
    nxt1 = (ii1, ij1, xi1, xj1, si1, sg1)

    def loop_body(t, carry):
        half_iter(2 * t, slot0, nxt1)
        half_iter(2 * t + 1, slot1, nxt0)
        return carry

    lax.fori_loop(0, n // 2, loop_body, 0)

    gather_wait(ii0, ij0, xi0, xj0, sg0)
    idx_wait(ii1, ij1, si1)
    out_wait(ob0, so0)
    out_wait(ob1, so1)


def kernel(particles, edges):
    table = particles.reshape(_N_NODES, 16)
    mesh = plsc.VectorSubcoreMesh(core_axis_name="c", subcore_axis_name="s")
    run = functools.partial(
        pl.kernel,
        mesh=mesh,
        compiler_params=pltpu.CompilerParams(
            use_tc_tiling_on_sc=False, needs_layout_passes=False),
        out_type=(jax.ShapeDtypeStruct((_E, 16), jnp.float32),
                  jax.ShapeDtypeStruct((_NW, 2, _CHUNK, 16), jnp.float32)),
        scratch_types=[
            pltpu.VMEM((_CHUNK,), jnp.int32),
            pltpu.VMEM((_CHUNK,), jnp.int32),
            pltpu.VMEM((_CHUNK,), jnp.int32),
            pltpu.VMEM((_CHUNK,), jnp.int32),
            pltpu.VMEM((_CHUNK, 16), jnp.float32),
            pltpu.VMEM((_CHUNK, 16), jnp.float32),
            pltpu.VMEM((_CHUNK, 16), jnp.float32),
            pltpu.VMEM((_CHUNK, 16), jnp.float32),
            pltpu.VMEM((_CHUNK, 16), jnp.float32),
            pltpu.VMEM((_CHUNK, 16), jnp.float32),
            pltpu.SemaphoreType.DMA,
            pltpu.SemaphoreType.DMA,
            pltpu.SemaphoreType.DMA,
            pltpu.SemaphoreType.DMA,
            pltpu.SemaphoreType.DMA,
            pltpu.SemaphoreType.DMA,
        ],
    )(_sc_body)
    out, _ = run(table, edges)
    return out.reshape(_E, 4, 4)

# --- scband reference (transcript-rebuilt; emitter-appended) ---
"""Pipeline reference for scband-quaternion-relative-measure-map-73813307949661 (READ-ONLY COPY).

The authoritative reference and input builder live on the scoring server;
editing this copy changes nothing except your own understanding.
"""

import jax, jax.numpy as jnp
import numpy as np

N_NODES = 100000
N_EDGES = 1600000
P = 4


def quaternion_prod(q, r):
    qw, qx, qy, qz = q[..., 0], q[..., 1], q[..., 2], q[..., 3]
    rw, rx, ry, rz = r[..., 0], r[..., 1], r[..., 2], r[..., 3]
    w = qw * rw - qx * rx - qy * ry - qz * rz
    x = qw * rx + qx * rw + qy * rz - qz * ry
    y = qw * ry - qx * rz + qy * rw + qz * rx
    z = qw * rz + qx * ry - qy * rx + qz * rw
    return jnp.stack([w, x, y, z], axis=-1)


def setup_inputs(seed: int = 0) -> dict:
    key = jax.random.key(seed)
    k1, k2 = jax.random.split(key)
    particles = jax.random.normal(k1, (N_NODES, P, 4), dtype=jnp.float32)
    edges = jax.random.randint(k2, (2, N_EDGES), 0, N_NODES, dtype=jnp.int32)
    return {"particles": particles, "edges": edges}


def reference(particles, edges):
    i = edges[0, :]
    j = edges[1, :]
    xi = jnp.take(particles, i, axis=0)
    xj = jnp.take(particles, j, axis=0)
    # conjugate xj: negate imaginary parts (components 1:)
    xj = jnp.concatenate([xj[..., :1], -xj[..., 1:]], axis=-1)
    ratios = quaternion_prod(xi, xj)
    ratios = ratios / jnp.linalg.norm(ratios, axis=-1, keepdims=True)
    return ratios

if __name__ == "__main__":
    import jax
    _d = setup_inputs()
    print(jax.jit(kernel)(*tuple(_d.values())))

</pallas_src>

<mosaic_0001>
#map = affine_map<(d0, d1) -> (0, 0)>
#map1 = affine_map<(d0, d1) -> (0, 0, 0, 0)>
module attributes {stable_mosaic.version = 14 : i64} {
  func.func @_sc_body(%arg0: i32, %arg1: i32, %arg2: memref<100000x16xf32, #tpu.memory_space<hbm>>, %arg3: memref<2x1600000xi32, #tpu.memory_space<hbm>>, %arg4: memref<1600000x16xf32, #tpu.memory_space<hbm>>, %arg5: memref<32x2x512x16xf32, #tpu.memory_space<hbm>>, %arg6: memref<512xi32, #tpu.memory_space<vmem>>, %arg7: memref<512xi32, #tpu.memory_space<vmem>>, %arg8: memref<512xi32, #tpu.memory_space<vmem>>, %arg9: memref<512xi32, #tpu.memory_space<vmem>>, %arg10: memref<512x16xf32, #tpu.memory_space<vmem>>, %arg11: memref<512x16xf32, #tpu.memory_space<vmem>>, %arg12: memref<512x16xf32, #tpu.memory_space<vmem>>, %arg13: memref<512x16xf32, #tpu.memory_space<vmem>>, %arg14: memref<512x16xf32, #tpu.memory_space<vmem>>, %arg15: memref<512x16xf32, #tpu.memory_space<vmem>>, %arg16: memref<!tpu.dma_semaphore, #tpu.memory_space<semaphore_mem>>, %arg17: memref<!tpu.dma_semaphore, #tpu.memory_space<semaphore_mem>>, %arg18: memref<!tpu.dma_semaphore, #tpu.memory_space<semaphore_mem>>, %arg19: memref<!tpu.dma_semaphore, #tpu.memory_space<semaphore_mem>>, %arg20: memref<!tpu.dma_semaphore, #tpu.memory_space<semaphore_mem>>, %arg21: memref<!tpu.dma_semaphore, #tpu.memory_space<semaphore_mem>>) attributes {dimension_semantics = [#tpu.dimension_semantics<core_parallel>, #tpu.dimension_semantics<subcore_parallel>], iteration_bounds = array<i64: 2, 16>, scalar_prefetch = 0 : i64, scratch_operands = 16 : i64, tpu.core_type = #tpu.core_type<sc_vector_subcore>, window_params = [{transform_indices = #map}, {transform_indices = #map}, {transform_indices = #map}, {transform_indices = #map1}]} {
    %mul3A = arith.constant 2 : i32
    %mul3A_0 = arith.muli %arg1, %mul3A : i32
    %add3A = arith.addi %mul3A_0, %arg0 : i32
    %mul3A_1 = arith.constant 50000 : i32
    %mul3A_2 = arith.muli %add3A, %mul3A_1 : i32
    %dma_start3A = arith.constant 0 : i32
    %dma_start3A_3 = tpu.memref_slice %arg3[%dma_start3A, %mul3A_2] : memref<2x1600000xi32, #tpu.memory_space<hbm>> -> memref<1x512xi32, #tpu.memory_space<hbm>>
    %dma_start3A_4 = tpu.memref_squeeze %dma_start3A_3 : memref<1x512xi32, #tpu.memory_space<hbm>> -> memref<512xi32, #tpu.memory_space<hbm>>
    %dma_start3A_5 = tpu.memref_slice %arg3[%dma_start3A, %mul3A_2] : memref<2x1600000xi32, #tpu.memory_space<hbm>> -> memref<1x512xi32, #tpu.memory_space<hbm>>
    %dma_start3A_6 = tpu.memref_squeeze %dma_start3A_5 : memref<1x512xi32, #tpu.memory_space<hbm>> -> memref<512xi32, #tpu.memory_space<hbm>>
    tpu.enqueue_dma source(%dma_start3A_6 : memref<512xi32, #tpu.memory_space<hbm>>) target(%arg6 : memref<512xi32, #tpu.memory_space<vmem>>) target_semaphore(%arg16 : memref<!tpu.dma_semaphore, #tpu.memory_space<semaphore_mem>>)
    %dma_start3A_7 = arith.constant 1 : i32
    %dma_start3A_8 = tpu.memref_slice %arg3[%dma_start3A_7, %mul3A_2] : memref<2x1600000xi32, #tpu.memory_space<hbm>> -> memref<1x512xi32, #tpu.memory_space<hbm>>
    %dma_start3A_9 = tpu.memref_squeeze %dma_start3A_8 : memref<1x512xi32, #tpu.memory_space<hbm>> -> memref<512xi32, #tpu.memory_space<hbm>>
    %dma_start3A_10 = tpu.memref_slice %arg3[%dma_start3A_7, %mul3A_2] : memref<2x1600000xi32, #tpu.memory_space<hbm>> -> memref<1x512xi32, #tpu.memory_space<hbm>>
    %dma_start3A_11 = tpu.memref_squeeze %dma_start3A_10 : memref<1x512xi32, #tpu.memory_space<hbm>> -> memref<512xi32, #tpu.memory_space<hbm>>
    tpu.enqueue_dma source(%dma_start3A_11 : memref<512xi32, #tpu.memory_space<hbm>>) target(%arg7 : memref<512xi32, #tpu.memory_space<vmem>>) target_semaphore(%arg16 : memref<!tpu.dma_semaphore, #tpu.memory_space<semaphore_mem>>)
    %min3A = arith.constant 512 : i32
    %min3A_12 = arith.constant 49488 : i32
    %min3A_13 = arith.minsi %min3A, %min3A_12 : i32
    %add3A_14 = arith.addi %mul3A_2, %min3A_13 : i32
    %dma_start3A_15 = arith.constant 0 : i32
    %dma_start3A_16 = tpu.memref_slice %arg3[%dma_start3A_15, %add3A_14] : memref<2x1600000xi32, #tpu.memory_space<hbm>> -> memref<1x512xi32, #tpu.memory_space<hbm>>
    %dma_start3A_17 = tpu.memref_squeeze %dma_start3A_16 : memref<1x512xi32, #tpu.memory_space<hbm>> -> memref<512xi32, #tpu.memory_space<hbm>>
    %dma_start3A_18 = tpu.memref_slice %arg3[%dma_start3A_15, %add3A_14] : memref<2x1600000xi32, #tpu.memory_space<hbm>> -> memref<1x512xi32, #tpu.memory_space<hbm>>
    %dma_start3A_19 = tpu.memref_squeeze %dma_start3A_18 : memref<1x512xi32, #tpu.memory_space<hbm>> -> memref<512xi32, #tpu.memory_space<hbm>>
    tpu.enqueue_dma source(%dma_start3A_19 : memref<512xi32, #tpu.memory_space<hbm>>) target(%arg8 : memref<512xi32, #tpu.memory_space<vmem>>) target_semaphore(%arg17 : memref<!tpu.dma_semaphore, #tpu.memory_space<semaphore_mem>>)
    %dma_start3A_20 = arith.constant 1 : i32
    %dma_start3A_21 = tpu.memref_slice %arg3[%dma_start3A_20, %add3A_14] : memref<2x1600000xi32, #tpu.memory_space<hbm>> -> memref<1x512xi32, #tpu.memory_space<hbm>>
    %dma_start3A_22 = tpu.memref_squeeze %dma_start3A_21 : memref<1x512xi32, #tpu.memory_space<hbm>> -> memref<512xi32, #tpu.memory_space<hbm>>
    %dma_start3A_23 = tpu.memref_slice %arg3[%dma_start3A_20, %add3A_14] : memref<2x1600000xi32, #tpu.memory_space<hbm>> -> memref<1x512xi32, #tpu.memory_space<hbm>>
    %dma_start3A_24 = tpu.memref_squeeze %dma_start3A_23 : memref<1x512xi32, #tpu.memory_space<hbm>> -> memref<512xi32, #tpu.memory_space<hbm>>
    tpu.enqueue_dma source(%dma_start3A_24 : memref<512xi32, #tpu.memory_space<hbm>>) target(%arg9 : memref<512xi32, #tpu.memory_space<vmem>>) target_semaphore(%arg17 : memref<!tpu.dma_semaphore, #tpu.memory_space<semaphore_mem>>)
    %dma_wait3A = arith.constant 0 : i32
    %dma_wait3A_25 = arith.constant 0 : i32
    %dma_wait3A_26 = tpu.memref_slice %arg3[%dma_wait3A, %dma_wait3A_25] : memref<2x1600000xi32, #tpu.memory_space<hbm>> -> memref<1x512xi32, #tpu.memory_space<hbm>>
    %dma_wait3A_27 = tpu.memref_squeeze %dma_wait3A_26 : memref<1x512xi32, #tpu.memory_space<hbm>> -> memref<512xi32, #tpu.memory_space<hbm>>
    %dma_wait3A_28 = arith.constant 0 : i32
    %dma_wait3A_29 = tpu.memref_slice %arg3[%dma_wait3A, %dma_wait3A_28] : memref<2x1600000xi32, #tpu.memory_space<hbm>> -> memref<1x512xi32, #tpu.memory_space<hbm>>
    %dma_wait3A_30 = tpu.memref_squeeze %dma_wait3A_29 : memref<1x512xi32, #tpu.memory_space<hbm>> -> memref<512xi32, #tpu.memory_space<hbm>>
    tpu.wait_dma2 semaphore(%arg16 : memref<!tpu.dma_semaphore, #tpu.memory_space<semaphore_mem>>) src(%dma_wait3A_30 : memref<512xi32, #tpu.memory_space<hbm>>) dst(%arg6 : memref<512xi32, #tpu.memory_space<vmem>>)
    %dma_wait3A_31 = arith.constant 1 : i32
    %dma_wait3A_32 = arith.constant 0 : i32
    %dma_wait3A_33 = tpu.memref_slice %arg3[%dma_wait3A_31, %dma_wait3A_32] : memref<2x1600000xi32, #tpu.memory_space<hbm>> -> memref<1x512xi32, #tpu.memory_space<hbm>>
    %dma_wait3A_34 = tpu.memref_squeeze %dma_wait3A_33 : memref<1x512xi32, #tpu.memory_space<hbm>> -> memref<512xi32, #tpu.memory_space<hbm>>
    %dma_wait3A_35 = arith.constant 0 : i32
    %dma_wait3A_36 = tpu.memref_slice %arg3[%dma_wait3A_31, %dma_wait3A_35] : memref<2x1600000xi32, #tpu.memory_space<hbm>> -> memref<1x512xi32, #tpu.memory_space<hbm>>
    %dma_wait3A_37 = tpu.memref_squeeze %dma_wait3A_36 : memref<1x512xi32, #tpu.memory_space<hbm>> -> memref<512xi32, #tpu.memory_space<hbm>>
    tpu.wait_dma2 semaphore(%arg16 : memref<!tpu.dma_semaphore, #tpu.memory_space<semaphore_mem>>) src(%dma_wait3A_37 : memref<512xi32, #tpu.memory_space<hbm>>) dst(%arg7 : memref<512xi32, #tpu.memory_space<vmem>>)
    %dma_start3A_38 = arith.constant 0 : i32
    %dma_start3A_39 = arith.constant 0 : i32
    %dma_start3A_40 = tpu.memref_slice %arg2[%dma_start3A_38, %dma_start3A_39] : memref<100000x16xf32, #tpu.memory_space<hbm>> -> memref<100000x16xf32, #tpu.memory_space<hbm>>
    tpu.enqueue_indirect_dma source(%dma_start3A_40 : memref<100000x16xf32, #tpu.memory_space<hbm>>) target(%arg10 : memref<512x16xf32, #tpu.memory_space<vmem>>) offsets(%arg6 : memref<512xi32, #tpu.memory_space<vmem>>) semaphore(%arg18 : memref<!tpu.dma_semaphore, #tpu.memory_space<semaphore_mem>>)
    %dma_start3A_41 = arith.constant 0 : i32
    %dma_start3A_42 = arith.constant 0 : i32
    %dma_start3A_43 = tpu.memref_slice %arg2[%dma_start3A_41, %dma_start3A_42] : memref<100000x16xf32, #tpu.memory_space<hbm>> -> memref<100000x16xf32, #tpu.memory_space<hbm>>
    tpu.enqueue_indirect_dma source(%dma_start3A_43 : memref<100000x16xf32, #tpu.memory_space<hbm>>) target(%arg11 : memref<512x16xf32, #tpu.memory_space<vmem>>) offsets(%arg7 : memref<512xi32, #tpu.memory_space<vmem>>) semaphore(%arg18 : memref<!tpu.dma_semaphore, #tpu.memory_space<semaphore_mem>>)
    %dma_start3A_44 = arith.constant 0 : i32
    %dma_start3A_45 = arith.constant 0 : i32
    %dma_start3A_46 = arith.constant 0 : i32
    %dma_start3A_47 = tpu.memref_slice %arg5[%add3A, %dma_start3A_44, %dma_start3A_45, %dma_start3A_46] : memref<32x2x512x16xf32, #tpu.memory_space<hbm>> -> memref<1x1x512x16xf32, #tpu.memory_space<hbm>>
    %dma_start3A_48 = tpu.memref_squeeze %dma_start3A_47 : memref<1x1x512x16xf32, #tpu.memory_space<hbm>> -> memref<512x16xf32, #tpu.memory_space<hbm>>
    %dma_start3A_49 = arith.constant 0 : i32
    %dma_start3A_50 = arith.constant 0 : i32
    %dma_start3A_51 = tpu.memref_slice %arg5[%add3A, %dma_start3A_44, %dma_start3A_49, %dma_start3A_50] : memref<32x2x512x16xf32, #tpu.memory_space<hbm>> -> memref<1x1x512x16xf32, #tpu.memory_space<hbm>>
    %dma_start3A_52 = tpu.memref_squeeze %dma_start3A_51 : memref<1x1x512x16xf32, #tpu.memory_space<hbm>> -> memref<512x16xf32, #tpu.memory_space<hbm>>
    tpu.enqueue_dma source(%arg14 : memref<512x16xf32, #tpu.memory_space<vmem>>) target(%dma_start3A_52 : memref<512x16xf32, #tpu.memory_space<hbm>>) target_semaphore(%arg20 : memref<!tpu.dma_semaphore, #tpu.memory_space<semaphore_mem>>)
    %dma_start3A_53 = arith.constant 1 : i32
    %dma_start3A_54 = arith.constant 0 : i32
    %dma_start3A_55 = arith.constant 0 : i32
    %dma_start3A_56 = tpu.memref_slice %arg5[%add3A, %dma_start3A_53, %dma_start3A_54, %dma_start3A_55] : memref<32x2x512x16xf32, #tpu.memory_space<hbm>> -> memref<1x1x512x16xf32, #tpu.memory_space<hbm>>
    %dma_start3A_57 = tpu.memref_squeeze %dma_start3A_56 : memref<1x1x512x16xf32, #tpu.memory_space<hbm>> -> memref<512x16xf32, #tpu.memory_space<hbm>>
    %dma_start3A_58 = arith.constant 0 : i32
    %dma_start3A_59 = arith.constant 0 : i32
    %dma_start3A_60 = tpu.memref_slice %arg5[%add3A, %dma_start3A_53, %dma_start3A_58, %dma_start3A_59] : memref<32x2x512x16xf32, #tpu.memory_space<hbm>> -> memref<1x1x512x16xf32, #tpu.memory_space<hbm>>
    %dma_start3A_61 = tpu.memref_squeeze %dma_start3A_60 : memref<1x1x512x16xf32, #tpu.memory_space<hbm>> -> memref<512x16xf32, #tpu.memory_space<hbm>>
    tpu.enqueue_dma source(%arg15 : memref<512x16xf32, #tpu.memory_space<vmem>>) target(%dma_start3A_61 : memref<512x16xf32, #tpu.memory_space<hbm>>) target_semaphore(%arg21 : memref<!tpu.dma_semaphore, #tpu.memory_space<semaphore_mem>>)
    %scan3A = arith.constant 0 : i32
    %scan3A_62 = arith.constant 0 : i32
    %scan3A_63 = arith.constant 49 : i32
    %scan3A_64 = arith.addi %scan3A_62, %scan3A_63 : i32
    %scan3A_65 = arith.constant 1 : i32
    scf.for %scan3A_99 = %scan3A_62 to %scan3A_64 step %scan3A_65  : i32 {
      %mul3A_100 = arith.constant 2 : i32
      %mul3A_101 = arith.muli %mul3A_100, %scan3A_99 : i32
      %mul3A_102 = arith.constant 512 : i32
      %mul3A_103 = arith.muli %mul3A_101, %mul3A_102 : i32
      %min3A_104 = arith.constant 49488 : i32
      %min3A_105 = arith.minsi %mul3A_103, %min3A_104 : i32
      %add3A_106 = arith.addi %mul3A_2, %min3A_105 : i32
      %add3A_107 = arith.constant 2 : i32
      %add3A_108 = arith.addi %mul3A_101, %add3A_107 : i32
      %mul3A_109 = arith.constant 512 : i32
      %mul3A_110 = arith.muli %add3A_108, %mul3A_109 : i32
      %min3A_111 = arith.constant 49488 : i32
      %min3A_112 = arith.minsi %mul3A_110, %min3A_111 : i32
      %add3A_113 = arith.addi %mul3A_2, %min3A_112 : i32
      %dma_wait3A_114 = arith.constant 0 : i32
      %dma_wait3A_115 = arith.constant 0 : i32
      %dma_wait3A_116 = tpu.memref_slice %arg3[%dma_wait3A_114, %dma_wait3A_115] : memref<2x1600000xi32, #tpu.memory_space<hbm>> -> memref<1x512xi32, #tpu.memory_space<hbm>>
      %dma_wait3A_117 = tpu.memref_squeeze %dma_wait3A_116 : memref<1x512xi32, #tpu.memory_space<hbm>> -> memref<512xi32, #tpu.memory_space<hbm>>
      %dma_wait3A_118 = arith.constant 0 : i32
      %dma_wait3A_119 = tpu.memref_slice %arg3[%dma_wait3A_114, %dma_wait3A_118] : memref<2x1600000xi32, #tpu.memory_space<hbm>> -> memref<1x512xi32, #tpu.memory_space<hbm>>
      %dma_wait3A_120 = tpu.memref_squeeze %dma_wait3A_119 : memref<1x512xi32, #tpu.memory_space<hbm>> -> memref<512xi32, #tpu.memory_space<hbm>>
      tpu.wait_dma2 semaphore(%arg17 : memref<!tpu.dma_semaphore, #tpu.memory_space<semaphore_mem>>) src(%dma_wait3A_120 : memref<512xi32, #tpu.memory_space<hbm>>) dst(%arg8 : memref<512xi32, #tpu.memory_space<vmem>>)
      %dma_wait3A_121 = arith.constant 1 : i32
      %dma_wait3A_122 = arith.constant 0 : i32
      %dma_wait3A_123 = tpu.memref_slice %arg3[%dma_wait3A_121, %dma_wait3A_122] : memref<2x1600000xi32, #tpu.memory_space<hbm>> -> memref<1x512xi32, #tpu.memory_space<hbm>>
      %dma_wait3A_124 = tpu.memref_squeeze %dma_wait3A_123 : memref<1x512xi32, #tpu.memory_space<hbm>> -> memref<512xi32, #tpu.memory_space<hbm>>
      %dma_wait3A_125 = arith.constant 0 : i32
      %dma_wait3A_126 = tpu.memref_slice %arg3[%dma_wait3A_121, %dma_wait3A_125] : memref<2x1600000xi32, #tpu.memory_space<hbm>> -> memref<1x512xi32, #tpu.memory_space<hbm>>
      %dma_wait3A_127 = tpu.memref_squeeze %dma_wait3A_126 : memref<1x512xi32, #tpu.memory_space<hbm>> -> memref<512xi32, #tpu.memory_space<hbm>>
      tpu.wait_dma2 semaphore(%arg17 : memref<!tpu.dma_semaphore, #tpu.memory_space<semaphore_mem>>) src(%dma_wait3A_127 : memref<512xi32, #tpu.memory_space<hbm>>) dst(%arg9 : memref<512xi32, #tpu.memory_space<vmem>>)
      %dma_start3A_128 = arith.constant 0 : i32
      %dma_start3A_129 = arith.constant 0 : i32
      %dma_start3A_130 = tpu.memref_slice %arg2[%dma_start3A_128, %dma_start3A_129] : memref<100000x16xf32, #tpu.memory_space<hbm>> -> memref<100000x16xf32, #tpu.memory_space<hbm>>
      tpu.enqueue_indirect_dma source(%dma_start3A_130 : memref<100000x16xf32, #tpu.memory_space<hbm>>) target(%arg12 : memref<512x16xf32, #tpu.memory_space<vmem>>) offsets(%arg8 : memref<512xi32, #tpu.memory_space<vmem>>) semaphore(%arg19 : memref<!tpu.dma_semaphore, #tpu.memory_space<semaphore_mem>>)
      %dma_start3A_131 = arith.constant 0 : i32
      %dma_start3A_132 = arith.constant 0 : i32
      %dma_start3A_133 = tpu.memref_slice %arg2[%dma_start3A_131, %dma_start3A_132] : memref<100000x16xf32, #tpu.memory_space<hbm>> -> memref<100000x16xf32, #tpu.memory_space<hbm>>
      tpu.enqueue_indirect_dma source(%dma_start3A_133 : memref<100000x16xf32, #tpu.memory_space<hbm>>) target(%arg13 : memref<512x16xf32, #tpu.memory_space<vmem>>) offsets(%arg9 : memref<512xi32, #tpu.memory_space<vmem>>) semaphore(%arg19 : memref<!tpu.dma_semaphore, #tpu.memory_space<semaphore_mem>>)
      %dma_wait3A_134 = arith.constant 0 : i32
      %dma_wait3A_135 = arith.constant 0 : i32
      %dma_wait3A_136 = tpu.memref_slice %arg2[%dma_wait3A_134, %dma_wait3A_135] : memref<100000x16xf32, #tpu.memory_space<hbm>> -> memref<100000x16xf32, #tpu.memory_space<hbm>>
      tpu.wait_indirect_dma semaphore(%arg18 : memref<!tpu.dma_semaphore, #tpu.memory_space<semaphore_mem>>) src(%dma_wait3A_136 : memref<100000x16xf32, #tpu.memory_space<hbm>>) dst(%arg10 : memref<512x16xf32, #tpu.memory_space<vmem>>)
      %dma_wait3A_137 = arith.constant 0 : i32
      %dma_wait3A_138 = arith.constant 0 : i32
      %dma_wait3A_139 = tpu.memref_slice %arg2[%dma_wait3A_137, %dma_wait3A_138] : memref<100000x16xf32, #tpu.memory_space<hbm>> -> memref<100000x16xf32, #tpu.memory_space<hbm>>
      tpu.wait_indirect_dma semaphore(%arg18 : memref<!tpu.dma_semaphore, #tpu.memory_space<semaphore_mem>>) src(%dma_wait3A_139 : memref<100000x16xf32, #tpu.memory_space<hbm>>) dst(%arg11 : memref<512x16xf32, #tpu.memory_space<vmem>>)
      %dma_start3A_140 = arith.constant 0 : i32
      %dma_start3A_141 = tpu.memref_slice %arg3[%dma_start3A_140, %add3A_113] : memref<2x1600000xi32, #tpu.memory_space<hbm>> -> memref<1x512xi32, #tpu.memory_space<hbm>>
      %dma_start3A_142 = tpu.memref_squeeze %dma_start3A_141 : memref<1x512xi32, #tpu.memory_space<hbm>> -> memref<512xi32, #tpu.memory_space<hbm>>
      %dma_start3A_143 = tpu.memref_slice %arg3[%dma_start3A_140, %add3A_113] : memref<2x1600000xi32, #tpu.memory_space<hbm>> -> memref<1x512xi32, #tpu.memory_space<hbm>>
      %dma_start3A_144 = tpu.memref_squeeze %dma_start3A_143 : memref<1x512xi32, #tpu.memory_space<hbm>> -> memref<512xi32, #tpu.memory_space<hbm>>
      tpu.enqueue_dma source(%dma_start3A_144 : memref<512xi32, #tpu.memory_space<hbm>>) target(%arg6 : memref<512xi32, #tpu.memory_space<vmem>>) target_semaphore(%arg16 : memref<!tpu.dma_semaphore, #tpu.memory_space<semaphore_mem>>)
      %dma_start3A_145 = arith.constant 1 : i32
      %dma_start3A_146 = tpu.memref_slice %arg3[%dma_start3A_145, %add3A_113] : memref<2x1600000xi32, #tpu.memory_space<hbm>> -> memref<1x512xi32, #tpu.memory_space<hbm>>
      %dma_start3A_147 = tpu.memref_squeeze %dma_start3A_146 : memref<1x512xi32, #tpu.memory_space<hbm>> -> memref<512xi32, #tpu.memory_space<hbm>>
      %dma_start3A_148 = tpu.memref_slice %arg3[%dma_start3A_145, %add3A_113] : memref<2x1600000xi32, #tpu.memory_space<hbm>> -> memref<1x512xi32, #tpu.memory_space<hbm>>
      %dma_start3A_149 = tpu.memref_squeeze %dma_start3A_148 : memref<1x512xi32, #tpu.memory_space<hbm>> -> memref<512xi32, #tpu.memory_space<hbm>>
      tpu.enqueue_dma source(%dma_start3A_149 : memref<512xi32, #tpu.memory_space<hbm>>) target(%arg7 : memref<512xi32, #tpu.memory_space<vmem>>) target_semaphore(%arg16 : memref<!tpu.dma_semaphore, #tpu.memory_space<semaphore_mem>>)
      %dma_wait3A_150 = arith.constant 0 : i32
      %dma_wait3A_151 = arith.constant 0 : i32
      %dma_wait3A_152 = tpu.memref_slice %arg4[%dma_wait3A_150, %dma_wait3A_151] : memref<1600000x16xf32, #tpu.memory_space<hbm>> -> memref<512x16xf32, #tpu.memory_space<hbm>>
      %dma_wait3A_153 = arith.constant 0 : i32
      %dma_wait3A_154 = arith.constant 0 : i32
      %dma_wait3A_155 = tpu.memref_slice %arg4[%dma_wait3A_153, %dma_wait3A_154] : memref<1600000x16xf32, #tpu.memory_space<hbm>> -> memref<512x16xf32, #tpu.memory_space<hbm>>
      tpu.wait_dma2 semaphore(%arg20 : memref<!tpu.dma_semaphore, #tpu.memory_space<semaphore_mem>>) src(%arg14 : memref<512x16xf32, #tpu.memory_space<vmem>>) dst(%dma_wait3A_155 : memref<512x16xf32, #tpu.memory_space<hbm>>)
      %scan3A_156 = arith.constant 0 : i32
      %scan3A_157 = arith.constant 0 : i32
      %scan3A_158 = arith.constant 32 : i32
      %scan3A_159 = arith.addi %scan3A_157, %scan3A_158 : i32
      %scan3A_160 = arith.constant 4 : i32
      scf.for %scan3A_234 = %scan3A_157 to %scan3A_159 step %scan3A_160  : i32 {
        %iota3A = tpu.iota {dimensions = array<i32: 0>} : vector<16xi32>
        %mul3A_235 = arith.constant 16 : i32
        %mul3A_236 = arith.muli %scan3A_234, %mul3A_235 : i32
        %add3A_237 = vector.broadcast %mul3A_236 : i32 to vector<16xi32>
        %add3A_238 = arith.addi %iota3A, %add3A_237 : vector<16xi32>
        %broadcast_in_dim3A = arith.constant 0 : i32
        %broadcast_in_dim3A_239 = vector.broadcast %broadcast_in_dim3A : i32 to vector<16xi32>
        %gather3A = tpu.vector_load_idx %arg10[%add3A_238, %broadcast_in_dim3A_239] : memref<512x16xf32, #tpu.memory_space<vmem>>[vector<16xi32>, vector<16xi32>], vector<16xf32>,
        %broadcast_in_dim3A_240 = arith.constant 1 : i32
        %broadcast_in_dim3A_241 = vector.broadcast %broadcast_in_dim3A_240 : i32 to vector<16xi32>
        %gather3A_242 = tpu.vector_load_idx %arg10[%add3A_238, %broadcast_in_dim3A_241] : memref<512x16xf32, #tpu.memory_space<vmem>>[vector<16xi32>, vector<16xi32>], vector<16xf32>,
        %broadcast_in_dim3A_243 = arith.constant 2 : i32
        %broadcast_in_dim3A_244 = vector.broadcast %broadcast_in_dim3A_243 : i32 to vector<16xi32>
        %gather3A_245 = tpu.vector_load_idx %arg10[%add3A_238, %broadcast_in_dim3A_244] : memref<512x16xf32, #tpu.memory_space<vmem>>[vector<16xi32>, vector<16xi32>], vector<16xf32>,
        %broadcast_in_dim3A_246 = arith.constant 3 : i32
        %broadcast_in_dim3A_247 = vector.broadcast %broadcast_in_dim3A_246 : i32 to vector<16xi32>
        %gather3A_248 = tpu.vector_load_idx %arg10[%add3A_238, %broadcast_in_dim3A_247] : memref<512x16xf32, #tpu.memory_space<vmem>>[vector<16xi32>, vector<16xi32>], vector<16xf32>,
        %broadcast_in_dim3A_249 = arith.constant 4 : i32
        %broadcast_in_dim3A_250 = vector.broadcast %broadcast_in_dim3A_249 : i32 to vector<16xi32>
        %gather3A_251 = tpu.vector_load_idx %arg10[%add3A_238, %broadcast_in_dim3A_250] : memref<512x16xf32, #tpu.memory_space<vmem>>[vector<16xi32>, vector<16xi32>], vector<16xf32>,
        %broadcast_in_dim3A_252 = arith.constant 5 : i32
        %broadcast_in_dim3A_253 = vector.broadcast %broadcast_in_dim3A_252 : i32 to vector<16xi32>
        %gather3A_254 = tpu.vector_load_idx %arg10[%add3A_238, %broadcast_in_dim3A_253] : memref<512x16xf32, #tpu.memory_space<vmem>>[vector<16xi32>, vector<16xi32>], vector<16xf32>,
        %broadcast_in_dim3A_255 = arith.constant 6 : i32
        %broadcast_in_dim3A_256 = vector.broadcast %broadcast_in_dim3A_255 : i32 to vector<16xi32>
        %gather3A_257 = tpu.vector_load_idx %arg10[%add3A_238, %broadcast_in_dim3A_256] : memref<512x16xf32, #tpu.memory_space<vmem>>[vector<16xi32>, vector<16xi32>], vector<16xf32>,
        %broadcast_in_dim3A_258 = arith.constant 7 : i32
        %broadcast_in_dim3A_259 = vector.broadcast %broadcast_in_dim3A_258 : i32 to vector<16xi32>
        %gather3A_260 = tpu.vector_load_idx %arg10[%add3A_238, %broadcast_in_dim3A_259] : memref<512x16xf32, #tpu.memory_space<vmem>>[vector<16xi32>, vector<16xi32>], vector<16xf32>,
        %broadcast_in_dim3A_261 = arith.constant 8 : i32
        %broadcast_in_dim3A_262 = vector.broadcast %broadcast_in_dim3A_261 : i32 to vector<16xi32>
        %gather3A_263 = tpu.vector_load_idx %arg10[%add3A_238, %broadcast_in_dim3A_262] : memref<512x16xf32, #tpu.memory_space<vmem>>[vector<16xi32>, vector<16xi32>], vector<16xf32>,
        %broadcast_in_dim3A_264 = arith.constant 9 : i32
        %broadcast_in_dim3A_265 = vector.broadcast %broadcast_in_dim3A_264 : i32 to vector<16xi32>
        %gather3A_266 = tpu.vector_load_idx %arg10[%add3A_238, %broadcast_in_dim3A_265] : memref<512x16xf32, #tpu.memory_space<vmem>>[vector<16xi32>, vector<16xi32>], vector<16xf32>,
        %broadcast_in_dim3A_267 = arith.constant 10 : i32
        %broadcast_in_dim3A_268 = vector.broadcast %broadcast_in_dim3A_267 : i32 to vector<16xi32>
        %gather3A_269 = tpu.vector_load_idx %arg10[%add3A_238, %broadcast_in_dim3A_268] : memref<512x16xf32, #tpu.memory_space<vmem>>[vector<16xi32>, vector<16xi32>], vector<16xf32>,
        %broadcast_in_dim3A_270 = arith.constant 11 : i32
        %broadcast_in_dim3A_271 = vector.broadcast %broadcast_in_dim3A_270 : i32 to vector<16xi32>
        %gather3A_272 = tpu.vector_load_idx %arg10[%add3A_238, %broadcast_in_dim3A_271] : memref<512x16xf32, #tpu.memory_space<vmem>>[vector<16xi32>, vector<16xi32>], vector<16xf32>,
        %broadcast_in_dim3A_273 = arith.constant 12 : i32
        %broadcast_in_dim3A_274 = vector.broadcast %broadcast_in_dim3A_273 : i32 to vector<16xi32>
        %gather3A_275 = tpu.vector_load_idx %arg10[%add3A_238, %broadcast_in_dim3A_274] : memref<512x16xf32, #tpu.memory_space<vmem>>[vector<16xi32>, vector<16xi32>], vector<16xf32>,
        %broadcast_in_dim3A_276 = arith.constant 13 : i32
        %broadcast_in_dim3A_277 = vector.broadcast %broadcast_in_dim3A_276 : i32 to vector<16xi32>
        %gather3A_278 = tpu.vector_load_idx %arg10[%add3A_238, %broadcast_in_dim3A_277] : memref<512x16xf32, #tpu.memory_space<vmem>>[vector<16xi32>, vector<16xi32>], vector<16xf32>,
        %broadcast_in_dim3A_279 = arith.constant 14 : i32
        %broadcast_in_dim3A_280 = vector.broadcast %broadcast_in_dim3A_279 : i32 to vector<16xi32>
        %gather3A_281 = tpu.vector_load_idx %arg10[%add3A_238, %broadcast_in_dim3A_280] : memref<512x16xf32, #tpu.memory_space<vmem>>[vector<16xi32>, vector<16xi32>], vector<16xf32>,
        %broadcast_in_dim3A_282 = arith.constant 15 : i32
        %broadcast_in_dim3A_283 = vector.broadcast %broadcast_in_dim3A_282 : i32 to vector<16xi32>
        %gather3A_284 = tpu.vector_load_idx %arg10[%add3A_238, %broadcast_in_dim3A_283] : memref<512x16xf32, #tpu.memory_space<vmem>>[vector<16xi32>, vector<16xi32>], vector<16xf32>,
        %broadcast_in_dim3A_285 = arith.constant 0 : i32
        %broadcast_in_dim3A_286 = vector.broadcast %broadcast_in_dim3A_285 : i32 to vector<16xi32>
        %gather3A_287 = tpu.vector_load_idx %arg11[%add3A_238, %broadcast_in_dim3A_286] : memref<512x16xf32, #tpu.memory_space<vmem>>[vector<16xi32>, vector<16xi32>], vector<16xf32>,
        %broadcast_in_dim3A_288 = arith.constant 1 : i32
        %broadcast_in_dim3A_289 = vector.broadcast %broadcast_in_dim3A_288 : i32 to vector<16xi32>
        %gather3A_290 = tpu.vector_load_idx %arg11[%add3A_238, %broadcast_in_dim3A_289] : memref<512x16xf32, #tpu.memory_space<vmem>>[vector<16xi32>, vector<16xi32>], vector<16xf32>,
        %broadcast_in_dim3A_291 = arith.constant 2 : i32
        %broadcast_in_dim3A_292 = vector.broadcast %broadcast_in_dim3A_291 : i32 to vector<16xi32>
        %gather3A_293 = tpu.vector_load_idx %arg11[%add3A_238, %broadcast_in_dim3A_292] : memref<512x16xf32, #tpu.memory_space<vmem>>[vector<16xi32>, vector<16xi32>], vector<16xf32>,
        %broadcast_in_dim3A_294 = arith.constant 3 : i32
        %broadcast_in_dim3A_295 = vector.broadcast %broadcast_in_dim3A_294 : i32 to vector<16xi32>
        %gather3A_296 = tpu.vector_load_idx %arg11[%add3A_238, %broadcast_in_dim3A_295] : memref<512x16xf32, #tpu.memory_space<vmem>>[vector<16xi32>, vector<16xi32>], vector<16xf32>,
        %broadcast_in_dim3A_297 = arith.constant 4 : i32
        %broadcast_in_dim3A_298 = vector.broadcast %broadcast_in_dim3A_297 : i32 to vector<16xi32>
        %gather3A_299 = tpu.vector_load_idx %arg11[%add3A_238, %broadcast_in_dim3A_298] : memref<512x16xf32, #tpu.memory_space<vmem>>[vector<16xi32>, vector<16xi32>], vector<16xf32>,
        %broadcast_in_dim3A_300 = arith.constant 5 : i32
        %broadcast_in_dim3A_301 = vector.broadcast %broadcast_in_dim3A_300 : i32 to vector<16xi32>
        %gather3A_302 = tpu.vector_load_idx %arg11[%add3A_238, %broadcast_in_dim3A_301] : memref<512x16xf32, #tpu.memory_space<vmem>>[vector<16xi32>, vector<16xi32>], vector<16xf32>,
        %broadcast_in_dim3A_303 = arith.constant 6 : i32
        %broadcast_in_dim3A_304 = vector.broadcast %broadcast_in_dim3A_303 : i32 to vector<16xi32>
        %gather3A_305 = tpu.vector_load_idx %arg11[%add3A_238, %broadcast_in_dim3A_304] : memref<512x16xf32, #tpu.memory_space<vmem>>[vector<16xi32>, vector<16xi32>], vector<16xf32>,
        %broadcast_in_dim3A_306 = arith.constant 7 : i32
        %broadcast_in_dim3A_307 = vector.broadcast %broadcast_in_dim3A_306 : i32 to vector<16xi32>
        %gather3A_308 = tpu.vector_load_idx %arg11[%add3A_238, %broadcast_in_dim3A_307] : memref<512x16xf32, #tpu.memory_space<vmem>>[vector<16xi32>, vector<16xi32>], vector<16xf32>,
        %broadcast_in_dim3A_309 = arith.constant 8 : i32
        %broadcast_in_dim3A_310 = vector.broadcast %broadcast_in_dim3A_309 : i32 to vector<16xi32>
        %gather3A_311 = tpu.vector_load_idx %arg11[%add3A_238, %broadcast_in_dim3A_310] : memref<512x16xf32, #tpu.memory_space<vmem>>[vector<16xi32>, vector<16xi32>], vector<16xf32>,
        %broadcast_in_dim3A_312 = arith.constant 9 : i32
        %broadcast_in_dim3A_313 = vector.broadcast %broadcast_in_dim3A_312 : i32 to vector<16xi32>
        %gather3A_314 = tpu.vector_load_idx %arg11[%add3A_238, %broadcast_in_dim3A_313] : memref<512x16xf32, #tpu.memory_space<vmem>>[vector<16xi32>, vector<16xi32>], vector<16xf32>,
        %broadcast_in_dim3A_315 = arith.constant 10 : i32
        %broadcast_in_dim3A_316 = vector.broadcast %broadcast_in_dim3A_315 : i32 to vector<16xi32>
        %gather3A_317 = tpu.vector_load_idx %arg11[%add3A_238, %broadcast_in_dim3A_316] : memref<512x16xf32, #tpu.memory_space<vmem>>[vector<16xi32>, vector<16xi32>], vector<16xf32>,
        %broadcast_in_dim3A_318 = arith.constant 11 : i32
        %broadcast_in_dim3A_319 = vector.broadcast %broadcast_in_dim3A_318 : i32 to vector<16xi32>
        %gather3A_320 = tpu.vector_load_idx %arg11[%add3A_238, %broadcast_in_dim3A_319] : memref<512x16xf32, #tpu.memory_space<vmem>>[vector<16xi32>, vector<16xi32>], vector<16xf32>,
        %broadcast_in_dim3A_321 = arith.constant 12 : i32
        %broadcast_in_dim3A_322 = vector.broadcast %broadcast_in_dim3A_321 : i32 to vector<16xi32>
        %gather3A_323 = tpu.vector_load_idx %arg11[%add3A_238, %broadcast_in_dim3A_322] : memref<512x16xf32, #tpu.memory_space<vmem>>[vector<16xi32>, vector<16xi32>], vector<16xf32>,
        %broadcast_in_dim3A_324 = arith.constant 13 : i32
        %broadcast_in_dim3A_325 = vector.broadcast %broadcast_in_dim3A_324 : i32 to vector<16xi32>
        %gather3A_326 = tpu.vector_load_idx %arg11[%add3A_238, %broadcast_in_dim3A_325] : memref<512x16xf32, #tpu.memory_space<vmem>>[vector<16xi32>, vector<16xi32>], vector<16xf32>,
        %broadcast_in_dim3A_327 = arith.constant 14 : i32
        %broadcast_in_dim3A_328 = vector.broadcast %broadcast_in_dim3A_327 : i32 to vector<16xi32>
        %gather3A_329 = tpu.vector_load_idx %arg11[%add3A_238, %broadcast_in_dim3A_328] : memref<512x16xf32, #tpu.memory_space<vmem>>[vector<16xi32>, vector<16xi32>], vector<16xf32>,
        %broadcast_in_dim3A_330 = arith.constant 15 : i32
        %broadcast_in_dim3A_331 = vector.broadcast %broadcast_in_dim3A_330 : i32 to vector<16xi32>
        %gather3A_332 = tpu.vector_load_idx %arg11[%add3A_238, %broadcast_in_dim3A_331] : memref<512x16xf32, #tpu.memory_space<vmem>>[vector<16xi32>, vector<16xi32>], vector<16xf32>,
        %mul3A_333 = arith.mulf %gather3A, %gather3A_287 : vector<16xf32>
        %mul3A_334 = arith.mulf %gather3A_242, %gather3A_290 : vector<16xf32>
        %add3A_335 = arith.addf %mul3A_333, %mul3A_334 : vector<16xf32>
        %mul3A_336 = arith.mulf %gather3A_245, %gather3A_293 : vector<16xf32>
        %add3A_337 = arith.addf %add3A_335, %mul3A_336 : vector<16xf32>
        %mul3A_338 = arith.mulf %gather3A_248, %gather3A_296 : vector<16xf32>
        %add3A_339 = arith.addf %add3A_337, %mul3A_338 : vector<16xf32>
        %mul3A_340 = arith.mulf %gather3A_242, %gather3A_287 : vector<16xf32>
        %mul3A_341 = arith.mulf %gather3A, %gather3A_290 : vector<16xf32>
        %sub3A = arith.subf %mul3A_340, %mul3A_341 : vector<16xf32>
        %mul3A_342 = arith.mulf %gather3A_245, %gather3A_296 : vector<16xf32>
        %sub3A_343 = arith.subf %sub3A, %mul3A_342 : vector<16xf32>
        %mul3A_344 = arith.mulf %gather3A_248, %gather3A_293 : vector<16xf32>
        %add3A_345 = arith.addf %sub3A_343, %mul3A_344 : vector<16xf32>
        %mul3A_346 = arith.mulf %gather3A_245, %gather3A_287 : vector<16xf32>
        %mul3A_347 = arith.mulf %gather3A, %gather3A_293 : vector<16xf32>
        %sub3A_348 = arith.subf %mul3A_346, %mul3A_347 : vector<16xf32>
        %mul3A_349 = arith.mulf %gather3A_242, %gather3A_296 : vector<16xf32>
        %add3A_350 = arith.addf %sub3A_348, %mul3A_349 : vector<16xf32>
        %mul3A_351 = arith.mulf %gather3A_248, %gather3A_290 : vector<16xf32>
        %sub3A_352 = arith.subf %add3A_350, %mul3A_351 : vector<16xf32>
        %mul3A_353 = arith.mulf %gather3A_248, %gather3A_287 : vector<16xf32>
        %mul3A_354 = arith.mulf %gather3A, %gather3A_296 : vector<16xf32>
        %sub3A_355 = arith.subf %mul3A_353, %mul3A_354 : vector<16xf32>
        %mul3A_356 = arith.mulf %gather3A_242, %gather3A_293 : vector<16xf32>
        %sub3A_357 = arith.subf %sub3A_355, %mul3A_356 : vector<16xf32>
        %mul3A_358 = arith.mulf %gather3A_245, %gather3A_290 : vector<16xf32>
        %add3A_359 = arith.addf %sub3A_357, %mul3A_358 : vector<16xf32>
        %mul3A_360 = arith.mulf %add3A_339, %add3A_339 : vector<16xf32>
        %mul3A_361 = arith.mulf %add3A_345, %add3A_345 : vector<16xf32>
        %add3A_362 = arith.addf %mul3A_360, %mul3A_361 : vector<16xf32>
        %mul3A_363 = arith.mulf %sub3A_352, %sub3A_352 : vector<16xf32>
        %add3A_364 = arith.addf %add3A_362, %mul3A_363 : vector<16xf32>
        %mul3A_365 = arith.mulf %add3A_359, %add3A_359 : vector<16xf32>
        %add3A_366 = arith.addf %add3A_364, %mul3A_365 : vector<16xf32>
        %bitcast3A = vector.bitcast %add3A_366 : vector<16xf32> to vector<16xi32>
        %shift_right_arithmetic3A = arith.constant 1 : i32
        %shift_right_arithmetic3A_367 = vector.broadcast %shift_right_arithmetic3A : i32 to vector<16xi32>
        %shift_right_arithmetic3A_368 = arith.shrsi %bitcast3A, %shift_right_arithmetic3A_367 : vector<16xi32>
        %sub3A_369 = arith.constant 1597463007 : i32
        %sub3A_370 = vector.broadcast %sub3A_369 : i32 to vector<16xi32>
        %sub3A_371 = arith.subi %sub3A_370, %shift_right_arithmetic3A_368 : vector<16xi32>
        %bitcast3A_372 = vector.bitcast %sub3A_371 : vector<16xi32> to vector<16xf32>
        %mul3A_373 = arith.constant 5.000000e-01 : f32
        %mul3A_374 = vector.broadcast %mul3A_373 : f32 to vector<16xf32>
        %mul3A_375 = arith.mulf %add3A_366, %mul3A_374 : vector<16xf32>
        %mul3A_376 = arith.mulf %mul3A_375, %bitcast3A_372 : vector<16xf32>
        %mul3A_377 = arith.mulf %mul3A_376, %bitcast3A_372 : vector<16xf32>
        %sub3A_378 = arith.constant 1.500000e+00 : f32
        %sub3A_379 = vector.broadcast %sub3A_378 : f32 to vector<16xf32>
        %sub3A_380 = arith.subf %sub3A_379, %mul3A_377 : vector<16xf32>
        %mul3A_381 = arith.mulf %bitcast3A_372, %sub3A_380 : vector<16xf32>
        %mul3A_382 = arith.mulf %mul3A_375, %mul3A_381 : vector<16xf32>
        %mul3A_383 = arith.mulf %mul3A_382, %mul3A_381 : vector<16xf32>
        %sub3A_384 = arith.constant 1.500000e+00 : f32
        %sub3A_385 = vector.broadcast %sub3A_384 : f32 to vector<16xf32>
        %sub3A_386 = arith.subf %sub3A_385, %mul3A_383 : vector<16xf32>
        %mul3A_387 = arith.mulf %mul3A_381, %sub3A_386 : vector<16xf32>
        %mul3A_388 = arith.mulf %mul3A_375, %mul3A_387 : vector<16xf32>
        %mul3A_389 = arith.mulf %mul3A_388, %mul3A_387 : vector<16xf32>
        %sub3A_390 = arith.constant 1.500000e+00 : f32
        %sub3A_391 = vector.broadcast %sub3A_390 : f32 to vector<16xf32>
        %sub3A_392 = arith.subf %sub3A_391, %mul3A_389 : vector<16xf32>
        %mul3A_393 = arith.mulf %mul3A_387, %sub3A_392 : vector<16xf32>
        %mul3A_394 = arith.mulf %add3A_339, %mul3A_393 : vector<16xf32>
        %mul3A_395 = arith.mulf %add3A_345, %mul3A_393 : vector<16xf32>
        %mul3A_396 = arith.mulf %sub3A_352, %mul3A_393 : vector<16xf32>
        %mul3A_397 = arith.mulf %add3A_359, %mul3A_393 : vector<16xf32>
        %broadcast_in_dim3A_398 = arith.constant 0 : i32
        %broadcast_in_dim3A_399 = vector.broadcast %broadcast_in_dim3A_398 : i32 to vector<16xi32>
        tpu.vector_store_idx %arg14[%add3A_238, %broadcast_in_dim3A_399], %mul3A_394 : memref<512x16xf32, #tpu.memory_space<vmem>>[vector<16xi32>, vector<16xi32>], vector<16xf32>,
        %broadcast_in_dim3A_400 = arith.constant 1 : i32
        %broadcast_in_dim3A_401 = vector.broadcast %broadcast_in_dim3A_400 : i32 to vector<16xi32>
        tpu.vector_store_idx %arg14[%add3A_238, %broadcast_in_dim3A_401], %mul3A_395 : memref<512x16xf32, #tpu.memory_space<vmem>>[vector<16xi32>, vector<16xi32>], vector<16xf32>,
        %broadcast_in_dim3A_402 = arith.constant 2 : i32
        %broadcast_in_dim3A_403 = vector.broadcast %broadcast_in_dim3A_402 : i32 to vector<16xi32>
        tpu.vector_store_idx %arg14[%add3A_238, %broadcast_in_dim3A_403], %mul3A_396 : memref<512x16xf32, #tpu.memory_space<vmem>>[vector<16xi32>, vector<16xi32>], vector<16xf32>,
        %broadcast_in_dim3A_404 = arith.constant 3 : i32
        %broadcast_in_dim3A_405 = vector.broadcast %broadcast_in_dim3A_404 : i32 to vector<16xi32>
        tpu.vector_store_idx %arg14[%add3A_238, %broadcast_in_dim3A_405], %mul3A_397 : memref<512x16xf32, #tpu.memory_space<vmem>>[vector<16xi32>, vector<16xi32>], vector<16xf32>,
        %mul3A_406 = arith.mulf %gather3A_251, %gather3A_299 : vector<16xf32>
        %mul3A_407 = arith.mulf %gather3A_254, %gather3A_302 : vector<16xf32>
        %add3A_408 = arith.addf %mul3A_406, %mul3A_407 : vector<16xf32>
        %mul3A_409 = arith.mulf %gather3A_257, %gather3A_305 : vector<16xf32>
        %add3A_410 = arith.addf %add3A_408, %mul3A_409 : vector<16xf32>
        %mul3A_411 = arith.mulf %gather3A_260, %gather3A_308 : vector<16xf32>
        %add3A_412 = arith.addf %add3A_410, %mul3A_411 : vector<16xf32>
        %mul3A_413 = arith.mulf %gather3A_254, %gather3A_299 : vector<16xf32>
        %mul3A_414 = arith.mulf %gather3A_251, %gather3A_302 : vector<16xf32>
        %sub3A_415 = arith.subf %mul3A_413, %mul3A_414 : vector<16xf32>
        %mul3A_416 = arith.mulf %gather3A_257, %gather3A_308 : vector<16xf32>
        %sub3A_417 = arith.subf %sub3A_415, %mul3A_416 : vector<16xf32>
        %mul3A_418 = arith.mulf %gather3A_260, %gather3A_305 : vector<16xf32>
        %add3A_419 = arith.addf %sub3A_417, %mul3A_418 : vector<16xf32>
        %mul3A_420 = arith.mulf %gather3A_257, %gather3A_299 : vector<16xf32>
        %mul3A_421 = arith.mulf %gather3A_251, %gather3A_305 : vector<16xf32>
        %sub3A_422 = arith.subf %mul3A_420, %mul3A_421 : vector<16xf32>
        %mul3A_423 = arith.mulf %gather3A_254, %gather3A_308 : vector<16xf32>
        %add3A_424 = arith.addf %sub3A_422, %mul3A_423 : vector<16xf32>
        %mul3A_425 = arith.mulf %gather3A_260, %gather3A_302 : vector<16xf32>
        %sub3A_426 = arith.subf %add3A_424, %mul3A_425 : vector<16xf32>
        %mul3A_427 = arith.mulf %gather3A_260, %gather3A_299 : vector<16xf32>
        %mul3A_428 = arith.mulf %gather3A_251, %gather3A_308 : vector<16xf32>
        %sub3A_429 = arith.subf %mul3A_427, %mul3A_428 : vector<16xf32>
        %mul3A_430 = arith.mulf %gather3A_254, %gather3A_305 : vector<16xf32>
        %sub3A_431 = arith.subf %sub3A_429, %mul3A_430 : vector<16xf32>
        %mul3A_432 = arith.mulf %gather3A_257, %gather3A_302 : vector<16xf32>
        %add3A_433 = arith.addf %sub3A_431, %mul3A_432 : vector<16xf32>
        %mul3A_434 = arith.mulf %add3A_412, %add3A_412 : vector<16xf32>
        %mul3A_435 = arith.mulf %add3A_419, %add3A_419 : vector<16xf32>
        %add3A_436 = arith.addf %mul3A_434, %mul3A_435 : vector<16xf32>
        %mul3A_437 = arith.mulf %sub3A_426, %sub3A_426 : vector<16xf32>
        %add3A_438 = arith.addf %add3A_436, %mul3A_437 : vector<16xf32>
        %mul3A_439 = arith.mulf %add3A_433, %add3A_433 : vector<16xf32>
        %add3A_440 = arith.addf %add3A_438, %mul3A_439 : vector<16xf32>
        %bitcast3A_441 = vector.bitcast %add3A_440 : vector<16xf32> to vector<16xi32>
        %shift_right_arithmetic3A_442 = arith.constant 1 : i32
        %shift_right_arithmetic3A_443 = vector.broadcast %shift_right_arithmetic3A_442 : i32 to vector<16xi32>
        %shift_right_arithmetic3A_444 = arith.shrsi %bitcast3A_441, %shift_right_arithmetic3A_443 : vector<16xi32>
        %sub3A_445 = arith.constant 1597463007 : i32
        %sub3A_446 = vector.broadcast %sub3A_445 : i32 to vector<16xi32>
        %sub3A_447 = arith.subi %sub3A_446, %shift_right_arithmetic3A_444 : vector<16xi32>
        %bitcast3A_448 = vector.bitcast %sub3A_447 : vector<16xi32> to vector<16xf32>
        %mul3A_449 = arith.constant 5.000000e-01 : f32
        %mul3A_450 = vector.broadcast %mul3A_449 : f32 to vector<16xf32>
        %mul3A_451 = arith.mulf %add3A_440, %mul3A_450 : vector<16xf32>
        %mul3A_452 = arith.mulf %mul3A_451, %bitcast3A_448 : vector<16xf32>
        %mul3A_453 = arith.mulf %mul3A_452, %bitcast3A_448 : vector<16xf32>
        %sub3A_454 = arith.constant 1.500000e+00 : f32
        %sub3A_455 = vector.broadcast %sub3A_454 : f32 to vector<16xf32>
        %sub3A_456 = arith.subf %sub3A_455, %mul3A_453 : vector<16xf32>
        %mul3A_457 = arith.mulf %bitcast3A_448, %sub3A_456 : vector<16xf32>
        %mul3A_458 = arith.mulf %mul3A_451, %mul3A_457 : vector<16xf32>
        %mul3A_459 = arith.mulf %mul3A_458, %mul3A_457 : vector<16xf32>
        %sub3A_460 = arith.constant 1.500000e+00 : f32
        %sub3A_461 = vector.broadcast %sub3A_460 : f32 to vector<16xf32>
        %sub3A_462 = arith.subf %sub3A_461, %mul3A_459 : vector<16xf32>
        %mul3A_463 = arith.mulf %mul3A_457, %sub3A_462 : vector<16xf32>
        %mul3A_464 = arith.mulf %mul3A_451, %mul3A_463 : vector<16xf32>
        %mul3A_465 = arith.mulf %mul3A_464, %mul3A_463 : vector<16xf32>
        %sub3A_466 = arith.constant 1.500000e+00 : f32
        %sub3A_467 = vector.broadcast %sub3A_466 : f32 to vector<16xf32>
        %sub3A_468 = arith.subf %sub3A_467, %mul3A_465 : vector<16xf32>
        %mul3A_469 = arith.mulf %mul3A_463, %sub3A_468 : vector<16xf32>
        %mul3A_470 = arith.mulf %add3A_412, %mul3A_469 : vector<16xf32>
        %mul3A_471 = arith.mulf %add3A_419, %mul3A_469 : vector<16xf32>
        %mul3A_472 = arith.mulf %sub3A_426, %mul3A_469 : vector<16xf32>
        %mul3A_473 = arith.mulf %add3A_433, %mul3A_469 : vector<16xf32>
        %broadcast_in_dim3A_474 = arith.constant 4 : i32
        %broadcast_in_dim3A_475 = vector.broadcast %broadcast_in_dim3A_474 : i32 to vector<16xi32>
        tpu.vector_store_idx %arg14[%add3A_238, %broadcast_in_dim3A_475], %mul3A_470 : memref<512x16xf32, #tpu.memory_space<vmem>>[vector<16xi32>, vector<16xi32>], vector<16xf32>,
        %broadcast_in_dim3A_476 = arith.constant 5 : i32
        %broadcast_in_dim3A_477 = vector.broadcast %broadcast_in_dim3A_476 : i32 to vector<16xi32>
        tpu.vector_store_idx %arg14[%add3A_238, %broadcast_in_dim3A_477], %mul3A_471 : memref<512x16xf32, #tpu.memory_space<vmem>>[vector<16xi32>, vector<16xi32>], vector<16xf32>,
        %broadcast_in_dim3A_478 = arith.constant 6 : i32
        %broadcast_in_dim3A_479 = vector.broadcast %broadcast_in_dim3A_478 : i32 to vector<16xi32>
        tpu.vector_store_idx %arg14[%add3A_238, %broadcast_in_dim3A_479], %mul3A_472 : memref<512x16xf32, #tpu.memory_space<vmem>>[vector<16xi32>, vector<16xi32>], vector<16xf32>,
        %broadcast_in_dim3A_480 = arith.constant 7 : i32
        %broadcast_in_dim3A_481 = vector.broadcast %broadcast_in_dim3A_480 : i32 to vector<16xi32>
        tpu.vector_store_idx %arg14[%add3A_238, %broadcast_in_dim3A_481], %mul3A_473 : memref<512x16xf32, #tpu.memory_space<vmem>>[vector<16xi32>, vector<16xi32>], vector<16xf32>,
        %mul3A_482 = arith.mulf %gather3A_263, %gather3A_311 : vector<16xf32>
        %mul3A_483 = arith.mulf %gather3A_266, %gather3A_314 : vector<16xf32>
        %add3A_484 = arith.addf %mul3A_482, %mul3A_483 : vector<16xf32>
        %mul3A_485 = arith.mulf %gather3A_269, %gather3A_317 : vector<16xf32>
        %add3A_486 = arith.addf %add3A_484, %mul3A_485 : vector<16xf32>
        %mul3A_487 = arith.mulf %gather3A_272, %gather3A_320 : vector<16xf32>
        %add3A_488 = arith.addf %add3A_486, %mul3A_487 : vector<16xf32>
        %mul3A_489 = arith.mulf %gather3A_266, %gather3A_311 : vector<16xf32>
        %mul3A_490 = arith.mulf %gather3A_263, %gather3A_314 : vector<16xf32>
        %sub3A_491 = arith.subf %mul3A_489, %mul3A_490 : vector<16xf32>
        %mul3A_492 = arith.mulf %gather3A_269, %gather3A_320 : vector<16xf32>
        %sub3A_493 = arith.subf %sub3A_491, %mul3A_492 : vector<16xf32>
        %mul3A_494 = arith.mulf %gather3A_272, %gather3A_317 : vector<16xf32>
        %add3A_495 = arith.addf %sub3A_493, %mul3A_494 : vector<16xf32>
        %mul3A_496 = arith.mulf %gather3A_269, %gather3A_311 : vector<16xf32>
        %mul3A_497 = arith.mulf %gather3A_263, %gather3A_317 : vector<16xf32>
        %sub3A_498 = arith.subf %mul3A_496, %mul3A_497 : vector<16xf32>
        %mul3A_499 = arith.mulf %gather3A_266, %gather3A_320 : vector<16xf32>
        %add3A_500 = arith.addf %sub3A_498, %mul3A_499 : vector<16xf32>
        %mul3A_501 = arith.mulf %gather3A_272, %gather3A_314 : vector<16xf32>
        %sub3A_502 = arith.subf %add3A_500, %mul3A_501 : vector<16xf32>
        %mul3A_503 = arith.mulf %gather3A_272, %gather3A_311 : vector<16xf32>
        %mul3A_504 = arith.mulf %gather3A_263, %gather3A_320 : vector<16xf32>
        %sub3A_505 = arith.subf %mul3A_503, %mul3A_504 : vector<16xf32>
        %mul3A_506 = arith.mulf %gather3A_266, %gather3A_317 : vector<16xf32>
        %sub3A_507 = arith.subf %sub3A_505, %mul3A_506 : vector<16xf32>
        %mul3A_508 = arith.mulf %gather3A_269, %gather3A_314 : vector<16xf32>
        %add3A_509 = arith.addf %sub3A_507, %mul3A_508 : vector<16xf32>
        %mul3A_510 = arith.mulf %add3A_488, %add3A_488 : vector<16xf32>
        %mul3A_511 = arith.mulf %add3A_495, %add3A_495 : vector<16xf32>
        %add3A_512 = arith.addf %mul3A_510, %mul3A_511 : vector<16xf32>
        %mul3A_513 = arith.mulf %sub3A_502, %sub3A_502 : vector<16xf32>
        %add3A_514 = arith.addf %add3A_512, %mul3A_513 : vector<16xf32>
        %mul3A_515 = arith.mulf %add3A_509, %add3A_509 : vector<16xf32>
        %add3A_516 = arith.addf %add3A_514, %mul3A_515 : vector<16xf32>
        %bitcast3A_517 = vector.bitcast %add3A_516 : vector<16xf32> to vector<16xi32>
        %shift_right_arithmetic3A_518 = arith.constant 1 : i32
        %shift_right_arithmetic3A_519 = vector.broadcast %shift_right_arithmetic3A_518 : i32 to vector<16xi32>
        %shift_right_arithmetic3A_520 = arith.shrsi %bitcast3A_517, %shift_right_arithmetic3A_519 : vector<16xi32>
        %sub3A_521 = arith.constant 1597463007 : i32
        %sub3A_522 = vector.broadcast %sub3A_521 : i32 to vector<16xi32>
        %sub3A_523 = arith.subi %sub3A_522, %shift_right_arithmetic3A_520 : vector<16xi32>
        %bitcast3A_524 = vector.bitcast %sub3A_523 : vector<16xi32> to vector<16xf32>
        %mul3A_525 = arith.constant 5.000000e-01 : f32
        %mul3A_526 = vector.broadcast %mul3A_525 : f32 to vector<16xf32>
        %mul3A_527 = arith.mulf %add3A_516, %mul3A_526 : vector<16xf32>
        %mul3A_528 = arith.mulf %mul3A_527, %bitcast3A_524 : vector<16xf32>
        %mul3A_529 = arith.mulf %mul3A_528, %bitcast3A_524 : vector<16xf32>
        %sub3A_530 = arith.constant 1.500000e+00 : f32
        %sub3A_531 = vector.broadcast %sub3A_530 : f32 to vector<16xf32>
        %sub3A_532 = arith.subf %sub3A_531, %mul3A_529 : vector<16xf32>
        %mul3A_533 = arith.mulf %bitcast3A_524, %sub3A_532 : vector<16xf32>
        %mul3A_534 = arith.mulf %mul3A_527, %mul3A_533 : vector<16xf32>
        %mul3A_535 = arith.mulf %mul3A_534, %mul3A_533 : vector<16xf32>
        %sub3A_536 = arith.constant 1.500000e+00 : f32
        %sub3A_537 = vector.broadcast %sub3A_536 : f32 to vector<16xf32>
        %sub3A_538 = arith.subf %sub3A_537, %mul3A_535 : vector<16xf32>
        %mul3A_539 = arith.mulf %mul3A_533, %sub3A_538 : vector<16xf32>
        %mul3A_540 = arith.mulf %mul3A_527, %mul3A_539 : vector<16xf32>
        %mul3A_541 = arith.mulf %mul3A_540, %mul3A_539 : vector<16xf32>
        %sub3A_542 = arith.constant 1.500000e+00 : f32
        %sub3A_543 = vector.broadcast %sub3A_542 : f32 to vector<16xf32>
        %sub3A_544 = arith.subf %sub3A_543, %mul3A_541 : vector<16xf32>
        %mul3A_545 = arith.mulf %mul3A_539, %sub3A_544 : vector<16xf32>
        %mul3A_546 = arith.mulf %add3A_488, %mul3A_545 : vector<16xf32>
        %mul3A_547 = arith.mulf %add3A_495, %mul3A_545 : vector<16xf32>
        %mul3A_548 = arith.mulf %sub3A_502, %mul3A_545 : vector<16xf32>
        %mul3A_549 = arith.mulf %add3A_509, %mul3A_545 : vector<16xf32>
        %broadcast_in_dim3A_550 = arith.constant 8 : i32
        %broadcast_in_dim3A_551 = vector.broadcast %broadcast_in_dim3A_550 : i32 to vector<16xi32>
        tpu.vector_store_idx %arg14[%add3A_238, %broadcast_in_dim3A_551], %mul3A_546 : memref<512x16xf32, #tpu.memory_space<vmem>>[vector<16xi32>, vector<16xi32>], vector<16xf32>,
        %broadcast_in_dim3A_552 = arith.constant 9 : i32
        %broadcast_in_dim3A_553 = vector.broadcast %broadcast_in_dim3A_552 : i32 to vector<16xi32>
        tpu.vector_store_idx %arg14[%add3A_238, %broadcast_in_dim3A_553], %mul3A_547 : memref<512x16xf32, #tpu.memory_space<vmem>>[vector<16xi32>, vector<16xi32>], vector<16xf32>,
        %broadcast_in_dim3A_554 = arith.constant 10 : i32
        %broadcast_in_dim3A_555 = vector.broadcast %broadcast_in_dim3A_554 : i32 to vector<16xi32>
        tpu.vector_store_idx %arg14[%add3A_238, %broadcast_in_dim3A_555], %mul3A_548 : memref<512x16xf32, #tpu.memory_space<vmem>>[vector<16xi32>, vector<16xi32>], vector<16xf32>,
        %broadcast_in_dim3A_556 = arith.constant 11 : i32
        %broadcast_in_dim3A_557 = vector.broadcast %broadcast_in_dim3A_556 : i32 to vector<16xi32>
        tpu.vector_store_idx %arg14[%add3A_238, %broadcast_in_dim3A_557], %mul3A_549 : memref<512x16xf32, #tpu.memory_space<vmem>>[vector<16xi32>, vector<16xi32>], vector<16xf32>,
        %mul3A_558 = arith.mulf %gather3A_275, %gather3A_323 : vector<16xf32>
        %mul3A_559 = arith.mulf %gather3A_278, %gather3A_326 : vector<16xf32>
        %add3A_560 = arith.addf %mul3A_558, %mul3A_559 : vector<16xf32>
        %mul3A_561 = arith.mulf %gather3A_281, %gather3A_329 : vector<16xf32>
        %add3A_562 = arith.addf %add3A_560, %mul3A_561 : vector<16xf32>
        %mul3A_563 = arith.mulf %gather3A_284, %gather3A_332 : vector<16xf32>
        %add3A_564 = arith.addf %add3A_562, %mul3A_563 : vector<16xf32>
        %mul3A_565 = arith.mulf %gather3A_278, %gather3A_323 : vector<16xf32>
        %mul3A_566 = arith.mulf %gather3A_275, %gather3A_326 : vector<16xf32>
        %sub3A_567 = arith.subf %mul3A_565, %mul3A_566 : vector<16xf32>
        %mul3A_568 = arith.mulf %gather3A_281, %gather3A_332 : vector<16xf32>
        %sub3A_569 = arith.subf %sub3A_567, %mul3A_568 : vector<16xf32>
        %mul3A_570 = arith.mulf %gather3A_284, %gather3A_329 : vector<16xf32>
        %add3A_571 = arith.addf %sub3A_569, %mul3A_570 : vector<16xf32>
        %mul3A_572 = arith.mulf %gather3A_281, %gather3A_323 : vector<16xf32>
        %mul3A_573 = arith.mulf %gather3A_275, %gather3A_329 : vector<16xf32>
        %sub3A_574 = arith.subf %mul3A_572, %mul3A_573 : vector<16xf32>
        %mul3A_575 = arith.mulf %gather3A_278, %gather3A_332 : vector<16xf32>
        %add3A_576 = arith.addf %sub3A_574, %mul3A_575 : vector<16xf32>
        %mul3A_577 = arith.mulf %gather3A_284, %gather3A_326 : vector<16xf32>
        %sub3A_578 = arith.subf %add3A_576, %mul3A_577 : vector<16xf32>
        %mul3A_579 = arith.mulf %gather3A_284, %gather3A_323 : vector<16xf32>
        %mul3A_580 = arith.mulf %gather3A_275, %gather3A_332 : vector<16xf32>
        %sub3A_581 = arith.subf %mul3A_579, %mul3A_580 : vector<16xf32>
        %mul3A_582 = arith.mulf %gather3A_278, %gather3A_329 : vector<16xf32>
        %sub3A_583 = arith.subf %sub3A_581, %mul3A_582 : vector<16xf32>
        %mul3A_584 = arith.mulf %gather3A_281, %gather3A_326 : vector<16xf32>
        %add3A_585 = arith.addf %sub3A_583, %mul3A_584 : vector<16xf32>
        %mul3A_586 = arith.mulf %add3A_564, %add3A_564 : vector<16xf32>
        %mul3A_587 = arith.mulf %add3A_571, %add3A_571 : vector<16xf32>
        %add3A_588 = arith.addf %mul3A_586, %mul3A_587 : vector<16xf32>
        %mul3A_589 = arith.mulf %sub3A_578, %sub3A_578 : vector<16xf32>
        %add3A_590 = arith.addf %add3A_588, %mul3A_589 : vector<16xf32>
        %mul3A_591 = arith.mulf %add3A_585, %add3A_585 : vector<16xf32>
        %add3A_592 = arith.addf %add3A_590, %mul3A_591 : vector<16xf32>
        %bitcast3A_593 = vector.bitcast %add3A_592 : vector<16xf32> to vector<16xi32>
        %shift_right_arithmetic3A_594 = arith.constant 1 : i32
        %shift_right_arithmetic3A_595 = vector.broadcast %shift_right_arithmetic3A_594 : i32 to vector<16xi32>
        %shift_right_arithmetic3A_596 = arith.shrsi %bitcast3A_593, %shift_right_arithmetic3A_595 : vector<16xi32>
        %sub3A_597 = arith.constant 1597463007 : i32
        %sub3A_598 = vector.broadcast %sub3A_597 : i32 to vector<16xi32>
        %sub3A_599 = arith.subi %sub3A_598, %shift_right_arithmetic3A_596 : vector<16xi32>
        %bitcast3A_600 = vector.bitcast %sub3A_599 : vector<16xi32> to vector<16xf32>
        %mul3A_601 = arith.constant 5.000000e-01 : f32
        %mul3A_602 = vector.broadcast %mul3A_601 : f32 to vector<16xf32>
        %mul3A_603 = arith.mulf %add3A_592, %mul3A_602 : vector<16xf32>
        %mul3A_604 = arith.mulf %mul3A_603, %bitcast3A_600 : vector<16xf32>
        %mul3A_605 = arith.mulf %mul3A_604, %bitcast3A_600 : vector<16xf32>
        %sub3A_606 = arith.constant 1.500000e+00 : f32
        %sub3A_607 = vector.broadcast %sub3A_606 : f32 to vector<16xf32>
        %sub3A_608 = arith.subf %sub3A_607, %mul3A_605 : vector<16xf32>
        %mul3A_609 = arith.mulf %bitcast3A_600, %sub3A_608 : vector<16xf32>
        %mul3A_610 = arith.mulf %mul3A_603, %mul3A_609 : vector<16xf32>
        %mul3A_611 = arith.mulf %mul3A_610, %mul3A_609 : vector<16xf32>
        %sub3A_612 = arith.constant 1.500000e+00 : f32
        %sub3A_613 = vector.broadcast %sub3A_612 : f32 to vector<16xf32>
        %sub3A_614 = arith.subf %sub3A_613, %mul3A_611 : vector<16xf32>
        %mul3A_615 = arith.mulf %mul3A_609, %sub3A_614 : vector<16xf32>
        %mul3A_616 = arith.mulf %mul3A_603, %mul3A_615 : vector<16xf32>
        %mul3A_617 = arith.mulf %mul3A_616, %mul3A_615 : vector<16xf32>
        %sub3A_618 = arith.constant 1.500000e+00 : f32
        %sub3A_619 = vector.broadcast %sub3A_618 : f32 to vector<16xf32>
        %sub3A_620 = arith.subf %sub3A_619, %mul3A_617 : vector<16xf32>
        %mul3A_621 = arith.mulf %mul3A_615, %sub3A_620 : vector<16xf32>
        %mul3A_622 = arith.mulf %add3A_564, %mul3A_621 : vector<16xf32>
        %mul3A_623 = arith.mulf %add3A_571, %mul3A_621 : vector<16xf32>
        %mul3A_624 = arith.mulf %sub3A_578, %mul3A_621 : vector<16xf32>
        %mul3A_625 = arith.mulf %add3A_585, %mul3A_621 : vector<16xf32>
        %broadcast_in_dim3A_626 = arith.constant 12 : i32
        %broadcast_in_dim3A_627 = vector.broadcast %broadcast_in_dim3A_626 : i32 to vector<16xi32>
        tpu.vector_store_idx %arg14[%add3A_238, %broadcast_in_dim3A_627], %mul3A_622 : memref<512x16xf32, #tpu.memory_space<vmem>>[vector<16xi32>, vector<16xi32>], vector<16xf32>,
        %broadcast_in_dim3A_628 = arith.constant 13 : i32
        %broadcast_in_dim3A_629 = vector.broadcast %broadcast_in_dim3A_628 : i32 to vector<16xi32>
        tpu.vector_store_idx %arg14[%add3A_238, %broadcast_in_dim3A_629], %mul3A_623 : memref<512x16xf32, #tpu.memory_space<vmem>>[vector<16xi32>, vector<16xi32>], vector<16xf32>,
        %broadcast_in_dim3A_630 = arith.constant 14 : i32
        %broadcast_in_dim3A_631 = vector.broadcast %broadcast_in_dim3A_630 : i32 to vector<16xi32>
        tpu.vector_store_idx %arg14[%add3A_238, %broadcast_in_dim3A_631], %mul3A_624 : memref<512x16xf32, #tpu.memory_space<vmem>>[vector<16xi32>, vector<16xi32>], vector<16xf32>,
        %broadcast_in_dim3A_632 = arith.constant 15 : i32
        %broadcast_in_dim3A_633 = vector.broadcast %broadcast_in_dim3A_632 : i32 to vector<16xi32>
        tpu.vector_store_idx %arg14[%add3A_238, %broadcast_in_dim3A_633], %mul3A_625 : memref<512x16xf32, #tpu.memory_space<vmem>>[vector<16xi32>, vector<16xi32>], vector<16xf32>,
        %scan3A_634 = arith.constant 1 : i32
        %scan3A_635 = arith.addi %scan3A_234, %scan3A_634 : i32
        %iota3A_636 = tpu.iota {dimensions = array<i32: 0>} : vector<16xi32>
        %mul3A_637 = arith.constant 16 : i32
        %mul3A_638 = arith.muli %scan3A_635, %mul3A_637 : i32
        %add3A_639 = vector.broadcast %mul3A_638 : i32 to vector<16xi32>
        %add3A_640 = arith.addi %iota3A_636, %add3A_639 : vector<16xi32>
        %broadcast_in_dim3A_641 = arith.constant 0 : i32
        %broadcast_in_dim3A_642 = vector.broadcast %broadcast_in_dim3A_641 : i32 to vector<16xi32>
        %gather3A_643 = tpu.vector_load_idx %arg10[%add3A_640, %broadcast_in_dim3A_642] : memref<512x16xf32, #tpu.memory_space<vmem>>[vector<16xi32>, vector<16xi32>], vector<16xf32>,
        %broadcast_in_dim3A_644 = arith.constant 1 : i32
        %broadcast_in_dim3A_645 = vector.broadcast %broadcast_in_dim3A_644 : i32 to vector<16xi32>
        %gather3A_646 = tpu.vector_load_idx %arg10[%add3A_640, %broadcast_in_dim3A_645] : memref<512x16xf32, #tpu.memory_space<vmem>>[vector<16xi32>, vector<16xi32>], vector<16xf32>,
        %broadcast_in_dim3A_647 = arith.constant 2 : i32
        %broadcast_in_dim3A_648 = vector.broadcast %broadcast_in_dim3A_647 : i32 to vector<16xi32>
        %gather3A_649 = tpu.vector_load_idx %arg10[%add3A_640, %broadcast_in_dim3A_648] : memref<512x16xf32, #tpu.memory_space<vmem>>[vector<16xi32>, vector<16xi32>], vector<16xf32>,
        %broadcast_in_dim3A_650 = arith.constant 3 : i32
        %broadcast_in_dim3A_651 = vector.broadcast %broadcast_in_dim3A_650 : i32 to vector<16xi32>
        %gather3A_652 = tpu.vector_load_idx %arg10[%add3A_640, %broadcast_in_dim3A_651] : memref<512x16xf32, #tpu.memory_space<vmem>>[vector<16xi32>, vector<16xi32>], vector<16xf32>,
        %broadcast_in_dim3A_653 = arith.constant 4 : i32
        %broadcast_in_dim3A_654 = vector.broadcast %broadcast_in_dim3A_653 : i32 to vector<16xi32>
        %gather3A_655 = tpu.vector_load_idx %arg10[%add3A_640, %broadcast_in_dim3A_654] : memref<512x16xf32, #tpu.memory_space<vmem>>[vector<16xi32>, vector<16xi32>], vector<16xf32>,
        %broadcast_in_dim3A_656 = arith.constant 5 : i32
        %broadcast_in_dim3A_657 = vector.broadcast %broadcast_in_dim3A_656 : i32 to vector<16xi32>
        %gather3A_658 = tpu.vector_load_idx %arg10[%add3A_640, %broadcast_in_dim3A_657] : memref<512x16xf32, #tpu.memory_space<vmem>>[vector<16xi32>, vector<16xi32>], vector<16xf32>,
        %broadcast_in_dim3A_659 = arith.constant 6 : i32
        %broadcast_in_dim3A_660 = vector.broadcast %broadcast_in_dim3A_659 : i32 to vector<16xi32>
        %gather3A_661 = tpu.vector_load_idx %arg10[%add3A_640, %broadcast_in_dim3A_660] : memref<512x16xf32, #tpu.memory_space<vmem>>[vector<16xi32>, vector<16xi32>], vector<16xf32>,
        %broadcast_in_dim3A_662 = arith.constant 7 : i32
        %broadcast_in_dim3A_663 = vector.broadcast %broadcast_in_dim3A_662 : i32 to vector<16xi32>
        %gather3A_664 = tpu.vector_load_idx %arg10[%add3A_640, %broadcast_in_dim3A_663] : memref<512x16xf32, #tpu.memory_space<vmem>>[vector<16xi32>, vector<16xi32>], vector<16xf32>,
        %broadcast_in_dim3A_665 = arith.constant 8 : i32
        %broadcast_in_dim3A_666 = vector.broadcast %broadcast_in_dim3A_665 : i32 to vector<16xi32>
        %gather3A_667 = tpu.vector_load_idx %arg10[%add3A_640, %broadcast_in_dim3A_666] : memref<512x16xf32, #tpu.memory_space<vmem>>[vector<16xi32>, vector<16xi32>], vector<16xf32>,
        %broadcast_in_dim3A_668 = arith.constant 9 : i32
        %broadcast_in_dim3A_669 = vector.broadcast %broadcast_in_dim3A_668 : i32 to vector<16xi32>
        %gather3A_670 = tpu.vector_load_idx %arg10[%add3A_640, %broadcast_in_dim3A_669] : memref<512x16xf32, #tpu.memory_space<vmem>>[vector<16xi32>, vector<16xi32>], vector<16xf32>,
        %broadcast_in_dim3A_671 = arith.constant 10 : i32
        %broadcast_in_dim3A_672 = vector.broadcast %broadcast_in_dim3A_671 : i32 to vector<16xi32>
        %gather3A_673 = tpu.vector_load_idx %arg10[%add3A_640, %broadcast_in_dim3A_672] : memref<512x16xf32, #tpu.memory_space<vmem>>[vector<16xi32>, vector<16xi32>], vector<16xf32>,
        %broadcast_in_dim3A_674 = arith.constant 11 : i32
        %broadcast_in_dim3A_675 = vector.broadcast %broadcast_in_dim3A_674 : i32 to vector<16xi32>
        %gather3A_676 = tpu.vector_load_idx %arg10[%add3A_640, %broadcast_in_dim3A_675] : memref<512x16xf32, #tpu.memory_space<vmem>>[vector<16xi32>, vector<16xi32>], vector<16xf32>,
        %broadcast_in_dim3A_677 = arith.constant 12 : i32
        %broadcast_in_dim3A_678 = vector.broadcast %broadcast_in_dim3A_677 : i32 to vector<16xi32>
        %gather3A_679 = tpu.vector_load_idx %arg10[%add3A_640, %broadcast_in_dim3A_678] : memref<512x16xf32, #tpu.memory_space<vmem>>[vector<16xi32>, vector<16xi32>], vector<16xf32>,
        %broadcast_in_dim3A_680 = arith.constant 13 : i32
        %broadcast_in_dim3A_681 = vector.broadcast %broadcast_in_dim3A_680 : i32 to vector<16xi32>
        %gather3A_682 = tpu.vector_load_idx %arg10[%add3A_640, %broadcast_in_dim3A_681] : memref<512x16xf32, #tpu.memory_space<vmem>>[vector<16xi32>, vector<16xi32>], vector<16xf32>,
        %broadcast_in_dim3A_683 = arith.constant 14 : i32
        %broadcast_in_dim3A_684 = vector.broadcast %broadcast_in_dim3A_683 : i32 to vector<16xi32>
        %gather3A_685 = tpu.vector_load_idx %arg10[%add3A_640, %broadcast_in_dim3A_684] : memref<512x16xf32, #tpu.memory_space<vmem>>[vector<16xi32>, vector<16xi32>], vector<16xf32>,
        %broadcast_in_dim3A_686 = arith.constant 15 : i32
        %broadcast_in_dim3A_687 = vector.broadcast %broadcast_in_dim3A_686 : i32 to vector<16xi32>
        %gather3A_688 = tpu.vector_load_idx %arg10[%add3A_640, %broadcast_in_dim3A_687] : memref<512x16xf32, #tpu.memory_space<vmem>>[vector<16xi32>, vector<16xi32>], vector<16xf32>,
        %broadcast_in_dim3A_689 = arith.constant 0 : i32
        %broadcast_in_dim3A_690 = vector.broadcast %broadcast_in_dim3A_689 : i32 to vector<16xi32>
        %gather3A_691 = tpu.vector_load_idx %arg11[%add3A_640, %broadcast_in_dim3A_690] : memref<512x16xf32, #tpu.memory_space<vmem>>[vector<16xi32>, vector<16xi32>], vector<16xf32>,
        %broadcast_in_dim3A_692 = arith.constant 1 : i32
        %broadcast_in_dim3A_693 = vector.broadcast %broadcast_in_dim3A_692 : i32 to vector<16xi32>
        %gather3A_694 = tpu.vector_load_idx %arg11[%add3A_640, %broadcast_in_dim3A_693] : memref<512x16xf32, #tpu.memory_space<vmem>>[vector<16xi32>, vector<16xi32>], vector<16xf32>,
        %broadcast_in_dim3A_695 = arith.constant 2 : i32
        %broadcast_in_dim3A_696 = vector.broadcast %broadcast_in_dim3A_695 : i32 to vector<16xi32>
        %gather3A_697 = tpu.vector_load_idx %arg11[%add3A_640, %broadcast_in_dim3A_696] : memref<512x16xf32, #tpu.memory_space<vmem>>[vector<16xi32>, vector<16xi32>], vector<16xf32>,
        %broadcast_in_dim3A_698 = arith.constant 3 : i32
        %broadcast_in_dim3A_699 = vector.broadcast %broadcast_in_dim3A_698 : i32 to vector<16xi32>
        %gather3A_700 = tpu.vector_load_idx %arg11[%add3A_640, %broadcast_in_dim3A_699] : memref<512x16xf32, #tpu.memory_space<vmem>>[vector<16xi32>, vector<16xi32>], vector<16xf32>,
        %broadcast_in_dim3A_701 = arith.constant 4 : i32
        %broadcast_in_dim3A_702 = vector.broadcast %broadcast_in_dim3A_701 : i32 to vector<16xi32>
        %gather3A_703 = tpu.vector_load_idx %arg11[%add3A_640, %broadcast_in_dim3A_702] : memref<512x16xf32, #tpu.memory_space<vmem>>[vector<16xi32>, vector<16xi32>], vector<16xf32>,
        %broadcast_in_dim3A_704 = arith.constant 5 : i32
        %broadcast_in_dim3A_705 = vector.broadcast %broadcast_in_dim3A_704 : i32 to vector<16xi32>
        %gather3A_706 = tpu.vector_load_idx %arg11[%add3A_640, %broadcast_in_dim3A_705] : memref<512x16xf32, #tpu.memory_space<vmem>>[vector<16xi32>, vector<16xi32>], vector<16xf32>,
        %broadcast_in_dim3A_707 = arith.constant 6 : i32
        %broadcast_in_dim3A_708 = vector.broadcast %broadcast_in_dim3A_707 : i32 to vector<16xi32>
        %gather3A_709 = tpu.vector_load_idx %arg11[%add3A_640, %broadcast_in_dim3A_708] : memref<512x16xf32, #tpu.memory_space<vmem>>[vector<16xi32>, vector<16xi32>], vector<16xf32>,
        %broadcast_in_dim3A_710 = arith.constant 7 : i32
        %broadcast_in_dim3A_711 = vector.broadcast %broadcast_in_dim3A_710 : i32 to vector<16xi32>
        %gather3A_712 = tpu.vector_load_idx %arg11[%add3A_640, %broadcast_in_dim3A_711] : memref<512x16xf32, #tpu.memory_space<vmem>>[vector<16xi32>, vector<16xi32>], vector<16xf32>,
        %broadcast_in_dim3A_713 = arith.constant 8 : i32
        %broadcast_in_dim3A_714 = vector.broadcast %broadcast_in_dim3A_713 : i32 to vector<16xi32>
        %gather3A_715 = tpu.vector_load_idx %arg11[%add3A_640, %broadcast_in_dim3A_714] : memref<512x16xf32, #tpu.memory_space<vmem>>[vector<16xi32>, vector<16xi32>], vector<16xf32>,
        %broadcast_in_dim3A_716 = arith.constant 9 : i32
        %broadcast_in_dim3A_717 = vector.broadcast %broadcast_in_dim3A_716 : i32 to vector<16xi32>
        %gather3A_718 = tpu.vector_load_idx %arg11[%add3A_640, %broadcast_in_dim3A_717] : memref<512x16xf32, #tpu.memory_space<vmem>>[vector<16xi32>, vector<16xi32>], vector<16xf32>,
        %broadcast_in_dim3A_719 = arith.constant 10 : i32
        %broadcast_in_dim3A_720 = vector.broadcast %broadcast_in_dim3A_719 : i32 to vector<16xi32>
        %gather3A_721 = tpu.vector_load_idx %arg11[%add3A_640, %broadcast_in_dim3A_720] : memref<512x16xf32, #tpu.memory_space<vmem>>[vector<16xi32>, vector<16xi32>], vector<16xf32>,
        %broadcast_in_dim3A_722 = arith.constant 11 : i32
        %broadcast_in_dim3A_723 = vector.broadcast %broadcast_in_dim3A_722 : i32 to vector<16xi32>
        %gather3A_724 = tpu.vector_load_idx %arg11[%add3A_640, %broadcast_in_dim3A_723] : memref<512x16xf32, #tpu.memory_space<vmem>>[vector<16xi32>, vector<16xi32>], vector<16xf32>,
        %broadcast_in_dim3A_725 = arith.constant 12 : i32
        %broadcast_in_dim3A_726 = vector.broadcast %broadcast_in_dim3A_725 : i32 to vector<16xi32>
        %gather3A_727 = tpu.vector_load_idx %arg11[%add3A_640, %broadcast_in_dim3A_726] : memref<512x16xf32, #tpu.memory_space<vmem>>[vector<16xi32>, vector<16xi32>], vector<16xf32>,
        %broadcast_in_dim3A_728 = arith.constant 13 : i32
        %broadcast_in_dim3A_729 = vector.broadcast %broadcast_in_dim3A_728 : i32 to vector<16xi32>
        %gather3A_730 = tpu.vector_load_idx %arg11[%add3A_640, %broadcast_in_dim3A_729] : memref<512x16xf32, #tpu.memory_space<vmem>>[vector<16xi32>, vector<16xi32>], vector<16xf32>,
        %broadcast_in_dim3A_731 = arith.constant 14 : i32
        %broadcast_in_dim3A_732 = vector.broadcast %broadcast_in_dim3A_731 : i32 to vector<16xi32>
        %gather3A_733 = tpu.vector_load_idx %arg11[%add3A_640, %broadcast_in_dim3A_732] : memref<512x16xf32, #tpu.memory_space<vmem>>[vector<16xi32>, vector<16xi32>], vector<16xf32>,
        %broadcast_in_dim3A_734 = arith.constant 15 : i32
        %broadcast_in_dim3A_735 = vector.broadcast %broadcast_in_dim3A_734 : i32 to vector<16xi32>
        %gather3A_736 = tpu.vector_load_idx %arg11[%add3A_640, %broadcast_in_dim3A_735] : memref<512x16xf32, #tpu.memory_space<vmem>>[vector<16xi32>, vector<16xi32>], vector<16xf32>,
        %mul3A_737 = arith.mulf %gather3A_643, %gather3A_691 : vector<16xf32>
        %mul3A_738 = arith.mulf %gather3A_646, %gather3A_694 : vector<16xf32>
        %add3A_739 = arith.addf %mul3A_737, %mul3A_738 : vector<16xf32>
        %mul3A_740 = arith.mulf %gather3A_649, %gather3A_697 : vector<16xf32>
        %add3A_741 = arith.addf %add3A_739, %mul3A_740 : vector<16xf32>
        %mul3A_742 = arith.mulf %gather3A_652, %gather3A_700 : vector<16xf32>
        %add3A_743 = arith.addf %add3A_741, %mul3A_742 : vector<16xf32>
        %mul3A_744 = arith.mulf %gather3A_646, %gather3A_691 : vector<16xf32>
        %mul3A_745 = arith.mulf %gather3A_643, %gather3A_694 : vector<16xf32>
        %sub3A_746 = arith.subf %mul3A_744, %mul3A_745 : vector<16xf32>
        %mul3A_747 = arith.mulf %gather3A_649, %gather3A_700 : vector<16xf32>
        %sub3A_748 = arith.subf %sub3A_746, %mul3A_747 : vector<16xf32>
        %mul3A_749 = arith.mulf %gather3A_652, %gather3A_697 : vector<16xf32>
        %add3A_750 = arith.addf %sub3A_748, %mul3A_749 : vector<16xf32>
        %mul3A_751 = arith.mulf %gather3A_649, %gather3A_691 : vector<16xf32>
        %mul3A_752 = arith.mulf %gather3A_643, %gather3A_697 : vector<16xf32>
        %sub3A_753 = arith.subf %mul3A_751, %mul3A_752 : vector<16xf32>
        %mul3A_754 = arith.mulf %gather3A_646, %gather3A_700 : vector<16xf32>
        %add3A_755 = arith.addf %sub3A_753, %mul3A_754 : vector<16xf32>
        %mul3A_756 = arith.mulf %gather3A_652, %gather3A_694 : vector<16xf32>
        %sub3A_757 = arith.subf %add3A_755, %mul3A_756 : vector<16xf32>
        %mul3A_758 = arith.mulf %gather3A_652, %gather3A_691 : vector<16xf32>
        %mul3A_759 = arith.mulf %gather3A_643, %gather3A_700 : vector<16xf32>
        %sub3A_760 = arith.subf %mul3A_758, %mul3A_759 : vector<16xf32>
        %mul3A_761 = arith.mulf %gather3A_646, %gather3A_697 : vector<16xf32>
        %sub3A_762 = arith.subf %sub3A_760, %mul3A_761 : vector<16xf32>
        %mul3A_763 = arith.mulf %gather3A_649, %gather3A_694 : vector<16xf32>
        %add3A_764 = arith.addf %sub3A_762, %mul3A_763 : vector<16xf32>
        %mul3A_765 = arith.mulf %add3A_743, %add3A_743 : vector<16xf32>
        %mul3A_766 = arith.mulf %add3A_750, %add3A_750 : vector<16xf32>
        %add3A_767 = arith.addf %mul3A_765, %mul3A_766 : vector<16xf32>
        %mul3A_768 = arith.mulf %sub3A_757, %sub3A_757 : vector<16xf32>
        %add3A_769 = arith.addf %add3A_767, %mul3A_768 : vector<16xf32>
        %mul3A_770 = arith.mulf %add3A_764, %add3A_764 : vector<16xf32>
        %add3A_771 = arith.addf %add3A_769, %mul3A_770 : vector<16xf32>
        %bitcast3A_772 = vector.bitcast %add3A_771 : vector<16xf32> to vector<16xi32>
        %shift_right_arithmetic3A_773 = arith.constant 1 : i32
        %shift_right_arithmetic3A_774 = vector.broadcast %shift_right_arithmetic3A_773 : i32 to vector<16xi32>
        %shift_right_arithmetic3A_775 = arith.shrsi %bitcast3A_772, %shift_right_arithmetic3A_774 : vector<16xi32>
        %sub3A_776 = arith.constant 1597463007 : i32
        %sub3A_777 = vector.broadcast %sub3A_776 : i32 to vector<16xi32>
        %sub3A_778 = arith.subi %sub3A_777, %shift_right_arithmetic3A_775 : vector<16xi32>
        %bitcast3A_779 = vector.bitcast %sub3A_778 : vector<16xi32> to vector<16xf32>
        %mul3A_780 = arith.constant 5.000000e-01 : f32
        %mul3A_781 = vector.broadcast %mul3A_780 : f32 to vector<16xf32>
        %mul3A_782 = arith.mulf %add3A_771, %mul3A_781 : vector<16xf32>
        %mul3A_783 = arith.mulf %mul3A_782, %bitcast3A_779 : vector<16xf32>
        %mul3A_784 = arith.mulf %mul3A_783, %bitcast3A_779 : vector<16xf32>
        %sub3A_785 = arith.constant 1.500000e+00 : f32
        %sub3A_786 = vector.broadcast %sub3A_785 : f32 to vector<16xf32>
        %sub3A_787 = arith.subf %sub3A_786, %mul3A_784 : vector<16xf32>
        %mul3A_788 = arith.mulf %bitcast3A_779, %sub3A_787 : vector<16xf32>
        %mul3A_789 = arith.mulf %mul3A_782, %mul3A_788 : vector<16xf32>
        %mul3A_790 = arith.mulf %mul3A_789, %mul3A_788 : vector<16xf32>
        %sub3A_791 = arith.constant 1.500000e+00 : f32
        %sub3A_792 = vector.broadcast %sub3A_791 : f32 to vector<16xf32>
        %sub3A_793 = arith.subf %sub3A_792, %mul3A_790 : vector<16xf32>
        %mul3A_794 = arith.mulf %mul3A_788, %sub3A_793 : vector<16xf32>
        %mul3A_795 = arith.mulf %mul3A_782, %mul3A_794 : vector<16xf32>
        %mul3A_796 = arith.mulf %mul3A_795, %mul3A_794 : vector<16xf32>
        %sub3A_797 = arith.constant 1.500000e+00 : f32
        %sub3A_798 = vector.broadcast %sub3A_797 : f32 to vector<16xf32>
        %sub3A_799 = arith.subf %sub3A_798, %mul3A_796 : vector<16xf32>
        %mul3A_800 = arith.mulf %mul3A_794, %sub3A_799 : vector<16xf32>
        %mul3A_801 = arith.mulf %add3A_743, %mul3A_800 : vector<16xf32>
        %mul3A_802 = arith.mulf %add3A_750, %mul3A_800 : vector<16xf32>
        %mul3A_803 = arith.mulf %sub3A_757, %mul3A_800 : vector<16xf32>
        %mul3A_804 = arith.mulf %add3A_764, %mul3A_800 : vector<16xf32>
        %broadcast_in_dim3A_805 = arith.constant 0 : i32
        %broadcast_in_dim3A_806 = vector.broadcast %broadcast_in_dim3A_805 : i32 to vector<16xi32>
        tpu.vector_store_idx %arg14[%add3A_640, %broadcast_in_dim3A_806], %mul3A_801 : memref<512x16xf32, #tpu.memory_space<vmem>>[vector<16xi32>, vector<16xi32>], vector<16xf32>,
        %broadcast_in_dim3A_807 = arith.constant 1 : i32
        %broadcast_in_dim3A_808 = vector.broadcast %broadcast_in_dim3A_807 : i32 to vector<16xi32>
        tpu.vector_store_idx %arg14[%add3A_640, %broadcast_in_dim3A_808], %mul3A_802 : memref<512x16xf32, #tpu.memory_space<vmem>>[vector<16xi32>, vector<16xi32>], vector<16xf32>,
        %broadcast_in_dim3A_809 = arith.constant 2 : i32
        %broadcast_in_dim3A_810 = vector.broadcast %broadcast_in_dim3A_809 : i32 to vector<16xi32>
        tpu.vector_store_idx %arg14[%add3A_640, %broadcast_in_dim3A_810], %mul3A_803 : memref<512x16xf32, #tpu.memory_space<vmem>>[vector<16xi32>, vector<16xi32>], vector<16xf32>,
        %broadcast_in_dim3A_811 = arith.constant 3 : i32
        %broadcast_in_dim3A_812 = vector.broadcast %broadcast_in_dim3A_811 : i32 to vector<16xi32>
        tpu.vector_store_idx %arg14[%add3A_640, %broadcast_in_dim3A_812], %mul3A_804 : memref<512x16xf32, #tpu.memory_space<vmem>>[vector<16xi32>, vector<16xi32>], vector<16xf32>,
        %mul3A_813 = arith.mulf %gather3A_655, %gather3A_703 : vector<16xf32>
        %mul3A_814 = arith.mulf %gather3A_658, %gather3A_706 : vector<16xf32>
        %add3A_815 = arith.addf %mul3A_813, %mul3A_814 : vector<16xf32>
        %mul3A_816 = arith.mulf %gather3A_661, %gather3A_709 : vector<16xf32>
        %add3A_817 = arith.addf %add3A_815, %mul3A_816 : vector<16xf32>
        %mul3A_818 = arith.mulf %gather3A_664, %gather3A_712 : vector<16xf32>
        %add3A_819 = arith.addf %add3A_817, %mul3A_818 : vector<16xf32>
        %mul3A_820 = arith.mulf %gather3A_658, %gather3A_703 : vector<16xf32>
        %mul3A_821 = arith.mulf %gather3A_655, %gather3A_706 : vector<16xf32>
        %sub3A_822 = arith.subf %mul3A_820, %mul3A_821 : vector<16xf32>
        %mul3A_823 = arith.mulf %gather3A_661, %gather3A_712 : vector<16xf32>
        %sub3A_824 = arith.subf %sub3A_822, %mul3A_823 : vector<16xf32>
        %mul3A_825 = arith.mulf %gather3A_664, %gather3A_709 : vector<16xf32>
        %add3A_826 = arith.addf %sub3A_824, %mul3A_825 : vector<16xf32>
        %mul3A_827 = arith.mulf %gather3A_661, %gather3A_703 : vector<16xf32>
        %mul3A_828 = arith.mulf %gather3A_655, %gather3A_709 : vector<16xf32>
        %sub3A_829 = arith.subf %mul3A_827, %mul3A_828 : vector<16xf32>
        %mul3A_830 = arith.mulf %gather3A_658, %gather3A_712 : vector<16xf32>
        %add3A_831 = arith.addf %sub3A_829, %mul3A_830 : vector<16xf32>
        %mul3A_832 = arith.mulf %gather3A_664, %gather3A_706 : vector<16xf32>
        %sub3A_833 = arith.subf %add3A_831, %mul3A_832 : vector<16xf32>
        %mul3A_834 = arith.mulf %gather3A_664, %gather3A_703 : vector<16xf32>
        %mul3A_835 = arith.mulf %gather3A_655, %gather3A_712 : vector<16xf32>
        %sub3A_836 = arith.subf %mul3A_834, %mul3A_835 : vector<16xf32>
        %mul3A_837 = arith.mulf %gather3A_658, %gather3A_709 : vector<16xf32>
        %sub3A_838 = arith.subf %sub3A_836, %mul3A_837 : vector<16xf32>
        %mul3A_839 = arith.mulf %gather3A_661, %gather3A_706 : vector<16xf32>
        %add3A_840 = arith.addf %sub3A_838, %mul3A_839 : vector<16xf32>
        %mul3A_841 = arith.mulf %add3A_819, %add3A_819 : vector<16xf32>
        %mul3A_842 = arith.mulf %add3A_826, %add3A_826 : vector<16xf32>
        %add3A_843 = arith.addf %mul3A_841, %mul3A_842 : vector<16xf32>
        %mul3A_844 = arith.mulf %sub3A_833, %sub3A_833 : vector<16xf32>
        %add3A_845 = arith.addf %add3A_843, %mul3A_844 : vector<16xf32>
        %mul3A_846 = arith.mulf %add3A_840, %add3A_840 : vector<16xf32>
        %add3A_847 = arith.addf %add3A_845, %mul3A_846 : vector<16xf32>
        %bitcast3A_848 = vector.bitcast %add3A_847 : vector<16xf32> to vector<16xi32>
        %shift_right_arithmetic3A_849 = arith.constant 1 : i32
        %shift_right_arithmetic3A_850 = vector.broadcast %shift_right_arithmetic3A_849 : i32 to vector<16xi32>
        %shift_right_arithmetic3A_851 = arith.shrsi %bitcast3A_848, %shift_right_arithmetic3A_850 : vector<16xi32>
        %sub3A_852 = arith.constant 1597463007 : i32
        %sub3A_853 = vector.broadcast %sub3A_852 : i32 to vector<16xi32>
        %sub3A_854 = arith.subi %sub3A_853, %shift_right_arithmetic3A_851 : vector<16xi32>
        %bitcast3A_855 = vector.bitcast %sub3A_854 : vector<16xi32> to vector<16xf32>
        %mul3A_856 = arith.constant 5.000000e-01 : f32
        %mul3A_857 = vector.broadcast %mul3A_856 : f32 to vector<16xf32>
        %mul3A_858 = arith.mulf %add3A_847, %mul3A_857 : vector<16xf32>
        %mul3A_859 = arith.mulf %mul3A_858, %bitcast3A_855 : vector<16xf32>
        %mul3A_860 = arith.mulf %mul3A_859, %bitcast3A_855 : vector<16xf32>
        %sub3A_861 = arith.constant 1.500000e+00 : f32
        %sub3A_862 = vector.broadcast %sub3A_861 : f32 to vector<16xf32>
        %sub3A_863 = arith.subf %sub3A_862, %mul3A_860 : vector<16xf32>
        %mul3A_864 = arith.mulf %bitcast3A_855, %sub3A_863 : vector<16xf32>
        %mul3A_865 = arith.mulf %mul3A_858, %mul3A_864 : vector<16xf32>
        %mul3A_866 = arith.mulf %mul3A_865, %mul3A_864 : vector<16xf32>
        %sub3A_867 = arith.constant 1.500000e+00 : f32
        %sub3A_868 = vector.broadcast %sub3A_867 : f32 to vector<16xf32>
        %sub3A_869 = arith.subf %sub3A_868, %mul3A_866 : vector<16xf32>
        %mul3A_870 = arith.mulf %mul3A_864, %sub3A_869 : vector<16xf32>
        %mul3A_871 = arith.mulf %mul3A_858, %mul3A_870 : vector<16xf32>
        %mul3A_872 = arith.mulf %mul3A_871, %mul3A_870 : vector<16xf32>
        %sub3A_873 = arith.constant 1.500000e+00 : f32
        %sub3A_874 = vector.broadcast %sub3A_873 : f32 to vector<16xf32>
        %sub3A_875 = arith.subf %sub3A_874, %mul3A_872 : vector<16xf32>
        %mul3A_876 = arith.mulf %mul3A_870, %sub3A_875 : vector<16xf32>
        %mul3A_877 = arith.mulf %add3A_819, %mul3A_876 : vector<16xf32>
        %mul3A_878 = arith.mulf %add3A_826, %mul3A_876 : vector<16xf32>
        %mul3A_879 = arith.mulf %sub3A_833, %mul3A_876 : vector<16xf32>
        %mul3A_880 = arith.mulf %add3A_840, %mul3A_876 : vector<16xf32>
        %broadcast_in_dim3A_881 = arith.constant 4 : i32
        %broadcast_in_dim3A_882 = vector.broadcast %broadcast_in_dim3A_881 : i32 to vector<16xi32>
        tpu.vector_store_idx %arg14[%add3A_640, %broadcast_in_dim3A_882], %mul3A_877 : memref<512x16xf32, #tpu.memory_space<vmem>>[vector<16xi32>, vector<16xi32>], vector<16xf32>,
        %broadcast_in_dim3A_883 = arith.constant 5 : i32
        %broadcast_in_dim3A_884 = vector.broadcast %broadcast_in_dim3A_883 : i32 to vector<16xi32>
        tpu.vector_store_idx %arg14[%add3A_640, %broadcast_in_dim3A_884], %mul3A_878 : memref<512x16xf32, #tpu.memory_space<vmem>>[vector<16xi32>, vector<16xi32>], vector<16xf32>,
        %broadcast_in_dim3A_885 = arith.constant 6 : i32
        %broadcast_in_dim3A_886 = vector.broadcast %broadcast_in_dim3A_885 : i32 to vector<16xi32>
        tpu.vector_store_idx %arg14[%add3A_640, %broadcast_in_dim3A_886], %mul3A_879 : memref<512x16xf32, #tpu.memory_space<vmem>>[vector<16xi32>, vector<16xi32>], vector<16xf32>,
        %broadcast_in_dim3A_887 = arith.constant 7 : i32
        %broadcast_in_dim3A_888 = vector.broadcast %broadcast_in_dim3A_887 : i32 to vector<16xi32>
        tpu.vector_store_idx %arg14[%add3A_640, %broadcast_in_dim3A_888], %mul3A_880 : memref<512x16xf32, #tpu.memory_space<vmem>>[vector<16xi32>, vector<16xi32>], vector<16xf32>,
        %mul3A_889 = arith.mulf %gather3A_667, %gather3A_715 : vector<16xf32>
        %mul3A_890 = arith.mulf %gather3A_670, %gather3A_718 : vector<16xf32>
        %add3A_891 = arith.addf %mul3A_889, %mul3A_890 : vector<16xf32>
        %mul3A_892 = arith.mulf %gather3A_673, %gather3A_721 : vector<16xf32>
        %add3A_893 = arith.addf %add3A_891, %mul3A_892 : vector<16xf32>
        %mul3A_894 = arith.mulf %gather3A_676, %gather3A_724 : vector<16xf32>
        %add3A_895 = arith.addf %add3A_893, %mul3A_894 : vector<16xf32>
        %mul3A_896 = arith.mulf %gather3A_670, %gather3A_715 : vector<16xf32>
        %mul3A_897 = arith.mulf %gather3A_667, %gather3A_718 : vector<16xf32>
        %sub3A_898 = arith.subf %mul3A_896, %mul3A_897 : vector<16xf32>
        %mul3A_899 = arith.mulf %gather3A_673, %gather3A_724 : vector<16xf32>
        %sub3A_900 = arith.subf %sub3A_898, %mul3A_899 : vector<16xf32>
        %mul3A_901 = arith.mulf %gather3A_676, %gather3A_721 : vector<16xf32>
        %add3A_902 = arith.addf %sub3A_900, %mul3A_901 : vector<16xf32>
        %mul3A_903 = arith.mulf %gather3A_673, %gather3A_715 : vector<16xf32>
        %mul3A_904 = arith.mulf %gather3A_667, %gather3A_721 : vector<16xf32>
        %sub3A_905 = arith.subf %mul3A_903, %mul3A_904 : vector<16xf32>
        %mul3A_906 = arith.mulf %gather3A_670, %gather3A_724 : vector<16xf32>
        %add3A_907 = arith.addf %sub3A_905, %mul3A_906 : vector<16xf32>
        %mul3A_908 = arith.mulf %gather3A_676, %gather3A_718 : vector<16xf32>
        %sub3A_909 = arith.subf %add3A_907, %mul3A_908 : vector<16xf32>
        %mul3A_910 = arith.mulf %gather3A_676, %gather3A_715 : vector<16xf32>
        %mul3A_911 = arith.mulf %gather3A_667, %gather3A_724 : vector<16xf32>
        %sub3A_912 = arith.subf %mul3A_910, %mul3A_911 : vector<16xf32>
        %mul3A_913 = arith.mulf %gather3A_670, %gather3A_721 : vector<16xf32>
        %sub3A_914 = arith.subf %sub3A_912, %mul3A_913 : vector<16xf32>
        %mul3A_915 = arith.mulf %gather3A_673, %gather3A_718 : vector<16xf32>
        %add3A_916 = arith.addf %sub3A_914, %mul3A_915 : vector<16xf32>
        %mul3A_917 = arith.mulf %add3A_895, %add3A_895 : vector<16xf32>
        %mul3A_918 = arith.mulf %add3A_902, %add3A_902 : vector<16xf32>
        %add3A_919 = arith.addf %mul3A_917, %mul3A_918 : vector<16xf32>
        %mul3A_920 = arith.mulf %sub3A_909, %sub3A_909 : vector<16xf32>
        %add3A_921 = arith.addf %add3A_919, %mul3A_920 : vector<16xf32>
        %mul3A_922 = arith.mulf %add3A_916, %add3A_916 : vector<16xf32>
        %add3A_923 = arith.addf %add3A_921, %mul3A_922 : vector<16xf32>
        %bitcast3A_924 = vector.bitcast %add3A_923 : vector<16xf32> to vector<16xi32>
        %shift_right_arithmetic3A_925 = arith.constant 1 : i32
        %shift_right_arithmetic3A_926 = vector.broadcast %shift_right_arithmetic3A_925 : i32 to vector<16xi32>
        %shift_right_arithmetic3A_927 = arith.shrsi %bitcast3A_924, %shift_right_arithmetic3A_926 : vector<16xi32>
        %sub3A_928 = arith.constant 1597463007 : i32
        %sub3A_929 = vector.broadcast %sub3A_928 : i32 to vector<16xi32>
        %sub3A_930 = arith.subi %sub3A_929, %shift_right_arithmetic3A_927 : vector<16xi32>
        %bitcast3A_931 = vector.bitcast %sub3A_930 : vector<16xi32> to vector<16xf32>
        %mul3A_932 = arith.constant 5.000000e-01 : f32
        %mul3A_933 = vector.broadcast %mul3A_932 : f32 to vector<16xf32>
        %mul3A_934 = arith.mulf %add3A_923, %mul3A_933 : vector<16xf32>
        %mul3A_935 = arith.mulf %mul3A_934, %bitcast3A_931 : vector<16xf32>
        %mul3A_936 = arith.mulf %mul3A_935, %bitcast3A_931 : vector<16xf32>
        %sub3A_937 = arith.constant 1.500000e+00 : f32
        %sub3A_938 = vector.broadcast %sub3A_937 : f32 to vector<16xf32>
        %sub3A_939 = arith.subf %sub3A_938, %mul3A_936 : vector<16xf32>
        %mul3A_940 = arith.mulf %bitcast3A_931, %sub3A_939 : vector<16xf32>
        %mul3A_941 = arith.mulf %mul3A_934, %mul3A_940 : vector<16xf32>
        %mul3A_942 = arith.mulf %mul3A_941, %mul3A_940 : vector<16xf32>
        %sub3A_943 = arith.constant 1.500000e+00 : f32
        %sub3A_944 = vector.broadcast %sub3A_943 : f32 to vector<16xf32>
        %sub3A_945 = arith.subf %sub3A_944, %mul3A_942 : vector<16xf32>
        %mul3A_946 = arith.mulf %mul3A_940, %sub3A_945 : vector<16xf32>
        %mul3A_947 = arith.mulf %mul3A_934, %mul3A_946 : vector<16xf32>
        %mul3A_948 = arith.mulf %mul3A_947, %mul3A_946 : vector<16xf32>
        %sub3A_949 = arith.constant 1.500000e+00 : f32
        %sub3A_950 = vector.broadcast %sub3A_949 : f32 to vector<16xf32>
        %sub3A_951 = arith.subf %sub3A_950, %mul3A_948 : vector<16xf32>
        %mul3A_952 = arith.mulf %mul3A_946, %sub3A_951 : vector<16xf32>
        %mul3A_953 = arith.mulf %add3A_895, %mul3A_952 : vector<16xf32>
        %mul3A_954 = arith.mulf %add3A_902, %mul3A_952 : vector<16xf32>
        %mul3A_955 = arith.mulf %sub3A_909, %mul3A_952 : vector<16xf32>
        %mul3A_956 = arith.mulf %add3A_916, %mul3A_952 : vector<16xf32>
        %broadcast_in_dim3A_957 = arith.constant 8 : i32
        %broadcast_in_dim3A_958 = vector.broadcast %broadcast_in_dim3A_957 : i32 to vector<16xi32>
        tpu.vector_store_idx %arg14[%add3A_640, %broadcast_in_dim3A_958], %mul3A_953 : memref<512x16xf32, #tpu.memory_space<vmem>>[vector<16xi32>, vector<16xi32>], vector<16xf32>,
        %broadcast_in_dim3A_959 = arith.constant 9 : i32
        %broadcast_in_dim3A_960 = vector.broadcast %broadcast_in_dim3A_959 : i32 to vector<16xi32>
        tpu.vector_store_idx %arg14[%add3A_640, %broadcast_in_dim3A_960], %mul3A_954 : memref<512x16xf32, #tpu.memory_space<vmem>>[vector<16xi32>, vector<16xi32>], vector<16xf32>,
        %broadcast_in_dim3A_961 = arith.constant 10 : i32
        %broadcast_in_dim3A_962 = vector.broadcast %broadcast_in_dim3A_961 : i32 to vector<16xi32>
        tpu.vector_store_idx %arg14[%add3A_640, %broadcast_in_dim3A_962], %mul3A_955 : memref<512x16xf32, #tpu.memory_space<vmem>>[vector<16xi32>, vector<16xi32>], vector<16xf32>,
        %broadcast_in_dim3A_963 = arith.constant 11 : i32
        %broadcast_in_dim3A_964 = vector.broadcast %broadcast_in_dim3A_963 : i32 to vector<16xi32>
        tpu.vector_store_idx %arg14[%add3A_640, %broadcast_in_dim3A_964], %mul3A_956 : memref<512x16xf32, #tpu.memory_space<vmem>>[vector<16xi32>, vector<16xi32>], vector<16xf32>,
        %mul3A_965 = arith.mulf %gather3A_679, %gather3A_727 : vector<16xf32>
        %mul3A_966 = arith.mulf %gather3A_682, %gather3A_730 : vector<16xf32>
        %add3A_967 = arith.addf %mul3A_965, %mul3A_966 : vector<16xf32>
        %mul3A_968 = arith.mulf %gather3A_685, %gather3A_733 : vector<16xf32>
        %add3A_969 = arith.addf %add3A_967, %mul3A_968 : vector<16xf32>
        %mul3A_970 = arith.mulf %gather3A_688, %gather3A_736 : vector<16xf32>
        %add3A_971 = arith.addf %add3A_969, %mul3A_970 : vector<16xf32>
        %mul3A_972 = arith.mulf %gather3A_682, %gather3A_727 : vector<16xf32>
        %mul3A_973 = arith.mulf %gather3A_679, %gather3A_730 : vector<16xf32>
        %sub3A_974 = arith.subf %mul3A_972, %mul3A_973 : vector<16xf32>
        %mul3A_975 = arith.mulf %gather3A_685, %gather3A_736 : vector<16xf32>
        %sub3A_976 = arith.subf %sub3A_974, %mul3A_975 : vector<16xf32>
        %mul3A_977 = arith.mulf %gather3A_688, %gather3A_733 : vector<16xf32>
        %add3A_978 = arith.addf %sub3A_976, %mul3A_977 : vector<16xf32>
        %mul3A_979 = arith.mulf %gather3A_685, %gather3A_727 : vector<16xf32>
        %mul3A_980 = arith.mulf %gather3A_679, %gather3A_733 : vector<16xf32>
        %sub3A_981 = arith.subf %mul3A_979, %mul3A_980 : vector<16xf32>
        %mul3A_982 = arith.mulf %gather3A_682, %gather3A_736 : vector<16xf32>
        %add3A_983 = arith.addf %sub3A_981, %mul3A_982 : vector<16xf32>
        %mul3A_984 = arith.mulf %gather3A_688, %gather3A_730 : vector<16xf32>
        %sub3A_985 = arith.subf %add3A_983, %mul3A_984 : vector<16xf32>
        %mul3A_986 = arith.mulf %gather3A_688, %gather3A_727 : vector<16xf32>
        %mul3A_987 = arith.mulf %gather3A_679, %gather3A_736 : vector<16xf32>
        %sub3A_988 = arith.subf %mul3A_986, %mul3A_987 : vector<16xf32>
        %mul3A_989 = arith.mulf %gather3A_682, %gather3A_733 : vector<16xf32>
        %sub3A_990 = arith.subf %sub3A_988, %mul3A_989 : vector<16xf32>
        %mul3A_991 = arith.mulf %gather3A_685, %gather3A_730 : vector<16xf32>
        %add3A_992 = arith.addf %sub3A_990, %mul3A_991 : vector<16xf32>
        %mul3A_993 = arith.mulf %add3A_971, %add3A_971 : vector<16xf32>
        %mul3A_994 = arith.mulf %add3A_978, %add3A_978 : vector<16xf32>
        %add3A_995 = arith.addf %mul3A_993, %mul3A_994 : vector<16xf32>
        %mul3A_996 = arith.mulf %sub3A_985, %sub3A_985 : vector<16xf32>
        %add3A_997 = arith.addf %add3A_995, %mul3A_996 : vector<16xf32>
        %mul3A_998 = arith.mulf %add3A_992, %add3A_992 : vector<16xf32>
        %add3A_999 = arith.addf %add3A_997, %mul3A_998 : vector<16xf32>
        %bitcast3A_1000 = vector.bitcast %add3A_999 : vector<16xf32> to vector<16xi32>
        %shift_right_arithmetic3A_1001 = arith.constant 1 : i32
        %shift_right_arithmetic3A_1002 = vector.broadcast %shift_right_arithmetic3A_1001 : i32 to vector<16xi32>
        %shift_right_arithmetic3A_1003 = arith.shrsi %bitcast3A_1000, %shift_right_arithmetic3A_1002 : vector<16xi32>
        %sub3A_1004 = arith.constant 1597463007 : i32
        %sub3A_1005 = vector.broadcast %sub3A_1004 : i32 to vector<16xi32>
        %sub3A_1006 = arith.subi %sub3A_1005, %shift_right_arithmetic3A_1003 : vector<16xi32>
        %bitcast3A_1007 = vector.bitcast %sub3A_1006 : vector<16xi32> to vector<16xf32>
        %mul3A_1008 = arith.constant 5.000000e-01 : f32
        %mul3A_1009 = vector.broadcast %mul3A_1008 : f32 to vector<16xf32>
        %mul3A_1010 = arith.mulf %add3A_999, %mul3A_1009 : vector<16xf32>
        %mul3A_1011 = arith.mulf %mul3A_1010, %bitcast3A_1007 : vector<16xf32>
        %mul3A_1012 = arith.mulf %mul3A_1011, %bitcast3A_1007 : vector<16xf32>
        %sub3A_1013 = arith.constant 1.500000e+00 : f32
        %sub3A_1014 = vector.broadcast %sub3A_1013 : f32 to vector<16xf32>
        %sub3A_1015 = arith.subf %sub3A_1014, %mul3A_1012 : vector<16xf32>
        %mul3A_1016 = arith.mulf %bitcast3A_1007, %sub3A_1015 : vector<16xf32>
        %mul3A_1017 = arith.mulf %mul3A_1010, %mul3A_1016 : vector<16xf32>
        %mul3A_1018 = arith.mulf %mul3A_1017, %mul3A_1016 : vector<16xf32>
        %sub3A_1019 = arith.constant 1.500000e+00 : f32
        %sub3A_1020 = vector.broadcast %sub3A_1019 : f32 to vector<16xf32>
        %sub3A_1021 = arith.subf %sub3A_1020, %mul3A_1018 : vector<16xf32>
        %mul3A_1022 = arith.mulf %mul3A_1016, %sub3A_1021 : vector<16xf32>
        %mul3A_1023 = arith.mulf %mul3A_1010, %mul3A_1022 : vector<16xf32>
        %mul3A_1024 = arith.mulf %mul3A_1023, %mul3A_1022 : vector<16xf32>
        %sub3A_1025 = arith.constant 1.500000e+00 : f32
        %sub3A_1026 = vector.broadcast %sub3A_1025 : f32 to vector<16xf32>
        %sub3A_1027 = arith.subf %sub3A_1026, %mul3A_1024 : vector<16xf32>
        %mul3A_1028 = arith.mulf %mul3A_1022, %sub3A_1027 : vector<16xf32>
        %mul3A_1029 = arith.mulf %add3A_971, %mul3A_1028 : vector<16xf32>
        %mul3A_1030 = arith.mulf %add3A_978, %mul3A_1028 : vector<16xf32>
        %mul3A_1031 = arith.mulf %sub3A_985, %mul3A_1028 : vector<16xf32>
        %mul3A_1032 = arith.mulf %add3A_992, %mul3A_1028 : vector<16xf32>
        %broadcast_in_dim3A_1033 = arith.constant 12 : i32
        %broadcast_in_dim3A_1034 = vector.broadcast %broadcast_in_dim3A_1033 : i32 to vector<16xi32>
        tpu.vector_store_idx %arg14[%add3A_640, %broadcast_in_dim3A_1034], %mul3A_1029 : memref<512x16xf32, #tpu.memory_space<vmem>>[vector<16xi32>, vector<16xi32>], vector<16xf32>,
        %broadcast_in_dim3A_1035 = arith.constant 13 : i32
        %broadcast_in_dim3A_1036 = vector.broadcast %broadcast_in_dim3A_1035 : i32 to vector<16xi32>
        tpu.vector_store_idx %arg14[%add3A_640, %broadcast_in_dim3A_1036], %mul3A_1030 : memref<512x16xf32, #tpu.memory_space<vmem>>[vector<16xi32>, vector<16xi32>], vector<16xf32>,
        %broadcast_in_dim3A_1037 = arith.constant 14 : i32
        %broadcast_in_dim3A_1038 = vector.broadcast %broadcast_in_dim3A_1037 : i32 to vector<16xi32>
        tpu.vector_store_idx %arg14[%add3A_640, %broadcast_in_dim3A_1038], %mul3A_1031 : memref<512x16xf32, #tpu.memory_space<vmem>>[vector<16xi32>, vector<16xi32>], vector<16xf32>,
        %broadcast_in_dim3A_1039 = arith.constant 15 : i32
        %broadcast_in_dim3A_1040 = vector.broadcast %broadcast_in_dim3A_1039 : i32 to vector<16xi32>
        tpu.vector_store_idx %arg14[%add3A_640, %broadcast_in_dim3A_1040], %mul3A_1032 : memref<512x16xf32, #tpu.memory_space<vmem>>[vector<16xi32>, vector<16xi32>], vector<16xf32>,
        %scan3A_1041 = arith.constant 2 : i32
        %scan3A_1042 = arith.addi %scan3A_234, %scan3A_1041 : i32
        %iota3A_1043 = tpu.iota {dimensions = array<i32: 0>} : vector<16xi32>
        %mul3A_1044 = arith.constant 16 : i32
        %mul3A_1045 = arith.muli %scan3A_1042, %mul3A_1044 : i32
        %add3A_1046 = vector.broadcast %mul3A_1045 : i32 to vector<16xi32>
        %add3A_1047 = arith.addi %iota3A_1043, %add3A_1046 : vector<16xi32>
        %broadcast_in_dim3A_1048 = arith.constant 0 : i32
        %broadcast_in_dim3A_1049 = vector.broadcast %broadcast_in_dim3A_1048 : i32 to vector<16xi32>
        %gather3A_1050 = tpu.vector_load_idx %arg10[%add3A_1047, %broadcast_in_dim3A_1049] : memref<512x16xf32, #tpu.memory_space<vmem>>[vector<16xi32>, vector<16xi32>], vector<16xf32>,
        %broadcast_in_dim3A_1051 = arith.constant 1 : i32
        %broadcast_in_dim3A_1052 = vector.broadcast %broadcast_in_dim3A_1051 : i32 to vector<16xi32>
        %gather3A_1053 = tpu.vector_load_idx %arg10[%add3A_1047, %broadcast_in_dim3A_1052] : memref<512x16xf32, #tpu.memory_space<vmem>>[vector<16xi32>, vector<16xi32>], vector<16xf32>,
        %broadcast_in_dim3A_1054 = arith.constant 2 : i32
        %broadcast_in_dim3A_1055 = vector.broadcast %broadcast_in_dim3A_1054 : i32 to vector<16xi32>
        %gather3A_1056 = tpu.vector_load_idx %arg10[%add3A_1047, %broadcast_in_dim3A_1055] : memref<512x16xf32, #tpu.memory_space<vmem>>[vector<16xi32>, vector<16xi32>], vector<16xf32>,
        %broadcast_in_dim3A_1057 = arith.constant 3 : i32
        %broadcast_in_dim3A_1058 = vector.broadcast %broadcast_in_dim3A_1057 : i32 to vector<16xi32>
        %gather3A_1059 = tpu.vector_load_idx %arg10[%add3A_1047, %broadcast_in_dim3A_1058] : memref<512x16xf32, #tpu.memory_space<vmem>>[vector<16xi32>, vector<16xi32>], vector<16xf32>,
        %broadcast_in_dim3A_1060 = arith.constant 4 : i32
        %broadcast_in_dim3A_1061 = vector.broadcast %broadcast_in_dim3A_1060 : i32 to vector<16xi32>
        %gather3A_1062 = tpu.vector_load_idx %arg10[%add3A_1047, %broadcast_in_dim3A_1061] : memref<512x16xf32, #tpu.memory_space<vmem>>[vector<16xi32>, vector<16xi32>], vector<16xf32>,
        %broadcast_in_dim3A_1063 = arith.constant 5 : i32
        %broadcast_in_dim3A_1064 = vector.broadcast %broadcast_in_dim3A_1063 : i32 to vector<16xi32>
        %gather3A_1065 = tpu.vector_load_idx %arg10[%add3A_1047, %broadcast_in_dim3A_1064] : memref<512x16xf32, #tpu.memory_space<vmem>>[vector<16xi32>, vector<16xi32>], vector<16xf32>,
        %broadcast_in_dim3A_1066 = arith.constant 6 : i32
        %broadcast_in_dim3A_1067 = vector.broadcast %broadcast_in_dim3A_1066 : i32 to vector<16xi32>
        %gather3A_1068 = tpu.vector_load_idx %arg10[%add3A_1047, %broadcast_in_dim3A_1067] : memref<512x16xf32, #tpu.memory_space<vmem>>[vector<16xi32>, vector<16xi32>], vector<16xf32>,
        %broadcast_in_dim3A_1069 = arith.constant 7 : i32
        %broadcast_in_dim3A_1070 = vector.broadcast %broadcast_in_dim3A_1069 : i32 to vector<16xi32>
        %gather3A_1071 = tpu.vector_load_idx %arg10[%add3A_1047, %broadcast_in_dim3A_1070] : memref<512x16xf32, #tpu.memory_space<vmem>>[vector<16xi32>, vector<16xi32>], vector<16xf32>,
        %broadcast_in_dim3A_1072 = arith.constant 8 : i32
        %broadcast_in_dim3A_1073 = vector.broadcast %broadcast_in_dim3A_1072 : i32 to vector<16xi32>
        %gather3A_1074 = tpu.vector_load_idx %arg10[%add3A_1047, %broadcast_in_dim3A_1073] : memref<512x16xf32, #tpu.memory_space<vmem>>[vector<16xi32>, vector<16xi32>], vector<16xf32>,
        %broadcast_in_dim3A_1075 = arith.constant 9 : i32
        %broadcast_in_dim3A_1076 = vector.broadcast %broadcast_in_dim3A_1075 : i32 to vector<16xi32>
        %gather3A_1077 = tpu.vector_load_idx %arg10[%add3A_1047, %broadcast_in_dim3A_1076] : memref<512x16xf32, #tpu.memory_space<vmem>>[vector<16xi32>, vector<16xi32>], vector<16xf32>,
        %broadcast_in_dim3A_1078 = arith.constant 10 : i32
        %broadcast_in_dim3A_1079 = vector.broadcast %broadcast_in_dim3A_1078 : i32 to vector<16xi32>
        %gather3A_1080 = tpu.vector_load_idx %arg10[%add3A_1047, %broadcast_in_dim3A_1079] : memref<512x16xf32, #tpu.memory_space<vmem>>[vector<16xi32>, vector<16xi32>], vector<16xf32>,
        %broadcast_in_dim3A_1081 = arith.constant 11 : i32
        %broadcast_in_dim3A_1082 = vector.broadcast %broadcast_in_dim3A_1081 : i32 to vector<16xi32>
        %gather3A_1083 = tpu.vector_load_idx %arg10[%add3A_1047, %broadcast_in_dim3A_1082] : memref<512x16xf32, #tpu.memory_space<vmem>>[vector<16xi32>, vector<16xi32>], vector<16xf32>,
        %broadcast_in_dim3A_1084 = arith.constant 12 : i32
        %broadcast_in_dim3A_1085 = vector.broadcast %broadcast_in_dim3A_1084 : i32 to vector<16xi32>
        %gather3A_1086 = tpu.vector_load_idx %arg10[%add3A_1047, %broadcast_in_dim3A_1085] : memref<512x16xf32, #tpu.memory_space<vmem>>[vector<16xi32>, vector<16xi32>], vector<16xf32>,
        %broadcast_in_dim3A_1087 = arith.constant 13 : i32
        %broadcast_in_dim3A_1088 = vector.broadcast %broadcast_in_dim3A_1087 : i32 to vector<16xi32>
        %gather3A_1089 = tpu.vector_load_idx %arg10[%add3A_1047, %broadcast_in_dim3A_1088] : memref<512x16xf32, #tpu.memory_space<vmem>>[vector<16xi32>, vector<16xi32>], vector<16xf32>,
        %broadcast_in_dim3A_1090 = arith.constant 14 : i32
        %broadcast_in_dim3A_1091 = vector.broadcast %broadcast_in_dim3A_1090 : i32 to vector<16xi32>
        %gather3A_1092 = tpu.vector_load_idx %arg10[%add3A_1047, %broadcast_in_dim3A_1091] : memref<512x16xf32, #tpu.memory_space<vmem>>[vector<16xi32>, vector<16xi32>], vector<16xf32>,
        %broadcast_in_dim3A_1093 = arith.constant 15 : i32
        %broadcast_in_dim3A_1094 = vector.broadcast %broadcast_in_dim3A_1093 : i32 to vector<16xi32>
        %gather3A_1095 = tpu.vector_load_idx %arg10[%add3A_1047, %broadcast_in_dim3A_1094] : memref<512x16xf32, #tpu.memory_space<vmem>>[vector<16xi32>, vector<16xi32>], vector<16xf32>,
        %broadcast_in_dim3A_1096 = arith.constant 0 : i32
        %broadcast_in_dim3A_1097 = vector.broadcast %broadcast_in_dim3A_1096 : i32 to vector<16xi32>
        %gather3A_1098 = tpu.vector_load_idx %arg11[%add3A_1047, %broadcast_in_dim3A_1097] : memref<512x16xf32, #tpu.memory_space<vmem>>[vector<16xi32>, vector<16xi32>], vector<16xf32>,
        %broadcast_in_dim3A_1099 = arith.constant 1 : i32
        %broadcast_in_dim3A_1100 = vector.broadcast %broadcast_in_dim3A_1099 : i32 to vector<16xi32>
        %gather3A_1101 = tpu.vector_load_idx %arg11[%add3A_1047, %broadcast_in_dim3A_1100] : memref<512x16xf32, #tpu.memory_space<vmem>>[vector<16xi32>, vector<16xi32>], vector<16xf32>,
        %broadcast_in_dim3A_1102 = arith.constant 2 : i32
        %broadcast_in_dim3A_1103 = vector.broadcast %broadcast_in_dim3A_1102 : i32 to vector<16xi32>
        %gather3A_1104 = tpu.vector_load_idx %arg11[%add3A_1047, %broadcast_in_dim3A_1103] : memref<512x16xf32, #tpu.memory_space<vmem>>[vector<16xi32>, vector<16xi32>], vector<16xf32>,
        %broadcast_in_dim3A_1105 = arith.constant 3 : i32
        %broadcast_in_dim3A_1106 = vector.broadcast %broadcast_in_dim3A_1105 : i32 to vector<16xi32>
        %gather3A_1107 = tpu.vector_load_idx %arg11[%add3A_1047, %broadcast_in_dim3A_1106] : memref<512x16xf32, #tpu.memory_space<vmem>>[vector<16xi32>, vector<16xi32>], vector<16xf32>,
        %broadcast_in_dim3A_1108 = arith.constant 4 : i32
        %broadcast_in_dim3A_1109 = vector.broadcast %broadcast_in_dim3A_1108 : i32 to vector<16xi32>
        %gather3A_1110 = tpu.vector_load_idx %arg11[%add3A_1047, %broadcast_in_dim3A_1109] : memref<512x16xf32, #tpu.memory_space<vmem>>[vector<16xi32>, vector<16xi32>], vector<16xf32>,
        %broadcast_in_dim3A_1111 = arith.constant 5 : i32
        %broadcast_in_dim3A_1112 = vector.broadcast %broadcast_in_dim3A_1111 : i32 to vector<16xi32>
        %gather3A_1113 = tpu.vector_load_idx %arg11[%add3A_1047, %broadcast_in_dim3A_1112] : memref<512x16xf32, #tpu.memory_space<vmem>>[vector<16xi32>, vector<16xi32>], vector<16xf32>,
        %broadcast_in_dim3A_1114 = arith.constant 6 : i32
        %broadcast_in_dim3A_1115 = vector.broadcast %broadcast_in_dim3A_1114 : i32 to vector<16xi32>
        %gather3A_1116 = tpu.vector_load_idx %arg11[%add3A_1047, %broadcast_in_dim3A_1115] : memref<512x16xf32, #tpu.memory_space<vmem>>[vector<16xi32>, vector<16xi32>], vector<16xf32>,
        %broadcast_in_dim3A_1117 = arith.constant 7 : i32
        %broadcast_in_dim3A_1118 = vector.broadcast %broadcast_in_dim3A_1117 : i32 to vector<16xi32>
        %gather3A_1119 = tpu.vector_load_idx %arg11[%add3A_1047, %broadcast_in_dim3A_1118] : memref<512x16xf32, #tpu.memory_space<vmem>>[vector<16xi32>, vector<16xi32>], vector<16xf32>,
        %broadcast_in_dim3A_1120 = arith.constant 8 : i32
        %broadcast_in_dim3A_1121 = vector.broadcast %broadcast_in_dim3A_1120 : i32 to vector<16xi32>
        %gather3A_1122 = tpu.vector_load_idx %arg11[%add3A_1047, %broadcast_in_dim3A_1121] : memref<512x16xf32, #tpu.memory_space<vmem>>[vector<16xi32>, vector<16xi32>], vector<16xf32>,
        %broadcast_in_dim3A_1123 = arith.constant 9 : i32
        %broadcast_in_dim3A_1124 = vector.broadcast %broadcast_in_dim3A_1123 : i32 to vector<16xi32>
        %gather3A_1125 = tpu.vector_load_idx %arg11[%add3A_1047, %broadcast_in_dim3A_1124] : memref<512x16xf32, #tpu.memory_space<vmem>>[vector<16xi32>, vector<16xi32>], vector<16xf32>,
        %broadcast_in_dim3A_1126 = arith.constant 10 : i32
        %broadcast_in_dim3A_1127 = vector.broadcast %broadcast_in_dim3A_1126 : i32 to vector<16xi32>
        %gather3A_1128 = tpu.vector_load_idx %arg11[%add3A_1047, %broadcast_in_dim3A_1127] : memref<512x16xf32, #tpu.memory_space<vmem>>[vector<16xi32>, vector<16xi32>], vector<16xf32>,
        %broadcast_in_dim3A_1129 = arith.constant 11 : i32
        %broadcast_in_dim3A_1130 = vector.broadcast %broadcast_in_dim3A_1129 : i32 to vector<16xi32>
        %gather3A_1131 = tpu.vector_load_idx %arg11[%add3A_1047, %broadcast_in_dim3A_1130] : memref<512x16xf32, #tpu.memory_space<vmem>>[vector<16xi32>, vector<16xi32>], vector<16xf32>,
        %broadcast_in_dim3A_1132 = arith.constant 12 : i32
        %broadcast_in_dim3A_1133 = vector.broadcast %broadcast_in_dim3A_1132 : i32 to vector<16xi32>
        %gather3A_1134 = tpu.vector_load_idx %arg11[%add3A_1047, %broadcast_in_dim3A_1133] : memref<512x16xf32, #tpu.memory_space<vmem>>[vector<16xi32>, vector<16xi32>], vector<16xf32>,
        %broadcast_in_dim3A_1135 = arith.constant 13 : i32
        %broadcast_in_dim3A_1136 = vector.broadcast %broadcast_in_dim3A_1135 : i32 to vector<16xi32>
        %gather3A_1137 = tpu.vector_load_idx %arg11[%add3A_1047, %broadcast_in_dim3A_1136] : memref<512x16xf32, #tpu.memory_space<vmem>>[vector<16xi32>, vector<16xi32>], vector<16xf32>,
        %broadcast_in_dim3A_1138 = arith.constant 14 : i32
        %broadcast_in_dim3A_1139 = vector.broadcast %broadcast_in_dim3A_1138 : i32 to vector<16xi32>
        %gather3A_1140 = tpu.vector_load_idx %arg11[%add3A_1047, %broadcast_in_dim3A_1139] : memref<512x16xf32, #tpu.memory_space<vmem>>[vector<16xi32>, vector<16xi32>], vector<16xf32>,
        %broadcast_in_dim3A_1141 = arith.constant 15 : i32
        %broadcast_in_dim3A_1142 = vector.broadcast %broadcast_in_dim3A_1141 : i32 to vector<16xi32>
        %gather3A_1143 = tpu.vector_load_idx %arg11[%add3A_1047, %broadcast_in_dim3A_1142] : memref<512x16xf32, #tpu.memory_space<vmem>>[vector<16xi32>, vector<16xi32>], vector<16xf32>,
        %mul3A_1144 = arith.mulf %gather3A_1050, %gather3A_1098 : vector<16xf32>
        %mul3A_1145 = arith.mulf %gather3A_1053, %gather3A_1101 : vector<16xf32>
        %add3A_1146 = arith.addf %mul3A_1144, %mul3A_1145 : vector<16xf32>
        %mul3A_1147 = arith.mulf %gather3A_1056, %gather3A_1104 : vector<16xf32>
        %add3A_1148 = arith.addf %add3A_1146, %mul3A_1147 : vector<16xf32>
        %mul3A_1149 = arith.mulf %gather3A_1059, %gather3A_1107 : vector<16xf32>
        %add3A_1150 = arith.addf %add3A_1148, %mul3A_1149 : vector<16xf32>
        %mul3A_1151 = arith.mulf %gather3A_1053, %gather3A_1098 : vector<16xf32>
        %mul3A_1152 = arith.mulf %gather3A_1050, %gather3A_1101 : vector<16xf32>
        %sub3A_1153 = arith.subf %mul3A_1151, %mul3A_1152 : vector<16xf32>
        %mul3A_1154 = arith.mulf %gather3A_1056, %gather3A_1107 : vector<16xf32>
        %sub3A_1155 = arith.subf %sub3A_1153, %mul3A_1154 : vector<16xf32>
        %mul3A_1156 = arith.mulf %gather3A_1059, %gather3A_1104 : vector<16xf32>
        %add3A_1157 = arith.addf %sub3A_1155, %mul3A_1156 : vector<16xf32>
        %mul3A_1158 = arith.mulf %gather3A_1056, %gather3A_1098 : vector<16xf32>
        %mul3A_1159 = arith.mulf %gather3A_1050, %gather3A_1104 : vector<16xf32>
        %sub3A_1160 = arith.subf %mul3A_1158, %mul3A_1159 : vector<16xf32>
        %mul3A_1161 = arith.mulf %gather3A_1053, %gather3A_1107 : vector<16xf32>
        %add3A_1162 = arith.addf %sub3A_1160, %mul3A_1161 : vector<16xf32>
        %mul3A_1163 = arith.mulf %gather3A_1059, %gather3A_1101 : vector<16xf32>
        %sub3A_1164 = arith.subf %add3A_1162, %mul3A_1163 : vector<16xf32>
        %mul3A_1165 = arith.mulf %gather3A_1059, %gather3A_1098 : vector<16xf32>
        %mul3A_1166 = arith.mulf %gather3A_1050, %gather3A_1107 : vector<16xf32>
        %sub3A_1167 = arith.subf %mul3A_1165, %mul3A_1166 : vector<16xf32>
        %mul3A_1168 = arith.mulf %gather3A_1053, %gather3A_1104 : vector<16xf32>
        %sub3A_1169 = arith.subf %sub3A_1167, %mul3A_1168 : vector<16xf32>
        %mul3A_1170 = arith.mulf %gather3A_1056, %gather3A_1101 : vector<16xf32>
        %add3A_1171 = arith.addf %sub3A_1169, %mul3A_1170 : vector<16xf32>
        %mul3A_1172 = arith.mulf %add3A_1150, %add3A_1150 : vector<16xf32>
        %mul3A_1173 = arith.mulf %add3A_1157, %add3A_1157 : vector<16xf32>
        %add3A_1174 = arith.addf %mul3A_1172, %mul3A_1173 : vector<16xf32>
        %mul3A_1175 = arith.mulf %sub3A_1164, %sub3A_1164 : vector<16xf32>
        %add3A_1176 = arith.addf %add3A_1174, %mul3A_1175 : vector<16xf32>
        %mul3A_1177 = arith.mulf %add3A_1171, %add3A_1171 : vector<16xf32>
        %add3A_1178 = arith.addf %add3A_1176, %mul3A_1177 : vector<16xf32>
        %bitcast3A_1179 = vector.bitcast %add3A_1178 : vector<16xf32> to vector<16xi32>
        %shift_right_arithmetic3A_1180 = arith.constant 1 : i32
        %shift_right_arithmetic3A_1181 = vector.broadcast %shift_right_arithmetic3A_1180 : i32 to vector<16xi32>
        %shift_right_arithmetic3A_1182 = arith.shrsi %bitcast3A_1179, %shift_right_arithmetic3A_1181 : vector<16xi32>
        %sub3A_1183 = arith.constant 1597463007 : i32
        %sub3A_1184 = vector.broadcast %sub3A_1183 : i32 to vector<16xi32>
        %sub3A_1185 = arith.subi %sub3A_1184, %shift_right_arithmetic3A_1182 : vector<16xi32>
        %bitcast3A_1186 = vector.bitcast %sub3A_1185 : vector<16xi32> to vector<16xf32>
        %mul3A_1187 = arith.constant 5.000000e-01 : f32
        %mul3A_1188 = vector.broadcast %mul3A_1187 : f32 to vector<16xf32>
        %mul3A_1189 = arith.mulf %add3A_1178, %mul3A_1188 : vector<16xf32>
        %mul3A_1190 = arith.mulf %mul3A_1189, %bitcast3A_1186 : vector<16xf32>
        %mul3A_1191 = arith.mulf %mul3A_1190, %bitcast3A_1186 : vector<16xf32>
        %sub3A_1192 = arith.constant 1.500000e+00 : f32
        %sub3A_1193 = vector.broadcast %sub3A_1192 : f32 to vector<16xf32>
        %sub3A_1194 = arith.subf %sub3A_1193, %mul3A_1191 : vector<16xf32>
        %mul3A_1195 = arith.mulf %bitcast3A_1186, %sub3A_1194 : vector<16xf32>
        %mul3A_1196 = arith.mulf %mul3A_1189, %mul3A_1195 : vector<16xf32>
        %mul3A_1197 = arith.mulf %mul3A_1196, %mul3A_1195 : vector<16xf32>
        %sub3A_1198 = arith.constant 1.500000e+00 : f32
        %sub3A_1199 = vector.broadcast %sub3A_1198 : f32 to vector<16xf32>
        %sub3A_1200 = arith.subf %sub3A_1199, %mul3A_1197 : vector<16xf32>
        %mul3A_1201 = arith.mulf %mul3A_1195, %sub3A_1200 : vector<16xf32>
        %mul3A_1202 = arith.mulf %mul3A_1189, %mul3A_1201 : vector<16xf32>
        %mul3A_1203 = arith.mulf %mul3A_1202, %mul3A_1201 : vector<16xf32>
        %sub3A_1204 = arith.constant 1.500000e+00 : f32
        %sub3A_1205 = vector.broadcast %sub3A_1204 : f32 to vector<16xf32>
        %sub3A_1206 = arith.subf %sub3A_1205, %mul3A_1203 : vector<16xf32>
        %mul3A_1207 = arith.mulf %mul3A_1201, %sub3A_1206 : vector<16xf32>
        %mul3A_1208 = arith.mulf %add3A_1150, %mul3A_1207 : vector<16xf32>
        %mul3A_1209 = arith.mulf %add3A_1157, %mul3A_1207 : vector<16xf32>
        %mul3A_1210 = arith.mulf %sub3A_1164, %mul3A_1207 : vector<16xf32>
        %mul3A_1211 = arith.mulf %add3A_1171, %mul3A_1207 : vector<16xf32>
        %broadcast_in_dim3A_1212 = arith.constant 0 : i32
        %broadcast_in_dim3A_1213 = vector.broadcast %broadcast_in_dim3A_1212 : i32 to vector<16xi32>
        tpu.vector_store_idx %arg14[%add3A_1047, %broadcast_in_dim3A_1213], %mul3A_1208 : memref<512x16xf32, #tpu.memory_space<vmem>>[vector<16xi32>, vector<16xi32>], vector<16xf32>,
        %broadcast_in_dim3A_1214 = arith.constant 1 : i32
        %broadcast_in_dim3A_1215 = vector.broadcast %broadcast_in_dim3A_1214 : i32 to vector<16xi32>
        tpu.vector_store_idx %arg14[%add3A_1047, %broadcast_in_dim3A_1215], %mul3A_1209 : memref<512x16xf32, #tpu.memory_space<vmem>>[vector<16xi32>, vector<16xi32>], vector<16xf32>,
        %broadcast_in_dim3A_1216 = arith.constant 2 : i32
        %broadcast_in_dim3A_1217 = vector.broadcast %broadcast_in_dim3A_1216 : i32 to vector<16xi32>
        tpu.vector_store_idx %arg14[%add3A_1047, %broadcast_in_dim3A_1217], %mul3A_1210 : memref<512x16xf32, #tpu.memory_space<vmem>>[vector<16xi32>, vector<16xi32>], vector<16xf32>,
        %broadcast_in_dim3A_1218 = arith.constant 3 : i32
        %broadcast_in_dim3A_1219 = vector.broadcast %broadcast_in_dim3A_1218 : i32 to vector<16xi32>
        tpu.vector_store_idx %arg14[%add3A_1047, %broadcast_in_dim3A_1219], %mul3A_1211 : memref<512x16xf32, #tpu.memory_space<vmem>>[vector<16xi32>, vector<16xi32>], vector<16xf32>,
        %mul3A_1220 = arith.mulf %gather3A_1062, %gather3A_1110 : vector<16xf32>
        %mul3A_1221 = arith.mulf %gather3A_1065, %gather3A_1113 : vector<16xf32>
        %add3A_1222 = arith.addf %mul3A_1220, %mul3A_1221 : vector<16xf32>
        %mul3A_1223 = arith.mulf %gather3A_1068, %gather3A_1116 : vector<16xf32>
        %add3A_1224 = arith.addf %add3A_1222, %mul3A_1223 : vector<16xf32>
        %mul3A_1225 = arith.mulf %gather3A_1071, %gather3A_1119 : vector<16xf32>
        %add3A_1226 = arith.addf %add3A_1224, %mul3A_1225 : vector<16xf32>
        %mul3A_1227 = arith.mulf %gather3A_1065, %gather3A_1110 : vector<16xf32>
        %mul3A_1228 = arith.mulf %gather3A_1062, %gather3A_1113 : vector<16xf32>
        %sub3A_1229 = arith.subf %mul3A_1227, %mul3A_1228 : vector<16xf32>
        %mul3A_1230 = arith.mulf %gather3A_1068, %gather3A_1119 : vector<16xf32>
        %sub3A_1231 = arith.subf %sub3A_1229, %mul3A_1230 : vector<16xf32>
        %mul3A_1232 = arith.mulf %gather3A_1071, %gather3A_1116 : vector<16xf32>
        %add3A_1233 = arith.addf %sub3A_1231, %mul3A_1232 : vector<16xf32>
        %mul3A_1234 = arith.mulf %gather3A_1068, %gather3A_1110 : vector<16xf32>
        %mul3A_1235 = arith.mulf %gather3A_1062, %gather3A_1116 : vector<16xf32>
        %sub3A_1236 = arith.subf %mul3A_1234, %mul3A_1235 : vector<16xf32>
        %mul3A_1237 = arith.mulf %gather3A_1065, %gather3A_1119 : vector<16xf32>
        %add3A_1238 = arith.addf %sub3A_1236, %mul3A_1237 : vector<16xf32>
        %mul3A_1239 = arith.mulf %gather3A_1071, %gather3A_1113 : vector<16xf32>
        %sub3A_1240 = arith.subf %add3A_1238, %mul3A_1239 : vector<16xf32>
        %mul3A_1241 = arith.mulf %gather3A_1071, %gather3A_1110 : vector<16xf32>
        %mul3A_1242 = arith.mulf %gather3A_1062, %gather3A_1119 : vector<16xf32>
        %sub3A_1243 = arith.subf %mul3A_1241, %mul3A_1242 : vector<16xf32>
        %mul3A_1244 = arith.mulf %gather3A_1065, %gather3A_1116 : vector<16xf32>
        %sub3A_1245 = arith.subf %sub3A_1243, %mul3A_1244 : vector<16xf32>
        %mul3A_1246 = arith.mulf %gather3A_1068, %gather3A_1113 : vector<16xf32>
        %add3A_1247 = arith.addf %sub3A_1245, %mul3A_1246 : vector<16xf32>
        %mul3A_1248 = arith.mulf %add3A_1226, %add3A_1226 : vector<16xf32>
        %mul3A_1249 = arith.mulf %add3A_1233, %add3A_1233 : vector<16xf32>
        %add3A_1250 = arith.addf %mul3A_1248, %mul3A_1249 : vector<16xf32>
        %mul3A_1251 = arith.mulf %sub3A_1240, %sub3A_1240 : vector<16xf32>
        %add3A_1252 = arith.addf %add3A_1250, %mul3A_1251 : vector<16xf32>
        %mul3A_1253 = arith.mulf %add3A_1247, %add3A_1247 : vector<16xf32>
        %add3A_1254 = arith.addf %add3A_1252, %mul3A_1253 : vector<16xf32>
        %bitcast3A_1255 = vector.bitcast %add3A_1254 : vector<16xf32> to vector<16xi32>
        %shift_right_arithmetic3A_1256 = arith.constant 1 : i32
        %shift_right_arithmetic3A_1257 = vector.broadcast %shift_right_arithmetic3A_1256 : i32 to vector<16xi32>
        %shift_right_arithmetic3A_1258 = arith.shrsi %bitcast3A_1255, %shift_right_arithmetic3A_1257 : vector<16xi32>
        %sub3A_1259 = arith.constant 1597463007 : i32
        %sub3A_1260 = vector.broadcast %sub3A_1259 : i32 to vector<16xi32>
        %sub3A_1261 = arith.subi %sub3A_1260, %shift_right_arithmetic3A_1258 : vector<16xi32>
        %bitcast3A_1262 = vector.bitcast %sub3A_1261 : vector<16xi32> to vector<16xf32>
        %mul3A_1263 = arith.constant 5.000000e-01 : f32
        %mul3A_1264 = vector.broadcast %mul3A_1263 : f32 to vector<16xf32>
        %mul3A_1265 = arith.mulf %add3A_1254, %mul3A_1264 : vector<16xf32>
        %mul3A_1266 = arith.mulf %mul3A_1265, %bitcast3A_1262 : vector<16xf32>
        %mul3A_1267 = arith.mulf %mul3A_1266, %bitcast3A_1262 : vector<16xf32>
        %sub3A_1268 = arith.constant 1.500000e+00 : f32
        %sub3A_1269 = vector.broadcast %sub3A_1268 : f32 to vector<16xf32>
        %sub3A_1270 = arith.subf %sub3A_1269, %mul3A_1267 : vector<16xf32>
        %mul3A_1271 = arith.mulf %bitcast3A_1262, %sub3A_1270 : vector<16xf32>
        %mul3A_1272 = arith.mulf %mul3A_1265, %mul3A_1271 : vector<16xf32>
        %mul3A_1273 = arith.mulf %mul3A_1272, %mul3A_1271 : vector<16xf32>
        %sub3A_1274 = arith.constant 1.500000e+00 : f32
        %sub3A_1275 = vector.broadcast %sub3A_1274 : f32 to vector<16xf32>
        %sub3A_1276 = arith.subf %sub3A_1275, %mul3A_1273 : vector<16xf32>
        %mul3A_1277 = arith.mulf %mul3A_1271, %sub3A_1276 : vector<16xf32>
        %mul3A_1278 = arith.mulf %mul3A_1265, %mul3A_1277 : vector<16xf32>
        %mul3A_1279 = arith.mulf %mul3A_1278, %mul3A_1277 : vector<16xf32>
        %sub3A_1280 = arith.constant 1.500000e+00 : f32
        %sub3A_1281 = vector.broadcast %sub3A_1280 : f32 to vector<16xf32>
        %sub3A_1282 = arith.subf %sub3A_1281, %mul3A_1279 : vector<16xf32>
        %mul3A_1283 = arith.mulf %mul3A_1277, %sub3A_1282 : vector<16xf32>
        %mul3A_1284 = arith.mulf %add3A_1226, %mul3A_1283 : vector<16xf32>
        %mul3A_1285 = arith.mulf %add3A_1233, %mul3A_1283 : vector<16xf32>
        %mul3A_1286 = arith.mulf %sub3A_1240, %mul3A_1283 : vector<16xf32>
        %mul3A_1287 = arith.mulf %add3A_1247, %mul3A_1283 : vector<16xf32>
        %broadcast_in_dim3A_1288 = arith.constant 4 : i32
        %broadcast_in_dim3A_1289 = vector.broadcast %broadcast_in_dim3A_1288 : i32 to vector<16xi32>
        tpu.vector_store_idx %arg14[%add3A_1047, %broadcast_in_dim3A_1289], %mul3A_1284 : memref<512x16xf32, #tpu.memory_space<vmem>>[vector<16xi32>, vector<16xi32>], vector<16xf32>,
        %broadcast_in_dim3A_1290 = arith.constant 5 : i32
        %broadcast_in_dim3A_1291 = vector.broadcast %broadcast_in_dim3A_1290 : i32 to vector<16xi32>
        tpu.vector_store_idx %arg14[%add3A_1047, %broadcast_in_dim3A_1291], %mul3A_1285 : memref<512x16xf32, #tpu.memory_space<vmem>>[vector<16xi32>, vector<16xi32>], vector<16xf32>,
        %broadcast_in_dim3A_1292 = arith.constant 6 : i32
        %broadcast_in_dim3A_1293 = vector.broadcast %broadcast_in_dim3A_1292 : i32 to vector<16xi32>
        tpu.vector_store_idx %arg14[%add3A_1047, %broadcast_in_dim3A_1293], %mul3A_1286 : memref<512x16xf32, #tpu.memory_space<vmem>>[vector<16xi32>, vector<16xi32>], vector<16xf32>,
        %broadcast_in_dim3A_1294 = arith.constant 7 : i32
        %broadcast_in_dim3A_1295 = vector.broadcast %broadcast_in_dim3A_1294 : i32 to vector<16xi32>
        tpu.vector_store_idx %arg14[%add3A_1047, %broadcast_in_dim3A_1295], %mul3A_1287 : memref<512x16xf32, #tpu.memory_space<vmem>>[vector<16xi32>, vector<16xi32>], vector<16xf32>,
        %mul3A_1296 = arith.mulf %gather3A_1074, %gather3A_1122 : vector<16xf32>
        %mul3A_1297 = arith.mulf %gather3A_1077, %gather3A_1125 : vector<16xf32>
        %add3A_1298 = arith.addf %mul3A_1296, %mul3A_1297 : vector<16xf32>
        %mul3A_1299 = arith.mulf %gather3A_1080, %gather3A_1128 : vector<16xf32>
        %add3A_1300 = arith.addf %add3A_1298, %mul3A_1299 : vector<16xf32>
        %mul3A_1301 = arith.mulf %gather3A_1083, %gather3A_1131 : vector<16xf32>
        %add3A_1302 = arith.addf %add3A_1300, %mul3A_1301 : vector<16xf32>
        %mul3A_1303 = arith.mulf %gather3A_1077, %gather3A_1122 : vector<16xf32>
        %mul3A_1304 = arith.mulf %gather3A_1074, %gather3A_1125 : vector<16xf32>
        %sub3A_1305 = arith.subf %mul3A_1303, %mul3A_1304 : vector<16xf32>
        %mul3A_1306 = arith.mulf %gather3A_1080, %gather3A_1131 : vector<16xf32>
        %sub3A_1307 = arith.subf %sub3A_1305, %mul3A_1306 : vector<16xf32>
        %mul3A_1308 = arith.mulf %gather3A_1083, %gather3A_1128 : vector<16xf32>
        %add3A_1309 = arith.addf %sub3A_1307, %mul3A_1308 : vector<16xf32>
        %mul3A_1310 = arith.mulf %gather3A_1080, %gather3A_1122 : vector<16xf32>
        %mul3A_1311 = arith.mulf %gather3A_1074, %gather3A_1128 : vector<16xf32>
        %sub3A_1312 = arith.subf %mul3A_1310, %mul3A_1311 : vector<16xf32>
        %mul3A_1313 = arith.mulf %gather3A_1077, %gather3A_1131 : vector<16xf32>
        %add3A_1314 = arith.addf %sub3A_1312, %mul3A_1313 : vector<16xf32>
        %mul3A_1315 = arith.mulf %gather3A_1083, %gather3A_1125 : vector<16xf32>
        %sub3A_1316 = arith.subf %add3A_1314, %mul3A_1315 : vector<16xf32>
        %mul3A_1317 = arith.mulf %gather3A_1083, %gather3A_1122 : vector<16xf32>
        %mul3A_1318 = arith.mulf %gather3A_1074, %gather3A_1131 : vector<16xf32>
        %sub3A_1319 = arith.subf %mul3A_1317, %mul3A_1318 : vector<16xf32>
        %mul3A_1320 = arith.mulf %gather3A_1077, %gather3A_1128 : vector<16xf32>
        %sub3A_1321 = arith.subf %sub3A_1319, %mul3A_1320 : vector<16xf32>
        %mul3A_1322 = arith.mulf %gather3A_1080, %gather3A_1125 : vector<16xf32>
        %add3A_1323 = arith.addf %sub3A_1321, %mul3A_1322 : vector<16xf32>
        %mul3A_1324 = arith.mulf %add3A_1302, %add3A_1302 : vector<16xf32>
        %mul3A_1325 = arith.mulf %add3A_1309, %add3A_1309 : vector<16xf32>
        %add3A_1326 = arith.addf %mul3A_1324, %mul3A_1325 : vector<16xf32>
        %mul3A_1327 = arith.mulf %sub3A_1316, %sub3A_1316 : vector<16xf32>
        %add3A_1328 = arith.addf %add3A_1326, %mul3A_1327 : vector<16xf32>
        %mul3A_1329 = arith.mulf %add3A_1323, %add3A_1323 : vector<16xf32>
        %add3A_1330 = arith.addf %add3A_1328, %mul3A_1329 : vector<16xf32>
        %bitcast3A_1331 = vector.bitcast %add3A_1330 : vector<16xf32> to vector<16xi32>
        %shift_right_arithmetic3A_1332 = arith.constant 1 : i32
        %shift_right_arithmetic3A_1333 = vector.broadcast %shift_right_arithmetic3A_1332 : i32 to vector<16xi32>
        %shift_right_arithmetic3A_1334 = arith.shrsi %bitcast3A_1331, %shift_right_arithmetic3A_1333 : vector<16xi32>
        %sub3A_1335 = arith.constant 1597463007 : i32
        %sub3A_1336 = vector.broadcast %sub3A_1335 : i32 to vector<16xi32>
        %sub3A_1337 = arith.subi %sub3A_1336, %shift_right_arithmetic3A_1334 : vector<16xi32>
        %bitcast3A_1338 = vector.bitcast %sub3A_1337 : vector<16xi32> to vector<16xf32>
        %mul3A_1339 = arith.constant 5.000000e-01 : f32
        %mul3A_1340 = vector.broadcast %mul3A_1339 : f32 to vector<16xf32>
        %mul3A_1341 = arith.mulf %add3A_1330, %mul3A_1340 : vector<16xf32>
        %mul3A_1342 = arith.mulf %mul3A_1341, %bitcast3A_1338 : vector<16xf32>
        %mul3A_1343 = arith.mulf %mul3A_1342, %bitcast3A_1338 : vector<16xf32>
        %sub3A_1344 = arith.constant 1.500000e+00 : f32
        %sub3A_1345 = vector.broadcast %sub3A_1344 : f32 to vector<16xf32>
        %sub3A_1346 = arith.subf %sub3A_1345, %mul3A_1343 : vector<16xf32>
        %mul3A_1347 = arith.mulf %bitcast3A_1338, %sub3A_1346 : vector<16xf32>
        %mul3A_1348 = arith.mulf %mul3A_1341, %mul3A_1347 : vector<16xf32>
        %mul3A_1349 = arith.mulf %mul3A_1348, %mul3A_1347 : vector<16xf32>
        %sub3A_1350 = arith.constant 1.500000e+00 : f32
        %sub3A_1351 = vector.broadcast %sub3A_1350 : f32 to vector<16xf32>
        %sub3A_1352 = arith.subf %sub3A_1351, %mul3A_1349 : vector<16xf32>
        %mul3A_1353 = arith.mulf %mul3A_1347, %sub3A_1352 : vector<16xf32>
        %mul3A_1354 = arith.mulf %mul3A_1341, %mul3A_1353 : vector<16xf32>
        %mul3A_1355 = arith.mulf %mul3A_1354, %mul3A_1353 : vector<16xf32>
        %sub3A_1356 = arith.constant 1.500000e+00 : f32
        %sub3A_1357 = vector.broadcast %sub3A_1356 : f32 to vector<16xf32>
        %sub3A_1358 = arith.subf %sub3A_1357, %mul3A_1355 : vector<16xf32>
        %mul3A_1359 = arith.mulf %mul3A_1353, %sub3A_1358 : vector<16xf32>
        %mul3A_1360 = arith.mulf %add3A_1302, %mul3A_1359 : vector<16xf32>
        %mul3A_1361 = arith.mulf %add3A_1309, %mul3A_1359 : vector<16xf32>
        %mul3A_1362 = arith.mulf %sub3A_1316, %mul3A_1359 : vector<16xf32>
        %mul3A_1363 = arith.mulf %add3A_1323, %mul3A_1359 : vector<16xf32>
        %broadcast_in_dim3A_1364 = arith.constant 8 : i32
        %broadcast_in_dim3A_1365 = vector.broadcast %broadcast_in_dim3A_1364 : i32 to vector<16xi32>
        tpu.vector_store_idx %arg14[%add3A_1047, %broadcast_in_dim3A_1365], %mul3A_1360 : memref<512x16xf32, #tpu.memory_space<vmem>>[vector<16xi32>, vector<16xi32>], vector<16xf32>,
        %broadcast_in_dim3A_1366 = arith.constant 9 : i32
        %broadcast_in_dim3A_1367 = vector.broadcast %broadcast_in_dim3A_1366 : i32 to vector<16xi32>
        tpu.vector_store_idx %arg14[%add3A_1047, %broadcast_in_dim3A_1367], %mul3A_1361 : memref<512x16xf32, #tpu.memory_space<vmem>>[vector<16xi32>, vector<16xi32>], vector<16xf32>,
        %broadcast_in_dim3A_1368 = arith.constant 10 : i32
        %broadcast_in_dim3A_1369 = vector.broadcast %broadcast_in_dim3A_1368 : i32 to vector<16xi32>
        tpu.vector_store_idx %arg14[%add3A_1047, %broadcast_in_dim3A_1369], %mul3A_1362 : memref<512x16xf32, #tpu.memory_space<vmem>>[vector<16xi32>, vector<16xi32>], vector<16xf32>,
        %broadcast_in_dim3A_1370 = arith.constant 11 : i32
        %broadcast_in_dim3A_1371 = vector.broadcast %broadcast_in_dim3A_1370 : i32 to vector<16xi32>
        tpu.vector_store_idx %arg14[%add3A_1047, %broadcast_in_dim3A_1371], %mul3A_1363 : memref<512x16xf32, #tpu.memory_space<vmem>>[vector<16xi32>, vector<16xi32>], vector<16xf32>,
        %mul3A_1372 = arith.mulf %gather3A_1086, %gather3A_1134 : vector<16xf32>
        %mul3A_1373 = arith.mulf %gather3A_1089, %gather3A_1137 : vector<16xf32>
        %add3A_1374 = arith.addf %mul3A_1372, %mul3A_1373 : vector<16xf32>
        %mul3A_1375 = arith.mulf %gather3A_1092, %gather3A_1140 : vector<16xf32>
        %add3A_1376 = arith.addf %add3A_1374, %mul3A_1375 : vector<16xf32>
        %mul3A_1377 = arith.mulf %gather3A_1095, %gather3A_1143 : vector<16xf32>
        %add3A_1378 = arith.addf %add3A_1376, %mul3A_1377 : vector<16xf32>
        %mul3A_1379 = arith.mulf %gather3A_1089, %gather3A_1134 : vector<16xf32>
        %mul3A_1380 = arith.mulf %gather3A_1086, %gather3A_1137 : vector<16xf32>
        %sub3A_1381 = arith.subf %mul3A_1379, %mul3A_1380 : vector<16xf32>
        %mul3A_1382 = arith.mulf %gather3A_1092, %gather3A_1143 : vector<16xf32>
        %sub3A_1383 = arith.subf %sub3A_1381, %mul3A_1382 : vector<16xf32>
        %mul3A_1384 = arith.mulf %gather3A_1095, %gather3A_1140 : vector<16xf32>
        %add3A_1385 = arith.addf %sub3A_1383, %mul3A_1384 : vector<16xf32>
        %mul3A_1386 = arith.mulf %gather3A_1092, %gather3A_1134 : vector<16xf32>
        %mul3A_1387 = arith.mulf %gather3A_1086, %gather3A_1140 : vector<16xf32>
        %sub3A_1388 = arith.subf %mul3A_1386, %mul3A_1387 : vector<16xf32>
        %mul3A_1389 = arith.mulf %gather3A_1089, %gather3A_1143 : vector<16xf32>
        %add3A_1390 = arith.addf %sub3A_1388, %mul3A_1389 : vector<16xf32>
        %mul3A_1391 = arith.mulf %gather3A_1095, %gather3A_1137 : vector<16xf32>
        %sub3A_1392 = arith.subf %add3A_1390, %mul3A_1391 : vector<16xf32>
        %mul3A_1393 = arith.mulf %gather3A_1095, %gather3A_1134 : vector<16xf32>
        %mul3A_1394 = arith.mulf %gather3A_1086, %gather3A_1143 : vector<16xf32>
        %sub3A_1395 = arith.subf %mul3A_1393, %mul3A_1394 : vector<16xf32>
        %mul3A_1396 = arith.mulf %gather3A_1089, %gather3A_1140 : vector<16xf32>
        %sub3A_1397 = arith.subf %sub3A_1395, %mul3A_1396 : vector<16xf32>
        %mul3A_1398 = arith.mulf %gather3A_1092, %gather3A_1137 : vector<16xf32>
        %add3A_1399 = arith.addf %sub3A_1397, %mul3A_1398 : vector<16xf32>
        %mul3A_1400 = arith.mulf %add3A_1378, %add3A_1378 : vector<16xf32>
        %mul3A_1401 = arith.mulf %add3A_1385, %add3A_1385 : vector<16xf32>
        %add3A_1402 = arith.addf %mul3A_1400, %mul3A_1401 : vector<16xf32>
        %mul3A_1403 = arith.mulf %sub3A_1392, %sub3A_1392 : vector<16xf32>
        %add3A_1404 = arith.addf %add3A_1402, %mul3A_1403 : vector<16xf32>
        %mul3A_1405 = arith.mulf %add3A_1399, %add3A_1399 : vector<16xf32>
        %add3A_1406 = arith.addf %add3A_1404, %mul3A_1405 : vector<16xf32>
        %bitcast3A_1407 = vector.bitcast %add3A_1406 : vector<16xf32> to vector<16xi32>
        %shift_right_arithmetic3A_1408 = arith.constant 1 : i32
        %shift_right_arithmetic3A_1409 = vector.broadcast %shift_right_arithmetic3A_1408 : i32 to vector<16xi32>
        %shift_right_arithmetic3A_1410 = arith.shrsi %bitcast3A_1407, %shift_right_arithmetic3A_1409 : vector<16xi32>
        %sub3A_1411 = arith.constant 1597463007 : i32
        %sub3A_1412 = vector.broadcast %sub3A_1411 : i32 to vector<16xi32>
        %sub3A_1413 = arith.subi %sub3A_1412, %shift_right_arithmetic3A_1410 : vector<16xi32>
        %bitcast3A_1414 = vector.bitcast %sub3A_1413 : vector<16xi32> to vector<16xf32>
        %mul3A_1415 = arith.constant 5.000000e-01 : f32
        %mul3A_1416 = vector.broadcast %mul3A_1415 : f32 to vector<16xf32>
        %mul3A_1417 = arith.mulf %add3A_1406, %mul3A_1416 : vector<16xf32>
        %mul3A_1418 = arith.mulf %mul3A_1417, %bitcast3A_1414 : vector<16xf32>
        %mul3A_1419 = arith.mulf %mul3A_1418, %bitcast3A_1414 : vector<16xf32>
        %sub3A_1420 = arith.constant 1.500000e+00 : f32
        %sub3A_1421 = vector.broadcast %sub3A_1420 : f32 to vector<16xf32>
        %sub3A_1422 = arith.subf %sub3A_1421, %mul3A_1419 : vector<16xf32>
        %mul3A_1423 = arith.mulf %bitcast3A_1414, %sub3A_1422 : vector<16xf32>
        %mul3A_1424 = arith.mulf %mul3A_1417, %mul3A_1423 : vector<16xf32>
        %mul3A_1425 = arith.mulf %mul3A_1424, %mul3A_1423 : vector<16xf32>
        %sub3A_1426 = arith.constant 1.500000e+00 : f32
        %sub3A_1427 = vector.broadcast %sub3A_1426 : f32 to vector<16xf32>
        %sub3A_1428 = arith.subf %sub3A_1427, %mul3A_1425 : vector<16xf32>
        %mul3A_1429 = arith.mulf %mul3A_1423, %sub3A_1428 : vector<16xf32>
        %mul3A_1430 = arith.mulf %mul3A_1417, %mul3A_1429 : vector<16xf32>
        %mul3A_1431 = arith.mulf %mul3A_1430, %mul3A_1429 : vector<16xf32>
        %sub3A_1432 = arith.constant 1.500000e+00 : f32
        %sub3A_1433 = vector.broadcast %sub3A_1432 : f32 to vector<16xf32>
        %sub3A_1434 = arith.subf %sub3A_1433, %mul3A_1431 : vector<16xf32>
        %mul3A_1435 = arith.mulf %mul3A_1429, %sub3A_1434 : vector<16xf32>
        %mul3A_1436 = arith.mulf %add3A_1378, %mul3A_1435 : vector<16xf32>
        %mul3A_1437 = arith.mulf %add3A_1385, %mul3A_1435 : vector<16xf32>
        %mul3A_1438 = arith.mulf %sub3A_1392, %mul3A_1435 : vector<16xf32>
        %mul3A_1439 = arith.mulf %add3A_1399, %mul3A_1435 : vector<16xf32>
        %broadcast_in_dim3A_1440 = arith.constant 12 : i32
        %broadcast_in_dim3A_1441 = vector.broadcast %broadcast_in_dim3A_1440 : i32 to vector<16xi32>
        tpu.vector_store_idx %arg14[%add3A_1047, %broadcast_in_dim3A_1441], %mul3A_1436 : memref<512x16xf32, #tpu.memory_space<vmem>>[vector<16xi32>, vector<16xi32>], vector<16xf32>,
        %broadcast_in_dim3A_1442 = arith.constant 13 : i32
        %broadcast_in_dim3A_1443 = vector.broadcast %broadcast_in_dim3A_1442 : i32 to vector<16xi32>
        tpu.vector_store_idx %arg14[%add3A_1047, %broadcast_in_dim3A_1443], %mul3A_1437 : memref<512x16xf32, #tpu.memory_space<vmem>>[vector<16xi32>, vector<16xi32>], vector<16xf32>,
        %broadcast_in_dim3A_1444 = arith.constant 14 : i32
        %broadcast_in_dim3A_1445 = vector.broadcast %broadcast_in_dim3A_1444 : i32 to vector<16xi32>
        tpu.vector_store_idx %arg14[%add3A_1047, %broadcast_in_dim3A_1445], %mul3A_1438 : memref<512x16xf32, #tpu.memory_space<vmem>>[vector<16xi32>, vector<16xi32>], vector<16xf32>,
        %broadcast_in_dim3A_1446 = arith.constant 15 : i32
        %broadcast_in_dim3A_1447 = vector.broadcast %broadcast_in_dim3A_1446 : i32 to vector<16xi32>
        tpu.vector_store_idx %arg14[%add3A_1047, %broadcast_in_dim3A_1447], %mul3A_1439 : memref<512x16xf32, #tpu.memory_space<vmem>>[vector<16xi32>, vector<16xi32>], vector<16xf32>,
        %scan3A_1448 = arith.constant 3 : i32
        %scan3A_1449 = arith.addi %scan3A_234, %scan3A_1448 : i32
        %iota3A_1450 = tpu.iota {dimensions = array<i32: 0>} : vector<16xi32>
        %mul3A_1451 = arith.constant 16 : i32
        %mul3A_1452 = arith.muli %scan3A_1449, %mul3A_1451 : i32
        %add3A_1453 = vector.broadcast %mul3A_1452 : i32 to vector<16xi32>
        %add3A_1454 = arith.addi %iota3A_1450, %add3A_1453 : vector<16xi32>
        %broadcast_in_dim3A_1455 = arith.constant 0 : i32
        %broadcast_in_dim3A_1456 = vector.broadcast %broadcast_in_dim3A_1455 : i32 to vector<16xi32>
        %gather3A_1457 = tpu.vector_load_idx %arg10[%add3A_1454, %broadcast_in_dim3A_1456] : memref<512x16xf32, #tpu.memory_space<vmem>>[vector<16xi32>, vector<16xi32>], vector<16xf32>,
        %broadcast_in_dim3A_1458 = arith.constant 1 : i32
        %broadcast_in_dim3A_1459 = vector.broadcast %broadcast_in_dim3A_1458 : i32 to vector<16xi32>
        %gather3A_1460 = tpu.vector_load_idx %arg10[%add3A_1454, %broadcast_in_dim3A_1459] : memref<512x16xf32, #tpu.memory_space<vmem>>[vector<16xi32>, vector<16xi32>], vector<16xf32>,
        %broadcast_in_dim3A_1461 = arith.constant 2 : i32
        %broadcast_in_dim3A_1462 = vector.broadcast %broadcast_in_dim3A_1461 : i32 to vector<16xi32>
        %gather3A_1463 = tpu.vector_load_idx %arg10[%add3A_1454, %broadcast_in_dim3A_1462] : memref<512x16xf32, #tpu.memory_space<vmem>>[vector<16xi32>, vector<16xi32>], vector<16xf32>,
        %broadcast_in_dim3A_1464 = arith.constant 3 : i32
        %broadcast_in_dim3A_1465 = vector.broadcast %broadcast_in_dim3A_1464 : i32 to vector<16xi32>
        %gather3A_1466 = tpu.vector_load_idx %arg10[%add3A_1454, %broadcast_in_dim3A_1465] : memref<512x16xf32, #tpu.memory_space<vmem>>[vector<16xi32>, vector<16xi32>], vector<16xf32>,
        %broadcast_in_dim3A_1467 = arith.constant 4 : i32
        %broadcast_in_dim3A_1468 = vector.broadcast %broadcast_in_dim3A_1467 : i32 to vector<16xi32>
        %gather3A_1469 = tpu.vector_load_idx %arg10[%add3A_1454, %broadcast_in_dim3A_1468] : memref<512x16xf32, #tpu.memory_space<vmem>>[vector<16xi32>, vector<16xi32>], vector<16xf32>,
        %broadcast_in_dim3A_1470 = arith.constant 5 : i32
        %broadcast_in_dim3A_1471 = vector.broadcast %broadcast_in_dim3A_1470 : i32 to vector<16xi32>
        %gather3A_1472 = tpu.vector_load_idx %arg10[%add3A_1454, %broadcast_in_dim3A_1471] : memref<512x16xf32, #tpu.memory_space<vmem>>[vector<16xi32>, vector<16xi32>], vector<16xf32>,
        %broadcast_in_dim3A_1473 = arith.constant 6 : i32
        %broadcast_in_dim3A_1474 = vector.broadcast %broadcast_in_dim3A_1473 : i32 to vector<16xi32>
        %gather3A_1475 = tpu.vector_load_idx %arg10[%add3A_1454, %broadcast_in_dim3A_1474] : memref<512x16xf32, #tpu.memory_space<vmem>>[vector<16xi32>, vector<16xi32>], vector<16xf32>,
        %broadcast_in_dim3A_1476 = arith.constant 7 : i32
        %broadcast_in_dim3A_1477 = vector.broadcast %broadcast_in_dim3A_1476 : i32 to vector<16xi32>
        %gather3A_1478 = tpu.vector_load_idx %arg10[%add3A_1454, %broadcast_in_dim3A_1477] : memref<512x16xf32, #tpu.memory_space<vmem>>[vector<16xi32>, vector<16xi32>], vector<16xf32>,
        %broadcast_in_dim3A_1479 = arith.constant 8 : i32
        %broadcast_in_dim3A_1480 = vector.broadcast %broadcast_in_dim3A_1479 : i32 to vector<16xi32>
        %gather3A_1481 = tpu.vector_load_idx %arg10[%add3A_1454, %broadcast_in_dim3A_1480] : memref<512x16xf32, #tpu.memory_space<vmem>>[vector<16xi32>, vector<16xi32>], vector<16xf32>,
        %broadcast_in_dim3A_1482 = arith.constant 9 : i32
        %broadcast_in_dim3A_1483 = vector.broadcast %broadcast_in_dim3A_1482 : i32 to vector<16xi32>
        %gather3A_1484 = tpu.vector_load_idx %arg10[%add3A_1454, %broadcast_in_dim3A_1483] : memref<512x16xf32, #tpu.memory_space<vmem>>[vector<16xi32>, vector<16xi32>], vector<16xf32>,
        %broadcast_in_dim3A_1485 = arith.constant 10 : i32
        %broadcast_in_dim3A_1486 = vector.broadcast %broadcast_in_dim3A_1485 : i32 to vector<16xi32>
        %gather3A_1487 = tpu.vector_load_idx %arg10[%add3A_1454, %broadcast_in_dim3A_1486] : memref<512x16xf32, #tpu.memory_space<vmem>>[vector<16xi32>, vector<16xi32>], vector<16xf32>,
        %broadcast_in_dim3A_1488 = arith.constant 11 : i32
        %broadcast_in_dim3A_1489 = vector.broadcast %broadcast_in_dim3A_1488 : i32 to vector<16xi32>
        %gather3A_1490 = tpu.vector_load_idx %arg10[%add3A_1454, %broadcast_in_dim3A_1489] : memref<512x16xf32, #tpu.memory_space<vmem>>[vector<16xi32>, vector<16xi32>], vector<16xf32>,
        %broadcast_in_dim3A_1491 = arith.constant 12 : i32
        %broadcast_in_dim3A_1492 = vector.broadcast %broadcast_in_dim3A_1491 : i32 to vector<16xi32>
        %gather3A_1493 = tpu.vector_load_idx %arg10[%add3A_1454, %broadcast_in_dim3A_1492] : memref<512x16xf32, #tpu.memory_space<vmem>>[vector<16xi32>, vector<16xi32>], vector<16xf32>,
        %broadcast_in_dim3A_1494 = arith.constant 13 : i32
        %broadcast_in_dim3A_1495 = vector.broadcast %broadcast_in_dim3A_1494 : i32 to vector<16xi32>
        %gather3A_1496 = tpu.vector_load_idx %arg10[%add3A_1454, %broadcast_in_dim3A_1495] : memref<512x16xf32, #tpu.memory_space<vmem>>[vector<16xi32>, vector<16xi32>], vector<16xf32>,
        %broadcast_in_dim3A_1497 = arith.constant 14 : i32
        %broadcast_in_dim3A_1498 = vector.broadcast %broadcast_in_dim3A_1497 : i32 to vector<16xi32>
        %gather3A_1499 = tpu.vector_load_idx %arg10[%add3A_1454, %broadcast_in_dim3A_1498] : memref<512x16xf32, #tpu.memory_space<vmem>>[vector<16xi32>, vector<16xi32>], vector<16xf32>,
        %broadcast_in_dim3A_1500 = arith.constant 15 : i32
        %broadcast_in_dim3A_1501 = vector.broadcast %broadcast_in_dim3A_1500 : i32 to vector<16xi32>
        %gather3A_1502 = tpu.vector_load_idx %arg10[%add3A_1454, %broadcast_in_dim3A_1501] : memref<512x16xf32, #tpu.memory_space<vmem>>[vector<16xi32>, vector<16xi32>], vector<16xf32>,
        %broadcast_in_dim3A_1503 = arith.constant 0 : i32
        %broadcast_in_dim3A_1504 = vector.broadcast %broadcast_in_dim3A_1503 : i32 to vector<16xi32>
        %gather3A_1505 = tpu.vector_load_idx %arg11[%add3A_1454, %broadcast_in_dim3A_1504] : memref<512x16xf32, #tpu.memory_space<vmem>>[vector<16xi32>, vector<16xi32>], vector<16xf32>,
        %broadcast_in_dim3A_1506 = arith.constant 1 : i32
        %broadcast_in_dim3A_1507 = vector.broadcast %broadcast_in_dim3A_1506 : i32 to vector<16xi32>
        %gather3A_1508 = tpu.vector_load_idx %arg11[%add3A_1454, %broadcast_in_dim3A_1507] : memref<512x16xf32, #tpu.memory_space<vmem>>[vector<16xi32>, vector<16xi32>], vector<16xf32>,
        %broadcast_in_dim3A_1509 = arith.constant 2 : i32
        %broadcast_in_dim3A_1510 = vector.broadcast %broadcast_in_dim3A_1509 : i32 to vector<16xi32>
        %gather3A_1511 = tpu.vector_load_idx %arg11[%add3A_1454, %broadcast_in_dim3A_1510] : memref<512x16xf32, #tpu.memory_space<vmem>>[vector<16xi32>, vector<16xi32>], vector<16xf32>,
        %broadcast_in_dim3A_1512 = arith.constant 3 : i32
        %broadcast_in_dim3A_1513 = vector.broadcast %broadcast_in_dim3A_1512 : i32 to vector<16xi32>
        %gather3A_1514 = tpu.vector_load_idx %arg11[%add3A_1454, %broadcast_in_dim3A_1513] : memref<512x16xf32, #tpu.memory_space<vmem>>[vector<16xi32>, vector<16xi32>], vector<16xf32>,
        %broadcast_in_dim3A_1515 = arith.constant 4 : i32
        %broadcast_in_dim3A_1516 = vector.broadcast %broadcast_in_dim3A_1515 : i32 to vector<16xi32>
        %gather3A_1517 = tpu.vector_load_idx %arg11[%add3A_1454, %broadcast_in_dim3A_1516] : memref<512x16xf32, #tpu.memory_space<vmem>>[vector<16xi32>, vector<16xi32>], vector<16xf32>,
        %broadcast_in_dim3A_1518 = arith.constant 5 : i32
        %broadcast_in_dim3A_1519 = vector.broadcast %broadcast_in_dim3A_1518 : i32 to vector<16xi32>
        %gather3A_1520 = tpu.vector_load_idx %arg11[%add3A_1454, %broadcast_in_dim3A_1519] : memref<512x16xf32, #tpu.memory_space<vmem>>[vector<16xi32>, vector<16xi32>], vector<16xf32>,
        %broadcast_in_dim3A_1521 = arith.constant 6 : i32
        %broadcast_in_dim3A_1522 = vector.broadcast %broadcast_in_dim3A_1521 : i32 to vector<16xi32>
        %gather3A_1523 = tpu.vector_load_idx %arg11[%add3A_1454, %broadcast_in_dim3A_1522] : memref<512x16xf32, #tpu.memory_space<vmem>>[vector<16xi32>, vector<16xi32>], vector<16xf32>,
        %broadcast_in_dim3A_1524 = arith.constant 7 : i32
        %broadcast_in_dim3A_1525 = vector.broadcast %broadcast_in_dim3A_1524 : i32 to vector<16xi32>
        %gather3A_1526 = tpu.vector_load_idx %arg11[%add3A_1454, %broadcast_in_dim3A_1525] : memref<512x16xf32, #tpu.memory_space<vmem>>[vector<16xi32>, vector<16xi32>], vector<16xf32>,
        %broadcast_in_dim3A_1527 = arith.constant 8 : i32
        %broadcast_in_dim3A_1528 = vector.broadcast %broadcast_in_dim3A_1527 : i32 to vector<16xi32>
        %gather3A_1529 = tpu.vector_load_idx %arg11[%add3A_1454, %broadcast_in_dim3A_1528] : memref<512x16xf32, #tpu.memory_space<vmem>>[vector<16xi32>, vector<16xi32>], vector<16xf32>,
        %broadcast_in_dim3A_1530 = arith.constant 9 : i32
        %broadcast_in_dim3A_1531 = vector.broadcast %broadcast_in_dim3A_1530 : i32 to vector<16xi32>
        %gather3A_1532 = tpu.vector_load_idx %arg11[%add3A_1454, %broadcast_in_dim3A_1531] : memref<512x16xf32, #tpu.memory_space<vmem>>[vector<16xi32>, vector<16xi32>], vector<16xf32>,
        %broadcast_in_dim3A_1533 = arith.constant 10 : i32
        %broadcast_in_dim3A_1534 = vector.broadcast %broadcast_in_dim3A_1533 : i32 to vector<16xi32>
        %gather3A_1535 = tpu.vector_load_idx %arg11[%add3A_1454, %broadcast_in_dim3A_1534] : memref<512x16xf32, #tpu.memory_space<vmem>>[vector<16xi32>, vector<16xi32>], vector<16xf32>,
        %broadcast_in_dim3A_1536 = arith.constant 11 : i32
        %broadcast_in_dim3A_1537 = vector.broadcast %broadcast_in_dim3A_1536 : i32 to vector<16xi32>
        %gather3A_1538 = tpu.vector_load_idx %arg11[%add3A_1454, %broadcast_in_dim3A_1537] : memref<512x16xf32, #tpu.memory_space<vmem>>[vector<16xi32>, vector<16xi32>], vector<16xf32>,
        %broadcast_in_dim3A_1539 = arith.constant 12 : i32
        %broadcast_in_dim3A_1540 = vector.broadcast %broadcast_in_dim3A_1539 : i32 to vector<16xi32>
        %gather3A_1541 = tpu.vector_load_idx %arg11[%add3A_1454, %broadcast_in_dim3A_1540] : memref<512x16xf32, #tpu.memory_space<vmem>>[vector<16xi32>, vector<16xi32>], vector<16xf32>,
        %broadcast_in_dim3A_1542 = arith.constant 13 : i32
        %broadcast_in_dim3A_1543 = vector.broadcast %broadcast_in_dim3A_1542 : i32 to vector<16xi32>
        %gather3A_1544 = tpu.vector_load_idx %arg11[%add3A_1454, %broadcast_in_dim3A_1543] : memref<512x16xf32, #tpu.memory_space<vmem>>[vector<16xi32>, vector<16xi32>], vector<16xf32>,
        %broadcast_in_dim3A_1545 = arith.constant 14 : i32
        %broadcast_in_dim3A_1546 = vector.broadcast %broadcast_in_dim3A_1545 : i32 to vector<16xi32>
        %gather3A_1547 = tpu.vector_load_idx %arg11[%add3A_1454, %broadcast_in_dim3A_1546] : memref<512x16xf32, #tpu.memory_space<vmem>>[vector<16xi32>, vector<16xi32>], vector<16xf32>,
        %broadcast_in_dim3A_1548 = arith.constant 15 : i32
        %broadcast_in_dim3A_1549 = vector.broadcast %broadcast_in_dim3A_1548 : i32 to vector<16xi32>
        %gather3A_1550 = tpu.vector_load_idx %arg11[%add3A_1454, %broadcast_in_dim3A_1549] : memref<512x16xf32, #tpu.memory_space<vmem>>[vector<16xi32>, vector<16xi32>], vector<16xf32>,
        %mul3A_1551 = arith.mulf %gather3A_1457, %gather3A_1505 : vector<16xf32>
        %mul3A_1552 = arith.mulf %gather3A_1460, %gather3A_1508 : vector<16xf32>
        %add3A_1553 = arith.addf %mul3A_1551, %mul3A_1552 : vector<16xf32>
        %mul3A_1554 = arith.mulf %gather3A_1463, %gather3A_1511 : vector<16xf32>
        %add3A_1555 = arith.addf %add3A_1553, %mul3A_1554 : vector<16xf32>
        %mul3A_1556 = arith.mulf %gather3A_1466, %gather3A_1514 : vector<16xf32>
        %add3A_1557 = arith.addf %add3A_1555, %mul3A_1556 : vector<16xf32>
        %mul3A_1558 = arith.mulf %gather3A_1460, %gather3A_1505 : vector<16xf32>
        %mul3A_1559 = arith.mulf %gather3A_1457, %gather3A_1508 : vector<16xf32>
        %sub3A_1560 = arith.subf %mul3A_1558, %mul3A_1559 : vector<16xf32>
        %mul3A_1561 = arith.mulf %gather3A_1463, %gather3A_1514 : vector<16xf32>
        %sub3A_1562 = arith.subf %sub3A_1560, %mul3A_1561 : vector<16xf32>
        %mul3A_1563 = arith.mulf %gather3A_1466, %gather3A_1511 : vector<16xf32>
        %add3A_1564 = arith.addf %sub3A_1562, %mul3A_1563 : vector<16xf32>
        %mul3A_1565 = arith.mulf %gather3A_1463, %gather3A_1505 : vector<16xf32>
        %mul3A_1566 = arith.mulf %gather3A_1457, %gather3A_1511 : vector<16xf32>
        %sub3A_1567 = arith.subf %mul3A_1565, %mul3A_1566 : vector<16xf32>
        %mul3A_1568 = arith.mulf %gather3A_1460, %gather3A_1514 : vector<16xf32>
        %add3A_1569 = arith.addf %sub3A_1567, %mul3A_1568 : vector<16xf32>
        %mul3A_1570 = arith.mulf %gather3A_1466, %gather3A_1508 : vector<16xf32>
        %sub3A_1571 = arith.subf %add3A_1569, %mul3A_1570 : vector<16xf32>
        %mul3A_1572 = arith.mulf %gather3A_1466, %gather3A_1505 : vector<16xf32>
        %mul3A_1573 = arith.mulf %gather3A_1457, %gather3A_1514 : vector<16xf32>
        %sub3A_1574 = arith.subf %mul3A_1572, %mul3A_1573 : vector<16xf32>
        %mul3A_1575 = arith.mulf %gather3A_1460, %gather3A_1511 : vector<16xf32>
        %sub3A_1576 = arith.subf %sub3A_1574, %mul3A_1575 : vector<16xf32>
        %mul3A_1577 = arith.mulf %gather3A_1463, %gather3A_1508 : vector<16xf32>
        %add3A_1578 = arith.addf %sub3A_1576, %mul3A_1577 : vector<16xf32>
        %mul3A_1579 = arith.mulf %add3A_1557, %add3A_1557 : vector<16xf32>
        %mul3A_1580 = arith.mulf %add3A_1564, %add3A_1564 : vector<16xf32>
        %add3A_1581 = arith.addf %mul3A_1579, %mul3A_1580 : vector<16xf32>
        %mul3A_1582 = arith.mulf %sub3A_1571, %sub3A_1571 : vector<16xf32>
        %add3A_1583 = arith.addf %add3A_1581, %mul3A_1582 : vector<16xf32>
        %mul3A_1584 = arith.mulf %add3A_1578, %add3A_1578 : vector<16xf32>
        %add3A_1585 = arith.addf %add3A_1583, %mul3A_1584 : vector<16xf32>
        %bitcast3A_1586 = vector.bitcast %add3A_1585 : vector<16xf32> to vector<16xi32>
        %shift_right_arithmetic3A_1587 = arith.constant 1 : i32
        %shift_right_arithmetic3A_1588 = vector.broadcast %shift_right_arithmetic3A_1587 : i32 to vector<16xi32>
        %shift_right_arithmetic3A_1589 = arith.shrsi %bitcast3A_1586, %shift_right_arithmetic3A_1588 : vector<16xi32>
        %sub3A_1590 = arith.constant 1597463007 : i32
        %sub3A_1591 = vector.broadcast %sub3A_1590 : i32 to vector<16xi32>
        %sub3A_1592 = arith.subi %sub3A_1591, %shift_right_arithmetic3A_1589 : vector<16xi32>
        %bitcast3A_1593 = vector.bitcast %sub3A_1592 : vector<16xi32> to vector<16xf32>
        %mul3A_1594 = arith.constant 5.000000e-01 : f32
        %mul3A_1595 = vector.broadcast %mul3A_1594 : f32 to vector<16xf32>
        %mul3A_1596 = arith.mulf %add3A_1585, %mul3A_1595 : vector<16xf32>
        %mul3A_1597 = arith.mulf %mul3A_1596, %bitcast3A_1593 : vector<16xf32>
        %mul3A_1598 = arith.mulf %mul3A_1597, %bitcast3A_1593 : vector<16xf32>
        %sub3A_1599 = arith.constant 1.500000e+00 : f32
        %sub3A_1600 = vector.broadcast %sub3A_1599 : f32 to vector<16xf32>
        %sub3A_1601 = arith.subf %sub3A_1600, %mul3A_1598 : vector<16xf32>
        %mul3A_1602 = arith.mulf %bitcast3A_1593, %sub3A_1601 : vector<16xf32>
        %mul3A_1603 = arith.mulf %mul3A_1596, %mul3A_1602 : vector<16xf32>
        %mul3A_1604 = arith.mulf %mul3A_1603, %mul3A_1602 : vector<16xf32>
        %sub3A_1605 = arith.constant 1.500000e+00 : f32
        %sub3A_1606 = vector.broadcast %sub3A_1605 : f32 to vector<16xf32>
        %sub3A_1607 = arith.subf %sub3A_1606, %mul3A_1604 : vector<16xf32>
        %mul3A_1608 = arith.mulf %mul3A_1602, %sub3A_1607 : vector<16xf32>
        %mul3A_1609 = arith.mulf %mul3A_1596, %mul3A_1608 : vector<16xf32>
        %mul3A_1610 = arith.mulf %mul3A_1609, %mul3A_1608 : vector<16xf32>
        %sub3A_1611 = arith.constant 1.500000e+00 : f32
        %sub3A_1612 = vector.broadcast %sub3A_1611 : f32 to vector<16xf32>
        %sub3A_1613 = arith.subf %sub3A_1612, %mul3A_1610 : vector<16xf32>
        %mul3A_1614 = arith.mulf %mul3A_1608, %sub3A_1613 : vector<16xf32>
        %mul3A_1615 = arith.mulf %add3A_1557, %mul3A_1614 : vector<16xf32>
        %mul3A_1616 = arith.mulf %add3A_1564, %mul3A_1614 : vector<16xf32>
        %mul3A_1617 = arith.mulf %sub3A_1571, %mul3A_1614 : vector<16xf32>
        %mul3A_1618 = arith.mulf %add3A_1578, %mul3A_1614 : vector<16xf32>
        %broadcast_in_dim3A_1619 = arith.constant 0 : i32
        %broadcast_in_dim3A_1620 = vector.broadcast %broadcast_in_dim3A_1619 : i32 to vector<16xi32>
        tpu.vector_store_idx %arg14[%add3A_1454, %broadcast_in_dim3A_1620], %mul3A_1615 : memref<512x16xf32, #tpu.memory_space<vmem>>[vector<16xi32>, vector<16xi32>], vector<16xf32>,
        %broadcast_in_dim3A_1621 = arith.constant 1 : i32
        %broadcast_in_dim3A_1622 = vector.broadcast %broadcast_in_dim3A_1621 : i32 to vector<16xi32>
        tpu.vector_store_idx %arg14[%add3A_1454, %broadcast_in_dim3A_1622], %mul3A_1616 : memref<512x16xf32, #tpu.memory_space<vmem>>[vector<16xi32>, vector<16xi32>], vector<16xf32>,
        %broadcast_in_dim3A_1623 = arith.constant 2 : i32
        %broadcast_in_dim3A_1624 = vector.broadcast %broadcast_in_dim3A_1623 : i32 to vector<16xi32>
        tpu.vector_store_idx %arg14[%add3A_1454, %broadcast_in_dim3A_1624], %mul3A_1617 : memref<512x16xf32, #tpu.memory_space<vmem>>[vector<16xi32>, vector<16xi32>], vector<16xf32>,
        %broadcast_in_dim3A_1625 = arith.constant 3 : i32
        %broadcast_in_dim3A_1626 = vector.broadcast %broadcast_in_dim3A_1625 : i32 to vector<16xi32>
        tpu.vector_store_idx %arg14[%add3A_1454, %broadcast_in_dim3A_1626], %mul3A_1618 : memref<512x16xf32, #tpu.memory_space<vmem>>[vector<16xi32>, vector<16xi32>], vector<16xf32>,
        %mul3A_1627 = arith.mulf %gather3A_1469, %gather3A_1517 : vector<16xf32>
        %mul3A_1628 = arith.mulf %gather3A_1472, %gather3A_1520 : vector<16xf32>
        %add3A_1629 = arith.addf %mul3A_1627, %mul3A_1628 : vector<16xf32>
        %mul3A_1630 = arith.mulf %gather3A_1475, %gather3A_1523 : vector<16xf32>
        %add3A_1631 = arith.addf %add3A_1629, %mul3A_1630 : vector<16xf32>
        %mul3A_1632 = arith.mulf %gather3A_1478, %gather3A_1526 : vector<16xf32>
        %add3A_1633 = arith.addf %add3A_1631, %mul3A_1632 : vector<16xf32>
        %mul3A_1634 = arith.mulf %gather3A_1472, %gather3A_1517 : vector<16xf32>
        %mul3A_1635 = arith.mulf %gather3A_1469, %gather3A_1520 : vector<16xf32>
        %sub3A_1636 = arith.subf %mul3A_1634, %mul3A_1635 : vector<16xf32>
        %mul3A_1637 = arith.mulf %gather3A_1475, %gather3A_1526 : vector<16xf32>
        %sub3A_1638 = arith.subf %sub3A_1636, %mul3A_1637 : vector<16xf32>
        %mul3A_1639 = arith.mulf %gather3A_1478, %gather3A_1523 : vector<16xf32>
        %add3A_1640 = arith.addf %sub3A_1638, %mul3A_1639 : vector<16xf32>
        %mul3A_1641 = arith.mulf %gather3A_1475, %gather3A_1517 : vector<16xf32>
        %mul3A_1642 = arith.mulf %gather3A_1469, %gather3A_1523 : vector<16xf32>
        %sub3A_1643 = arith.subf %mul3A_1641, %mul3A_1642 : vector<16xf32>
        %mul3A_1644 = arith.mulf %gather3A_1472, %gather3A_1526 : vector<16xf32>
        %add3A_1645 = arith.addf %sub3A_1643, %mul3A_1644 : vector<16xf32>
        %mul3A_1646 = arith.mulf %gather3A_1478, %gather3A_1520 : vector<16xf32>
        %sub3A_1647 = arith.subf %add3A_1645, %mul3A_1646 : vector<16xf32>
        %mul3A_1648 = arith.mulf %gather3A_1478, %gather3A_1517 : vector<16xf32>
        %mul3A_1649 = arith.mulf %gather3A_1469, %gather3A_1526 : vector<16xf32>
        %sub3A_1650 = arith.subf %mul3A_1648, %mul3A_1649 : vector<16xf32>
        %mul3A_1651 = arith.mulf %gather3A_1472, %gather3A_1523 : vector<16xf32>
        %sub3A_1652 = arith.subf %sub3A_1650, %mul3A_1651 : vector<16xf32>
        %mul3A_1653 = arith.mulf %gather3A_1475, %gather3A_1520 : vector<16xf32>
        %add3A_1654 = arith.addf %sub3A_1652, %mul3A_1653 : vector<16xf32>
        %mul3A_1655 = arith.mulf %add3A_1633, %add3A_1633 : vector<16xf32>
        %mul3A_1656 = arith.mulf %add3A_1640, %add3A_1640 : vector<16xf32>
        %add3A_1657 = arith.addf %mul3A_1655, %mul3A_1656 : vector<16xf32>
        %mul3A_1658 = arith.mulf %sub3A_1647, %sub3A_1647 : vector<16xf32>
        %add3A_1659 = arith.addf %add3A_1657, %mul3A_1658 : vector<16xf32>
        %mul3A_1660 = arith.mulf %add3A_1654, %add3A_1654 : vector<16xf32>
        %add3A_1661 = arith.addf %add3A_1659, %mul3A_1660 : vector<16xf32>
        %bitcast3A_1662 = vector.bitcast %add3A_1661 : vector<16xf32> to vector<16xi32>
        %shift_right_arithmetic3A_1663 = arith.constant 1 : i32
        %shift_right_arithmetic3A_1664 = vector.broadcast %shift_right_arithmetic3A_1663 : i32 to vector<16xi32>
        %shift_right_arithmetic3A_1665 = arith.shrsi %bitcast3A_1662, %shift_right_arithmetic3A_1664 : vector<16xi32>
        %sub3A_1666 = arith.constant 1597463007 : i32
        %sub3A_1667 = vector.broadcast %sub3A_1666 : i32 to vector<16xi32>
        %sub3A_1668 = arith.subi %sub3A_1667, %shift_right_arithmetic3A_1665 : vector<16xi32>
        %bitcast3A_1669 = vector.bitcast %sub3A_1668 : vector<16xi32> to vector<16xf32>
        %mul3A_1670 = arith.constant 5.000000e-01 : f32
        %mul3A_1671 = vector.broadcast %mul3A_1670 : f32 to vector<16xf32>
        %mul3A_1672 = arith.mulf %add3A_1661, %mul3A_1671 : vector<16xf32>
        %mul3A_1673 = arith.mulf %mul3A_1672, %bitcast3A_1669 : vector<16xf32>
        %mul3A_1674 = arith.mulf %mul3A_1673, %bitcast3A_1669 : vector<16xf32>
        %sub3A_1675 = arith.constant 1.500000e+00 : f32
        %sub3A_1676 = vector.broadcast %sub3A_1675 : f32 to vector<16xf32>
        %sub3A_1677 = arith.subf %sub3A_1676, %mul3A_1674 : vector<16xf32>
        %mul3A_1678 = arith.mulf %bitcast3A_1669, %sub3A_1677 : vector<16xf32>
        %mul3A_1679 = arith.mulf %mul3A_1672, %mul3A_1678 : vector<16xf32>
        %mul3A_1680 = arith.mulf %mul3A_1679, %mul3A_1678 : vector<16xf32>
        %sub3A_1681 = arith.constant 1.500000e+00 : f32
        %sub3A_1682 = vector.broadcast %sub3A_1681 : f32 to vector<16xf32>
        %sub3A_1683 = arith.subf %sub3A_1682, %mul3A_1680 : vector<16xf32>
        %mul3A_1684 = arith.mulf %mul3A_1678, %sub3A_1683 : vector<16xf32>
        %mul3A_1685 = arith.mulf %mul3A_1672, %mul3A_1684 : vector<16xf32>
        %mul3A_1686 = arith.mulf %mul3A_1685, %mul3A_1684 : vector<16xf32>
        %sub3A_1687 = arith.constant 1.500000e+00 : f32
        %sub3A_1688 = vector.broadcast %sub3A_1687 : f32 to vector<16xf32>
        %sub3A_1689 = arith.subf %sub3A_1688, %mul3A_1686 : vector<16xf32>
        %mul3A_1690 = arith.mulf %mul3A_1684, %sub3A_1689 : vector<16xf32>
        %mul3A_1691 = arith.mulf %add3A_1633, %mul3A_1690 : vector<16xf32>
        %mul3A_1692 = arith.mulf %add3A_1640, %mul3A_1690 : vector<16xf32>
        %mul3A_1693 = arith.mulf %sub3A_1647, %mul3A_1690 : vector<16xf32>
        %mul3A_1694 = arith.mulf %add3A_1654, %mul3A_1690 : vector<16xf32>
        %broadcast_in_dim3A_1695 = arith.constant 4 : i32
        %broadcast_in_dim3A_1696 = vector.broadcast %broadcast_in_dim3A_1695 : i32 to vector<16xi32>
        tpu.vector_store_idx %arg14[%add3A_1454, %broadcast_in_dim3A_1696], %mul3A_1691 : memref<512x16xf32, #tpu.memory_space<vmem>>[vector<16xi32>, vector<16xi32>], vector<16xf32>,
        %broadcast_in_dim3A_1697 = arith.constant 5 : i32
        %broadcast_in_dim3A_1698 = vector.broadcast %broadcast_in_dim3A_1697 : i32 to vector<16xi32>
        tpu.vector_store_idx %arg14[%add3A_1454, %broadcast_in_dim3A_1698], %mul3A_1692 : memref<512x16xf32, #tpu.memory_space<vmem>>[vector<16xi32>, vector<16xi32>], vector<16xf32>,
        %broadcast_in_dim3A_1699 = arith.constant 6 : i32
        %broadcast_in_dim3A_1700 = vector.broadcast %broadcast_in_dim3A_1699 : i32 to vector<16xi32>
        tpu.vector_store_idx %arg14[%add3A_1454, %broadcast_in_dim3A_1700], %mul3A_1693 : memref<512x16xf32, #tpu.memory_space<vmem>>[vector<16xi32>, vector<16xi32>], vector<16xf32>,
        %broadcast_in_dim3A_1701 = arith.constant 7 : i32
        %broadcast_in_dim3A_1702 = vector.broadcast %broadcast_in_dim3A_1701 : i32 to vector<16xi32>
        tpu.vector_store_idx %arg14[%add3A_1454, %broadcast_in_dim3A_1702], %mul3A_1694 : memref<512x16xf32, #tpu.memory_space<vmem>>[vector<16xi32>, vector<16xi32>], vector<16xf32>,
        %mul3A_1703 = arith.mulf %gather3A_1481, %gather3A_1529 : vector<16xf32>
        %mul3A_1704 = arith.mulf %gather3A_1484, %gather3A_1532 : vector<16xf32>
        %add3A_1705 = arith.addf %mul3A_1703, %mul3A_1704 : vector<16xf32>
        %mul3A_1706 = arith.mulf %gather3A_1487, %gather3A_1535 : vector<16xf32>
        %add3A_1707 = arith.addf %add3A_1705, %mul3A_1706 : vector<16xf32>
        %mul3A_1708 = arith.mulf %gather3A_1490, %gather3A_1538 : vector<16xf32>
        %add3A_1709 = arith.addf %add3A_1707, %mul3A_1708 : vector<16xf32>
        %mul3A_1710 = arith.mulf %gather3A_1484, %gather3A_1529 : vector<16xf32>
        %mul3A_1711 = arith.mulf %gather3A_1481, %gather3A_1532 : vector<16xf32>
        %sub3A_1712 = arith.subf %mul3A_1710, %mul3A_1711 : vector<16xf32>
        %mul3A_1713 = arith.mulf %gather3A_1487, %gather3A_1538 : vector<16xf32>
        %sub3A_1714 = arith.subf %sub3A_1712, %mul3A_1713 : vector<16xf32>
        %mul3A_1715 = arith.mulf %gather3A_1490, %gather3A_1535 : vector<16xf32>
        %add3A_1716 = arith.addf %sub3A_1714, %mul3A_1715 : vector<16xf32>
        %mul3A_1717 = arith.mulf %gather3A_1487, %gather3A_1529 : vector<16xf32>
        %mul3A_1718 = arith.mulf %gather3A_1481, %gather3A_1535 : vector<16xf32>
        %sub3A_1719 = arith.subf %mul3A_1717, %mul3A_1718 : vector<16xf32>
        %mul3A_1720 = arith.mulf %gather3A_1484, %gather3A_1538 : vector<16xf32>
        %add3A_1721 = arith.addf %sub3A_1719, %mul3A_1720 : vector<16xf32>
        %mul3A_1722 = arith.mulf %gather3A_1490, %gather3A_1532 : vector<16xf32>
        %sub3A_1723 = arith.subf %add3A_1721, %mul3A_1722 : vector<16xf32>
        %mul3A_1724 = arith.mulf %gather3A_1490, %gather3A_1529 : vector<16xf32>
        %mul3A_1725 = arith.mulf %gather3A_1481, %gather3A_1538 : vector<16xf32>
        %sub3A_1726 = arith.subf %mul3A_1724, %mul3A_1725 : vector<16xf32>
        %mul3A_1727 = arith.mulf %gather3A_1484, %gather3A_1535 : vector<16xf32>
        %sub3A_1728 = arith.subf %sub3A_1726, %mul3A_1727 : vector<16xf32>
        %mul3A_1729 = arith.mulf %gather3A_1487, %gather3A_1532 : vector<16xf32>
        %add3A_1730 = arith.addf %sub3A_1728, %mul3A_1729 : vector<16xf32>
        %mul3A_1731 = arith.mulf %add3A_1709, %add3A_1709 : vector<16xf32>
        %mul3A_1732 = arith.mulf %add3A_1716, %add3A_1716 : vector<16xf32>
        %add3A_1733 = arith.addf %mul3A_1731, %mul3A_1732 : vector<16xf32>
        %mul3A_1734 = arith.mulf %sub3A_1723, %sub3A_1723 : vector<16xf32>
        %add3A_1735 = arith.addf %add3A_1733, %mul3A_1734 : vector<16xf32>
        %mul3A_1736 = arith.mulf %add3A_1730, %add3A_1730 : vector<16xf32>
        %add3A_1737 = arith.addf %add3A_1735, %mul3A_1736 : vector<16xf32>
        %bitcast3A_1738 = vector.bitcast %add3A_1737 : vector<16xf32> to vector<16xi32>
        %shift_right_arithmetic3A_1739 = arith.constant 1 : i32
        %shift_right_arithmetic3A_1740 = vector.broadcast %shift_right_arithmetic3A_1739 : i32 to vector<16xi32>
        %shift_right_arithmetic3A_1741 = arith.shrsi %bitcast3A_1738, %shift_right_arithmetic3A_1740 : vector<16xi32>
        %sub3A_1742 = arith.constant 1597463007 : i32
        %sub3A_1743 = vector.broadcast %sub3A_1742 : i32 to vector<16xi32>
        %sub3A_1744 = arith.subi %sub3A_1743, %shift_right_arithmetic3A_1741 : vector<16xi32>
        %bitcast3A_1745 = vector.bitcast %sub3A_1744 : vector<16xi32> to vector<16xf32>
        %mul3A_1746 = arith.constant 5.000000e-01 : f32
        %mul3A_1747 = vector.broadcast %mul3A_1746 : f32 to vector<16xf32>
        %mul3A_1748 = arith.mulf %add3A_1737, %mul3A_1747 : vector<16xf32>
        %mul3A_1749 = arith.mulf %mul3A_1748, %bitcast3A_1745 : vector<16xf32>
        %mul3A_1750 = arith.mulf %mul3A_1749, %bitcast3A_1745 : vector<16xf32>
        %sub3A_1751 = arith.constant 1.500000e+00 : f32
        %sub3A_1752 = vector.broadcast %sub3A_1751 : f32 to vector<16xf32>
        %sub3A_1753 = arith.subf %sub3A_1752, %mul3A_1750 : vector<16xf32>
        %mul3A_1754 = arith.mulf %bitcast3A_1745, %sub3A_1753 : vector<16xf32>
        %mul3A_1755 = arith.mulf %mul3A_1748, %mul3A_1754 : vector<16xf32>
        %mul3A_1756 = arith.mulf %mul3A_1755, %mul3A_1754 : vector<16xf32>
        %sub3A_1757 = arith.constant 1.500000e+00 : f32
        %sub3A_1758 = vector.broadcast %sub3A_1757 : f32 to vector<16xf32>
        %sub3A_1759 = arith.subf %sub3A_1758, %mul3A_1756 : vector<16xf32>
        %mul3A_1760 = arith.mulf %mul3A_1754, %sub3A_1759 : vector<16xf32>
        %mul3A_1761 = arith.mulf %mul3A_1748, %mul3A_1760 : vector<16xf32>
        %mul3A_1762 = arith.mulf %mul3A_1761, %mul3A_1760 : vector<16xf32>
        %sub3A_1763 = arith.constant 1.500000e+00 : f32
        %sub3A_1764 = vector.broadcast %sub3A_1763 : f32 to vector<16xf32>
        %sub3A_1765 = arith.subf %sub3A_1764, %mul3A_1762 : vector<16xf32>
        %mul3A_1766 = arith.mulf %mul3A_1760, %sub3A_1765 : vector<16xf32>
        %mul3A_1767 = arith.mulf %add3A_1709, %mul3A_1766 : vector<16xf32>
        %mul3A_1768 = arith.mulf %add3A_1716, %mul3A_1766 : vector<16xf32>
        %mul3A_1769 = arith.mulf %sub3A_1723, %mul3A_1766 : vector<16xf32>
        %mul3A_1770 = arith.mulf %add3A_1730, %mul3A_1766 : vector<16xf32>
        %broadcast_in_dim3A_1771 = arith.constant 8 : i32
        %broadcast_in_dim3A_1772 = vector.broadcast %broadcast_in_dim3A_1771 : i32 to vector<16xi32>
        tpu.vector_store_idx %arg14[%add3A_1454, %broadcast_in_dim3A_1772], %mul3A_1767 : memref<512x16xf32, #tpu.memory_space<vmem>>[vector<16xi32>, vector<16xi32>], vector<16xf32>,
        %broadcast_in_dim3A_1773 = arith.constant 9 : i32
        %broadcast_in_dim3A_1774 = vector.broadcast %broadcast_in_dim3A_1773 : i32 to vector<16xi32>
        tpu.vector_store_idx %arg14[%add3A_1454, %broadcast_in_dim3A_1774], %mul3A_1768 : memref<512x16xf32, #tpu.memory_space<vmem>>[vector<16xi32>, vector<16xi32>], vector<16xf32>,
        %broadcast_in_dim3A_1775 = arith.constant 10 : i32
        %broadcast_in_dim3A_1776 = vector.broadcast %broadcast_in_dim3A_1775 : i32 to vector<16xi32>
        tpu.vector_store_idx %arg14[%add3A_1454, %broadcast_in_dim3A_1776], %mul3A_1769 : memref<512x16xf32, #tpu.memory_space<vmem>>[vector<16xi32>, vector<16xi32>], vector<16xf32>,
        %broadcast_in_dim3A_1777 = arith.constant 11 : i32
        %broadcast_in_dim3A_1778 = vector.broadcast %broadcast_in_dim3A_1777 : i32 to vector<16xi32>
        tpu.vector_store_idx %arg14[%add3A_1454, %broadcast_in_dim3A_1778], %mul3A_1770 : memref<512x16xf32, #tpu.memory_space<vmem>>[vector<16xi32>, vector<16xi32>], vector<16xf32>,
        %mul3A_1779 = arith.mulf %gather3A_1493, %gather3A_1541 : vector<16xf32>
        %mul3A_1780 = arith.mulf %gather3A_1496, %gather3A_1544 : vector<16xf32>
        %add3A_1781 = arith.addf %mul3A_1779, %mul3A_1780 : vector<16xf32>
        %mul3A_1782 = arith.mulf %gather3A_1499, %gather3A_1547 : vector<16xf32>
        %add3A_1783 = arith.addf %add3A_1781, %mul3A_1782 : vector<16xf32>
        %mul3A_1784 = arith.mulf %gather3A_1502, %gather3A_1550 : vector<16xf32>
        %add3A_1785 = arith.addf %add3A_1783, %mul3A_1784 : vector<16xf32>
        %mul3A_1786 = arith.mulf %gather3A_1496, %gather3A_1541 : vector<16xf32>
        %mul3A_1787 = arith.mulf %gather3A_1493, %gather3A_1544 : vector<16xf32>
        %sub3A_1788 = arith.subf %mul3A_1786, %mul3A_1787 : vector<16xf32>
        %mul3A_1789 = arith.mulf %gather3A_1499, %gather3A_1550 : vector<16xf32>
        %sub3A_1790 = arith.subf %sub3A_1788, %mul3A_1789 : vector<16xf32>
        %mul3A_1791 = arith.mulf %gather3A_1502, %gather3A_1547 : vector<16xf32>
        %add3A_1792 = arith.addf %sub3A_1790, %mul3A_1791 : vector<16xf32>
        %mul3A_1793 = arith.mulf %gather3A_1499, %gather3A_1541 : vector<16xf32>
        %mul3A_1794 = arith.mulf %gather3A_1493, %gather3A_1547 : vector<16xf32>
        %sub3A_1795 = arith.subf %mul3A_1793, %mul3A_1794 : vector<16xf32>
        %mul3A_1796 = arith.mulf %gather3A_1496, %gather3A_1550 : vector<16xf32>
        %add3A_1797 = arith.addf %sub3A_1795, %mul3A_1796 : vector<16xf32>
        %mul3A_1798 = arith.mulf %gather3A_1502, %gather3A_1544 : vector<16xf32>
        %sub3A_1799 = arith.subf %add3A_1797, %mul3A_1798 : vector<16xf32>
        %mul3A_1800 = arith.mulf %gather3A_1502, %gather3A_1541 : vector<16xf32>
        %mul3A_1801 = arith.mulf %gather3A_1493, %gather3A_1550 : vector<16xf32>
        %sub3A_1802 = arith.subf %mul3A_1800, %mul3A_1801 : vector<16xf32>
        %mul3A_1803 = arith.mulf %gather3A_1496, %gather3A_1547 : vector<16xf32>
        %sub3A_1804 = arith.subf %sub3A_1802, %mul3A_1803 : vector<16xf32>
        %mul3A_1805 = arith.mulf %gather3A_1499, %gather3A_1544 : vector<16xf32>
        %add3A_1806 = arith.addf %sub3A_1804, %mul3A_1805 : vector<16xf32>
        %mul3A_1807 = arith.mulf %add3A_1785, %add3A_1785 : vector<16xf32>
        %mul3A_1808 = arith.mulf %add3A_1792, %add3A_1792 : vector<16xf32>
        %add3A_1809 = arith.addf %mul3A_1807, %mul3A_1808 : vector<16xf32>
        %mul3A_1810 = arith.mulf %sub3A_1799, %sub3A_1799 : vector<16xf32>
        %add3A_1811 = arith.addf %add3A_1809, %mul3A_1810 : vector<16xf32>
        %mul3A_1812 = arith.mulf %add3A_1806, %add3A_1806 : vector<16xf32>
        %add3A_1813 = arith.addf %add3A_1811, %mul3A_1812 : vector<16xf32>
        %bitcast3A_1814 = vector.bitcast %add3A_1813 : vector<16xf32> to vector<16xi32>
        %shift_right_arithmetic3A_1815 = arith.constant 1 : i32
        %shift_right_arithmetic3A_1816 = vector.broadcast %shift_right_arithmetic3A_1815 : i32 to vector<16xi32>
        %shift_right_arithmetic3A_1817 = arith.shrsi %bitcast3A_1814, %shift_right_arithmetic3A_1816 : vector<16xi32>
        %sub3A_1818 = arith.constant 1597463007 : i32
        %sub3A_1819 = vector.broadcast %sub3A_1818 : i32 to vector<16xi32>
        %sub3A_1820 = arith.subi %sub3A_1819, %shift_right_arithmetic3A_1817 : vector<16xi32>
        %bitcast3A_1821 = vector.bitcast %sub3A_1820 : vector<16xi32> to vector<16xf32>
        %mul3A_1822 = arith.constant 5.000000e-01 : f32
        %mul3A_1823 = vector.broadcast %mul3A_1822 : f32 to vector<16xf32>
        %mul3A_1824 = arith.mulf %add3A_1813, %mul3A_1823 : vector<16xf32>
        %mul3A_1825 = arith.mulf %mul3A_1824, %bitcast3A_1821 : vector<16xf32>
        %mul3A_1826 = arith.mulf %mul3A_1825, %bitcast3A_1821 : vector<16xf32>
        %sub3A_1827 = arith.constant 1.500000e+00 : f32
        %sub3A_1828 = vector.broadcast %sub3A_1827 : f32 to vector<16xf32>
        %sub3A_1829 = arith.subf %sub3A_1828, %mul3A_1826 : vector<16xf32>
        %mul3A_1830 = arith.mulf %bitcast3A_1821, %sub3A_1829 : vector<16xf32>
        %mul3A_1831 = arith.mulf %mul3A_1824, %mul3A_1830 : vector<16xf32>
        %mul3A_1832 = arith.mulf %mul3A_1831, %mul3A_1830 : vector<16xf32>
        %sub3A_1833 = arith.constant 1.500000e+00 : f32
        %sub3A_1834 = vector.broadcast %sub3A_1833 : f32 to vector<16xf32>
        %sub3A_1835 = arith.subf %sub3A_1834, %mul3A_1832 : vector<16xf32>
        %mul3A_1836 = arith.mulf %mul3A_1830, %sub3A_1835 : vector<16xf32>
        %mul3A_1837 = arith.mulf %mul3A_1824, %mul3A_1836 : vector<16xf32>
        %mul3A_1838 = arith.mulf %mul3A_1837, %mul3A_1836 : vector<16xf32>
        %sub3A_1839 = arith.constant 1.500000e+00 : f32
        %sub3A_1840 = vector.broadcast %sub3A_1839 : f32 to vector<16xf32>
        %sub3A_1841 = arith.subf %sub3A_1840, %mul3A_1838 : vector<16xf32>
        %mul3A_1842 = arith.mulf %mul3A_1836, %sub3A_1841 : vector<16xf32>
        %mul3A_1843 = arith.mulf %add3A_1785, %mul3A_1842 : vector<16xf32>
        %mul3A_1844 = arith.mulf %add3A_1792, %mul3A_1842 : vector<16xf32>
        %mul3A_1845 = arith.mulf %sub3A_1799, %mul3A_1842 : vector<16xf32>
        %mul3A_1846 = arith.mulf %add3A_1806, %mul3A_1842 : vector<16xf32>
        %broadcast_in_dim3A_1847 = arith.constant 12 : i32
        %broadcast_in_dim3A_1848 = vector.broadcast %broadcast_in_dim3A_1847 : i32 to vector<16xi32>
        tpu.vector_store_idx %arg14[%add3A_1454, %broadcast_in_dim3A_1848], %mul3A_1843 : memref<512x16xf32, #tpu.memory_space<vmem>>[vector<16xi32>, vector<16xi32>], vector<16xf32>,
        %broadcast_in_dim3A_1849 = arith.constant 13 : i32
        %broadcast_in_dim3A_1850 = vector.broadcast %broadcast_in_dim3A_1849 : i32 to vector<16xi32>
        tpu.vector_store_idx %arg14[%add3A_1454, %broadcast_in_dim3A_1850], %mul3A_1844 : memref<512x16xf32, #tpu.memory_space<vmem>>[vector<16xi32>, vector<16xi32>], vector<16xf32>,
        %broadcast_in_dim3A_1851 = arith.constant 14 : i32
        %broadcast_in_dim3A_1852 = vector.broadcast %broadcast_in_dim3A_1851 : i32 to vector<16xi32>
        tpu.vector_store_idx %arg14[%add3A_1454, %broadcast_in_dim3A_1852], %mul3A_1845 : memref<512x16xf32, #tpu.memory_space<vmem>>[vector<16xi32>, vector<16xi32>], vector<16xf32>,
        %broadcast_in_dim3A_1853 = arith.constant 15 : i32
        %broadcast_in_dim3A_1854 = vector.broadcast %broadcast_in_dim3A_1853 : i32 to vector<16xi32>
        tpu.vector_store_idx %arg14[%add3A_1454, %broadcast_in_dim3A_1854], %mul3A_1846 : memref<512x16xf32, #tpu.memory_space<vmem>>[vector<16xi32>, vector<16xi32>], vector<16xf32>,
      }
      %scan3A_161 = arith.constant 32 : i32
      %dma_start3A_162 = arith.constant 0 : i32
      %dma_start3A_163 = tpu.memref_slice %arg4[%add3A_106, %dma_start3A_162] : memref<1600000x16xf32, #tpu.memory_space<hbm>> -> memref<512x16xf32, #tpu.memory_space<hbm>>
      %dma_start3A_164 = arith.constant 0 : i32
      %dma_start3A_165 = tpu.memref_slice %arg4[%add3A_106, %dma_start3A_164] : memref<1600000x16xf32, #tpu.memory_space<hbm>> -> memref<512x16xf32, #tpu.memory_space<hbm>>
      tpu.enqueue_dma source(%arg14 : memref<512x16xf32, #tpu.memory_space<vmem>>) target(%dma_start3A_165 : memref<512x16xf32, #tpu.memory_space<hbm>>) target_semaphore(%arg20 : memref<!tpu.dma_semaphore, #tpu.memory_space<semaphore_mem>>)
      %mul3A_166 = arith.constant 2 : i32
      %mul3A_167 = arith.muli %mul3A_166, %scan3A_99 : i32
      %add3A_168 = arith.constant 1 : i32
      %add3A_169 = arith.addi %mul3A_167, %add3A_168 : i32
      %mul3A_170 = arith.constant 512 : i32
      %mul3A_171 = arith.muli %add3A_169, %mul3A_170 : i32
      %min3A_172 = arith.constant 49488 : i32
      %min3A_173 = arith.minsi %mul3A_171, %min3A_172 : i32
      %add3A_174 = arith.addi %mul3A_2, %min3A_173 : i32
      %add3A_175 = arith.constant 2 : i32
      %add3A_176 = arith.addi %add3A_169, %add3A_175 : i32
      %mul3A_177 = arith.constant 512 : i32
      %mul3A_178 = arith.muli %add3A_176, %mul3A_177 : i32
      %min3A_179 = arith.constant 49488 : i32
      %min3A_180 = arith.minsi %mul3A_178, %min3A_179 : i32
      %add3A_181 = arith.addi %mul3A_2, %min3A_180 : i32
      %dma_wait3A_182 = arith.constant 0 : i32
      %dma_wait3A_183 = arith.constant 0 : i32
      %dma_wait3A_184 = tpu.memref_slice %arg3[%dma_wait3A_182, %dma_wait3A_183] : memref<2x1600000xi32, #tpu.memory_space<hbm>> -> memref<1x512xi32, #tpu.memory_space<hbm>>
      %dma_wait3A_185 = tpu.memref_squeeze %dma_wait3A_184 : memref<1x512xi32, #tpu.memory_space<hbm>> -> memref<512xi32, #tpu.memory_space<hbm>>
      %dma_wait3A_186 = arith.constant 0 : i32
      %dma_wait3A_187 = tpu.memref_slice %arg3[%dma_wait3A_182, %dma_wait3A_186] : memref<2x1600000xi32, #tpu.memory_space<hbm>> -> memref<1x512xi32, #tpu.memory_space<hbm>>
      %dma_wait3A_188 = tpu.memref_squeeze %dma_wait3A_187 : memref<1x512xi32, #tpu.memory_space<hbm>> -> memref<512xi32, #tpu.memory_space<hbm>>
      tpu.wait_dma2 semaphore(%arg16 : memref<!tpu.dma_semaphore, #tpu.memory_space<semaphore_mem>>) src(%dma_wait3A_188 : memref<512xi32, #tpu.memory_space<hbm>>) dst(%arg6 : memref<512xi32, #tpu.memory_space<vmem>>)
      %dma_wait3A_189 = arith.constant 1 : i32
      %dma_wait3A_190 = arith.constant 0 : i32
      %dma_wait3A_191 = tpu.memref_slice %arg3[%dma_wait3A_189, %dma_wait3A_190] : memref<2x1600000xi32, #tpu.memory_space<hbm>> -> memref<1x512xi32, #tpu.memory_space<hbm>>
      %dma_wait3A_192 = tpu.memref_squeeze %dma_wait3A_191 : memref<1x512xi32, #tpu.memory_space<hbm>> -> memref<512xi32, #tpu.memory_space<hbm>>
      %dma_wait3A_193 = arith.constant 0 : i32
      %dma_wait3A_194 = tpu.memref_slice %arg3[%dma_wait3A_189, %dma_wait3A_193] : memref<2x1600000xi32, #tpu.memory_space<hbm>> -> memref<1x512xi32, #tpu.memory_space<hbm>>
      %dma_wait3A_195 = tpu.memref_squeeze %dma_wait3A_194 : memref<1x512xi32, #tpu.memory_space<hbm>> -> memref<512xi32, #tpu.memory_space<hbm>>
      tpu.wait_dma2 semaphore(%arg16 : memref<!tpu.dma_semaphore, #tpu.memory_space<semaphore_mem>>) src(%dma_wait3A_195 : memref<512xi32, #tpu.memory_space<hbm>>) dst(%arg7 : memref<512xi32, #tpu.memory_space<vmem>>)
      %dma_start3A_196 = arith.constant 0 : i32
      %dma_start3A_197 = arith.constant 0 : i32
      %dma_start3A_198 = tpu.memref_slice %arg2[%dma_start3A_196, %dma_start3A_197] : memref<100000x16xf32, #tpu.memory_space<hbm>> -> memref<100000x16xf32, #tpu.memory_space<hbm>>
      tpu.enqueue_indirect_dma source(%dma_start3A_198 : memref<100000x16xf32, #tpu.memory_space<hbm>>) target(%arg10 : memref<512x16xf32, #tpu.memory_space<vmem>>) offsets(%arg6 : memref<512xi32, #tpu.memory_space<vmem>>) semaphore(%arg18 : memref<!tpu.dma_semaphore, #tpu.memory_space<semaphore_mem>>)
      %dma_start3A_199 = arith.constant 0 : i32
      %dma_start3A_200 = arith.constant 0 : i32
      %dma_start3A_201 = tpu.memref_slice %arg2[%dma_start3A_199, %dma_start3A_200] : memref<100000x16xf32, #tpu.memory_space<hbm>> -> memref<100000x16xf32, #tpu.memory_space<hbm>>
      tpu.enqueue_indirect_dma source(%dma_start3A_201 : memref<100000x16xf32, #tpu.memory_space<hbm>>) target(%arg11 : memref<512x16xf32, #tpu.memory_space<vmem>>) offsets(%arg7 : memref<512xi32, #tpu.memory_space<vmem>>) semaphore(%arg18 : memref<!tpu.dma_semaphore, #tpu.memory_space<semaphore_mem>>)
      %dma_wait3A_202 = arith.constant 0 : i32
      %dma_wait3A_203 = arith.constant 0 : i32
      %dma_wait3A_204 = tpu.memref_slice %arg2[%dma_wait3A_202, %dma_wait3A_203] : memref<100000x16xf32, #tpu.memory_space<hbm>> -> memref<100000x16xf32, #tpu.memory_space<hbm>>
      tpu.wait_indirect_dma semaphore(%arg19 : memref<!tpu.dma_semaphore, #tpu.memory_space<semaphore_mem>>) src(%dma_wait3A_204 : memref<100000x16xf32, #tpu.memory_space<hbm>>) dst(%arg12 : memref<512x16xf32, #tpu.memory_space<vmem>>)
      %dma_wait3A_205 = arith.constant 0 : i32
      %dma_wait3A_206 = arith.constant 0 : i32
      %dma_wait3A_207 = tpu.memref_slice %arg2[%dma_wait3A_205, %dma_wait3A_206] : memref<100000x16xf32, #tpu.memory_space<hbm>> -> memref<100000x16xf32, #tpu.memory_space<hbm>>
      tpu.wait_indirect_dma semaphore(%arg19 : memref<!tpu.dma_semaphore, #tpu.memory_space<semaphore_mem>>) src(%dma_wait3A_207 : memref<100000x16xf32, #tpu.memory_space<hbm>>) dst(%arg13 : memref<512x16xf32, #tpu.memory_space<vmem>>)
      %dma_start3A_208 = arith.constant 0 : i32
      %dma_start3A_209 = tpu.memref_slice %arg3[%dma_start3A_208, %add3A_181] : memref<2x1600000xi32, #tpu.memory_space<hbm>> -> memref<1x512xi32, #tpu.memory_space<hbm>>
      %dma_start3A_210 = tpu.memref_squeeze %dma_start3A_209 : memref<1x512xi32, #tpu.memory_space<hbm>> -> memref<512xi32, #tpu.memory_space<hbm>>
      %dma_start3A_211 = tpu.memref_slice %arg3[%dma_start3A_208, %add3A_181] : memref<2x1600000xi32, #tpu.memory_space<hbm>> -> memref<1x512xi32, #tpu.memory_space<hbm>>
      %dma_start3A_212 = tpu.memref_squeeze %dma_start3A_211 : memref<1x512xi32, #tpu.memory_space<hbm>> -> memref<512xi32, #tpu.memory_space<hbm>>
      tpu.enqueue_dma source(%dma_start3A_212 : memref<512xi32, #tpu.memory_space<hbm>>) target(%arg8 : memref<512xi32, #tpu.memory_space<vmem>>) target_semaphore(%arg17 : memref<!tpu.dma_semaphore, #tpu.memory_space<semaphore_mem>>)
      %dma_start3A_213 = arith.constant 1 : i32
      %dma_start3A_214 = tpu.memref_slice %arg3[%dma_start3A_213, %add3A_181] : memref<2x1600000xi32, #tpu.memory_space<hbm>> -> memref<1x512xi32, #tpu.memory_space<hbm>>
      %dma_start3A_215 = tpu.memref_squeeze %dma_start3A_214 : memref<1x512xi32, #tpu.memory_space<hbm>> -> memref<512xi32, #tpu.memory_space<hbm>>
      %dma_start3A_216 = tpu.memref_slice %arg3[%dma_start3A_213, %add3A_181] : memref<2x1600000xi32, #tpu.memory_space<hbm>> -> memref<1x512xi32, #tpu.memory_space<hbm>>
      %dma_start3A_217 = tpu.memref_squeeze %dma_start3A_216 : memref<1x512xi32, #tpu.memory_space<hbm>> -> memref<512xi32, #tpu.memory_space<hbm>>
      tpu.enqueue_dma source(%dma_start3A_217 : memref<512xi32, #tpu.memory_space<hbm>>) target(%arg9 : memref<512xi32, #tpu.memory_space<vmem>>) target_semaphore(%arg17 : memref<!tpu.dma_semaphore, #tpu.memory_space<semaphore_mem>>)
      %dma_wait3A_218 = arith.constant 0 : i32
      %dma_wait3A_219 = arith.constant 0 : i32
      %dma_wait3A_220 = tpu.memref_slice %arg4[%dma_wait3A_218, %dma_wait3A_219] : memref<1600000x16xf32, #tpu.memory_space<hbm>> -> memref<512x16xf32, #tpu.memory_space<hbm>>
      %dma_wait3A_221 = arith.constant 0 : i32
      %dma_wait3A_222 = arith.constant 0 : i32
      %dma_wait3A_223 = tpu.memref_slice %arg4[%dma_wait3A_221, %dma_wait3A_222] : memref<1600000x16xf32, #tpu.memory_space<hbm>> -> memref<512x16xf32, #tpu.memory_space<hbm>>
      tpu.wait_dma2 semaphore(%arg21 : memref<!tpu.dma_semaphore, #tpu.memory_space<semaphore_mem>>) src(%arg15 : memref<512x16xf32, #tpu.memory_space<vmem>>) dst(%dma_wait3A_223 : memref<512x16xf32, #tpu.memory_space<hbm>>)
      %scan3A_224 = arith.constant 0 : i32
      %scan3A_225 = arith.constant 0 : i32
      %scan3A_226 = arith.constant 32 : i32
      %scan3A_227 = arith.addi %scan3A_225, %scan3A_226 : i32
      %scan3A_228 = arith.constant 4 : i32
      scf.for %scan3A_234 = %scan3A_225 to %scan3A_227 step %scan3A_228  : i32 {
        %iota3A = tpu.iota {dimensions = array<i32: 0>} : vector<16xi32>
        %mul3A_235 = arith.constant 16 : i32
        %mul3A_236 = arith.muli %scan3A_234, %mul3A_235 : i32
        %add3A_237 = vector.broadcast %mul3A_236 : i32 to vector<16xi32>
        %add3A_238 = arith.addi %iota3A, %add3A_237 : vector<16xi32>
        %broadcast_in_dim3A = arith.constant 0 : i32
        %broadcast_in_dim3A_239 = vector.broadcast %broadcast_in_dim3A : i32 to vector<16xi32>
        %gather3A = tpu.vector_load_idx %arg12[%add3A_238, %broadcast_in_dim3A_239] : memref<512x16xf32, #tpu.memory_space<vmem>>[vector<16xi32>, vector<16xi32>], vector<16xf32>,
        %broadcast_in_dim3A_240 = arith.constant 1 : i32
        %broadcast_in_dim3A_241 = vector.broadcast %broadcast_in_dim3A_240 : i32 to vector<16xi32>
        %gather3A_242 = tpu.vector_load_idx %arg12[%add3A_238, %broadcast_in_dim3A_241] : memref<512x16xf32, #tpu.memory_space<vmem>>[vector<16xi32>, vector<16xi32>], vector<16xf32>,
        %broadcast_in_dim3A_243 = arith.constant 2 : i32
        %broadcast_in_dim3A_244 = vector.broadcast %broadcast_in_dim3A_243 : i32 to vector<16xi32>
        %gather3A_245 = tpu.vector_load_idx %arg12[%add3A_238, %broadcast_in_dim3A_244] : memref<512x16xf32, #tpu.memory_space<vmem>>[vector<16xi32>, vector<16xi32>], vector<16xf32>,
        %broadcast_in_dim3A_246 = arith.constant 3 : i32
        %broadcast_in_dim3A_247 = vector.broadcast %broadcast_in_dim3A_246 : i32 to vector<16xi32>
        %gather3A_248 = tpu.vector_load_idx %arg12[%add3A_238, %broadcast_in_dim3A_247] : memref<512x16xf32, #tpu.memory_space<vmem>>[vector<16xi32>, vector<16xi32>], vector<16xf32>,
        %broadcast_in_dim3A_249 = arith.constant 4 : i32
        %broadcast_in_dim3A_250 = vector.broadcast %broadcast_in_dim3A_249 : i32 to vector<16xi32>
        %gather3A_251 = tpu.vector_load_idx %arg12[%add3A_238, %broadcast_in_dim3A_250] : memref<512x16xf32, #tpu.memory_space<vmem>>[vector<16xi32>, vector<16xi32>], vector<16xf32>,
        %broadcast_in_dim3A_252 = arith.constant 5 : i32
        %broadcast_in_dim3A_253 = vector.broadcast %broadcast_in_dim3A_252 : i32 to vector<16xi32>
        %gather3A_254 = tpu.vector_load_idx %arg12[%add3A_238, %broadcast_in_dim3A_253] : memref<512x16xf32, #tpu.memory_space<vmem>>[vector<16xi32>, vector<16xi32>], vector<16xf32>,
        %broadcast_in_dim3A_255 = arith.constant 6 : i32
        %broadcast_in_dim3A_256 = vector.broadcast %broadcast_in_dim3A_255 : i32 to vector<16xi32>
        %gather3A_257 = tpu.vector_load_idx %arg12[%add3A_238, %broadcast_in_dim3A_256] : memref<512x16xf32, #tpu.memory_space<vmem>>[vector<16xi32>, vector<16xi32>], vector<16xf32>,
        %broadcast_in_dim3A_258 = arith.constant 7 : i32
        %broadcast_in_dim3A_259 = vector.broadcast %broadcast_in_dim3A_258 : i32 to vector<16xi32>
        %gather3A_260 = tpu.vector_load_idx %arg12[%add3A_238, %broadcast_in_dim3A_259] : memref<512x16xf32, #tpu.memory_space<vmem>>[vector<16xi32>, vector<16xi32>], vector<16xf32>,
        %broadcast_in_dim3A_261 = arith.constant 8 : i32
        %broadcast_in_dim3A_262 = vector.broadcast %broadcast_in_dim3A_261 : i32 to vector<16xi32>
        %gather3A_263 = tpu.vector_load_idx %arg12[%add3A_238, %broadcast_in_dim3A_262] : memref<512x16xf32, #tpu.memory_space<vmem>>[vector<16xi32>, vector<16xi32>], vector<16xf32>,
        %broadcast_in_dim3A_264 = arith.constant 9 : i32
        %broadcast_in_dim3A_265 = vector.broadcast %broadcast_in_dim3A_264 : i32 to vector<16xi32>
        %gather3A_266 = tpu.vector_load_idx %arg12[%add3A_238, %broadcast_in_dim3A_265] : memref<512x16xf32, #tpu.memory_space<vmem>>[vector<16xi32>, vector<16xi32>], vector<16xf32>,
        %broadcast_in_dim3A_267 = arith.constant 10 : i32
        %broadcast_in_dim3A_268 = vector.broadcast %broadcast_in_dim3A_267 : i32 to vector<16xi32>
        %gather3A_269 = tpu.vector_load_idx %arg12[%add3A_238, %broadcast_in_dim3A_268] : memref<512x16xf32, #tpu.memory_space<vmem>>[vector<16xi32>, vector<16xi32>], vector<16xf32>,
        %broadcast_in_dim3A_270 = arith.constant 11 : i32
        %broadcast_in_dim3A_271 = vector.broadcast %broadcast_in_dim3A_270 : i32 to vector<16xi32>
        %gather3A_272 = tpu.vector_load_idx %arg12[%add3A_238, %broadcast_in_dim3A_271] : memref<512x16xf32, #tpu.memory_space<vmem>>[vector<16xi32>, vector<16xi32>], vector<16xf32>,
        %broadcast_in_dim3A_273 = arith.constant 12 : i32
        %broadcast_in_dim3A_274 = vector.broadcast %broadcast_in_dim3A_273 : i32 to vector<16xi32>
        %gather3A_275 = tpu.vector_load_idx %arg12[%add3A_238, %broadcast_in_dim3A_274] : memref<512x16xf32, #tpu.memory_space<vmem>>[vector<16xi32>, vector<16xi32>], vector<16xf32>,
        %broadcast_in_dim3A_276 = arith.constant 13 : i32
        %broadcast_in_dim3A_277 = vector.broadcast %broadcast_in_dim3A_276 : i32 to vector<16xi32>
        %gather3A_278 = tpu.vector_load_idx %arg12[%add3A_238, %broadcast_in_dim3A_277] : memref<512x16xf32, #tpu.memory_space<vmem>>[vector<16xi32>, vector<16xi32>], vector<16xf32>,
        %broadcast_in_dim3A_279 = arith.constant 14 : i32
        %broadcast_in_dim3A_280 = vector.broadcast %broadcast_in_dim3A_279 : i32 to vector<16xi32>
        %gather3A_281 = tpu.vector_load_idx %arg12[%add3A_238, %broadcast_in_dim3A_280] : memref<512x16xf32, #tpu.memory_space<vmem>>[vector<16xi32>, vector<16xi32>], vector<16xf32>,
        %broadcast_in_dim3A_282 = arith.constant 15 : i32
        %broadcast_in_dim3A_283 = vector.broadcast %broadcast_in_dim3A_282 : i32 to vector<16xi32>
        %gather3A_284 = tpu.vector_load_idx %arg12[%add3A_238, %broadcast_in_dim3A_283] : memref<512x16xf32, #tpu.memory_space<vmem>>[vector<16xi32>, vector<16xi32>], vector<16xf32>,
        %broadcast_in_dim3A_285 = arith.constant 0 : i32
        %broadcast_in_dim3A_286 = vector.broadcast %broadcast_in_dim3A_285 : i32 to vector<16xi32>
        %gather3A_287 = tpu.vector_load_idx %arg13[%add3A_238, %broadcast_in_dim3A_286] : memref<512x16xf32, #tpu.memory_space<vmem>>[vector<16xi32>, vector<16xi32>], vector<16xf32>,
        %broadcast_in_dim3A_288 = arith.constant 1 : i32
        %broadcast_in_dim3A_289 = vector.broadcast %broadcast_in_dim3A_288 : i32 to vector<16xi32>
        %gather3A_290 = tpu.vector_load_idx %arg13[%add3A_238, %broadcast_in_dim3A_289] : memref<512x16xf32, #tpu.memory_space<vmem>>[vector<16xi32>, vector<16xi32>], vector<16xf32>,
        %broadcast_in_dim3A_291 = arith.constant 2 : i32
        %broadcast_in_dim3A_292 = vector.broadcast %broadcast_in_dim3A_291 : i32 to vector<16xi32>
        %gather3A_293 = tpu.vector_load_idx %arg13[%add3A_238, %broadcast_in_dim3A_292] : memref<512x16xf32, #tpu.memory_space<vmem>>[vector<16xi32>, vector<16xi32>], vector<16xf32>,
        %broadcast_in_dim3A_294 = arith.constant 3 : i32
        %broadcast_in_dim3A_295 = vector.broadcast %broadcast_in_dim3A_294 : i32 to vector<16xi32>
        %gather3A_296 = tpu.vector_load_idx %arg13[%add3A_238, %broadcast_in_dim3A_295] : memref<512x16xf32, #tpu.memory_space<vmem>>[vector<16xi32>, vector<16xi32>], vector<16xf32>,
        %broadcast_in_dim3A_297 = arith.constant 4 : i32
        %broadcast_in_dim3A_298 = vector.broadcast %broadcast_in_dim3A_297 : i32 to vector<16xi32>
        %gather3A_299 = tpu.vector_load_idx %arg13[%add3A_238, %broadcast_in_dim3A_298] : memref<512x16xf32, #tpu.memory_space<vmem>>[vector<16xi32>, vector<16xi32>], vector<16xf32>,
        %broadcast_in_dim3A_300 = arith.constant 5 : i32
        %broadcast_in_dim3A_301 = vector.broadcast %broadcast_in_dim3A_300 : i32 to vector<16xi32>
        %gather3A_302 = tpu.vector_load_idx %arg13[%add3A_238, %broadcast_in_dim3A_301] : memref<512x16xf32, #tpu.memory_space<vmem>>[vector<16xi32>, vector<16xi32>], vector<16xf32>,
        %broadcast_in_dim3A_303 = arith.constant 6 : i32
        %broadcast_in_dim3A_304 = vector.broadcast %broadcast_in_dim3A_303 : i32 to vector<16xi32>
        %gather3A_305 = tpu.vector_load_idx %arg13[%add3A_238, %broadcast_in_dim3A_304] : memref<512x16xf32, #tpu.memory_space<vmem>>[vector<16xi32>, vector<16xi32>], vector<16xf32>,
        %broadcast_in_dim3A_306 = arith.constant 7 : i32
        %broadcast_in_dim3A_307 = vector.broadcast %broadcast_in_dim3A_306 : i32 to vector<16xi32>
        %gather3A_308 = tpu.vector_load_idx %arg13[%add3A_238, %broadcast_in_dim3A_307] : memref<512x16xf32, #tpu.memory_space<vmem>>[vector<16xi32>, vector<16xi32>], vector<16xf32>,
        %broadcast_in_dim3A_309 = arith.constant 8 : i32
        %broadcast_in_dim3A_310 = vector.broadcast %broadcast_in_dim3A_309 : i32 to vector<16xi32>
        %gather3A_311 = tpu.vector_load_idx %arg13[%add3A_238, %broadcast_in_dim3A_310] : memref<512x16xf32, #tpu.memory_space<vmem>>[vector<16xi32>, vector<16xi32>], vector<16xf32>,
        %broadcast_in_dim3A_312 = arith.constant 9 : i32
        %broadcast_in_dim3A_313 = vector.broadcast %broadcast_in_dim3A_312 : i32 to vector<16xi32>
        %gather3A_314 = tpu.vector_load_idx %arg13[%add3A_238, %broadcast_in_dim3A_313] : memref<512x16xf32, #tpu.memory_space<vmem>>[vector<16xi32>, vector<16xi32>], vector<16xf32>,
        %broadcast_in_dim3A_315 = arith.constant 10 : i32
        %broadcast_in_dim3A_316 = vector.broadcast %broadcast_in_dim3A_315 : i32 to vector<16xi32>
        %gather3A_317 = tpu.vector_load_idx %arg13[%add3A_238, %broadcast_in_dim3A_316] : memref<512x16xf32, #tpu.memory_space<vmem>>[vector<16xi32>, vector<16xi32>], vector<16xf32>,
        %broadcast_in_dim3A_318 = arith.constant 11 : i32
        %broadcast_in_dim3A_319 = vector.broadcast %broadcast_in_dim3A_318 : i32 to vector<16xi32>
        %gather3A_320 = tpu.vector_load_idx %arg13[%add3A_238, %broadcast_in_dim3A_319] : memref<512x16xf32, #tpu.memory_space<vmem>>[vector<16xi32>, vector<16xi32>], vector<16xf32>,
        %broadcast_in_dim3A_321 = arith.constant 12 : i32
        %broadcast_in_dim3A_322 = vector.broadcast %broadcast_in_dim3A_321 : i32 to vector<16xi32>
        %gather3A_323 = tpu.vector_load_idx %arg13[%add3A_238, %broadcast_in_dim3A_322] : memref<512x16xf32, #tpu.memory_space<vmem>>[vector<16xi32>, vector<16xi32>], vector<16xf32>,
        %broadcast_in_dim3A_324 = arith.constant 13 : i32
        %broadcast_in_dim3A_325 = vector.broadcast %broadcast_in_dim3A_324 : i32 to vector<16xi32>
        %gather3A_326 = tpu.vector_load_idx %arg13[%add3A_238, %broadcast_in_dim3A_325] : memref<512x16xf32, #tpu.memory_space<vmem>>[vector<16xi32>, vector<16xi32>], vector<16xf32>,
        %broadcast_in_dim3A_327 = arith.constant 14 : i32
        %broadcast_in_dim3A_328 = vector.broadcast %broadcast_in_dim3A_327 : i32 to vector<16xi32>
        %gather3A_329 = tpu.vector_load_idx %arg13[%add3A_238, %broadcast_in_dim3A_328] : memref<512x16xf32, #tpu.memory_space<vmem>>[vector<16xi32>, vector<16xi32>], vector<16xf32>,
        %broadcast_in_dim3A_330 = arith.constant 15 : i32
        %broadcast_in_dim3A_331 = vector.broadcast %broadcast_in_dim3A_330 : i32 to vector<16xi32>
        %gather3A_332 = tpu.vector_load_idx %arg13[%add3A_238, %broadcast_in_dim3A_331] : memref<512x16xf32, #tpu.memory_space<vmem>>[vector<16xi32>, vector<16xi32>], vector<16xf32>,
        %mul3A_333 = arith.mulf %gather3A, %gather3A_287 : vector<16xf32>
        %mul3A_334 = arith.mulf %gather3A_242, %gather3A_290 : vector<16xf32>
        %add3A_335 = arith.addf %mul3A_333, %mul3A_334 : vector<16xf32>
        %mul3A_336 = arith.mulf %gather3A_245, %gather3A_293 : vector<16xf32>
        %add3A_337 = arith.addf %add3A_335, %mul3A_336 : vector<16xf32>
        %mul3A_338 = arith.mulf %gather3A_248, %gather3A_296 : vector<16xf32>
        %add3A_339 = arith.addf %add3A_337, %mul3A_338 : vector<16xf32>
        %mul3A_340 = arith.mulf %gather3A_242, %gather3A_287 : vector<16xf32>
        %mul3A_341 = arith.mulf %gather3A, %gather3A_290 : vector<16xf32>
        %sub3A = arith.subf %mul3A_340, %mul3A_341 : vector<16xf32>
        %mul3A_342 = arith.mulf %gather3A_245, %gather3A_296 : vector<16xf32>
        %sub3A_343 = arith.subf %sub3A, %mul3A_342 : vector<16xf32>
        %mul3A_344 = arith.mulf %gather3A_248, %gather3A_293 : vector<16xf32>
        %add3A_345 = arith.addf %sub3A_343, %mul3A_344 : vector<16xf32>
        %mul3A_346 = arith.mulf %gather3A_245, %gather3A_287 : vector<16xf32>
        %mul3A_347 = arith.mulf %gather3A, %gather3A_293 : vector<16xf32>
        %sub3A_348 = arith.subf %mul3A_346, %mul3A_347 : vector<16xf32>
        %mul3A_349 = arith.mulf %gather3A_242, %gather3A_296 : vector<16xf32>
        %add3A_350 = arith.addf %sub3A_348, %mul3A_349 : vector<16xf32>
        %mul3A_351 = arith.mulf %gather3A_248, %gather3A_290 : vector<16xf32>
        %sub3A_352 = arith.subf %add3A_350, %mul3A_351 : vector<16xf32>
        %mul3A_353 = arith.mulf %gather3A_248, %gather3A_287 : vector<16xf32>
        %mul3A_354 = arith.mulf %gather3A, %gather3A_296 : vector<16xf32>
        %sub3A_355 = arith.subf %mul3A_353, %mul3A_354 : vector<16xf32>
        %mul3A_356 = arith.mulf %gather3A_242, %gather3A_293 : vector<16xf32>
        %sub3A_357 = arith.subf %sub3A_355, %mul3A_356 : vector<16xf32>
        %mul3A_358 = arith.mulf %gather3A_245, %gather3A_290 : vector<16xf32>
        %add3A_359 = arith.addf %sub3A_357, %mul3A_358 : vector<16xf32>
        %mul3A_360 = arith.mulf %add3A_339, %add3A_339 : vector<16xf32>
        %mul3A_361 = arith.mulf %add3A_345, %add3A_345 : vector<16xf32>
        %add3A_362 = arith.addf %mul3A_360, %mul3A_361 : vector<16xf32>
        %mul3A_363 = arith.mulf %sub3A_352, %sub3A_352 : vector<16xf32>
        %add3A_364 = arith.addf %add3A_362, %mul3A_363 : vector<16xf32>
        %mul3A_365 = arith.mulf %add3A_359, %add3A_359 : vector<16xf32>
        %add3A_366 = arith.addf %add3A_364, %mul3A_365 : vector<16xf32>
        %bitcast3A = vector.bitcast %add3A_366 : vector<16xf32> to vector<16xi32>
        %shift_right_arithmetic3A = arith.constant 1 : i32
        %shift_right_arithmetic3A_367 = vector.broadcast %shift_right_arithmetic3A : i32 to vector<16xi32>
        %shift_right_arithmetic3A_368 = arith.shrsi %bitcast3A, %shift_right_arithmetic3A_367 : vector<16xi32>
        %sub3A_369 = arith.constant 1597463007 : i32
        %sub3A_370 = vector.broadcast %sub3A_369 : i32 to vector<16xi32>
        %sub3A_371 = arith.subi %sub3A_370, %shift_right_arithmetic3A_368 : vector<16xi32>
        %bitcast3A_372 = vector.bitcast %sub3A_371 : vector<16xi32> to vector<16xf32>
        %mul3A_373 = arith.constant 5.000000e-01 : f32
        %mul3A_374 = vector.broadcast %mul3A_373 : f32 to vector<16xf32>
        %mul3A_375 = arith.mulf %add3A_366, %mul3A_374 : vector<16xf32>
        %mul3A_376 = arith.mulf %mul3A_375, %bitcast3A_372 : vector<16xf32>
        %mul3A_377 = arith.mulf %mul3A_376, %bitcast3A_372 : vector<16xf32>
        %sub3A_378 = arith.constant 1.500000e+00 : f32
        %sub3A_379 = vector.broadcast %sub3A_378 : f32 to vector<16xf32>
        %sub3A_380 = arith.subf %sub3A_379, %mul3A_377 : vector<16xf32>
        %mul3A_381 = arith.mulf %bitcast3A_372, %sub3A_380 : vector<16xf32>
        %mul3A_382 = arith.mulf %mul3A_375, %mul3A_381 : vector<16xf32>
        %mul3A_383 = arith.mulf %mul3A_382, %mul3A_381 : vector<16xf32>
        %sub3A_384 = arith.constant 1.500000e+00 : f32
        %sub3A_385 = vector.broadcast %sub3A_384 : f32 to vector<16xf32>
        %sub3A_386 = arith.subf %sub3A_385, %mul3A_383 : vector<16xf32>
        %mul3A_387 = arith.mulf %mul3A_381, %sub3A_386 : vector<16xf32>
        %mul3A_388 = arith.mulf %mul3A_375, %mul3A_387 : vector<16xf32>
        %mul3A_389 = arith.mulf %mul3A_388, %mul3A_387 : vector<16xf32>
        %sub3A_390 = arith.constant 1.500000e+00 : f32
        %sub3A_391 = vector.broadcast %sub3A_390 : f32 to vector<16xf32>
        %sub3A_392 = arith.subf %sub3A_391, %mul3A_389 : vector<16xf32>
        %mul3A_393 = arith.mulf %mul3A_387, %sub3A_392 : vector<16xf32>
        %mul3A_394 = arith.mulf %add3A_339, %mul3A_393 : vector<16xf32>
        %mul3A_395 = arith.mulf %add3A_345, %mul3A_393 : vector<16xf32>
        %mul3A_396 = arith.mulf %sub3A_352, %mul3A_393 : vector<16xf32>
        %mul3A_397 = arith.mulf %add3A_359, %mul3A_393 : vector<16xf32>
        %broadcast_in_dim3A_398 = arith.constant 0 : i32
        %broadcast_in_dim3A_399 = vector.broadcast %broadcast_in_dim3A_398 : i32 to vector<16xi32>
        tpu.vector_store_idx %arg15[%add3A_238, %broadcast_in_dim3A_399], %mul3A_394 : memref<512x16xf32, #tpu.memory_space<vmem>>[vector<16xi32>, vector<16xi32>], vector<16xf32>,
        %broadcast_in_dim3A_400 = arith.constant 1 : i32
        %broadcast_in_dim3A_401 = vector.broadcast %broadcast_in_dim3A_400 : i32 to vector<16xi32>
        tpu.vector_store_idx %arg15[%add3A_238, %broadcast_in_dim3A_401], %mul3A_395 : memref<512x16xf32, #tpu.memory_space<vmem>>[vector<16xi32>, vector<16xi32>], vector<16xf32>,
        %broadcast_in_dim3A_402 = arith.constant 2 : i32
        %broadcast_in_dim3A_403 = vector.broadcast %broadcast_in_dim3A_402 : i32 to vector<16xi32>
        tpu.vector_store_idx %arg15[%add3A_238, %broadcast_in_dim3A_403], %mul3A_396 : memref<512x16xf32, #tpu.memory_space<vmem>>[vector<16xi32>, vector<16xi32>], vector<16xf32>,
        %broadcast_in_dim3A_404 = arith.constant 3 : i32
        %broadcast_in_dim3A_405 = vector.broadcast %broadcast_in_dim3A_404 : i32 to vector<16xi32>
        tpu.vector_store_idx %arg15[%add3A_238, %broadcast_in_dim3A_405], %mul3A_397 : memref<512x16xf32, #tpu.memory_space<vmem>>[vector<16xi32>, vector<16xi32>], vector<16xf32>,
        %mul3A_406 = arith.mulf %gather3A_251, %gather3A_299 : vector<16xf32>
        %mul3A_407 = arith.mulf %gather3A_254, %gather3A_302 : vector<16xf32>
        %add3A_408 = arith.addf %mul3A_406, %mul3A_407 : vector<16xf32>
        %mul3A_409 = arith.mulf %gather3A_257, %gather3A_305 : vector<16xf32>
        %add3A_410 = arith.addf %add3A_408, %mul3A_409 : vector<16xf32>
        %mul3A_411 = arith.mulf %gather3A_260, %gather3A_308 : vector<16xf32>
        %add3A_412 = arith.addf %add3A_410, %mul3A_411 : vector<16xf32>
        %mul3A_413 = arith.mulf %gather3A_254, %gather3A_299 : vector<16xf32>
        %mul3A_414 = arith.mulf %gather3A_251, %gather3A_302 : vector<16xf32>
        %sub3A_415 = arith.subf %mul3A_413, %mul3A_414 : vector<16xf32>
        %mul3A_416 = arith.mulf %gather3A_257, %gather3A_308 : vector<16xf32>
        %sub3A_417 = arith.subf %sub3A_415, %mul3A_416 : vector<16xf32>
        %mul3A_418 = arith.mulf %gather3A_260, %gather3A_305 : vector<16xf32>
        %add3A_419 = arith.addf %sub3A_417, %mul3A_418 : vector<16xf32>
        %mul3A_420 = arith.mulf %gather3A_257, %gather3A_299 : vector<16xf32>
        %mul3A_421 = arith.mulf %gather3A_251, %gather3A_305 : vector<16xf32>
        %sub3A_422 = arith.subf %mul3A_420, %mul3A_421 : vector<16xf32>
        %mul3A_423 = arith.mulf %gather3A_254, %gather3A_308 : vector<16xf32>
        %add3A_424 = arith.addf %sub3A_422, %mul3A_423 : vector<16xf32>
        %mul3A_425 = arith.mulf %gather3A_260, %gather3A_302 : vector<16xf32>
        %sub3A_426 = arith.subf %add3A_424, %mul3A_425 : vector<16xf32>
        %mul3A_427 = arith.mulf %gather3A_260, %gather3A_299 : vector<16xf32>
        %mul3A_428 = arith.mulf %gather3A_251, %gather3A_308 : vector<16xf32>
        %sub3A_429 = arith.subf %mul3A_427, %mul3A_428 : vector<16xf32>
        %mul3A_430 = arith.mulf %gather3A_254, %gather3A_305 : vector<16xf32>
        %sub3A_431 = arith.subf %sub3A_429, %mul3A_430 : vector<16xf32>
        %mul3A_432 = arith.mulf %gather3A_257, %gather3A_302 : vector<16xf32>
        %add3A_433 = arith.addf %sub3A_431, %mul3A_432 : vector<16xf32>
        %mul3A_434 = arith.mulf %add3A_412, %add3A_412 : vector<16xf32>
        %mul3A_435 = arith.mulf %add3A_419, %add3A_419 : vector<16xf32>
        %add3A_436 = arith.addf %mul3A_434, %mul3A_435 : vector<16xf32>
        %mul3A_437 = arith.mulf %sub3A_426, %sub3A_426 : vector<16xf32>
        %add3A_438 = arith.addf %add3A_436, %mul3A_437 : vector<16xf32>
        %mul3A_439 = arith.mulf %add3A_433, %add3A_433 : vector<16xf32>
        %add3A_440 = arith.addf %add3A_438, %mul3A_439 : vector<16xf32>
        %bitcast3A_441 = vector.bitcast %add3A_440 : vector<16xf32> to vector<16xi32>
        %shift_right_arithmetic3A_442 = arith.constant 1 : i32
        %shift_right_arithmetic3A_443 = vector.broadcast %shift_right_arithmetic3A_442 : i32 to vector<16xi32>
        %shift_right_arithmetic3A_444 = arith.shrsi %bitcast3A_441, %shift_right_arithmetic3A_443 : vector<16xi32>
        %sub3A_445 = arith.constant 1597463007 : i32
        %sub3A_446 = vector.broadcast %sub3A_445 : i32 to vector<16xi32>
        %sub3A_447 = arith.subi %sub3A_446, %shift_right_arithmetic3A_444 : vector<16xi32>
        %bitcast3A_448 = vector.bitcast %sub3A_447 : vector<16xi32> to vector<16xf32>
        %mul3A_449 = arith.constant 5.000000e-01 : f32
        %mul3A_450 = vector.broadcast %mul3A_449 : f32 to vector<16xf32>
        %mul3A_451 = arith.mulf %add3A_440, %mul3A_450 : vector<16xf32>
        %mul3A_452 = arith.mulf %mul3A_451, %bitcast3A_448 : vector<16xf32>
        %mul3A_453 = arith.mulf %mul3A_452, %bitcast3A_448 : vector<16xf32>
        %sub3A_454 = arith.constant 1.500000e+00 : f32
        %sub3A_455 = vector.broadcast %sub3A_454 : f32 to vector<16xf32>
        %sub3A_456 = arith.subf %sub3A_455, %mul3A_453 : vector<16xf32>
        %mul3A_457 = arith.mulf %bitcast3A_448, %sub3A_456 : vector<16xf32>
        %mul3A_458 = arith.mulf %mul3A_451, %mul3A_457 : vector<16xf32>
        %mul3A_459 = arith.mulf %mul3A_458, %mul3A_457 : vector<16xf32>
        %sub3A_460 = arith.constant 1.500000e+00 : f32
        %sub3A_461 = vector.broadcast %sub3A_460 : f32 to vector<16xf32>
        %sub3A_462 = arith.subf %sub3A_461, %mul3A_459 : vector<16xf32>
        %mul3A_463 = arith.mulf %mul3A_457, %sub3A_462 : vector<16xf32>
        %mul3A_464 = arith.mulf %mul3A_451, %mul3A_463 : vector<16xf32>
        %mul3A_465 = arith.mulf %mul3A_464, %mul3A_463 : vector<16xf32>
        %sub3A_466 = arith.constant 1.500000e+00 : f32
        %sub3A_467 = vector.broadcast %sub3A_466 : f32 to vector<16xf32>
        %sub3A_468 = arith.subf %sub3A_467, %mul3A_465 : vector<16xf32>
        %mul3A_469 = arith.mulf %mul3A_463, %sub3A_468 : vector<16xf32>
        %mul3A_470 = arith.mulf %add3A_412, %mul3A_469 : vector<16xf32>
        %mul3A_471 = arith.mulf %add3A_419, %mul3A_469 : vector<16xf32>
        %mul3A_472 = arith.mulf %sub3A_426, %mul3A_469 : vector<16xf32>
        %mul3A_473 = arith.mulf %add3A_433, %mul3A_469 : vector<16xf32>
        %broadcast_in_dim3A_474 = arith.constant 4 : i32
        %broadcast_in_dim3A_475 = vector.broadcast %broadcast_in_dim3A_474 : i32 to vector<16xi32>
        tpu.vector_store_idx %arg15[%add3A_238, %broadcast_in_dim3A_475], %mul3A_470 : memref<512x16xf32, #tpu.memory_space<vmem>>[vector<16xi32>, vector<16xi32>], vector<16xf32>,
        %broadcast_in_dim3A_476 = arith.constant 5 : i32
        %broadcast_in_dim3A_477 = vector.broadcast %broadcast_in_dim3A_476 : i32 to vector<16xi32>
        tpu.vector_store_idx %arg15[%add3A_238, %broadcast_in_dim3A_477], %mul3A_471 : memref<512x16xf32, #tpu.memory_space<vmem>>[vector<16xi32>, vector<16xi32>], vector<16xf32>,
        %broadcast_in_dim3A_478 = arith.constant 6 : i32
        %broadcast_in_dim3A_479 = vector.broadcast %broadcast_in_dim3A_478 : i32 to vector<16xi32>
        tpu.vector_store_idx %arg15[%add3A_238, %broadcast_in_dim3A_479], %mul3A_472 : memref<512x16xf32, #tpu.memory_space<vmem>>[vector<16xi32>, vector<16xi32>], vector<16xf32>,
        %broadcast_in_dim3A_480 = arith.constant 7 : i32
        %broadcast_in_dim3A_481 = vector.broadcast %broadcast_in_dim3A_480 : i32 to vector<16xi32>
        tpu.vector_store_idx %arg15[%add3A_238, %broadcast_in_dim3A_481], %mul3A_473 : memref<512x16xf32, #tpu.memory_space<vmem>>[vector<16xi32>, vector<16xi32>], vector<16xf32>,
        %mul3A_482 = arith.mulf %gather3A_263, %gather3A_311 : vector<16xf32>
        %mul3A_483 = arith.mulf %gather3A_266, %gather3A_314 : vector<16xf32>
        %add3A_484 = arith.addf %mul3A_482, %mul3A_483 : vector<16xf32>
        %mul3A_485 = arith.mulf %gather3A_269, %gather3A_317 : vector<16xf32>
        %add3A_486 = arith.addf %add3A_484, %mul3A_485 : vector<16xf32>
        %mul3A_487 = arith.mulf %gather3A_272, %gather3A_320 : vector<16xf32>
        %add3A_488 = arith.addf %add3A_486, %mul3A_487 : vector<16xf32>
        %mul3A_489 = arith.mulf %gather3A_266, %gather3A_311 : vector<16xf32>
        %mul3A_490 = arith.mulf %gather3A_263, %gather3A_314 : vector<16xf32>
        %sub3A_491 = arith.subf %mul3A_489, %mul3A_490 : vector<16xf32>
        %mul3A_492 = arith.mulf %gather3A_269, %gather3A_320 : vector<16xf32>
        %sub3A_493 = arith.subf %sub3A_491, %mul3A_492 : vector<16xf32>
        %mul3A_494 = arith.mulf %gather3A_272, %gather3A_317 : vector<16xf32>
        %add3A_495 = arith.addf %sub3A_493, %mul3A_494 : vector<16xf32>
        %mul3A_496 = arith.mulf %gather3A_269, %gather3A_311 : vector<16xf32>
        %mul3A_497 = arith.mulf %gather3A_263, %gather3A_317 : vector<16xf32>
        %sub3A_498 = arith.subf %mul3A_496, %mul3A_497 : vector<16xf32>
        %mul3A_499 = arith.mulf %gather3A_266, %gather3A_320 : vector<16xf32>
        %add3A_500 = arith.addf %sub3A_498, %mul3A_499 : vector<16xf32>
        %mul3A_501 = arith.mulf %gather3A_272, %gather3A_314 : vector<16xf32>
        %sub3A_502 = arith.subf %add3A_500, %mul3A_501 : vector<16xf32>
        %mul3A_503 = arith.mulf %gather3A_272, %gather3A_311 : vector<16xf32>
        %mul3A_504 = arith.mulf %gather3A_263, %gather3A_320 : vector<16xf32>
        %sub3A_505 = arith.subf %mul3A_503, %mul3A_504 : vector<16xf32>
        %mul3A_506 = arith.mulf %gather3A_266, %gather3A_317 : vector<16xf32>
        %sub3A_507 = arith.subf %sub3A_505, %mul3A_506 : vector<16xf32>
        %mul3A_508 = arith.mulf %gather3A_269, %gather3A_314 : vector<16xf32>
        %add3A_509 = arith.addf %sub3A_507, %mul3A_508 : vector<16xf32>
        %mul3A_510 = arith.mulf %add3A_488, %add3A_488 : vector<16xf32>
        %mul3A_511 = arith.mulf %add3A_495, %add3A_495 : vector<16xf32>
        %add3A_512 = arith.addf %mul3A_510, %mul3A_511 : vector<16xf32>
        %mul3A_513 = arith.mulf %sub3A_502, %sub3A_502 : vector<16xf32>
        %add3A_514 = arith.addf %add3A_512, %mul3A_513 : vector<16xf32>
        %mul3A_515 = arith.mulf %add3A_509, %add3A_509 : vector<16xf32>
        %add3A_516 = arith.addf %add3A_514, %mul3A_515 : vector<16xf32>
        %bitcast3A_517 = vector.bitcast %add3A_516 : vector<16xf32> to vector<16xi32>
        %shift_right_arithmetic3A_518 = arith.constant 1 : i32
        %shift_right_arithmetic3A_519 = vector.broadcast %shift_right_arithmetic3A_518 : i32 to vector<16xi32>
        %shift_right_arithmetic3A_520 = arith.shrsi %bitcast3A_517, %shift_right_arithmetic3A_519 : vector<16xi32>
        %sub3A_521 = arith.constant 1597463007 : i32
        %sub3A_522 = vector.broadcast %sub3A_521 : i32 to vector<16xi32>
        %sub3A_523 = arith.subi %sub3A_522, %shift_right_arithmetic3A_520 : vector<16xi32>
        %bitcast3A_524 = vector.bitcast %sub3A_523 : vector<16xi32> to vector<16xf32>
        %mul3A_525 = arith.constant 5.000000e-01 : f32
        %mul3A_526 = vector.broadcast %mul3A_525 : f32 to vector<16xf32>
        %mul3A_527 = arith.mulf %add3A_516, %mul3A_526 : vector<16xf32>
        %mul3A_528 = arith.mulf %mul3A_527, %bitcast3A_524 : vector<16xf32>
        %mul3A_529 = arith.mulf %mul3A_528, %bitcast3A_524 : vector<16xf32>
        %sub3A_530 = arith.constant 1.500000e+00 : f32
        %sub3A_531 = vector.broadcast %sub3A_530 : f32 to vector<16xf32>
        %sub3A_532 = arith.subf %sub3A_531, %mul3A_529 : vector<16xf32>
        %mul3A_533 = arith.mulf %bitcast3A_524, %sub3A_532 : vector<16xf32>
        %mul3A_534 = arith.mulf %mul3A_527, %mul3A_533 : vector<16xf32>
        %mul3A_535 = arith.mulf %mul3A_534, %mul3A_533 : vector<16xf32>
        %sub3A_536 = arith.constant 1.500000e+00 : f32
        %sub3A_537 = vector.broadcast %sub3A_536 : f32 to vector<16xf32>
        %sub3A_538 = arith.subf %sub3A_537, %mul3A_535 : vector<16xf32>
        %mul3A_539 = arith.mulf %mul3A_533, %sub3A_538 : vector<16xf32>
        %mul3A_540 = arith.mulf %mul3A_527, %mul3A_539 : vector<16xf32>
        %mul3A_541 = arith.mulf %mul3A_540, %mul3A_539 : vector<16xf32>
        %sub3A_542 = arith.constant 1.500000e+00 : f32
        %sub3A_543 = vector.broadcast %sub3A_542 : f32 to vector<16xf32>
        %sub3A_544 = arith.subf %sub3A_543, %mul3A_541 : vector<16xf32>
        %mul3A_545 = arith.mulf %mul3A_539, %sub3A_544 : vector<16xf32>
        %mul3A_546 = arith.mulf %add3A_488, %mul3A_545 : vector<16xf32>
        %mul3A_547 = arith.mulf %add3A_495, %mul3A_545 : vector<16xf32>
        %mul3A_548 = arith.mulf %sub3A_502, %mul3A_545 : vector<16xf32>
        %mul3A_549 = arith.mulf %add3A_509, %mul3A_545 : vector<16xf32>
        %broadcast_in_dim3A_550 = arith.constant 8 : i32
        %broadcast_in_dim3A_551 = vector.broadcast %broadcast_in_dim3A_550 : i32 to vector<16xi32>
        tpu.vector_store_idx %arg15[%add3A_238, %broadcast_in_dim3A_551], %mul3A_546 : memref<512x16xf32, #tpu.memory_space<vmem>>[vector<16xi32>, vector<16xi32>], vector<16xf32>,
        %broadcast_in_dim3A_552 = arith.constant 9 : i32
        %broadcast_in_dim3A_553 = vector.broadcast %broadcast_in_dim3A_552 : i32 to vector<16xi32>
        tpu.vector_store_idx %arg15[%add3A_238, %broadcast_in_dim3A_553], %mul3A_547 : memref<512x16xf32, #tpu.memory_space<vmem>>[vector<16xi32>, vector<16xi32>], vector<16xf32>,
        %broadcast_in_dim3A_554 = arith.constant 10 : i32
        %broadcast_in_dim3A_555 = vector.broadcast %broadcast_in_dim3A_554 : i32 to vector<16xi32>
        tpu.vector_store_idx %arg15[%add3A_238, %broadcast_in_dim3A_555], %mul3A_548 : memref<512x16xf32, #tpu.memory_space<vmem>>[vector<16xi32>, vector<16xi32>], vector<16xf32>,
        %broadcast_in_dim3A_556 = arith.constant 11 : i32
        %broadcast_in_dim3A_557 = vector.broadcast %broadcast_in_dim3A_556 : i32 to vector<16xi32>
        tpu.vector_store_idx %arg15[%add3A_238, %broadcast_in_dim3A_557], %mul3A_549 : memref<512x16xf32, #tpu.memory_space<vmem>>[vector<16xi32>, vector<16xi32>], vector<16xf32>,
        %mul3A_558 = arith.mulf %gather3A_275, %gather3A_323 : vector<16xf32>
        %mul3A_559 = arith.mulf %gather3A_278, %gather3A_326 : vector<16xf32>
        %add3A_560 = arith.addf %mul3A_558, %mul3A_559 : vector<16xf32>
        %mul3A_561 = arith.mulf %gather3A_281, %gather3A_329 : vector<16xf32>
        %add3A_562 = arith.addf %add3A_560, %mul3A_561 : vector<16xf32>
        %mul3A_563 = arith.mulf %gather3A_284, %gather3A_332 : vector<16xf32>
        %add3A_564 = arith.addf %add3A_562, %mul3A_563 : vector<16xf32>
        %mul3A_565 = arith.mulf %gather3A_278, %gather3A_323 : vector<16xf32>
        %mul3A_566 = arith.mulf %gather3A_275, %gather3A_326 : vector<16xf32>
        %sub3A_567 = arith.subf %mul3A_565, %mul3A_566 : vector<16xf32>
        %mul3A_568 = arith.mulf %gather3A_281, %gather3A_332 : vector<16xf32>
        %sub3A_569 = arith.subf %sub3A_567, %mul3A_568 : vector<16xf32>
        %mul3A_570 = arith.mulf %gather3A_284, %gather3A_329 : vector<16xf32>
        %add3A_571 = arith.addf %sub3A_569, %mul3A_570 : vector<16xf32>
        %mul3A_572 = arith.mulf %gather3A_281, %gather3A_323 : vector<16xf32>
        %mul3A_573 = arith.mulf %gather3A_275, %gather3A_329 : vector<16xf32>
        %sub3A_574 = arith.subf %mul3A_572, %mul3A_573 : vector<16xf32>
        %mul3A_575 = arith.mulf %gather3A_278, %gather3A_332 : vector<16xf32>
        %add3A_576 = arith.addf %sub3A_574, %mul3A_575 : vector<16xf32>
        %mul3A_577 = arith.mulf %gather3A_284, %gather3A_326 : vector<16xf32>
        %sub3A_578 = arith.subf %add3A_576, %mul3A_577 : vector<16xf32>
        %mul3A_579 = arith.mulf %gather3A_284, %gather3A_323 : vector<16xf32>
        %mul3A_580 = arith.mulf %gather3A_275, %gather3A_332 : vector<16xf32>
        %sub3A_581 = arith.subf %mul3A_579, %mul3A_580 : vector<16xf32>
        %mul3A_582 = arith.mulf %gather3A_278, %gather3A_329 : vector<16xf32>
        %sub3A_583 = arith.subf %sub3A_581, %mul3A_582 : vector<16xf32>
        %mul3A_584 = arith.mulf %gather3A_281, %gather3A_326 : vector<16xf32>
        %add3A_585 = arith.addf %sub3A_583, %mul3A_584 : vector<16xf32>
        %mul3A_586 = arith.mulf %add3A_564, %add3A_564 : vector<16xf32>
        %mul3A_587 = arith.mulf %add3A_571, %add3A_571 : vector<16xf32>
        %add3A_588 = arith.addf %mul3A_586, %mul3A_587 : vector<16xf32>
        %mul3A_589 = arith.mulf %sub3A_578, %sub3A_578 : vector<16xf32>
        %add3A_590 = arith.addf %add3A_588, %mul3A_589 : vector<16xf32>
        %mul3A_591 = arith.mulf %add3A_585, %add3A_585 : vector<16xf32>
        %add3A_592 = arith.addf %add3A_590, %mul3A_591 : vector<16xf32>
        %bitcast3A_593 = vector.bitcast %add3A_592 : vector<16xf32> to vector<16xi32>
        %shift_right_arithmetic3A_594 = arith.constant 1 : i32
        %shift_right_arithmetic3A_595 = vector.broadcast %shift_right_arithmetic3A_594 : i32 to vector<16xi32>
        %shift_right_arithmetic3A_596 = arith.shrsi %bitcast3A_593, %shift_right_arithmetic3A_595 : vector<16xi32>
        %sub3A_597 = arith.constant 1597463007 : i32
        %sub3A_598 = vector.broadcast %sub3A_597 : i32 to vector<16xi32>
        %sub3A_599 = arith.subi %sub3A_598, %shift_right_arithmetic3A_596 : vector<16xi32>
        %bitcast3A_600 = vector.bitcast %sub3A_599 : vector<16xi32> to vector<16xf32>
        %mul3A_601 = arith.constant 5.000000e-01 : f32
        %mul3A_602 = vector.broadcast %mul3A_601 : f32 to vector<16xf32>
        %mul3A_603 = arith.mulf %add3A_592, %mul3A_602 : vector<16xf32>
        %mul3A_604 = arith.mulf %mul3A_603, %bitcast3A_600 : vector<16xf32>
        %mul3A_605 = arith.mulf %mul3A_604, %bitcast3A_600 : vector<16xf32>
        %sub3A_606 = arith.constant 1.500000e+00 : f32
        %sub3A_607 = vector.broadcast %sub3A_606 : f32 to vector<16xf32>
        %sub3A_608 = arith.subf %sub3A_607, %mul3A_605 : vector<16xf32>
        %mul3A_609 = arith.mulf %bitcast3A_600, %sub3A_608 : vector<16xf32>
        %mul3A_610 = arith.mulf %mul3A_603, %mul3A_609 : vector<16xf32>
        %mul3A_611 = arith.mulf %mul3A_610, %mul3A_609 : vector<16xf32>
        %sub3A_612 = arith.constant 1.500000e+00 : f32
        %sub3A_613 = vector.broadcast %sub3A_612 : f32 to vector<16xf32>
        %sub3A_614 = arith.subf %sub3A_613, %mul3A_611 : vector<16xf32>
        %mul3A_615 = arith.mulf %mul3A_609, %sub3A_614 : vector<16xf32>
        %mul3A_616 = arith.mulf %mul3A_603, %mul3A_615 : vector<16xf32>
        %mul3A_617 = arith.mulf %mul3A_616, %mul3A_615 : vector<16xf32>
        %sub3A_618 = arith.constant 1.500000e+00 : f32
        %sub3A_619 = vector.broadcast %sub3A_618 : f32 to vector<16xf32>
        %sub3A_620 = arith.subf %sub3A_619, %mul3A_617 : vector<16xf32>
        %mul3A_621 = arith.mulf %mul3A_615, %sub3A_620 : vector<16xf32>
        %mul3A_622 = arith.mulf %add3A_564, %mul3A_621 : vector<16xf32>
        %mul3A_623 = arith.mulf %add3A_571, %mul3A_621 : vector<16xf32>
        %mul3A_624 = arith.mulf %sub3A_578, %mul3A_621 : vector<16xf32>
        %mul3A_625 = arith.mulf %add3A_585, %mul3A_621 : vector<16xf32>
        %broadcast_in_dim3A_626 = arith.constant 12 : i32
        %broadcast_in_dim3A_627 = vector.broadcast %broadcast_in_dim3A_626 : i32 to vector<16xi32>
        tpu.vector_store_idx %arg15[%add3A_238, %broadcast_in_dim3A_627], %mul3A_622 : memref<512x16xf32, #tpu.memory_space<vmem>>[vector<16xi32>, vector<16xi32>], vector<16xf32>,
        %broadcast_in_dim3A_628 = arith.constant 13 : i32
        %broadcast_in_dim3A_629 = vector.broadcast %broadcast_in_dim3A_628 : i32 to vector<16xi32>
        tpu.vector_store_idx %arg15[%add3A_238, %broadcast_in_dim3A_629], %mul3A_623 : memref<512x16xf32, #tpu.memory_space<vmem>>[vector<16xi32>, vector<16xi32>], vector<16xf32>,
        %broadcast_in_dim3A_630 = arith.constant 14 : i32
        %broadcast_in_dim3A_631 = vector.broadcast %broadcast_in_dim3A_630 : i32 to vector<16xi32>
        tpu.vector_store_idx %arg15[%add3A_238, %broadcast_in_dim3A_631], %mul3A_624 : memref<512x16xf32, #tpu.memory_space<vmem>>[vector<16xi32>, vector<16xi32>], vector<16xf32>,
        %broadcast_in_dim3A_632 = arith.constant 15 : i32
        %broadcast_in_dim3A_633 = vector.broadcast %broadcast_in_dim3A_632 : i32 to vector<16xi32>
        tpu.vector_store_idx %arg15[%add3A_238, %broadcast_in_dim3A_633], %mul3A_625 : memref<512x16xf32, #tpu.memory_space<vmem>>[vector<16xi32>, vector<16xi32>], vector<16xf32>,
        %scan3A_634 = arith.constant 1 : i32
        %scan3A_635 = arith.addi %scan3A_234, %scan3A_634 : i32
        %iota3A_636 = tpu.iota {dimensions = array<i32: 0>} : vector<16xi32>
        %mul3A_637 = arith.constant 16 : i32
        %mul3A_638 = arith.muli %scan3A_635, %mul3A_637 : i32
        %add3A_639 = vector.broadcast %mul3A_638 : i32 to vector<16xi32>
        %add3A_640 = arith.addi %iota3A_636, %add3A_639 : vector<16xi32>
        %broadcast_in_dim3A_641 = arith.constant 0 : i32
        %broadcast_in_dim3A_642 = vector.broadcast %broadcast_in_dim3A_641 : i32 to vector<16xi32>
        %gather3A_643 = tpu.vector_load_idx %arg12[%add3A_640, %broadcast_in_dim3A_642] : memref<512x16xf32, #tpu.memory_space<vmem>>[vector<16xi32>, vector<16xi32>], vector<16xf32>,
        %broadcast_in_dim3A_644 = arith.constant 1 : i32
        %broadcast_in_dim3A_645 = vector.broadcast %broadcast_in_dim3A_644 : i32 to vector<16xi32>
        %gather3A_646 = tpu.vector_load_idx %arg12[%add3A_640, %broadcast_in_dim3A_645] : memref<512x16xf32, #tpu.memory_space<vmem>>[vector<16xi32>, vector<16xi32>], vector<16xf32>,
        %broadcast_in_dim3A_647 = arith.constant 2 : i32
        %broadcast_in_dim3A_648 = vector.broadcast %broadcast_in_dim3A_647 : i32 to vector<16xi32>
        %gather3A_649 = tpu.vector_load_idx %arg12[%add3A_640, %broadcast_in_dim3A_648] : memref<512x16xf32, #tpu.memory_space<vmem>>[vector<16xi32>, vector<16xi32>], vector<16xf32>,
        %broadcast_in_dim3A_650 = arith.constant 3 : i32
        %broadcast_in_dim3A_651 = vector.broadcast %broadcast_in_dim3A_650 : i32 to vector<16xi32>
        %gather3A_652 = tpu.vector_load_idx %arg12[%add3A_640, %broadcast_in_dim3A_651] : memref<512x16xf32, #tpu.memory_space<vmem>>[vector<16xi32>, vector<16xi32>], vector<16xf32>,
        %broadcast_in_dim3A_653 = arith.constant 4 : i32
        %broadcast_in_dim3A_654 = vector.broadcast %broadcast_in_dim3A_653 : i32 to vector<16xi32>
        %gather3A_655 = tpu.vector_load_idx %arg12[%add3A_640, %broadcast_in_dim3A_654] : memref<512x16xf32, #tpu.memory_space<vmem>>[vector<16xi32>, vector<16xi32>], vector<16xf32>,
        %broadcast_in_dim3A_656 = arith.constant 5 : i32
        %broadcast_in_dim3A_657 = vector.broadcast %broadcast_in_dim3A_656 : i32 to vector<16xi32>
        %gather3A_658 = tpu.vector_load_idx %arg12[%add3A_640, %broadcast_in_dim3A_657] : memref<512x16xf32, #tpu.memory_space<vmem>>[vector<16xi32>, vector<16xi32>], vector<16xf32>,
        %broadcast_in_dim3A_659 = arith.constant 6 : i32
        %broadcast_in_dim3A_660 = vector.broadcast %broadcast_in_dim3A_659 : i32 to vector<16xi32>
        %gather3A_661 = tpu.vector_load_idx %arg12[%add3A_640, %broadcast_in_dim3A_660] : memref<512x16xf32, #tpu.memory_space<vmem>>[vector<16xi32>, vector<16xi32>], vector<16xf32>,
        %broadcast_in_dim3A_662 = arith.constant 7 : i32
        %broadcast_in_dim3A_663 = vector.broadcast %broadcast_in_dim3A_662 : i32 to vector<16xi32>
        %gather3A_664 = tpu.vector_load_idx %arg12[%add3A_640, %broadcast_in_dim3A_663] : memref<512x16xf32, #tpu.memory_space<vmem>>[vector<16xi32>, vector<16xi32>], vector<16xf32>,
        %broadcast_in_dim3A_665 = arith.constant 8 : i32
        %broadcast_in_dim3A_666 = vector.broadcast %broadcast_in_dim3A_665 : i32 to vector<16xi32>
        %gather3A_667 = tpu.vector_load_idx %arg12[%add3A_640, %broadcast_in_dim3A_666] : memref<512x16xf32, #tpu.memory_space<vmem>>[vector<16xi32>, vector<16xi32>], vector<16xf32>,
        %broadcast_in_dim3A_668 = arith.constant 9 : i32
        %broadcast_in_dim3A_669 = vector.broadcast %broadcast_in_dim3A_668 : i32 to vector<16xi32>
        %gather3A_670 = tpu.vector_load_idx %arg12[%add3A_640, %broadcast_in_dim3A_669] : memref<512x16xf32, #tpu.memory_space<vmem>>[vector<16xi32>, vector<16xi32>], vector<16xf32>,
        %broadcast_in_dim3A_671 = arith.constant 10 : i32
        %broadcast_in_dim3A_672 = vector.broadcast %broadcast_in_dim3A_671 : i32 to vector<16xi32>
        %gather3A_673 = tpu.vector_load_idx %arg12[%add3A_640, %broadcast_in_dim3A_672] : memref<512x16xf32, #tpu.memory_space<vmem>>[vector<16xi32>, vector<16xi32>], vector<16xf32>,
        %broadcast_in_dim3A_674 = arith.constant 11 : i32
        %broadcast_in_dim3A_675 = vector.broadcast %broadcast_in_dim3A_674 : i32 to vector<16xi32>
        %gather3A_676 = tpu.vector_load_idx %arg12[%add3A_640, %broadcast_in_dim3A_675] : memref<512x16xf32, #tpu.memory_space<vmem>>[vector<16xi32>, vector<16xi32>], vector<16xf32>,
        %broadcast_in_dim3A_677 = arith.constant 12 : i32
        %broadcast_in_dim3A_678 = vector.broadcast %broadcast_in_dim3A_677 : i32 to vector<16xi32>
        %gather3A_679 = tpu.vector_load_idx %arg12[%add3A_640, %broadcast_in_dim3A_678] : memref<512x16xf32, #tpu.memory_space<vmem>>[vector<16xi32>, vector<16xi32>], vector<16xf32>,
        %broadcast_in_dim3A_680 = arith.constant 13 : i32
        %broadcast_in_dim3A_681 = vector.broadcast %broadcast_in_dim3A_680 : i32 to vector<16xi32>
        %gather3A_682 = tpu.vector_load_idx %arg12[%add3A_640, %broadcast_in_dim3A_681] : memref<512x16xf32, #tpu.memory_space<vmem>>[vector<16xi32>, vector<16xi32>], vector<16xf32>,
        %broadcast_in_dim3A_683 = arith.constant 14 : i32
        %broadcast_in_dim3A_684 = vector.broadcast %broadcast_in_dim3A_683 : i32 to vector<16xi32>
        %gather3A_685 = tpu.vector_load_idx %arg12[%add3A_640, %broadcast_in_dim3A_684] : memref<512x16xf32, #tpu.memory_space<vmem>>[vector<16xi32>, vector<16xi32>], vector<16xf32>,
        %broadcast_in_dim3A_686 = arith.constant 15 : i32
        %broadcast_in_dim3A_687 = vector.broadcast %broadcast_in_dim3A_686 : i32 to vector<16xi32>
        %gather3A_688 = tpu.vector_load_idx %arg12[%add3A_640, %broadcast_in_dim3A_687] : memref<512x16xf32, #tpu.memory_space<vmem>>[vector<16xi32>, vector<16xi32>], vector<16xf32>,
        %broadcast_in_dim3A_689 = arith.constant 0 : i32
        %broadcast_in_dim3A_690 = vector.broadcast %broadcast_in_dim3A_689 : i32 to vector<16xi32>
        %gather3A_691 = tpu.vector_load_idx %arg13[%add3A_640, %broadcast_in_dim3A_690] : memref<512x16xf32, #tpu.memory_space<vmem>>[vector<16xi32>, vector<16xi32>], vector<16xf32>,
        %broadcast_in_dim3A_692 = arith.constant 1 : i32
        %broadcast_in_dim3A_693 = vector.broadcast %broadcast_in_dim3A_692 : i32 to vector<16xi32>
        %gather3A_694 = tpu.vector_load_idx %arg13[%add3A_640, %broadcast_in_dim3A_693] : memref<512x16xf32, #tpu.memory_space<vmem>>[vector<16xi32>, vector<16xi32>], vector<16xf32>,
        %broadcast_in_dim3A_695 = arith.constant 2 : i32
        %broadcast_in_dim3A_696 = vector.broadcast %broadcast_in_dim3A_695 : i32 to vector<16xi32>
        %gather3A_697 = tpu.vector_load_idx %arg13[%add3A_640, %broadcast_in_dim3A_696] : memref<512x16xf32, #tpu.memory_space<vmem>>[vector<16xi32>, vector<16xi32>], vector<16xf32>,
        %broadcast_in_dim3A_698 = arith.constant 3 : i32
        %broadcast_in_dim3A_699 = vector.broadcast %broadcast_in_dim3A_698 : i32 to vector<16xi32>
        %gather3A_700 = tpu.vector_load_idx %arg13[%add3A_640, %broadcast_in_dim3A_699] : memref<512x16xf32, #tpu.memory_space<vmem>>[vector<16xi32>, vector<16xi32>], vector<16xf32>,
        %broadcast_in_dim3A_701 = arith.constant 4 : i32
        %broadcast_in_dim3A_702 = vector.broadcast %broadcast_in_dim3A_701 : i32 to vector<16xi32>
        %gather3A_703 = tpu.vector_load_idx %arg13[%add3A_640, %broadcast_in_dim3A_702] : memref<512x16xf32, #tpu.memory_space<vmem>>[vector<16xi32>, vector<16xi32>], vector<16xf32>,
        %broadcast_in_dim3A_704 = arith.constant 5 : i32
        %broadcast_in_dim3A_705 = vector.broadcast %broadcast_in_dim3A_704 : i32 to vector<16xi32>
        %gather3A_706 = tpu.vector_load_idx %arg13[%add3A_640, %broadcast_in_dim3A_705] : memref<512x16xf32, #tpu.memory_space<vmem>>[vector<16xi32>, vector<16xi32>], vector<16xf32>,
        %broadcast_in_dim3A_707 = arith.constant 6 : i32
        %broadcast_in_dim3A_708 = vector.broadcast %broadcast_in_dim3A_707 : i32 to vector<16xi32>
        %gather3A_709 = tpu.vector_load_idx %arg13[%add3A_640, %broadcast_in_dim3A_708] : memref<512x16xf32, #tpu.memory_space<vmem>>[vector<16xi32>, vector<16xi32>], vector<16xf32>,
        %broadcast_in_dim3A_710 = arith.constant 7 : i32
        %broadcast_in_dim3A_711 = vector.broadcast %broadcast_in_dim3A_710 : i32 to vector<16xi32>
        %gather3A_712 = tpu.vector_load_idx %arg13[%add3A_640, %broadcast_in_dim3A_711] : memref<512x16xf32, #tpu.memory_space<vmem>>[vector<16xi32>, vector<16xi32>], vector<16xf32>,
        %broadcast_in_dim3A_713 = arith.constant 8 : i32
        %broadcast_in_dim3A_714 = vector.broadcast %broadcast_in_dim3A_713 : i32 to vector<16xi32>
        %gather3A_715 = tpu.vector_load_idx %arg13[%add3A_640, %broadcast_in_dim3A_714] : memref<512x16xf32, #tpu.memory_space<vmem>>[vector<16xi32>, vector<16xi32>], vector<16xf32>,
        %broadcast_in_dim3A_716 = arith.constant 9 : i32
        %broadcast_in_dim3A_717 = vector.broadcast %broadcast_in_dim3A_716 : i32 to vector<16xi32>
        %gather3A_718 = tpu.vector_load_idx %arg13[%add3A_640, %broadcast_in_dim3A_717] : memref<512x16xf32, #tpu.memory_space<vmem>>[vector<16xi32>, vector<16xi32>], vector<16xf32>,
        %broadcast_in_dim3A_719 = arith.constant 10 : i32
        %broadcast_in_dim3A_720 = vector.broadcast %broadcast_in_dim3A_719 : i32 to vector<16xi32>
        %gather3A_721 = tpu.vector_load_idx %arg13[%add3A_640, %broadcast_in_dim3A_720] : memref<512x16xf32, #tpu.memory_space<vmem>>[vector<16xi32>, vector<16xi32>], vector<16xf32>,
        %broadcast_in_dim3A_722 = arith.constant 11 : i32
        %broadcast_in_dim3A_723 = vector.broadcast %broadcast_in_dim3A_722 : i32 to vector<16xi32>
        %gather3A_724 = tpu.vector_load_idx %arg13[%add3A_640, %broadcast_in_dim3A_723] : memref<512x16xf32, #tpu.memory_space<vmem>>[vector<16xi32>, vector<16xi32>], vector<16xf32>,
        %broadcast_in_dim3A_725 = arith.constant 12 : i32
        %broadcast_in_dim3A_726 = vector.broadcast %broadcast_in_dim3A_725 : i32 to vector<16xi32>
        %gather3A_727 = tpu.vector_load_idx %arg13[%add3A_640, %broadcast_in_dim3A_726] : memref<512x16xf32, #tpu.memory_space<vmem>>[vector<16xi32>, vector<16xi32>], vector<16xf32>,
        %broadcast_in_dim3A_728 = arith.constant 13 : i32
        %broadcast_in_dim3A_729 = vector.broadcast %broadcast_in_dim3A_728 : i32 to vector<16xi32>
        %gather3A_730 = tpu.vector_load_idx %arg13[%add3A_640, %broadcast_in_dim3A_729] : memref<512x16xf32, #tpu.memory_space<vmem>>[vector<16xi32>, vector<16xi32>], vector<16xf32>,
        %broadcast_in_dim3A_731 = arith.constant 14 : i32
        %broadcast_in_dim3A_732 = vector.broadcast %broadcast_in_dim3A_731 : i32 to vector<16xi32>
        %gather3A_733 = tpu.vector_load_idx %arg13[%add3A_640, %broadcast_in_dim3A_732] : memref<512x16xf32, #tpu.memory_space<vmem>>[vector<16xi32>, vector<16xi32>], vector<16xf32>,
        %broadcast_in_dim3A_734 = arith.constant 15 : i32
        %broadcast_in_dim3A_735 = vector.broadcast %broadcast_in_dim3A_734 : i32 to vector<16xi32>
        %gather3A_736 = tpu.vector_load_idx %arg13[%add3A_640, %broadcast_in_dim3A_735] : memref<512x16xf32, #tpu.memory_space<vmem>>[vector<16xi32>, vector<16xi32>], vector<16xf32>,
        %mul3A_737 = arith.mulf %gather3A_643, %gather3A_691 : vector<16xf32>
        %mul3A_738 = arith.mulf %gather3A_646, %gather3A_694 : vector<16xf32>
        %add3A_739 = arith.addf %mul3A_737, %mul3A_738 : vector<16xf32>
        %mul3A_740 = arith.mulf %gather3A_649, %gather3A_697 : vector<16xf32>
        %add3A_741 = arith.addf %add3A_739, %mul3A_740 : vector<16xf32>
        %mul3A_742 = arith.mulf %gather3A_652, %gather3A_700 : vector<16xf32>
        %add3A_743 = arith.addf %add3A_741, %mul3A_742 : vector<16xf32>
        %mul3A_744 = arith.mulf %gather3A_646, %gather3A_691 : vector<16xf32>
        %mul3A_745 = arith.mulf %gather3A_643, %gather3A_694 : vector<16xf32>
        %sub3A_746 = arith.subf %mul3A_744, %mul3A_745 : vector<16xf32>
        %mul3A_747 = arith.mulf %gather3A_649, %gather3A_700 : vector<16xf32>
        %sub3A_748 = arith.subf %sub3A_746, %mul3A_747 : vector<16xf32>
        %mul3A_749 = arith.mulf %gather3A_652, %gather3A_697 : vector<16xf32>
        %add3A_750 = arith.addf %sub3A_748, %mul3A_749 : vector<16xf32>
        %mul3A_751 = arith.mulf %gather3A_649, %gather3A_691 : vector<16xf32>
        %mul3A_752 = arith.mulf %gather3A_643, %gather3A_697 : vector<16xf32>
        %sub3A_753 = arith.subf %mul3A_751, %mul3A_752 : vector<16xf32>
        %mul3A_754 = arith.mulf %gather3A_646, %gather3A_700 : vector<16xf32>
        %add3A_755 = arith.addf %sub3A_753, %mul3A_754 : vector<16xf32>
        %mul3A_756 = arith.mulf %gather3A_652, %gather3A_694 : vector<16xf32>
        %sub3A_757 = arith.subf %add3A_755, %mul3A_756 : vector<16xf32>
        %mul3A_758 = arith.mulf %gather3A_652, %gather3A_691 : vector<16xf32>
        %mul3A_759 = arith.mulf %gather3A_643, %gather3A_700 : vector<16xf32>
        %sub3A_760 = arith.subf %mul3A_758, %mul3A_759 : vector<16xf32>
        %mul3A_761 = arith.mulf %gather3A_646, %gather3A_697 : vector<16xf32>
        %sub3A_762 = arith.subf %sub3A_760, %mul3A_761 : vector<16xf32>
        %mul3A_763 = arith.mulf %gather3A_649, %gather3A_694 : vector<16xf32>
        %add3A_764 = arith.addf %sub3A_762, %mul3A_763 : vector<16xf32>
        %mul3A_765 = arith.mulf %add3A_743, %add3A_743 : vector<16xf32>
        %mul3A_766 = arith.mulf %add3A_750, %add3A_750 : vector<16xf32>
        %add3A_767 = arith.addf %mul3A_765, %mul3A_766 : vector<16xf32>
        %mul3A_768 = arith.mulf %sub3A_757, %sub3A_757 : vector<16xf32>
        %add3A_769 = arith.addf %add3A_767, %mul3A_768 : vector<16xf32>
        %mul3A_770 = arith.mulf %add3A_764, %add3A_764 : vector<16xf32>
        %add3A_771 = arith.addf %add3A_769, %mul3A_770 : vector<16xf32>
        %bitcast3A_772 = vector.bitcast %add3A_771 : vector<16xf32> to vector<16xi32>
        %shift_right_arithmetic3A_773 = arith.constant 1 : i32
        %shift_right_arithmetic3A_774 = vector.broadcast %shift_right_arithmetic3A_773 : i32 to vector<16xi32>
        %shift_right_arithmetic3A_775 = arith.shrsi %bitcast3A_772, %shift_right_arithmetic3A_774 : vector<16xi32>
        %sub3A_776 = arith.constant 1597463007 : i32
        %sub3A_777 = vector.broadcast %sub3A_776 : i32 to vector<16xi32>
        %sub3A_778 = arith.subi %sub3A_777, %shift_right_arithmetic3A_775 : vector<16xi32>
        %bitcast3A_779 = vector.bitcast %sub3A_778 : vector<16xi32> to vector<16xf32>
        %mul3A_780 = arith.constant 5.000000e-01 : f32
        %mul3A_781 = vector.broadcast %mul3A_780 : f32 to vector<16xf32>
        %mul3A_782 = arith.mulf %add3A_771, %mul3A_781 : vector<16xf32>
        %mul3A_783 = arith.mulf %mul3A_782, %bitcast3A_779 : vector<16xf32>
        %mul3A_784 = arith.mulf %mul3A_783, %bitcast3A_779 : vector<16xf32>
        %sub3A_785 = arith.constant 1.500000e+00 : f32
        %sub3A_786 = vector.broadcast %sub3A_785 : f32 to vector<16xf32>
        %sub3A_787 = arith.subf %sub3A_786, %mul3A_784 : vector<16xf32>
        %mul3A_788 = arith.mulf %bitcast3A_779, %sub3A_787 : vector<16xf32>
        %mul3A_789 = arith.mulf %mul3A_782, %mul3A_788 : vector<16xf32>
        %mul3A_790 = arith.mulf %mul3A_789, %mul3A_788 : vector<16xf32>
        %sub3A_791 = arith.constant 1.500000e+00 : f32
        %sub3A_792 = vector.broadcast %sub3A_791 : f32 to vector<16xf32>
        %sub3A_793 = arith.subf %sub3A_792, %mul3A_790 : vector<16xf32>
        %mul3A_794 = arith.mulf %mul3A_788, %sub3A_793 : vector<16xf32>
        %mul3A_795 = arith.mulf %mul3A_782, %mul3A_794 : vector<16xf32>
        %mul3A_796 = arith.mulf %mul3A_795, %mul3A_794 : vector<16xf32>
        %sub3A_797 = arith.constant 1.500000e+00 : f32
        %sub3A_798 = vector.broadcast %sub3A_797 : f32 to vector<16xf32>
        %sub3A_799 = arith.subf %sub3A_798, %mul3A_796 : vector<16xf32>
        %mul3A_800 = arith.mulf %mul3A_794, %sub3A_799 : vector<16xf32>
        %mul3A_801 = arith.mulf %add3A_743, %mul3A_800 : vector<16xf32>
        %mul3A_802 = arith.mulf %add3A_750, %mul3A_800 : vector<16xf32>
        %mul3A_803 = arith.mulf %sub3A_757, %mul3A_800 : vector<16xf32>
        %mul3A_804 = arith.mulf %add3A_764, %mul3A_800 : vector<16xf32>
        %broadcast_in_dim3A_805 = arith.constant 0 : i32
        %broadcast_in_dim3A_806 = vector.broadcast %broadcast_in_dim3A_805 : i32 to vector<16xi32>
        tpu.vector_store_idx %arg15[%add3A_640, %broadcast_in_dim3A_806], %mul3A_801 : memref<512x16xf32, #tpu.memory_space<vmem>>[vector<16xi32>, vector<16xi32>], vector<16xf32>,
        %broadcast_in_dim3A_807 = arith.constant 1 : i32
        %broadcast_in_dim3A_808 = vector.broadcast %broadcast_in_dim3A_807 : i32 to vector<16xi32>
        tpu.vector_store_idx %arg15[%add3A_640, %broadcast_in_dim3A_808], %mul3A_802 : memref<512x16xf32, #tpu.memory_space<vmem>>[vector<16xi32>, vector<16xi32>], vector<16xf32>,
        %broadcast_in_dim3A_809 = arith.constant 2 : i32
        %broadcast_in_dim3A_810 = vector.broadcast %broadcast_in_dim3A_809 : i32 to vector<16xi32>
        tpu.vector_store_idx %arg15[%add3A_640, %broadcast_in_dim3A_810], %mul3A_803 : memref<512x16xf32, #tpu.memory_space<vmem>>[vector<16xi32>, vector<16xi32>], vector<16xf32>,
        %broadcast_in_dim3A_811 = arith.constant 3 : i32
        %broadcast_in_dim3A_812 = vector.broadcast %broadcast_in_dim3A_811 : i32 to vector<16xi32>
        tpu.vector_store_idx %arg15[%add3A_640, %broadcast_in_dim3A_812], %mul3A_804 : memref<512x16xf32, #tpu.memory_space<vmem>>[vector<16xi32>, vector<16xi32>], vector<16xf32>,
        %mul3A_813 = arith.mulf %gather3A_655, %gather3A_703 : vector<16xf32>
        %mul3A_814 = arith.mulf %gather3A_658, %gather3A_706 : vector<16xf32>
        %add3A_815 = arith.addf %mul3A_813, %mul3A_814 : vector<16xf32>
        %mul3A_816 = arith.mulf %gather3A_661, %gather3A_709 : vector<16xf32>
        %add3A_817 = arith.addf %add3A_815, %mul3A_816 : vector<16xf32>
        %mul3A_818 = arith.mulf %gather3A_664, %gather3A_712 : vector<16xf32>
        %add3A_819 = arith.addf %add3A_817, %mul3A_818 : vector<16xf32>
        %mul3A_820 = arith.mulf %gather3A_658, %gather3A_703 : vector<16xf32>
        %mul3A_821 = arith.mulf %gather3A_655, %gather3A_706 : vector<16xf32>
        %sub3A_822 = arith.subf %mul3A_820, %mul3A_821 : vector<16xf32>
        %mul3A_823 = arith.mulf %gather3A_661, %gather3A_712 : vector<16xf32>
        %sub3A_824 = arith.subf %sub3A_822, %mul3A_823 : vector<16xf32>
        %mul3A_825 = arith.mulf %gather3A_664, %gather3A_709 : vector<16xf32>
        %add3A_826 = arith.addf %sub3A_824, %mul3A_825 : vector<16xf32>
        %mul3A_827 = arith.mulf %gather3A_661, %gather3A_703 : vector<16xf32>
        %mul3A_828 = arith.mulf %gather3A_655, %gather3A_709 : vector<16xf32>
        %sub3A_829 = arith.subf %mul3A_827, %mul3A_828 : vector<16xf32>
        %mul3A_830 = arith.mulf %gather3A_658, %gather3A_712 : vector<16xf32>
        %add3A_831 = arith.addf %sub3A_829, %mul3A_830 : vector<16xf32>
        %mul3A_832 = arith.mulf %gather3A_664, %gather3A_706 : vector<16xf32>
        %sub3A_833 = arith.subf %add3A_831, %mul3A_832 : vector<16xf32>
        %mul3A_834 = arith.mulf %gather3A_664, %gather3A_703 : vector<16xf32>
        %mul3A_835 = arith.mulf %gather3A_655, %gather3A_712 : vector<16xf32>
        %sub3A_836 = arith.subf %mul3A_834, %mul3A_835 : vector<16xf32>
        %mul3A_837 = arith.mulf %gather3A_658, %gather3A_709 : vector<16xf32>
        %sub3A_838 = arith.subf %sub3A_836, %mul3A_837 : vector<16xf32>
        %mul3A_839 = arith.mulf %gather3A_661, %gather3A_706 : vector<16xf32>
        %add3A_840 = arith.addf %sub3A_838, %mul3A_839 : vector<16xf32>
        %mul3A_841 = arith.mulf %add3A_819, %add3A_819 : vector<16xf32>
        %mul3A_842 = arith.mulf %add3A_826, %add3A_826 : vector<16xf32>
        %add3A_843 = arith.addf %mul3A_841, %mul3A_842 : vector<16xf32>
        %mul3A_844 = arith.mulf %sub3A_833, %sub3A_833 : vector<16xf32>
        %add3A_845 = arith.addf %add3A_843, %mul3A_844 : vector<16xf32>
        %mul3A_846 = arith.mulf %add3A_840, %add3A_840 : vector<16xf32>
        %add3A_847 = arith.addf %add3A_845, %mul3A_846 : vector<16xf32>
        %bitcast3A_848 = vector.bitcast %add3A_847 : vector<16xf32> to vector<16xi32>
        %shift_right_arithmetic3A_849 = arith.constant 1 : i32
        %shift_right_arithmetic3A_850 = vector.broadcast %shift_right_arithmetic3A_849 : i32 to vector<16xi32>
        %shift_right_arithmetic3A_851 = arith.shrsi %bitcast3A_848, %shift_right_arithmetic3A_850 : vector<16xi32>
        %sub3A_852 = arith.constant 1597463007 : i32
        %sub3A_853 = vector.broadcast %sub3A_852 : i32 to vector<16xi32>
        %sub3A_854 = arith.subi %sub3A_853, %shift_right_arithmetic3A_851 : vector<16xi32>
        %bitcast3A_855 = vector.bitcast %sub3A_854 : vector<16xi32> to vector<16xf32>
        %mul3A_856 = arith.constant 5.000000e-01 : f32
        %mul3A_857 = vector.broadcast %mul3A_856 : f32 to vector<16xf32>
        %mul3A_858 = arith.mulf %add3A_847, %mul3A_857 : vector<16xf32>
        %mul3A_859 = arith.mulf %mul3A_858, %bitcast3A_855 : vector<16xf32>
        %mul3A_860 = arith.mulf %mul3A_859, %bitcast3A_855 : vector<16xf32>
        %sub3A_861 = arith.constant 1.500000e+00 : f32
        %sub3A_862 = vector.broadcast %sub3A_861 : f32 to vector<16xf32>
        %sub3A_863 = arith.subf %sub3A_862, %mul3A_860 : vector<16xf32>
        %mul3A_864 = arith.mulf %bitcast3A_855, %sub3A_863 : vector<16xf32>
        %mul3A_865 = arith.mulf %mul3A_858, %mul3A_864 : vector<16xf32>
        %mul3A_866 = arith.mulf %mul3A_865, %mul3A_864 : vector<16xf32>
        %sub3A_867 = arith.constant 1.500000e+00 : f32
        %sub3A_868 = vector.broadcast %sub3A_867 : f32 to vector<16xf32>
        %sub3A_869 = arith.subf %sub3A_868, %mul3A_866 : vector<16xf32>
        %mul3A_870 = arith.mulf %mul3A_864, %sub3A_869 : vector<16xf32>
        %mul3A_871 = arith.mulf %mul3A_858, %mul3A_870 : vector<16xf32>
        %mul3A_872 = arith.mulf %mul3A_871, %mul3A_870 : vector<16xf32>
        %sub3A_873 = arith.constant 1.500000e+00 : f32
        %sub3A_874 = vector.broadcast %sub3A_873 : f32 to vector<16xf32>
        %sub3A_875 = arith.subf %sub3A_874, %mul3A_872 : vector<16xf32>
        %mul3A_876 = arith.mulf %mul3A_870, %sub3A_875 : vector<16xf32>
        %mul3A_877 = arith.mulf %add3A_819, %mul3A_876 : vector<16xf32>
        %mul3A_878 = arith.mulf %add3A_826, %mul3A_876 : vector<16xf32>
        %mul3A_879 = arith.mulf %sub3A_833, %mul3A_876 : vector<16xf32>
        %mul3A_880 = arith.mulf %add3A_840, %mul3A_876 : vector<16xf32>
        %broadcast_in_dim3A_881 = arith.constant 4 : i32
        %broadcast_in_dim3A_882 = vector.broadcast %broadcast_in_dim3A_881 : i32 to vector<16xi32>
        tpu.vector_store_idx %arg15[%add3A_640, %broadcast_in_dim3A_882], %mul3A_877 : memref<512x16xf32, #tpu.memory_space<vmem>>[vector<16xi32>, vector<16xi32>], vector<16xf32>,
        %broadcast_in_dim3A_883 = arith.constant 5 : i32
        %broadcast_in_dim3A_884 = vector.broadcast %broadcast_in_dim3A_883 : i32 to vector<16xi32>
        tpu.vector_store_idx %arg15[%add3A_640, %broadcast_in_dim3A_884], %mul3A_878 : memref<512x16xf32, #tpu.memory_space<vmem>>[vector<16xi32>, vector<16xi32>], vector<16xf32>,
        %broadcast_in_dim3A_885 = arith.constant 6 : i32
        %broadcast_in_dim3A_886 = vector.broadcast %broadcast_in_dim3A_885 : i32 to vector<16xi32>
        tpu.vector_store_idx %arg15[%add3A_640, %broadcast_in_dim3A_886], %mul3A_879 : memref<512x16xf32, #tpu.memory_space<vmem>>[vector<16xi32>, vector<16xi32>], vector<16xf32>,
        %broadcast_in_dim3A_887 = arith.constant 7 : i32
        %broadcast_in_dim3A_888 = vector.broadcast %broadcast_in_dim3A_887 : i32 to vector<16xi32>
        tpu.vector_store_idx %arg15[%add3A_640, %broadcast_in_dim3A_888], %mul3A_880 : memref<512x16xf32, #tpu.memory_space<vmem>>[vector<16xi32>, vector<16xi32>], vector<16xf32>,
        %mul3A_889 = arith.mulf %gather3A_667, %gather3A_715 : vector<16xf32>
        %mul3A_890 = arith.mulf %gather3A_670, %gather3A_718 : vector<16xf32>
        %add3A_891 = arith.addf %mul3A_889, %mul3A_890 : vector<16xf32>
        %mul3A_892 = arith.mulf %gather3A_673, %gather3A_721 : vector<16xf32>
        %add3A_893 = arith.addf %add3A_891, %mul3A_892 : vector<16xf32>
        %mul3A_894 = arith.mulf %gather3A_676, %gather3A_724 : vector<16xf32>
        %add3A_895 = arith.addf %add3A_893, %mul3A_894 : vector<16xf32>
        %mul3A_896 = arith.mulf %gather3A_670, %gather3A_715 : vector<16xf32>
        %mul3A_897 = arith.mulf %gather3A_667, %gather3A_718 : vector<16xf32>
        %sub3A_898 = arith.subf %mul3A_896, %mul3A_897 : vector<16xf32>
        %mul3A_899 = arith.mulf %gather3A_673, %gather3A_724 : vector<16xf32>
        %sub3A_900 = arith.subf %sub3A_898, %mul3A_899 : vector<16xf32>
        %mul3A_901 = arith.mulf %gather3A_676, %gather3A_721 : vector<16xf32>
        %add3A_902 = arith.addf %sub3A_900, %mul3A_901 : vector<16xf32>
        %mul3A_903 = arith.mulf %gather3A_673, %gather3A_715 : vector<16xf32>
        %mul3A_904 = arith.mulf %gather3A_667, %gather3A_721 : vector<16xf32>
        %sub3A_905 = arith.subf %mul3A_903, %mul3A_904 : vector<16xf32>
        %mul3A_906 = arith.mulf %gather3A_670, %gather3A_724 : vector<16xf32>
        %add3A_907 = arith.addf %sub3A_905, %mul3A_906 : vector<16xf32>
        %mul3A_908 = arith.mulf %gather3A_676, %gather3A_718 : vector<16xf32>
        %sub3A_909 = arith.subf %add3A_907, %mul3A_908 : vector<16xf32>
        %mul3A_910 = arith.mulf %gather3A_676, %gather3A_715 : vector<16xf32>
        %mul3A_911 = arith.mulf %gather3A_667, %gather3A_724 : vector<16xf32>
        %sub3A_912 = arith.subf %mul3A_910, %mul3A_911 : vector<16xf32>
        %mul3A_913 = arith.mulf %gather3A_670, %gather3A_721 : vector<16xf32>
        %sub3A_914 = arith.subf %sub3A_912, %mul3A_913 : vector<16xf32>
        %mul3A_915 = arith.mulf %gather3A_673, %gather3A_718 : vector<16xf32>
        %add3A_916 = arith.addf %sub3A_914, %mul3A_915 : vector<16xf32>
        %mul3A_917 = arith.mulf %add3A_895, %add3A_895 : vector<16xf32>
        %mul3A_918 = arith.mulf %add3A_902, %add3A_902 : vector<16xf32>
        %add3A_919 = arith.addf %mul3A_917, %mul3A_918 : vector<16xf32>
        %mul3A_920 = arith.mulf %sub3A_909, %sub3A_909 : vector<16xf32>
        %add3A_921 = arith.addf %add3A_919, %mul3A_920 : vector<16xf32>
        %mul3A_922 = arith.mulf %add3A_916, %add3A_916 : vector<16xf32>
        %add3A_923 = arith.addf %add3A_921, %mul3A_922 : vector<16xf32>
        %bitcast3A_924 = vector.bitcast %add3A_923 : vector<16xf32> to vector<16xi32>
        %shift_right_arithmetic3A_925 = arith.constant 1 : i32
        %shift_right_arithmetic3A_926 = vector.broadcast %shift_right_arithmetic3A_925 : i32 to vector<16xi32>
        %shift_right_arithmetic3A_927 = arith.shrsi %bitcast3A_924, %shift_right_arithmetic3A_926 : vector<16xi32>
        %sub3A_928 = arith.constant 1597463007 : i32
        %sub3A_929 = vector.broadcast %sub3A_928 : i32 to vector<16xi32>
        %sub3A_930 = arith.subi %sub3A_929, %shift_right_arithmetic3A_927 : vector<16xi32>
        %bitcast3A_931 = vector.bitcast %sub3A_930 : vector<16xi32> to vector<16xf32>
        %mul3A_932 = arith.constant 5.000000e-01 : f32
        %mul3A_933 = vector.broadcast %mul3A_932 : f32 to vector<16xf32>
        %mul3A_934 = arith.mulf %add3A_923, %mul3A_933 : vector<16xf32>
        %mul3A_935 = arith.mulf %mul3A_934, %bitcast3A_931 : vector<16xf32>
        %mul3A_936 = arith.mulf %mul3A_935, %bitcast3A_931 : vector<16xf32>
        %sub3A_937 = arith.constant 1.500000e+00 : f32
        %sub3A_938 = vector.broadcast %sub3A_937 : f32 to vector<16xf32>
        %sub3A_939 = arith.subf %sub3A_938, %mul3A_936 : vector<16xf32>
        %mul3A_940 = arith.mulf %bitcast3A_931, %sub3A_939 : vector<16xf32>
        %mul3A_941 = arith.mulf %mul3A_934, %mul3A_940 : vector<16xf32>
        %mul3A_942 = arith.mulf %mul3A_941, %mul3A_940 : vector<16xf32>
        %sub3A_943 = arith.constant 1.500000e+00 : f32
        %sub3A_944 = vector.broadcast %sub3A_943 : f32 to vector<16xf32>
        %sub3A_945 = arith.subf %sub3A_944, %mul3A_942 : vector<16xf32>
        %mul3A_946 = arith.mulf %mul3A_940, %sub3A_945 : vector<16xf32>
        %mul3A_947 = arith.mulf %mul3A_934, %mul3A_946 : vector<16xf32>
        %mul3A_948 = arith.mulf %mul3A_947, %mul3A_946 : vector<16xf32>
        %sub3A_949 = arith.constant 1.500000e+00 : f32
        %sub3A_950 = vector.broadcast %sub3A_949 : f32 to vector<16xf32>
        %sub3A_951 = arith.subf %sub3A_950, %mul3A_948 : vector<16xf32>
        %mul3A_952 = arith.mulf %mul3A_946, %sub3A_951 : vector<16xf32>
        %mul3A_953 = arith.mulf %add3A_895, %mul3A_952 : vector<16xf32>
        %mul3A_954 = arith.mulf %add3A_902, %mul3A_952 : vector<16xf32>
        %mul3A_955 = arith.mulf %sub3A_909, %mul3A_952 : vector<16xf32>
        %mul3A_956 = arith.mulf %add3A_916, %mul3A_952 : vector<16xf32>
        %broadcast_in_dim3A_957 = arith.constant 8 : i32
        %broadcast_in_dim3A_958 = vector.broadcast %broadcast_in_dim3A_957 : i32 to vector<16xi32>
        tpu.vector_store_idx %arg15[%add3A_640, %broadcast_in_dim3A_958], %mul3A_953 : memref<512x16xf32, #tpu.memory_space<vmem>>[vector<16xi32>, vector<16xi32>], vector<16xf32>,
        %broadcast_in_dim3A_959 = arith.constant 9 : i32
        %broadcast_in_dim3A_960 = vector.broadcast %broadcast_in_dim3A_959 : i32 to vector<16xi32>
        tpu.vector_store_idx %arg15[%add3A_640, %broadcast_in_dim3A_960], %mul3A_954 : memref<512x16xf32, #tpu.memory_space<vmem>>[vector<16xi32>, vector<16xi32>], vector<16xf32>,
        %broadcast_in_dim3A_961 = arith.constant 10 : i32
        %broadcast_in_dim3A_962 = vector.broadcast %broadcast_in_dim3A_961 : i32 to vector<16xi32>
        tpu.vector_store_idx %arg15[%add3A_640, %broadcast_in_dim3A_962], %mul3A_955 : memref<512x16xf32, #tpu.memory_space<vmem>>[vector<16xi32>, vector<16xi32>], vector<16xf32>,
        %broadcast_in_dim3A_963 = arith.constant 11 : i32
        %broadcast_in_dim3A_964 = vector.broadcast %broadcast_in_dim3A_963 : i32 to vector<16xi32>
        tpu.vector_store_idx %arg15[%add3A_640, %broadcast_in_dim3A_964], %mul3A_956 : memref<512x16xf32, #tpu.memory_space<vmem>>[vector<16xi32>, vector<16xi32>], vector<16xf32>,
        %mul3A_965 = arith.mulf %gather3A_679, %gather3A_727 : vector<16xf32>
        %mul3A_966 = arith.mulf %gather3A_682, %gather3A_730 : vector<16xf32>
        %add3A_967 = arith.addf %mul3A_965, %mul3A_966 : vector<16xf32>
        %mul3A_968 = arith.mulf %gather3A_685, %gather3A_733 : vector<16xf32>
        %add3A_969 = arith.addf %add3A_967, %mul3A_968 : vector<16xf32>
        %mul3A_970 = arith.mulf %gather3A_688, %gather3A_736 : vector<16xf32>
        %add3A_971 = arith.addf %add3A_969, %mul3A_970 : vector<16xf32>
        %mul3A_972 = arith.mulf %gather3A_682, %gather3A_727 : vector<16xf32>
        %mul3A_973 = arith.mulf %gather3A_679, %gather3A_730 : vector<16xf32>
        %sub3A_974 = arith.subf %mul3A_972, %mul3A_973 : vector<16xf32>
        %mul3A_975 = arith.mulf %gather3A_685, %gather3A_736 : vector<16xf32>
        %sub3A_976 = arith.subf %sub3A_974, %mul3A_975 : vector<16xf32>
        %mul3A_977 = arith.mulf %gather3A_688, %gather3A_733 : vector<16xf32>
        %add3A_978 = arith.addf %sub3A_976, %mul3A_977 : vector<16xf32>
        %mul3A_979 = arith.mulf %gather3A_685, %gather3A_727 : vector<16xf32>
        %mul3A_980 = arith.mulf %gather3A_679, %gather3A_733 : vector<16xf32>
        %sub3A_981 = arith.subf %mul3A_979, %mul3A_980 : vector<16xf32>
        %mul3A_982 = arith.mulf %gather3A_682, %gather3A_736 : vector<16xf32>
        %add3A_983 = arith.addf %sub3A_981, %mul3A_982 : vector<16xf32>
        %mul3A_984 = arith.mulf %gather3A_688, %gather3A_730 : vector<16xf32>
        %sub3A_985 = arith.subf %add3A_983, %mul3A_984 : vector<16xf32>
        %mul3A_986 = arith.mulf %gather3A_688, %gather3A_727 : vector<16xf32>
        %mul3A_987 = arith.mulf %gather3A_679, %gather3A_736 : vector<16xf32>
        %sub3A_988 = arith.subf %mul3A_986, %mul3A_987 : vector<16xf32>
        %mul3A_989 = arith.mulf %gather3A_682, %gather3A_733 : vector<16xf32>
        %sub3A_990 = arith.subf %sub3A_988, %mul3A_989 : vector<16xf32>
        %mul3A_991 = arith.mulf %gather3A_685, %gather3A_730 : vector<16xf32>
        %add3A_992 = arith.addf %sub3A_990, %mul3A_991 : vector<16xf32>
        %mul3A_993 = arith.mulf %add3A_971, %add3A_971 : vector<16xf32>
        %mul3A_994 = arith.mulf %add3A_978, %add3A_978 : vector<16xf32>
        %add3A_995 = arith.addf %mul3A_993, %mul3A_994 : vector<16xf32>
        %mul3A_996 = arith.mulf %sub3A_985, %sub3A_985 : vector<16xf32>
        %add3A_997 = arith.addf %add3A_995, %mul3A_996 : vector<16xf32>
        %mul3A_998 = arith.mulf %add3A_992, %add3A_992 : vector<16xf32>
        %add3A_999 = arith.addf %add3A_997, %mul3A_998 : vector<16xf32>
        %bitcast3A_1000 = vector.bitcast %add3A_999 : vector<16xf32> to vector<16xi32>
        %shift_right_arithmetic3A_1001 = arith.constant 1 : i32
        %shift_right_arithmetic3A_1002 = vector.broadcast %shift_right_arithmetic3A_1001 : i32 to vector<16xi32>
        %shift_right_arithmetic3A_1003 = arith.shrsi %bitcast3A_1000, %shift_right_arithmetic3A_1002 : vector<16xi32>
        %sub3A_1004 = arith.constant 1597463007 : i32
        %sub3A_1005 = vector.broadcast %sub3A_1004 : i32 to vector<16xi32>
        %sub3A_1006 = arith.subi %sub3A_1005, %shift_right_arithmetic3A_1003 : vector<16xi32>
        %bitcast3A_1007 = vector.bitcast %sub3A_1006 : vector<16xi32> to vector<16xf32>
        %mul3A_1008 = arith.constant 5.000000e-01 : f32
        %mul3A_1009 = vector.broadcast %mul3A_1008 : f32 to vector<16xf32>
        %mul3A_1010 = arith.mulf %add3A_999, %mul3A_1009 : vector<16xf32>
        %mul3A_1011 = arith.mulf %mul3A_1010, %bitcast3A_1007 : vector<16xf32>
        %mul3A_1012 = arith.mulf %mul3A_1011, %bitcast3A_1007 : vector<16xf32>
        %sub3A_1013 = arith.constant 1.500000e+00 : f32
        %sub3A_1014 = vector.broadcast %sub3A_1013 : f32 to vector<16xf32>
        %sub3A_1015 = arith.subf %sub3A_1014, %mul3A_1012 : vector<16xf32>
        %mul3A_1016 = arith.mulf %bitcast3A_1007, %sub3A_1015 : vector<16xf32>
        %mul3A_1017 = arith.mulf %mul3A_1010, %mul3A_1016 : vector<16xf32>
        %mul3A_1018 = arith.mulf %mul3A_1017, %mul3A_1016 : vector<16xf32>
        %sub3A_1019 = arith.constant 1.500000e+00 : f32
        %sub3A_1020 = vector.broadcast %sub3A_1019 : f32 to vector<16xf32>
        %sub3A_1021 = arith.subf %sub3A_1020, %mul3A_1018 : vector<16xf32>
        %mul3A_1022 = arith.mulf %mul3A_1016, %sub3A_1021 : vector<16xf32>
        %mul3A_1023 = arith.mulf %mul3A_1010, %mul3A_1022 : vector<16xf32>
        %mul3A_1024 = arith.mulf %mul3A_1023, %mul3A_1022 : vector<16xf32>
        %sub3A_1025 = arith.constant 1.500000e+00 : f32
        %sub3A_1026 = vector.broadcast %sub3A_1025 : f32 to vector<16xf32>
        %sub3A_1027 = arith.subf %sub3A_1026, %mul3A_1024 : vector<16xf32>
        %mul3A_1028 = arith.mulf %mul3A_1022, %sub3A_1027 : vector<16xf32>
        %mul3A_1029 = arith.mulf %add3A_971, %mul3A_1028 : vector<16xf32>
        %mul3A_1030 = arith.mulf %add3A_978, %mul3A_1028 : vector<16xf32>
        %mul3A_1031 = arith.mulf %sub3A_985, %mul3A_1028 : vector<16xf32>
        %mul3A_1032 = arith.mulf %add3A_992, %mul3A_1028 : vector<16xf32>
        %broadcast_in_dim3A_1033 = arith.constant 12 : i32
        %broadcast_in_dim3A_1034 = vector.broadcast %broadcast_in_dim3A_1033 : i32 to vector<16xi32>
        tpu.vector_store_idx %arg15[%add3A_640, %broadcast_in_dim3A_1034], %mul3A_1029 : memref<512x16xf32, #tpu.memory_space<vmem>>[vector<16xi32>, vector<16xi32>], vector<16xf32>,
        %broadcast_in_dim3A_1035 = arith.constant 13 : i32
        %broadcast_in_dim3A_1036 = vector.broadcast %broadcast_in_dim3A_1035 : i32 to vector<16xi32>
        tpu.vector_store_idx %arg15[%add3A_640, %broadcast_in_dim3A_1036], %mul3A_1030 : memref<512x16xf32, #tpu.memory_space<vmem>>[vector<16xi32>, vector<16xi32>], vector<16xf32>,
        %broadcast_in_dim3A_1037 = arith.constant 14 : i32
        %broadcast_in_dim3A_1038 = vector.broadcast %broadcast_in_dim3A_1037 : i32 to vector<16xi32>
        tpu.vector_store_idx %arg15[%add3A_640, %broadcast_in_dim3A_1038], %mul3A_1031 : memref<512x16xf32, #tpu.memory_space<vmem>>[vector<16xi32>, vector<16xi32>], vector<16xf32>,
        %broadcast_in_dim3A_1039 = arith.constant 15 : i32
        %broadcast_in_dim3A_1040 = vector.broadcast %broadcast_in_dim3A_1039 : i32 to vector<16xi32>
        tpu.vector_store_idx %arg15[%add3A_640, %broadcast_in_dim3A_1040], %mul3A_1032 : memref<512x16xf32, #tpu.memory_space<vmem>>[vector<16xi32>, vector<16xi32>], vector<16xf32>,
        %scan3A_1041 = arith.constant 2 : i32
        %scan3A_1042 = arith.addi %scan3A_234, %scan3A_1041 : i32
        %iota3A_1043 = tpu.iota {dimensions = array<i32: 0>} : vector<16xi32>
        %mul3A_1044 = arith.constant 16 : i32
        %mul3A_1045 = arith.muli %scan3A_1042, %mul3A_1044 : i32
        %add3A_1046 = vector.broadcast %mul3A_1045 : i32 to vector<16xi32>
        %add3A_1047 = arith.addi %iota3A_1043, %add3A_1046 : vector<16xi32>
        %broadcast_in_dim3A_1048 = arith.constant 0 : i32
        %broadcast_in_dim3A_1049 = vector.broadcast %broadcast_in_dim3A_1048 : i32 to vector<16xi32>
        %gather3A_1050 = tpu.vector_load_idx %arg12[%add3A_1047, %broadcast_in_dim3A_1049] : memref<512x16xf32, #tpu.memory_space<vmem>>[vector<16xi32>, vector<16xi32>], vector<16xf32>,
        %broadcast_in_dim3A_1051 = arith.constant 1 : i32
        %broadcast_in_dim3A_1052 = vector.broadcast %broadcast_in_dim3A_1051 : i32 to vector<16xi32>
        %gather3A_1053 = tpu.vector_load_idx %arg12[%add3A_1047, %broadcast_in_dim3A_1052] : memref<512x16xf32, #tpu.memory_space<vmem>>[vector<16xi32>, vector<16xi32>], vector<16xf32>,
        %broadcast_in_dim3A_1054 = arith.constant 2 : i32
        %broadcast_in_dim3A_1055 = vector.broadcast %broadcast_in_dim3A_1054 : i32 to vector<16xi32>
        %gather3A_1056 = tpu.vector_load_idx %arg12[%add3A_1047, %broadcast_in_dim3A_1055] : memref<512x16xf32, #tpu.memory_space<vmem>>[vector<16xi32>, vector<16xi32>], vector<16xf32>,
        %broadcast_in_dim3A_1057 = arith.constant 3 : i32
        %broadcast_in_dim3A_1058 = vector.broadcast %broadcast_in_dim3A_1057 : i32 to vector<16xi32>
        %gather3A_1059 = tpu.vector_load_idx %arg12[%add3A_1047, %broadcast_in_dim3A_1058] : memref<512x16xf32, #tpu.memory_space<vmem>>[vector<16xi32>, vector<16xi32>], vector<16xf32>,
        %broadcast_in_dim3A_1060 = arith.constant 4 : i32
        %broadcast_in_dim3A_1061 = vector.broadcast %broadcast_in_dim3A_1060 : i32 to vector<16xi32>
        %gather3A_1062 = tpu.vector_load_idx %arg12[%add3A_1047, %broadcast_in_dim3A_1061] : memref<512x16xf32, #tpu.memory_space<vmem>>[vector<16xi32>, vector<16xi32>], vector<16xf32>,
        %broadcast_in_dim3A_1063 = arith.constant 5 : i32
        %broadcast_in_dim3A_1064 = vector.broadcast %broadcast_in_dim3A_1063 : i32 to vector<16xi32>
        %gather3A_1065 = tpu.vector_load_idx %arg12[%add3A_1047, %broadcast_in_dim3A_1064] : memref<512x16xf32, #tpu.memory_space<vmem>>[vector<16xi32>, vector<16xi32>], vector<16xf32>,
        %broadcast_in_dim3A_1066 = arith.constant 6 : i32
        %broadcast_in_dim3A_1067 = vector.broadcast %broadcast_in_dim3A_1066 : i32 to vector<16xi32>
        %gather3A_1068 = tpu.vector_load_idx %arg12[%add3A_1047, %broadcast_in_dim3A_1067] : memref<512x16xf32, #tpu.memory_space<vmem>>[vector<16xi32>, vector<16xi32>], vector<16xf32>,
        %broadcast_in_dim3A_1069 = arith.constant 7 : i32
        %broadcast_in_dim3A_1070 = vector.broadcast %broadcast_in_dim3A_1069 : i32 to vector<16xi32>
        %gather3A_1071 = tpu.vector_load_idx %arg12[%add3A_1047, %broadcast_in_dim3A_1070] : memref<512x16xf32, #tpu.memory_space<vmem>>[vector<16xi32>, vector<16xi32>], vector<16xf32>,
        %broadcast_in_dim3A_1072 = arith.constant 8 : i32
        %broadcast_in_dim3A_1073 = vector.broadcast %broadcast_in_dim3A_1072 : i32 to vector<16xi32>
        %gather3A_1074 = tpu.vector_load_idx %arg12[%add3A_1047, %broadcast_in_dim3A_1073] : memref<512x16xf32, #tpu.memory_space<vmem>>[vector<16xi32>, vector<16xi32>], vector<16xf32>,
        %broadcast_in_dim3A_1075 = arith.constant 9 : i32
        %broadcast_in_dim3A_1076 = vector.broadcast %broadcast_in_dim3A_1075 : i32 to vector<16xi32>
        %gather3A_1077 = tpu.vector_load_idx %arg12[%add3A_1047, %broadcast_in_dim3A_1076] : memref<512x16xf32, #tpu.memory_space<vmem>>[vector<16xi32>, vector<16xi32>], vector<16xf32>,
        %broadcast_in_dim3A_1078 = arith.constant 10 : i32
        %broadcast_in_dim3A_1079 = vector.broadcast %broadcast_in_dim3A_1078 : i32 to vector<16xi32>
        %gather3A_1080 = tpu.vector_load_idx %arg12[%add3A_1047, %broadcast_in_dim3A_1079] : memref<512x16xf32, #tpu.memory_space<vmem>>[vector<16xi32>, vector<16xi32>], vector<16xf32>,
        %broadcast_in_dim3A_1081 = arith.constant 11 : i32
        %broadcast_in_dim3A_1082 = vector.broadcast %broadcast_in_dim3A_1081 : i32 to vector<16xi32>
        %gather3A_1083 = tpu.vector_load_idx %arg12[%add3A_1047, %broadcast_in_dim3A_1082] : memref<512x16xf32, #tpu.memory_space<vmem>>[vector<16xi32>, vector<16xi32>], vector<16xf32>,
        %broadcast_in_dim3A_1084 = arith.constant 12 : i32
        %broadcast_in_dim3A_1085 = vector.broadcast %broadcast_in_dim3A_1084 : i32 to vector<16xi32>
        %gather3A_1086 = tpu.vector_load_idx %arg12[%add3A_1047, %broadcast_in_dim3A_1085] : memref<512x16xf32, #tpu.memory_space<vmem>>[vector<16xi32>, vector<16xi32>], vector<16xf32>,
        %broadcast_in_dim3A_1087 = arith.constant 13 : i32
        %broadcast_in_dim3A_1088 = vector.broadcast %broadcast_in_dim3A_1087 : i32 to vector<16xi32>
        %gather3A_1089 = tpu.vector_load_idx %arg12[%add3A_1047, %broadcast_in_dim3A_1088] : memref<512x16xf32, #tpu.memory_space<vmem>>[vector<16xi32>, vector<16xi32>], vector<16xf32>,
        %broadcast_in_dim3A_1090 = arith.constant 14 : i32
        %broadcast_in_dim3A_1091 = vector.broadcast %broadcast_in_dim3A_1090 : i32 to vector<16xi32>
        %gather3A_1092 = tpu.vector_load_idx %arg12[%add3A_1047, %broadcast_in_dim3A_1091] : memref<512x16xf32, #tpu.memory_space<vmem>>[vector<16xi32>, vector<16xi32>], vector<16xf32>,
        %broadcast_in_dim3A_1093 = arith.constant 15 : i32
        %broadcast_in_dim3A_1094 = vector.broadcast %broadcast_in_dim3A_1093 : i32 to vector<16xi32>
        %gather3A_1095 = tpu.vector_load_idx %arg12[%add3A_1047, %broadcast_in_dim3A_1094] : memref<512x16xf32, #tpu.memory_space<vmem>>[vector<16xi32>, vector<16xi32>], vector<16xf32>,
        %broadcast_in_dim3A_1096 = arith.constant 0 : i32
        %broadcast_in_dim3A_1097 = vector.broadcast %broadcast_in_dim3A_1096 : i32 to vector<16xi32>
        %gather3A_1098 = tpu.vector_load_idx %arg13[%add3A_1047, %broadcast_in_dim3A_1097] : memref<512x16xf32, #tpu.memory_space<vmem>>[vector<16xi32>, vector<16xi32>], vector<16xf32>,
        %broadcast_in_dim3A_1099 = arith.constant 1 : i32
        %broadcast_in_dim3A_1100 = vector.broadcast %broadcast_in_dim3A_1099 : i32 to vector<16xi32>
        %gather3A_1101 = tpu.vector_load_idx %arg13[%add3A_1047, %broadcast_in_dim3A_1100] : memref<512x16xf32, #tpu.memory_space<vmem>>[vector<16xi32>, vector<16xi32>], vector<16xf32>,
        %broadcast_in_dim3A_1102 = arith.constant 2 : i32
        %broadcast_in_dim3A_1103 = vector.broadcast %broadcast_in_dim3A_1102 : i32 to vector<16xi32>
        %gather3A_1104 = tpu.vector_load_idx %arg13[%add3A_1047, %broadcast_in_dim3A_1103] : memref<512x16xf32, #tpu.memory_space<vmem>>[vector<16xi32>, vector<16xi32>], vector<16xf32>,
        %broadcast_in_dim3A_1105 = arith.constant 3 : i32
        %broadcast_in_dim3A_1106 = vector.broadcast %broadcast_in_dim3A_1105 : i32 to vector<16xi32>
        %gather3A_1107 = tpu.vector_load_idx %arg13[%add3A_1047, %broadcast_in_dim3A_1106] : memref<512x16xf32, #tpu.memory_space<vmem>>[vector<16xi32>, vector<16xi32>], vector<16xf32>,
        %broadcast_in_dim3A_1108 = arith.constant 4 : i32
        %broadcast_in_dim3A_1109 = vector.broadcast %broadcast_in_dim3A_1108 : i32 to vector<16xi32>
        %gather3A_1110 = tpu.vector_load_idx %arg13[%add3A_1047, %broadcast_in_dim3A_1109] : memref<512x16xf32, #tpu.memory_space<vmem>>[vector<16xi32>, vector<16xi32>], vector<16xf32>,
        %broadcast_in_dim3A_1111 = arith.constant 5 : i32
        %broadcast_in_dim3A_1112 = vector.broadcast %broadcast_in_dim3A_1111 : i32 to vector<16xi32>
        %gather3A_1113 = tpu.vector_load_idx %arg13[%add3A_1047, %broadcast_in_dim3A_1112] : memref<512x16xf32, #tpu.memory_space<vmem>>[vector<16xi32>, vector<16xi32>], vector<16xf32>,
        %broadcast_in_dim3A_1114 = arith.constant 6 : i32
        %broadcast_in_dim3A_1115 = vector.broadcast %broadcast_in_dim3A_1114 : i32 to vector<16xi32>
        %gather3A_1116 = tpu.vector_load_idx %arg13[%add3A_1047, %broadcast_in_dim3A_1115] : memref<512x16xf32, #tpu.memory_space<vmem>>[vector<16xi32>, vector<16xi32>], vector<16xf32>,
        %broadcast_in_dim3A_1117 = arith.constant 7 : i32
        %broadcast_in_dim3A_1118 = vector.broadcast %broadcast_in_dim3A_1117 : i32 to vector<16xi32>
        %gather3A_1119 = tpu.vector_load_idx %arg13[%add3A_1047, %broadcast_in_dim3A_1118] : memref<512x16xf32, #tpu.memory_space<vmem>>[vector<16xi32>, vector<16xi32>], vector<16xf32>,
        %broadcast_in_dim3A_1120 = arith.constant 8 : i32
        %broadcast_in_dim3A_1121 = vector.broadcast %broadcast_in_dim3A_1120 : i32 to vector<16xi32>
        %gather3A_1122 = tpu.vector_load_idx %arg13[%add3A_1047, %broadcast_in_dim3A_1121] : memref<512x16xf32, #tpu.memory_space<vmem>>[vector<16xi32>, vector<16xi32>], vector<16xf32>,
        %broadcast_in_dim3A_1123 = arith.constant 9 : i32
        %broadcast_in_dim3A_1124 = vector.broadcast %broadcast_in_dim3A_1123 : i32 to vector<16xi32>
        %gather3A_1125 = tpu.vector_load_idx %arg13[%add3A_1047, %broadcast_in_dim3A_1124] : memref<512x16xf32, #tpu.memory_space<vmem>>[vector<16xi32>, vector<16xi32>], vector<16xf32>,
        %broadcast_in_dim3A_1126 = arith.constant 10 : i32
        %broadcast_in_dim3A_1127 = vector.broadcast %broadcast_in_dim3A_1126 : i32 to vector<16xi32>
        %gather3A_1128 = tpu.vector_load_idx %arg13[%add3A_1047, %broadcast_in_dim3A_1127] : memref<512x16xf32, #tpu.memory_space<vmem>>[vector<16xi32>, vector<16xi32>], vector<16xf32>,
        %broadcast_in_dim3A_1129 = arith.constant 11 : i32
        %broadcast_in_dim3A_1130 = vector.broadcast %broadcast_in_dim3A_1129 : i32 to vector<16xi32>
        %gather3A_1131 = tpu.vector_load_idx %arg13[%add3A_1047, %broadcast_in_dim3A_1130] : memref<512x16xf32, #tpu.memory_space<vmem>>[vector<16xi32>, vector<16xi32>], vector<16xf32>,
        %broadcast_in_dim3A_1132 = arith.constant 12 : i32
        %broadcast_in_dim3A_1133 = vector.broadcast %broadcast_in_dim3A_1132 : i32 to vector<16xi32>
        %gather3A_1134 = tpu.vector_load_idx %arg13[%add3A_1047, %broadcast_in_dim3A_1133] : memref<512x16xf32, #tpu.memory_space<vmem>>[vector<16xi32>, vector<16xi32>], vector<16xf32>,
        %broadcast_in_dim3A_1135 = arith.constant 13 : i32
        %broadcast_in_dim3A_1136 = vector.broadcast %broadcast_in_dim3A_1135 : i32 to vector<16xi32>
        %gather3A_1137 = tpu.vector_load_idx %arg13[%add3A_1047, %broadcast_in_dim3A_1136] : memref<512x16xf32, #tpu.memory_space<vmem>>[vector<16xi32>, vector<16xi32>], vector<16xf32>,
        %broadcast_in_dim3A_1138 = arith.constant 14 : i32
        %broadcast_in_dim3A_1139 = vector.broadcast %broadcast_in_dim3A_1138 : i32 to vector<16xi32>
        %gather3A_1140 = tpu.vector_load_idx %arg13[%add3A_1047, %broadcast_in_dim3A_1139] : memref<512x16xf32, #tpu.memory_space<vmem>>[vector<16xi32>, vector<16xi32>], vector<16xf32>,
        %broadcast_in_dim3A_1141 = arith.constant 15 : i32
        %broadcast_in_dim3A_1142 = vector.broadcast %broadcast_in_dim3A_1141 : i32 to vector<16xi32>
        %gather3A_1143 = tpu.vector_load_idx %arg13[%add3A_1047, %broadcast_in_dim3A_1142] : memref<512x16xf32, #tpu.memory_space<vmem>>[vector<16xi32>, vector<16xi32>], vector<16xf32>,
        %mul3A_1144 = arith.mulf %gather3A_1050, %gather3A_1098 : vector<16xf32>
        %mul3A_1145 = arith.mulf %gather3A_1053, %gather3A_1101 : vector<16xf32>
        %add3A_1146 = arith.addf %mul3A_1144, %mul3A_1145 : vector<16xf32>
        %mul3A_1147 = arith.mulf %gather3A_1056, %gather3A_1104 : vector<16xf32>
        %add3A_1148 = arith.addf %add3A_1146, %mul3A_1147 : vector<16xf32>
        %mul3A_1149 = arith.mulf %gather3A_1059, %gather3A_1107 : vector<16xf32>
        %add3A_1150 = arith.addf %add3A_1148, %mul3A_1149 : vector<16xf32>
        %mul3A_1151 = arith.mulf %gather3A_1053, %gather3A_1098 : vector<16xf32>
        %mul3A_1152 = arith.mulf %gather3A_1050, %gather3A_1101 : vector<16xf32>
        %sub3A_1153 = arith.subf %mul3A_1151, %mul3A_1152 : vector<16xf32>
        %mul3A_1154 = arith.mulf %gather3A_1056, %gather3A_1107 : vector<16xf32>
        %sub3A_1155 = arith.subf %sub3A_1153, %mul3A_1154 : vector<16xf32>
        %mul3A_1156 = arith.mulf %gather3A_1059, %gather3A_1104 : vector<16xf32>
        %add3A_1157 = arith.addf %sub3A_1155, %mul3A_1156 : vector<16xf32>
        %mul3A_1158 = arith.mulf %gather3A_1056, %gather3A_1098 : vector<16xf32>
        %mul3A_1159 = arith.mulf %gather3A_1050, %gather3A_1104 : vector<16xf32>
        %sub3A_1160 = arith.subf %mul3A_1158, %mul3A_1159 : vector<16xf32>
        %mul3A_1161 = arith.mulf %gather3A_1053, %gather3A_1107 : vector<16xf32>
        %add3A_1162 = arith.addf %sub3A_1160, %mul3A_1161 : vector<16xf32>
        %mul3A_1163 = arith.mulf %gather3A_1059, %gather3A_1101 : vector<16xf32>
        %sub3A_1164 = arith.subf %add3A_1162, %mul3A_1163 : vector<16xf32>
        %mul3A_1165 = arith.mulf %gather3A_1059, %gather3A_1098 : vector<16xf32>
        %mul3A_1166 = arith.mulf %gather3A_1050, %gather3A_1107 : vector<16xf32>
        %sub3A_1167 = arith.subf %mul3A_1165, %mul3A_1166 : vector<16xf32>
        %mul3A_1168 = arith.mulf %gather3A_1053, %gather3A_1104 : vector<16xf32>
        %sub3A_1169 = arith.subf %sub3A_1167, %mul3A_1168 : vector<16xf32>
        %mul3A_1170 = arith.mulf %gather3A_1056, %gather3A_1101 : vector<16xf32>
        %add3A_1171 = arith.addf %sub3A_1169, %mul3A_1170 : vector<16xf32>
        %mul3A_1172 = arith.mulf %add3A_1150, %add3A_1150 : vector<16xf32>
        %mul3A_1173 = arith.mulf %add3A_1157, %add3A_1157 : vector<16xf32>
        %add3A_1174 = arith.addf %mul3A_1172, %mul3A_1173 : vector<16xf32>
        %mul3A_1175 = arith.mulf %sub3A_1164, %sub3A_1164 : vector<16xf32>
        %add3A_1176 = arith.addf %add3A_1174, %mul3A_1175 : vector<16xf32>
        %mul3A_1177 = arith.mulf %add3A_1171, %add3A_1171 : vector<16xf32>
        %add3A_1178 = arith.addf %add3A_1176, %mul3A_1177 : vector<16xf32>
        %bitcast3A_1179 = vector.bitcast %add3A_1178 : vector<16xf32> to vector<16xi32>
        %shift_right_arithmetic3A_1180 = arith.constant 1 : i32
        %shift_right_arithmetic3A_1181 = vector.broadcast %shift_right_arithmetic3A_1180 : i32 to vector<16xi32>
        %shift_right_arithmetic3A_1182 = arith.shrsi %bitcast3A_1179, %shift_right_arithmetic3A_1181 : vector<16xi32>
        %sub3A_1183 = arith.constant 1597463007 : i32
        %sub3A_1184 = vector.broadcast %sub3A_1183 : i32 to vector<16xi32>
        %sub3A_1185 = arith.subi %sub3A_1184, %shift_right_arithmetic3A_1182 : vector<16xi32>
        %bitcast3A_1186 = vector.bitcast %sub3A_1185 : vector<16xi32> to vector<16xf32>
        %mul3A_1187 = arith.constant 5.000000e-01 : f32
        %mul3A_1188 = vector.broadcast %mul3A_1187 : f32 to vector<16xf32>
        %mul3A_1189 = arith.mulf %add3A_1178, %mul3A_1188 : vector<16xf32>
        %mul3A_1190 = arith.mulf %mul3A_1189, %bitcast3A_1186 : vector<16xf32>
        %mul3A_1191 = arith.mulf %mul3A_1190, %bitcast3A_1186 : vector<16xf32>
        %sub3A_1192 = arith.constant 1.500000e+00 : f32
        %sub3A_1193 = vector.broadcast %sub3A_1192 : f32 to vector<16xf32>
        %sub3A_1194 = arith.subf %sub3A_1193, %mul3A_1191 : vector<16xf32>
        %mul3A_1195 = arith.mulf %bitcast3A_1186, %sub3A_1194 : vector<16xf32>
        %mul3A_1196 = arith.mulf %mul3A_1189, %mul3A_1195 : vector<16xf32>
        %mul3A_1197 = arith.mulf %mul3A_1196, %mul3A_1195 : vector<16xf32>
        %sub3A_1198 = arith.constant 1.500000e+00 : f32
        %sub3A_1199 = vector.broadcast %sub3A_1198 : f32 to vector<16xf32>
        %sub3A_1200 = arith.subf %sub3A_1199, %mul3A_1197 : vector<16xf32>
        %mul3A_1201 = arith.mulf %mul3A_1195, %sub3A_1200 : vector<16xf32>
        %mul3A_1202 = arith.mulf %mul3A_1189, %mul3A_1201 : vector<16xf32>
        %mul3A_1203 = arith.mulf %mul3A_1202, %mul3A_1201 : vector<16xf32>
        %sub3A_1204 = arith.constant 1.500000e+00 : f32
        %sub3A_1205 = vector.broadcast %sub3A_1204 : f32 to vector<16xf32>
        %sub3A_1206 = arith.subf %sub3A_1205, %mul3A_1203 : vector<16xf32>
        %mul3A_1207 = arith.mulf %mul3A_1201, %sub3A_1206 : vector<16xf32>
        %mul3A_1208 = arith.mulf %add3A_1150, %mul3A_1207 : vector<16xf32>
        %mul3A_1209 = arith.mulf %add3A_1157, %mul3A_1207 : vector<16xf32>
        %mul3A_1210 = arith.mulf %sub3A_1164, %mul3A_1207 : vector<16xf32>
        %mul3A_1211 = arith.mulf %add3A_1171, %mul3A_1207 : vector<16xf32>
        %broadcast_in_dim3A_1212 = arith.constant 0 : i32
        %broadcast_in_dim3A_1213 = vector.broadcast %broadcast_in_dim3A_1212 : i32 to vector<16xi32>
        tpu.vector_store_idx %arg15[%add3A_1047, %broadcast_in_dim3A_1213], %mul3A_1208 : memref<512x16xf32, #tpu.memory_space<vmem>>[vector<16xi32>, vector<16xi32>], vector<16xf32>,
        %broadcast_in_dim3A_1214 = arith.constant 1 : i32
        %broadcast_in_dim3A_1215 = vector.broadcast %broadcast_in_dim3A_1214 : i32 to vector<16xi32>
        tpu.vector_store_idx %arg15[%add3A_1047, %broadcast_in_dim3A_1215], %mul3A_1209 : memref<512x16xf32, #tpu.memory_space<vmem>>[vector<16xi32>, vector<16xi32>], vector<16xf32>,
        %broadcast_in_dim3A_1216 = arith.constant 2 : i32
        %broadcast_in_dim3A_1217 = vector.broadcast %broadcast_in_dim3A_1216 : i32 to vector<16xi32>
        tpu.vector_store_idx %arg15[%add3A_1047, %broadcast_in_dim3A_1217], %mul3A_1210 : memref<512x16xf32, #tpu.memory_space<vmem>>[vector<16xi32>, vector<16xi32>], vector<16xf32>,
        %broadcast_in_dim3A_1218 = arith.constant 3 : i32
        %broadcast_in_dim3A_1219 = vector.broadcast %broadcast_in_dim3A_1218 : i32 to vector<16xi32>
        tpu.vector_store_idx %arg15[%add3A_1047, %broadcast_in_dim3A_1219], %mul3A_1211 : memref<512x16xf32, #tpu.memory_space<vmem>>[vector<16xi32>, vector<16xi32>], vector<16xf32>,
        %mul3A_1220 = arith.mulf %gather3A_1062, %gather3A_1110 : vector<16xf32>
        %mul3A_1221 = arith.mulf %gather3A_1065, %gather3A_1113 : vector<16xf32>
        %add3A_1222 = arith.addf %mul3A_1220, %mul3A_1221 : vector<16xf32>
        %mul3A_1223 = arith.mulf %gather3A_1068, %gather3A_1116 : vector<16xf32>
        %add3A_1224 = arith.addf %add3A_1222, %mul3A_1223 : vector<16xf32>
        %mul3A_1225 = arith.mulf %gather3A_1071, %gather3A_1119 : vector<16xf32>
        %add3A_1226 = arith.addf %add3A_1224, %mul3A_1225 : vector<16xf32>
        %mul3A_1227 = arith.mulf %gather3A_1065, %gather3A_1110 : vector<16xf32>
        %mul3A_1228 = arith.mulf %gather3A_1062, %gather3A_1113 : vector<16xf32>
        %sub3A_1229 = arith.subf %mul3A_1227, %mul3A_1228 : vector<16xf32>
        %mul3A_1230 = arith.mulf %gather3A_1068, %gather3A_1119 : vector<16xf32>
        %sub3A_1231 = arith.subf %sub3A_1229, %mul3A_1230 : vector<16xf32>
        %mul3A_1232 = arith.mulf %gather3A_1071, %gather3A_1116 : vector<16xf32>
        %add3A_1233 = arith.addf %sub3A_1231, %mul3A_1232 : vector<16xf32>
        %mul3A_1234 = arith.mulf %gather3A_1068, %gather3A_1110 : vector<16xf32>
        %mul3A_1235 = arith.mulf %gather3A_1062, %gather3A_1116 : vector<16xf32>
        %sub3A_1236 = arith.subf %mul3A_1234, %mul3A_1235 : vector<16xf32>
        %mul3A_1237 = arith.mulf %gather3A_1065, %gather3A_1119 : vector<16xf32>
        %add3A_1238 = arith.addf %sub3A_1236, %mul3A_1237 : vector<16xf32>
        %mul3A_1239 = arith.mulf %gather3A_1071, %gather3A_1113 : vector<16xf32>
        %sub3A_1240 = arith.subf %add3A_1238, %mul3A_1239 : vector<16xf32>
        %mul3A_1241 = arith.mulf %gather3A_1071, %gather3A_1110 : vector<16xf32>
        %mul3A_1242 = arith.mulf %gather3A_1062, %gather3A_1119 : vector<16xf32>
        %sub3A_1243 = arith.subf %mul3A_1241, %mul3A_1242 : vector<16xf32>
        %mul3A_1244 = arith.mulf %gather3A_1065, %gather3A_1116 : vector<16xf32>
        %sub3A_1245 = arith.subf %sub3A_1243, %mul3A_1244 : vector<16xf32>
        %mul3A_1246 = arith.mulf %gather3A_1068, %gather3A_1113 : vector<16xf32>
        %add3A_1247 = arith.addf %sub3A_1245, %mul3A_1246 : vector<16xf32>
        %mul3A_1248 = arith.mulf %add3A_1226, %add3A_1226 : vector<16xf32>
        %mul3A_1249 = arith.mulf %add3A_1233, %add3A_1233 : vector<16xf32>
        %add3A_1250 = arith.addf %mul3A_1248, %mul3A_1249 : vector<16xf32>
        %mul3A_1251 = arith.mulf %sub3A_1240, %sub3A_1240 : vector<16xf32>
        %add3A_1252 = arith.addf %add3A_1250, %mul3A_1251 : vector<16xf32>
        %mul3A_1253 = arith.mulf %add3A_1247, %add3A_1247 : vector<16xf32>
        %add3A_1254 = arith.addf %add3A_1252, %mul3A_1253 : vector<16xf32>
        %bitcast3A_1255 = vector.bitcast %add3A_1254 : vector<16xf32> to vector<16xi32>
        %shift_right_arithmetic3A_1256 = arith.constant 1 : i32
        %shift_right_arithmetic3A_1257 = vector.broadcast %shift_right_arithmetic3A_1256 : i32 to vector<16xi32>
        %shift_right_arithmetic3A_1258 = arith.shrsi %bitcast3A_1255, %shift_right_arithmetic3A_1257 : vector<16xi32>
        %sub3A_1259 = arith.constant 1597463007 : i32
        %sub3A_1260 = vector.broadcast %sub3A_1259 : i32 to vector<16xi32>
        %sub3A_1261 = arith.subi %sub3A_1260, %shift_right_arithmetic3A_1258 : vector<16xi32>
        %bitcast3A_1262 = vector.bitcast %sub3A_1261 : vector<16xi32> to vector<16xf32>
        %mul3A_1263 = arith.constant 5.000000e-01 : f32
        %mul3A_1264 = vector.broadcast %mul3A_1263 : f32 to vector<16xf32>
        %mul3A_1265 = arith.mulf %add3A_1254, %mul3A_1264 : vector<16xf32>
        %mul3A_1266 = arith.mulf %mul3A_1265, %bitcast3A_1262 : vector<16xf32>
        %mul3A_1267 = arith.mulf %mul3A_1266, %bitcast3A_1262 : vector<16xf32>
        %sub3A_1268 = arith.constant 1.500000e+00 : f32
        %sub3A_1269 = vector.broadcast %sub3A_1268 : f32 to vector<16xf32>
        %sub3A_1270 = arith.subf %sub3A_1269, %mul3A_1267 : vector<16xf32>
        %mul3A_1271 = arith.mulf %bitcast3A_1262, %sub3A_1270 : vector<16xf32>
        %mul3A_1272 = arith.mulf %mul3A_1265, %mul3A_1271 : vector<16xf32>
        %mul3A_1273 = arith.mulf %mul3A_1272, %mul3A_1271 : vector<16xf32>
        %sub3A_1274 = arith.constant 1.500000e+00 : f32
        %sub3A_1275 = vector.broadcast %sub3A_1274 : f32 to vector<16xf32>
        %sub3A_1276 = arith.subf %sub3A_1275, %mul3A_1273 : vector<16xf32>
        %mul3A_1277 = arith.mulf %mul3A_1271, %sub3A_1276 : vector<16xf32>
        %mul3A_1278 = arith.mulf %mul3A_1265, %mul3A_1277 : vector<16xf32>
        %mul3A_1279 = arith.mulf %mul3A_1278, %mul3A_1277 : vector<16xf32>
        %sub3A_1280 = arith.constant 1.500000e+00 : f32
        %sub3A_1281 = vector.broadcast %sub3A_1280 : f32 to vector<16xf32>
        %sub3A_1282 = arith.subf %sub3A_1281, %mul3A_1279 : vector<16xf32>
        %mul3A_1283 = arith.mulf %mul3A_1277, %sub3A_1282 : vector<16xf32>
        %mul3A_1284 = arith.mulf %add3A_1226, %mul3A_1283 : vector<16xf32>
        %mul3A_1285 = arith.mulf %add3A_1233, %mul3A_1283 : vector<16xf32>
        %mul3A_1286 = arith.mulf %sub3A_1240, %mul3A_1283 : vector<16xf32>
        %mul3A_1287 = arith.mulf %add3A_1247, %mul3A_1283 : vector<16xf32>
        %broadcast_in_dim3A_1288 = arith.constant 4 : i32
        %broadcast_in_dim3A_1289 = vector.broadcast %broadcast_in_dim3A_1288 : i32 to vector<16xi32>
        tpu.vector_store_idx %arg15[%add3A_1047, %broadcast_in_dim3A_1289], %mul3A_1284 : memref<512x16xf32, #tpu.memory_space<vmem>>[vector<16xi32>, vector<16xi32>], vector<16xf32>,
        %broadcast_in_dim3A_1290 = arith.constant 5 : i32
        %broadcast_in_dim3A_1291 = vector.broadcast %broadcast_in_dim3A_1290 : i32 to vector<16xi32>
        tpu.vector_store_idx %arg15[%add3A_1047, %broadcast_in_dim3A_1291], %mul3A_1285 : memref<512x16xf32, #tpu.memory_space<vmem>>[vector<16xi32>, vector<16xi32>], vector<16xf32>,
        %broadcast_in_dim3A_1292 = arith.constant 6 : i32
        %broadcast_in_dim3A_1293 = vector.broadcast %broadcast_in_dim3A_1292 : i32 to vector<16xi32>
        tpu.vector_store_idx %arg15[%add3A_1047, %broadcast_in_dim3A_1293], %mul3A_1286 : memref<512x16xf32, #tpu.memory_space<vmem>>[vector<16xi32>, vector<16xi32>], vector<16xf32>,
        %broadcast_in_dim3A_1294 = arith.constant 7 : i32
        %broadcast_in_dim3A_1295 = vector.broadcast %broadcast_in_dim3A_1294 : i32 to vector<16xi32>
        tpu.vector_store_idx %arg15[%add3A_1047, %broadcast_in_dim3A_1295], %mul3A_1287 : memref<512x16xf32, #tpu.memory_space<vmem>>[vector<16xi32>, vector<16xi32>], vector<16xf32>,
        %mul3A_1296 = arith.mulf %gather3A_1074, %gather3A_1122 : vector<16xf32>
        %mul3A_1297 = arith.mulf %gather3A_1077, %gather3A_1125 : vector<16xf32>
        %add3A_1298 = arith.addf %mul3A_1296, %mul3A_1297 : vector<16xf32>
        %mul3A_1299 = arith.mulf %gather3A_1080, %gather3A_1128 : vector<16xf32>
        %add3A_1300 = arith.addf %add3A_1298, %mul3A_1299 : vector<16xf32>
        %mul3A_1301 = arith.mulf %gather3A_1083, %gather3A_1131 : vector<16xf32>
        %add3A_1302 = arith.addf %add3A_1300, %mul3A_1301 : vector<16xf32>
        %mul3A_1303 = arith.mulf %gather3A_1077, %gather3A_1122 : vector<16xf32>
        %mul3A_1304 = arith.mulf %gather3A_1074, %gather3A_1125 : vector<16xf32>
        %sub3A_1305 = arith.subf %mul3A_1303, %mul3A_1304 : vector<16xf32>
        %mul3A_1306 = arith.mulf %gather3A_1080, %gather3A_1131 : vector<16xf32>
        %sub3A_1307 = arith.subf %sub3A_1305, %mul3A_1306 : vector<16xf32>
        %mul3A_1308 = arith.mulf %gather3A_1083, %gather3A_1128 : vector<16xf32>
        %add3A_1309 = arith.addf %sub3A_1307, %mul3A_1308 : vector<16xf32>
        %mul3A_1310 = arith.mulf %gather3A_1080, %gather3A_1122 : vector<16xf32>
        %mul3A_1311 = arith.mulf %gather3A_1074, %gather3A_1128 : vector<16xf32>
        %sub3A_1312 = arith.subf %mul3A_1310, %mul3A_1311 : vector<16xf32>
        %mul3A_1313 = arith.mulf %gather3A_1077, %gather3A_1131 : vector<16xf32>
        %add3A_1314 = arith.addf %sub3A_1312, %mul3A_1313 : vector<16xf32>
        %mul3A_1315 = arith.mulf %gather3A_1083, %gather3A_1125 : vector<16xf32>
        %sub3A_1316 = arith.subf %add3A_1314, %mul3A_1315 : vector<16xf32>
        %mul3A_1317 = arith.mulf %gather3A_1083, %gather3A_1122 : vector<16xf32>
        %mul3A_1318 = arith.mulf %gather3A_1074, %gather3A_1131 : vector<16xf32>
        %sub3A_1319 = arith.subf %mul3A_1317, %mul3A_1318 : vector<16xf32>
        %mul3A_1320 = arith.mulf %gather3A_1077, %gather3A_1128 : vector<16xf32>
        %sub3A_1321 = arith.subf %sub3A_1319, %mul3A_1320 : vector<16xf32>
        %mul3A_1322 = arith.mulf %gather3A_1080, %gather3A_1125 : vector<16xf32>
        %add3A_1323 = arith.addf %sub3A_1321, %mul3A_1322 : vector<16xf32>
        %mul3A_1324 = arith.mulf %add3A_1302, %add3A_1302 : vector<16xf32>
        %mul3A_1325 = arith.mulf %add3A_1309, %add3A_1309 : vector<16xf32>
        %add3A_1326 = arith.addf %mul3A_1324, %mul3A_1325 : vector<16xf32>
        %mul3A_1327 = arith.mulf %sub3A_1316, %sub3A_1316 : vector<16xf32>
        %add3A_1328 = arith.addf %add3A_1326, %mul3A_1327 : vector<16xf32>
        %mul3A_1329 = arith.mulf %add3A_1323, %add3A_1323 : vector<16xf32>
        %add3A_1330 = arith.addf %add3A_1328, %mul3A_1329 : vector<16xf32>
        %bitcast3A_1331 = vector.bitcast %add3A_1330 : vector<16xf32> to vector<16xi32>
        %shift_right_arithmetic3A_1332 = arith.constant 1 : i32
        %shift_right_arithmetic3A_1333 = vector.broadcast %shift_right_arithmetic3A_1332 : i32 to vector<16xi32>
        %shift_right_arithmetic3A_1334 = arith.shrsi %bitcast3A_1331, %shift_right_arithmetic3A_1333 : vector<16xi32>
        %sub3A_1335 = arith.constant 1597463007 : i32
        %sub3A_1336 = vector.broadcast %sub3A_1335 : i32 to vector<16xi32>
        %sub3A_1337 = arith.subi %sub3A_1336, %shift_right_arithmetic3A_1334 : vector<16xi32>
        %bitcast3A_1338 = vector.bitcast %sub3A_1337 : vector<16xi32> to vector<16xf32>
        %mul3A_1339 = arith.constant 5.000000e-01 : f32
        %mul3A_1340 = vector.broadcast %mul3A_1339 : f32 to vector<16xf32>
        %mul3A_1341 = arith.mulf %add3A_1330, %mul3A_1340 : vector<16xf32>
        %mul3A_1342 = arith.mulf %mul3A_1341, %bitcast3A_1338 : vector<16xf32>
        %mul3A_1343 = arith.mulf %mul3A_1342, %bitcast3A_1338 : vector<16xf32>
        %sub3A_1344 = arith.constant 1.500000e+00 : f32
        %sub3A_1345 = vector.broadcast %sub3A_1344 : f32 to vector<16xf32>
        %sub3A_1346 = arith.subf %sub3A_1345, %mul3A_1343 : vector<16xf32>
        %mul3A_1347 = arith.mulf %bitcast3A_1338, %sub3A_1346 : vector<16xf32>
        %mul3A_1348 = arith.mulf %mul3A_1341, %mul3A_1347 : vector<16xf32>
        %mul3A_1349 = arith.mulf %mul3A_1348, %mul3A_1347 : vector<16xf32>
        %sub3A_1350 = arith.constant 1.500000e+00 : f32
        %sub3A_1351 = vector.broadcast %sub3A_1350 : f32 to vector<16xf32>
        %sub3A_1352 = arith.subf %sub3A_1351, %mul3A_1349 : vector<16xf32>
        %mul3A_1353 = arith.mulf %mul3A_1347, %sub3A_1352 : vector<16xf32>
        %mul3A_1354 = arith.mulf %mul3A_1341, %mul3A_1353 : vector<16xf32>
        %mul3A_1355 = arith.mulf %mul3A_1354, %mul3A_1353 : vector<16xf32>
        %sub3A_1356 = arith.constant 1.500000e+00 : f32
        %sub3A_1357 = vector.broadcast %sub3A_1356 : f32 to vector<16xf32>
        %sub3A_1358 = arith.subf %sub3A_1357, %mul3A_1355 : vector<16xf32>
        %mul3A_1359 = arith.mulf %mul3A_1353, %sub3A_1358 : vector<16xf32>
        %mul3A_1360 = arith.mulf %add3A_1302, %mul3A_1359 : vector<16xf32>
        %mul3A_1361 = arith.mulf %add3A_1309, %mul3A_1359 : vector<16xf32>
        %mul3A_1362 = arith.mulf %sub3A_1316, %mul3A_1359 : vector<16xf32>
        %mul3A_1363 = arith.mulf %add3A_1323, %mul3A_1359 : vector<16xf32>
        %broadcast_in_dim3A_1364 = arith.constant 8 : i32
        %broadcast_in_dim3A_1365 = vector.broadcast %broadcast_in_dim3A_1364 : i32 to vector<16xi32>
        tpu.vector_store_idx %arg15[%add3A_1047, %broadcast_in_dim3A_1365], %mul3A_1360 : memref<512x16xf32, #tpu.memory_space<vmem>>[vector<16xi32>, vector<16xi32>], vector<16xf32>,
        %broadcast_in_dim3A_1366 = arith.constant 9 : i32
        %broadcast_in_dim3A_1367 = vector.broadcast %broadcast_in_dim3A_1366 : i32 to vector<16xi32>
        tpu.vector_store_idx %arg15[%add3A_1047, %broadcast_in_dim3A_1367], %mul3A_1361 : memref<512x16xf32, #tpu.memory_space<vmem>>[vector<16xi32>, vector<16xi32>], vector<16xf32>,
        %broadcast_in_dim3A_1368 = arith.constant 10 : i32
        %broadcast_in_dim3A_1369 = vector.broadcast %broadcast_in_dim3A_1368 : i32 to vector<16xi32>
        tpu.vector_store_idx %arg15[%add3A_1047, %broadcast_in_dim3A_1369], %mul3A_1362 : memref<512x16xf32, #tpu.memory_space<vmem>>[vector<16xi32>, vector<16xi32>], vector<16xf32>,
        %broadcast_in_dim3A_1370 = arith.constant 11 : i32
        %broadcast_in_dim3A_1371 = vector.broadcast %broadcast_in_dim3A_1370 : i32 to vector<16xi32>
        tpu.vector_store_idx %arg15[%add3A_1047, %broadcast_in_dim3A_1371], %mul3A_1363 : memref<512x16xf32, #tpu.memory_space<vmem>>[vector<16xi32>, vector<16xi32>], vector<16xf32>,
        %mul3A_1372 = arith.mulf %gather3A_1086, %gather3A_1134 : vector<16xf32>
        %mul3A_1373 = arith.mulf %gather3A_1089, %gather3A_1137 : vector<16xf32>
        %add3A_1374 = arith.addf %mul3A_1372, %mul3A_1373 : vector<16xf32>
        %mul3A_1375 = arith.mulf %gather3A_1092, %gather3A_1140 : vector<16xf32>
        %add3A_1376 = arith.addf %add3A_1374, %mul3A_1375 : vector<16xf32>
        %mul3A_1377 = arith.mulf %gather3A_1095, %gather3A_1143 : vector<16xf32>
        %add3A_1378 = arith.addf %add3A_1376, %mul3A_1377 : vector<16xf32>
        %mul3A_1379 = arith.mulf %gather3A_1089, %gather3A_1134 : vector<16xf32>
        %mul3A_1380 = arith.mulf %gather3A_1086, %gather3A_1137 : vector<16xf32>
        %sub3A_1381 = arith.subf %mul3A_1379, %mul3A_1380 : vector<16xf32>
        %mul3A_1382 = arith.mulf %gather3A_1092, %gather3A_1143 : vector<16xf32>
        %sub3A_1383 = arith.subf %sub3A_1381, %mul3A_1382 : vector<16xf32>
        %mul3A_1384 = arith.mulf %gather3A_1095, %gather3A_1140 : vector<16xf32>
        %add3A_1385 = arith.addf %sub3A_1383, %mul3A_1384 : vector<16xf32>
        %mul3A_1386 = arith.mulf %gather3A_1092, %gather3A_1134 : vector<16xf32>
        %mul3A_1387 = arith.mulf %gather3A_1086, %gather3A_1140 : vector<16xf32>
        %sub3A_1388 = arith.subf %mul3A_1386, %mul3A_1387 : vector<16xf32>
        %mul3A_1389 = arith.mulf %gather3A_1089, %gather3A_1143 : vector<16xf32>
        %add3A_1390 = arith.addf %sub3A_1388, %mul3A_1389 : vector<16xf32>
        %mul3A_1391 = arith.mulf %gather3A_1095, %gather3A_1137 : vector<16xf32>
        %sub3A_1392 = arith.subf %add3A_1390, %mul3A_1391 : vector<16xf32>
        %mul3A_1393 = arith.mulf %gather3A_1095, %gather3A_1134 : vector<16xf32>
        %mul3A_1394 = arith.mulf %gather3A_1086, %gather3A_1143 : vector<16xf32>
        %sub3A_1395 = arith.subf %mul3A_1393, %mul3A_1394 : vector<16xf32>
        %mul3A_1396 = arith.mulf %gather3A_1089, %gather3A_1140 : vector<16xf32>
        %sub3A_1397 = arith.subf %sub3A_1395, %mul3A_1396 : vector<16xf32>
        %mul3A_1398 = arith.mulf %gather3A_1092, %gather3A_1137 : vector<16xf32>
        %add3A_1399 = arith.addf %sub3A_1397, %mul3A_1398 : vector<16xf32>
        %mul3A_1400 = arith.mulf %add3A_1378, %add3A_1378 : vector<16xf32>
        %mul3A_1401 = arith.mulf %add3A_1385, %add3A_1385 : vector<16xf32>
        %add3A_1402 = arith.addf %mul3A_1400, %mul3A_1401 : vector<16xf32>
        %mul3A_1403 = arith.mulf %sub3A_1392, %sub3A_1392 : vector<16xf32>
        %add3A_1404 = arith.addf %add3A_1402, %mul3A_1403 : vector<16xf32>
        %mul3A_1405 = arith.mulf %add3A_1399, %add3A_1399 : vector<16xf32>
        %add3A_1406 = arith.addf %add3A_1404, %mul3A_1405 : vector<16xf32>
        %bitcast3A_1407 = vector.bitcast %add3A_1406 : vector<16xf32> to vector<16xi32>
        %shift_right_arithmetic3A_1408 = arith.constant 1 : i32
        %shift_right_arithmetic3A_1409 = vector.broadcast %shift_right_arithmetic3A_1408 : i32 to vector<16xi32>
        %shift_right_arithmetic3A_1410 = arith.shrsi %bitcast3A_1407, %shift_right_arithmetic3A_1409 : vector<16xi32>
        %sub3A_1411 = arith.constant 1597463007 : i32
        %sub3A_1412 = vector.broadcast %sub3A_1411 : i32 to vector<16xi32>
        %sub3A_1413 = arith.subi %sub3A_1412, %shift_right_arithmetic3A_1410 : vector<16xi32>
        %bitcast3A_1414 = vector.bitcast %sub3A_1413 : vector<16xi32> to vector<16xf32>
        %mul3A_1415 = arith.constant 5.000000e-01 : f32
        %mul3A_1416 = vector.broadcast %mul3A_1415 : f32 to vector<16xf32>
        %mul3A_1417 = arith.mulf %add3A_1406, %mul3A_1416 : vector<16xf32>
        %mul3A_1418 = arith.mulf %mul3A_1417, %bitcast3A_1414 : vector<16xf32>
        %mul3A_1419 = arith.mulf %mul3A_1418, %bitcast3A_1414 : vector<16xf32>
        %sub3A_1420 = arith.constant 1.500000e+00 : f32
        %sub3A_1421 = vector.broadcast %sub3A_1420 : f32 to vector<16xf32>
        %sub3A_1422 = arith.subf %sub3A_1421, %mul3A_1419 : vector<16xf32>
        %mul3A_1423 = arith.mulf %bitcast3A_1414, %sub3A_1422 : vector<16xf32>
        %mul3A_1424 = arith.mulf %mul3A_1417, %mul3A_1423 : vector<16xf32>
        %mul3A_1425 = arith.mulf %mul3A_1424, %mul3A_1423 : vector<16xf32>
        %sub3A_1426 = arith.constant 1.500000e+00 : f32
        %sub3A_1427 = vector.broadcast %sub3A_1426 : f32 to vector<16xf32>
        %sub3A_1428 = arith.subf %sub3A_1427, %mul3A_1425 : vector<16xf32>
        %mul3A_1429 = arith.mulf %mul3A_1423, %sub3A_1428 : vector<16xf32>
        %mul3A_1430 = arith.mulf %mul3A_1417, %mul3A_1429 : vector<16xf32>
        %mul3A_1431 = arith.mulf %mul3A_1430, %mul3A_1429 : vector<16xf32>
        %sub3A_1432 = arith.constant 1.500000e+00 : f32
        %sub3A_1433 = vector.broadcast %sub3A_1432 : f32 to vector<16xf32>
        %sub3A_1434 = arith.subf %sub3A_1433, %mul3A_1431 : vector<16xf32>
        %mul3A_1435 = arith.mulf %mul3A_1429, %sub3A_1434 : vector<16xf32>
        %mul3A_1436 = arith.mulf %add3A_1378, %mul3A_1435 : vector<16xf32>
        %mul3A_1437 = arith.mulf %add3A_1385, %mul3A_1435 : vector<16xf32>
        %mul3A_1438 = arith.mulf %sub3A_1392, %mul3A_1435 : vector<16xf32>
        %mul3A_1439 = arith.mulf %add3A_1399, %mul3A_1435 : vector<16xf32>
        %broadcast_in_dim3A_1440 = arith.constant 12 : i32
        %broadcast_in_dim3A_1441 = vector.broadcast %broadcast_in_dim3A_1440 : i32 to vector<16xi32>
        tpu.vector_store_idx %arg15[%add3A_1047, %broadcast_in_dim3A_1441], %mul3A_1436 : memref<512x16xf32, #tpu.memory_space<vmem>>[vector<16xi32>, vector<16xi32>], vector<16xf32>,
        %broadcast_in_dim3A_1442 = arith.constant 13 : i32
        %broadcast_in_dim3A_1443 = vector.broadcast %broadcast_in_dim3A_1442 : i32 to vector<16xi32>
        tpu.vector_store_idx %arg15[%add3A_1047, %broadcast_in_dim3A_1443], %mul3A_1437 : memref<512x16xf32, #tpu.memory_space<vmem>>[vector<16xi32>, vector<16xi32>], vector<16xf32>,
        %broadcast_in_dim3A_1444 = arith.constant 14 : i32
        %broadcast_in_dim3A_1445 = vector.broadcast %broadcast_in_dim3A_1444 : i32 to vector<16xi32>
        tpu.vector_store_idx %arg15[%add3A_1047, %broadcast_in_dim3A_1445], %mul3A_1438 : memref<512x16xf32, #tpu.memory_space<vmem>>[vector<16xi32>, vector<16xi32>], vector<16xf32>,
        %broadcast_in_dim3A_1446 = arith.constant 15 : i32
        %broadcast_in_dim3A_1447 = vector.broadcast %broadcast_in_dim3A_1446 : i32 to vector<16xi32>
        tpu.vector_store_idx %arg15[%add3A_1047, %broadcast_in_dim3A_1447], %mul3A_1439 : memref<512x16xf32, #tpu.memory_space<vmem>>[vector<16xi32>, vector<16xi32>], vector<16xf32>,
        %scan3A_1448 = arith.constant 3 : i32
        %scan3A_1449 = arith.addi %scan3A_234, %scan3A_1448 : i32
        %iota3A_1450 = tpu.iota {dimensions = array<i32: 0>} : vector<16xi32>
        %mul3A_1451 = arith.constant 16 : i32
        %mul3A_1452 = arith.muli %scan3A_1449, %mul3A_1451 : i32
        %add3A_1453 = vector.broadcast %mul3A_1452 : i32 to vector<16xi32>
        %add3A_1454 = arith.addi %iota3A_1450, %add3A_1453 : vector<16xi32>
        %broadcast_in_dim3A_1455 = arith.constant 0 : i32
        %broadcast_in_dim3A_1456 = vector.broadcast %broadcast_in_dim3A_1455 : i32 to vector<16xi32>
        %gather3A_1457 = tpu.vector_load_idx %arg12[%add3A_1454, %broadcast_in_dim3A_1456] : memref<512x16xf32, #tpu.memory_space<vmem>>[vector<16xi32>, vector<16xi32>], vector<16xf32>,
        %broadcast_in_dim3A_1458 = arith.constant 1 : i32
        %broadcast_in_dim3A_1459 = vector.broadcast %broadcast_in_dim3A_1458 : i32 to vector<16xi32>
        %gather3A_1460 = tpu.vector_load_idx %arg12[%add3A_1454, %broadcast_in_dim3A_1459] : memref<512x16xf32, #tpu.memory_space<vmem>>[vector<16xi32>, vector<16xi32>], vector<16xf32>,
        %broadcast_in_dim3A_1461 = arith.constant 2 : i32
        %broadcast_in_dim3A_1462 = vector.broadcast %broadcast_in_dim3A_1461 : i32 to vector<16xi32>
        %gather3A_1463 = tpu.vector_load_idx %arg12[%add3A_1454, %broadcast_in_dim3A_1462] : memref<512x16xf32, #tpu.memory_space<vmem>>[vector<16xi32>, vector<16xi32>], vector<16xf32>,
        %broadcast_in_dim3A_1464 = arith.constant 3 : i32
        %broadcast_in_dim3A_1465 = vector.broadcast %broadcast_in_dim3A_1464 : i32 to vector<16xi32>
        %gather3A_1466 = tpu.vector_load_idx %arg12[%add3A_1454, %broadcast_in_dim3A_1465] : memref<512x16xf32, #tpu.memory_space<vmem>>[vector<16xi32>, vector<16xi32>], vector<16xf32>,
        %broadcast_in_dim3A_1467 = arith.constant 4 : i32
        %broadcast_in_dim3A_1468 = vector.broadcast %broadcast_in_dim3A_1467 : i32 to vector<16xi32>
        %gather3A_1469 = tpu.vector_load_idx %arg12[%add3A_1454, %broadcast_in_dim3A_1468] : memref<512x16xf32, #tpu.memory_space<vmem>>[vector<16xi32>, vector<16xi32>], vector<16xf32>,
        %broadcast_in_dim3A_1470 = arith.constant 5 : i32
        %broadcast_in_dim3A_1471 = vector.broadcast %broadcast_in_dim3A_1470 : i32 to vector<16xi32>
        %gather3A_1472 = tpu.vector_load_idx %arg12[%add3A_1454, %broadcast_in_dim3A_1471] : memref<512x16xf32, #tpu.memory_space<vmem>>[vector<16xi32>, vector<16xi32>], vector<16xf32>,
        %broadcast_in_dim3A_1473 = arith.constant 6 : i32
        %broadcast_in_dim3A_1474 = vector.broadcast %broadcast_in_dim3A_1473 : i32 to vector<16xi32>
        %gather3A_1475 = tpu.vector_load_idx %arg12[%add3A_1454, %broadcast_in_dim3A_1474] : memref<512x16xf32, #tpu.memory_space<vmem>>[vector<16xi32>, vector<16xi32>], vector<16xf32>,
        %broadcast_in_dim3A_1476 = arith.constant 7 : i32
        %broadcast_in_dim3A_1477 = vector.broadcast %broadcast_in_dim3A_1476 : i32 to vector<16xi32>
        %gather3A_1478 = tpu.vector_load_idx %arg12[%add3A_1454, %broadcast_in_dim3A_1477] : memref<512x16xf32, #tpu.memory_space<vmem>>[vector<16xi32>, vector<16xi32>], vector<16xf32>,
        %broadcast_in_dim3A_1479 = arith.constant 8 : i32
        %broadcast_in_dim3A_1480 = vector.broadcast %broadcast_in_dim3A_1479 : i32 to vector<16xi32>
        %gather3A_1481 = tpu.vector_load_idx %arg12[%add3A_1454, %broadcast_in_dim3A_1480] : memref<512x16xf32, #tpu.memory_space<vmem>>[vector<16xi32>, vector<16xi32>], vector<16xf32>,
        %broadcast_in_dim3A_1482 = arith.constant 9 : i32
        %broadcast_in_dim3A_1483 = vector.broadcast %broadcast_in_dim3A_1482 : i32 to vector<16xi32>
        %gather3A_1484 = tpu.vector_load_idx %arg12[%add3A_1454, %broadcast_in_dim3A_1483] : memref<512x16xf32, #tpu.memory_space<vmem>>[vector<16xi32>, vector<16xi32>], vector<16xf32>,
        %broadcast_in_dim3A_1485 = arith.constant 10 : i32
        %broadcast_in_dim3A_1486 = vector.broadcast %broadcast_in_dim3A_1485 : i32 to vector<16xi32>
        %gather3A_1487 = tpu.vector_load_idx %arg12[%add3A_1454, %broadcast_in_dim3A_1486] : memref<512x16xf32, #tpu.memory_space<vmem>>[vector<16xi32>, vector<16xi32>], vector<16xf32>,
        %broadcast_in_dim3A_1488 = arith.constant 11 : i32
        %broadcast_in_dim3A_1489 = vector.broadcast %broadcast_in_dim3A_1488 : i32 to vector<16xi32>
        %gather3A_1490 = tpu.vector_load_idx %arg12[%add3A_1454, %broadcast_in_dim3A_1489] : memref<512x16xf32, #tpu.memory_space<vmem>>[vector<16xi32>, vector<16xi32>], vector<16xf32>,
        %broadcast_in_dim3A_1491 = arith.constant 12 : i32
        %broadcast_in_dim3A_1492 = vector.broadcast %broadcast_in_dim3A_1491 : i32 to vector<16xi32>
        %gather3A_1493 = tpu.vector_load_idx %arg12[%add3A_1454, %broadcast_in_dim3A_1492] : memref<512x16xf32, #tpu.memory_space<vmem>>[vector<16xi32>, vector<16xi32>], vector<16xf32>,
        %broadcast_in_dim3A_1494 = arith.constant 13 : i32
        %broadcast_in_dim3A_1495 = vector.broadcast %broadcast_in_dim3A_1494 : i32 to vector<16xi32>
        %gather3A_1496 = tpu.vector_load_idx %arg12[%add3A_1454, %broadcast_in_dim3A_1495] : memref<512x16xf32, #tpu.memory_space<vmem>>[vector<16xi32>, vector<16xi32>], vector<16xf32>,
        %broadcast_in_dim3A_1497 = arith.constant 14 : i32
        %broadcast_in_dim3A_1498 = vector.broadcast %broadcast_in_dim3A_1497 : i32 to vector<16xi32>
        %gather3A_1499 = tpu.vector_load_idx %arg12[%add3A_1454, %broadcast_in_dim3A_1498] : memref<512x16xf32, #tpu.memory_space<vmem>>[vector<16xi32>, vector<16xi32>], vector<16xf32>,
        %broadcast_in_dim3A_1500 = arith.constant 15 : i32
        %broadcast_in_dim3A_1501 = vector.broadcast %broadcast_in_dim3A_1500 : i32 to vector<16xi32>
        %gather3A_1502 = tpu.vector_load_idx %arg12[%add3A_1454, %broadcast_in_dim3A_1501] : memref<512x16xf32, #tpu.memory_space<vmem>>[vector<16xi32>, vector<16xi32>], vector<16xf32>,
        %broadcast_in_dim3A_1503 = arith.constant 0 : i32
        %broadcast_in_dim3A_1504 = vector.broadcast %broadcast_in_dim3A_1503 : i32 to vector<16xi32>
        %gather3A_1505 = tpu.vector_load_idx %arg13[%add3A_1454, %broadcast_in_dim3A_1504] : memref<512x16xf32, #tpu.memory_space<vmem>>[vector<16xi32>, vector<16xi32>], vector<16xf32>,
        %broadcast_in_dim3A_1506 = arith.constant 1 : i32
        %broadcast_in_dim3A_1507 = vector.broadcast %broadcast_in_dim3A_1506 : i32 to vector<16xi32>
        %gather3A_1508 = tpu.vector_load_idx %arg13[%add3A_1454, %broadcast_in_dim3A_1507] : memref<512x16xf32, #tpu.memory_space<vmem>>[vector<16xi32>, vector<16xi32>], vector<16xf32>,
        %broadcast_in_dim3A_1509 = arith.constant 2 : i32
        %broadcast_in_dim3A_1510 = vector.broadcast %broadcast_in_dim3A_1509 : i32 to vector<16xi32>
        %gather3A_1511 = tpu.vector_load_idx %arg13[%add3A_1454, %broadcast_in_dim3A_1510] : memref<512x16xf32, #tpu.memory_space<vmem>>[vector<16xi32>, vector<16xi32>], vector<16xf32>,
        %broadcast_in_dim3A_1512 = arith.constant 3 : i32
        %broadcast_in_dim3A_1513 = vector.broadcast %broadcast_in_dim3A_1512 : i32 to vector<16xi32>
        %gather3A_1514 = tpu.vector_load_idx %arg13[%add3A_1454, %broadcast_in_dim3A_1513] : memref<512x16xf32, #tpu.memory_space<vmem>>[vector<16xi32>, vector<16xi32>], vector<16xf32>,
        %broadcast_in_dim3A_1515 = arith.constant 4 : i32
        %broadcast_in_dim3A_1516 = vector.broadcast %broadcast_in_dim3A_1515 : i32 to vector<16xi32>
        %gather3A_1517 = tpu.vector_load_idx %arg13[%add3A_1454, %broadcast_in_dim3A_1516] : memref<512x16xf32, #tpu.memory_space<vmem>>[vector<16xi32>, vector<16xi32>], vector<16xf32>,
        %broadcast_in_dim3A_1518 = arith.constant 5 : i32
        %broadcast_in_dim3A_1519 = vector.broadcast %broadcast_in_dim3A_1518 : i32 to vector<16xi32>
        %gather3A_1520 = tpu.vector_load_idx %arg13[%add3A_1454, %broadcast_in_dim3A_1519] : memref<512x16xf32, #tpu.memory_space<vmem>>[vector<16xi32>, vector<16xi32>], vector<16xf32>,
        %broadcast_in_dim3A_1521 = arith.constant 6 : i32
        %broadcast_in_dim3A_1522 = vector.broadcast %broadcast_in_dim3A_1521 : i32 to vector<16xi32>
        %gather3A_1523 = tpu.vector_load_idx %arg13[%add3A_1454, %broadcast_in_dim3A_1522] : memref<512x16xf32, #tpu.memory_space<vmem>>[vector<16xi32>, vector<16xi32>], vector<16xf32>,
        %broadcast_in_dim3A_1524 = arith.constant 7 : i32
        %broadcast_in_dim3A_1525 = vector.broadcast %broadcast_in_dim3A_1524 : i32 to vector<16xi32>
        %gather3A_1526 = tpu.vector_load_idx %arg13[%add3A_1454, %broadcast_in_dim3A_1525] : memref<512x16xf32, #tpu.memory_space<vmem>>[vector<16xi32>, vector<16xi32>], vector<16xf32>,
        %broadcast_in_dim3A_1527 = arith.constant 8 : i32
        %broadcast_in_dim3A_1528 = vector.broadcast %broadcast_in_dim3A_1527 : i32 to vector<16xi32>
        %gather3A_1529 = tpu.vector_load_idx %arg13[%add3A_1454, %broadcast_in_dim3A_1528] : memref<512x16xf32, #tpu.memory_space<vmem>>[vector<16xi32>, vector<16xi32>], vector<16xf32>,
        %broadcast_in_dim3A_1530 = arith.constant 9 : i32
        %broadcast_in_dim3A_1531 = vector.broadcast %broadcast_in_dim3A_1530 : i32 to vector<16xi32>
        %gather3A_1532 = tpu.vector_load_idx %arg13[%add3A_1454, %broadcast_in_dim3A_1531] : memref<512x16xf32, #tpu.memory_space<vmem>>[vector<16xi32>, vector<16xi32>], vector<16xf32>,
        %broadcast_in_dim3A_1533 = arith.constant 10 : i32
        %broadcast_in_dim3A_1534 = vector.broadcast %broadcast_in_dim3A_1533 : i32 to vector<16xi32>
        %gather3A_1535 = tpu.vector_load_idx %arg13[%add3A_1454, %broadcast_in_dim3A_1534] : memref<512x16xf32, #tpu.memory_space<vmem>>[vector<16xi32>, vector<16xi32>], vector<16xf32>,
        %broadcast_in_dim3A_1536 = arith.constant 11 : i32
        %broadcast_in_dim3A_1537 = vector.broadcast %broadcast_in_dim3A_1536 : i32 to vector<16xi32>
        %gather3A_1538 = tpu.vector_load_idx %arg13[%add3A_1454, %broadcast_in_dim3A_1537] : memref<512x16xf32, #tpu.memory_space<vmem>>[vector<16xi32>, vector<16xi32>], vector<16xf32>,
        %broadcast_in_dim3A_1539 = arith.constant 12 : i32
        %broadcast_in_dim3A_1540 = vector.broadcast %broadcast_in_dim3A_1539 : i32 to vector<16xi32>
        %gather3A_1541 = tpu.vector_load_idx %arg13[%add3A_1454, %broadcast_in_dim3A_1540] : memref<512x16xf32, #tpu.memory_space<vmem>>[vector<16xi32>, vector<16xi32>], vector<16xf32>,
        %broadcast_in_dim3A_1542 = arith.constant 13 : i32
        %broadcast_in_dim3A_1543 = vector.broadcast %broadcast_in_dim3A_1542 : i32 to vector<16xi32>
        %gather3A_1544 = tpu.vector_load_idx %arg13[%add3A_1454, %broadcast_in_dim3A_1543] : memref<512x16xf32, #tpu.memory_space<vmem>>[vector<16xi32>, vector<16xi32>], vector<16xf32>,
        %broadcast_in_dim3A_1545 = arith.constant 14 : i32
        %broadcast_in_dim3A_1546 = vector.broadcast %broadcast_in_dim3A_1545 : i32 to vector<16xi32>
        %gather3A_1547 = tpu.vector_load_idx %arg13[%add3A_1454, %broadcast_in_dim3A_1546] : memref<512x16xf32, #tpu.memory_space<vmem>>[vector<16xi32>, vector<16xi32>], vector<16xf32>,
        %broadcast_in_dim3A_1548 = arith.constant 15 : i32
        %broadcast_in_dim3A_1549 = vector.broadcast %broadcast_in_dim3A_1548 : i32 to vector<16xi32>
        %gather3A_1550 = tpu.vector_load_idx %arg13[%add3A_1454, %broadcast_in_dim3A_1549] : memref<512x16xf32, #tpu.memory_space<vmem>>[vector<16xi32>, vector<16xi32>], vector<16xf32>,
        %mul3A_1551 = arith.mulf %gather3A_1457, %gather3A_1505 : vector<16xf32>
        %mul3A_1552 = arith.mulf %gather3A_1460, %gather3A_1508 : vector<16xf32>
        %add3A_1553 = arith.addf %mul3A_1551, %mul3A_1552 : vector<16xf32>
        %mul3A_1554 = arith.mulf %gather3A_1463, %gather3A_1511 : vector<16xf32>
        %add3A_1555 = arith.addf %add3A_1553, %mul3A_1554 : vector<16xf32>
        %mul3A_1556 = arith.mulf %gather3A_1466, %gather3A_1514 : vector<16xf32>
        %add3A_1557 = arith.addf %add3A_1555, %mul3A_1556 : vector<16xf32>
        %mul3A_1558 = arith.mulf %gather3A_1460, %gather3A_1505 : vector<16xf32>
        %mul3A_1559 = arith.mulf %gather3A_1457, %gather3A_1508 : vector<16xf32>
        %sub3A_1560 = arith.subf %mul3A_1558, %mul3A_1559 : vector<16xf32>
        %mul3A_1561 = arith.mulf %gather3A_1463, %gather3A_1514 : vector<16xf32>
        %sub3A_1562 = arith.subf %sub3A_1560, %mul3A_1561 : vector<16xf32>
        %mul3A_1563 = arith.mulf %gather3A_1466, %gather3A_1511 : vector<16xf32>
        %add3A_1564 = arith.addf %sub3A_1562, %mul3A_1563 : vector<16xf32>
        %mul3A_1565 = arith.mulf %gather3A_1463, %gather3A_1505 : vector<16xf32>
        %mul3A_1566 = arith.mulf %gather3A_1457, %gather3A_1511 : vector<16xf32>
        %sub3A_1567 = arith.subf %mul3A_1565, %mul3A_1566 : vector<16xf32>
        %mul3A_1568 = arith.mulf %gather3A_1460, %gather3A_1514 : vector<16xf32>
        %add3A_1569 = arith.addf %sub3A_1567, %mul3A_1568 : vector<16xf32>
        %mul3A_1570 = arith.mulf %gather3A_1466, %gather3A_1508 : vector<16xf32>
        %sub3A_1571 = arith.subf %add3A_1569, %mul3A_1570 : vector<16xf32>
        %mul3A_1572 = arith.mulf %gather3A_1466, %gather3A_1505 : vector<16xf32>
        %mul3A_1573 = arith.mulf %gather3A_1457, %gather3A_1514 : vector<16xf32>
        %sub3A_1574 = arith.subf %mul3A_1572, %mul3A_1573 : vector<16xf32>
        %mul3A_1575 = arith.mulf %gather3A_1460, %gather3A_1511 : vector<16xf32>
        %sub3A_1576 = arith.subf %sub3A_1574, %mul3A_1575 : vector<16xf32>
        %mul3A_1577 = arith.mulf %gather3A_1463, %gather3A_1508 : vector<16xf32>
        %add3A_1578 = arith.addf %sub3A_1576, %mul3A_1577 : vector<16xf32>
        %mul3A_1579 = arith.mulf %add3A_1557, %add3A_1557 : vector<16xf32>
        %mul3A_1580 = arith.mulf %add3A_1564, %add3A_1564 : vector<16xf32>
        %add3A_1581 = arith.addf %mul3A_1579, %mul3A_1580 : vector<16xf32>
        %mul3A_1582 = arith.mulf %sub3A_1571, %sub3A_1571 : vector<16xf32>
        %add3A_1583 = arith.addf %add3A_1581, %mul3A_1582 : vector<16xf32>
        %mul3A_1584 = arith.mulf %add3A_1578, %add3A_1578 : vector<16xf32>
        %add3A_1585 = arith.addf %add3A_1583, %mul3A_1584 : vector<16xf32>
        %bitcast3A_1586 = vector.bitcast %add3A_1585 : vector<16xf32> to vector<16xi32>
        %shift_right_arithmetic3A_1587 = arith.constant 1 : i32
        %shift_right_arithmetic3A_1588 = vector.broadcast %shift_right_arithmetic3A_1587 : i32 to vector<16xi32>
        %shift_right_arithmetic3A_1589 = arith.shrsi %bitcast3A_1586, %shift_right_arithmetic3A_1588 : vector<16xi32>
        %sub3A_1590 = arith.constant 1597463007 : i32
        %sub3A_1591 = vector.broadcast %sub3A_1590 : i32 to vector<16xi32>
        %sub3A_1592 = arith.subi %sub3A_1591, %shift_right_arithmetic3A_1589 : vector<16xi32>
        %bitcast3A_1593 = vector.bitcast %sub3A_1592 : vector<16xi32> to vector<16xf32>
        %mul3A_1594 = arith.constant 5.000000e-01 : f32
        %mul3A_1595 = vector.broadcast %mul3A_1594 : f32 to vector<16xf32>
        %mul3A_1596 = arith.mulf %add3A_1585, %mul3A_1595 : vector<16xf32>
        %mul3A_1597 = arith.mulf %mul3A_1596, %bitcast3A_1593 : vector<16xf32>
        %mul3A_1598 = arith.mulf %mul3A_1597, %bitcast3A_1593 : vector<16xf32>
        %sub3A_1599 = arith.constant 1.500000e+00 : f32
        %sub3A_1600 = vector.broadcast %sub3A_1599 : f32 to vector<16xf32>
        %sub3A_1601 = arith.subf %sub3A_1600, %mul3A_1598 : vector<16xf32>
        %mul3A_1602 = arith.mulf %bitcast3A_1593, %sub3A_1601 : vector<16xf32>
        %mul3A_1603 = arith.mulf %mul3A_1596, %mul3A_1602 : vector<16xf32>
        %mul3A_1604 = arith.mulf %mul3A_1603, %mul3A_1602 : vector<16xf32>
        %sub3A_1605 = arith.constant 1.500000e+00 : f32
        %sub3A_1606 = vector.broadcast %sub3A_1605 : f32 to vector<16xf32>
        %sub3A_1607 = arith.subf %sub3A_1606, %mul3A_1604 : vector<16xf32>
        %mul3A_1608 = arith.mulf %mul3A_1602, %sub3A_1607 : vector<16xf32>
        %mul3A_1609 = arith.mulf %mul3A_1596, %mul3A_1608 : vector<16xf32>
        %mul3A_1610 = arith.mulf %mul3A_1609, %mul3A_1608 : vector<16xf32>
        %sub3A_1611 = arith.constant 1.500000e+00 : f32
        %sub3A_1612 = vector.broadcast %sub3A_1611 : f32 to vector<16xf32>
        %sub3A_1613 = arith.subf %sub3A_1612, %mul3A_1610 : vector<16xf32>
        %mul3A_1614 = arith.mulf %mul3A_1608, %sub3A_1613 : vector<16xf32>
        %mul3A_1615 = arith.mulf %add3A_1557, %mul3A_1614 : vector<16xf32>
        %mul3A_1616 = arith.mulf %add3A_1564, %mul3A_1614 : vector<16xf32>
        %mul3A_1617 = arith.mulf %sub3A_1571, %mul3A_1614 : vector<16xf32>
        %mul3A_1618 = arith.mulf %add3A_1578, %mul3A_1614 : vector<16xf32>
        %broadcast_in_dim3A_1619 = arith.constant 0 : i32
        %broadcast_in_dim3A_1620 = vector.broadcast %broadcast_in_dim3A_1619 : i32 to vector<16xi32>
        tpu.vector_store_idx %arg15[%add3A_1454, %broadcast_in_dim3A_1620], %mul3A_1615 : memref<512x16xf32, #tpu.memory_space<vmem>>[vector<16xi32>, vector<16xi32>], vector<16xf32>,
        %broadcast_in_dim3A_1621 = arith.constant 1 : i32
        %broadcast_in_dim3A_1622 = vector.broadcast %broadcast_in_dim3A_1621 : i32 to vector<16xi32>
        tpu.vector_store_idx %arg15[%add3A_1454, %broadcast_in_dim3A_1622], %mul3A_1616 : memref<512x16xf32, #tpu.memory_space<vmem>>[vector<16xi32>, vector<16xi32>], vector<16xf32>,
        %broadcast_in_dim3A_1623 = arith.constant 2 : i32
        %broadcast_in_dim3A_1624 = vector.broadcast %broadcast_in_dim3A_1623 : i32 to vector<16xi32>
        tpu.vector_store_idx %arg15[%add3A_1454, %broadcast_in_dim3A_1624], %mul3A_1617 : memref<512x16xf32, #tpu.memory_space<vmem>>[vector<16xi32>, vector<16xi32>], vector<16xf32>,
        %broadcast_in_dim3A_1625 = arith.constant 3 : i32
        %broadcast_in_dim3A_1626 = vector.broadcast %broadcast_in_dim3A_1625 : i32 to vector<16xi32>
        tpu.vector_store_idx %arg15[%add3A_1454, %broadcast_in_dim3A_1626], %mul3A_1618 : memref<512x16xf32, #tpu.memory_space<vmem>>[vector<16xi32>, vector<16xi32>], vector<16xf32>,
        %mul3A_1627 = arith.mulf %gather3A_1469, %gather3A_1517 : vector<16xf32>
        %mul3A_1628 = arith.mulf %gather3A_1472, %gather3A_1520 : vector<16xf32>
        %add3A_1629 = arith.addf %mul3A_1627, %mul3A_1628 : vector<16xf32>
        %mul3A_1630 = arith.mulf %gather3A_1475, %gather3A_1523 : vector<16xf32>
        %add3A_1631 = arith.addf %add3A_1629, %mul3A_1630 : vector<16xf32>
        %mul3A_1632 = arith.mulf %gather3A_1478, %gather3A_1526 : vector<16xf32>
        %add3A_1633 = arith.addf %add3A_1631, %mul3A_1632 : vector<16xf32>
        %mul3A_1634 = arith.mulf %gather3A_1472, %gather3A_1517 : vector<16xf32>
        %mul3A_1635 = arith.mulf %gather3A_1469, %gather3A_1520 : vector<16xf32>
        %sub3A_1636 = arith.subf %mul3A_1634, %mul3A_1635 : vector<16xf32>
        %mul3A_1637 = arith.mulf %gather3A_1475, %gather3A_1526 : vector<16xf32>
        %sub3A_1638 = arith.subf %sub3A_1636, %mul3A_1637 : vector<16xf32>
        %mul3A_1639 = arith.mulf %gather3A_1478, %gather3A_1523 : vector<16xf32>
        %add3A_1640 = arith.addf %sub3A_1638, %mul3A_1639 : vector<16xf32>
        %mul3A_1641 = arith.mulf %gather3A_1475, %gather3A_1517 : vector<16xf32>
        %mul3A_1642 = arith.mulf %gather3A_1469, %gather3A_1523 : vector<16xf32>
        %sub3A_1643 = arith.subf %mul3A_1641, %mul3A_1642 : vector<16xf32>
        %mul3A_1644 = arith.mulf %gather3A_1472, %gather3A_1526 : vector<16xf32>
        %add3A_1645 = arith.addf %sub3A_1643, %mul3A_1644 : vector<16xf32>
        %mul3A_1646 = arith.mulf %gather3A_1478, %gather3A_1520 : vector<16xf32>
        %sub3A_1647 = arith.subf %add3A_1645, %mul3A_1646 : vector<16xf32>
        %mul3A_1648 = arith.mulf %gather3A_1478, %gather3A_1517 : vector<16xf32>
        %mul3A_1649 = arith.mulf %gather3A_1469, %gather3A_1526 : vector<16xf32>
        %sub3A_1650 = arith.subf %mul3A_1648, %mul3A_1649 : vector<16xf32>
        %mul3A_1651 = arith.mulf %gather3A_1472, %gather3A_1523 : vector<16xf32>
        %sub3A_1652 = arith.subf %sub3A_1650, %mul3A_1651 : vector<16xf32>
        %mul3A_1653 = arith.mulf %gather3A_1475, %gather3A_1520 : vector<16xf32>
        %add3A_1654 = arith.addf %sub3A_1652, %mul3A_1653 : vector<16xf32>
        %mul3A_1655 = arith.mulf %add3A_1633, %add3A_1633 : vector<16xf32>
        %mul3A_1656 = arith.mulf %add3A_1640, %add3A_1640 : vector<16xf32>
        %add3A_1657 = arith.addf %mul3A_1655, %mul3A_1656 : vector<16xf32>
        %mul3A_1658 = arith.mulf %sub3A_1647, %sub3A_1647 : vector<16xf32>
        %add3A_1659 = arith.addf %add3A_1657, %mul3A_1658 : vector<16xf32>
        %mul3A_1660 = arith.mulf %add3A_1654, %add3A_1654 : vector<16xf32>
        %add3A_1661 = arith.addf %add3A_1659, %mul3A_1660 : vector<16xf32>
        %bitcast3A_1662 = vector.bitcast %add3A_1661 : vector<16xf32> to vector<16xi32>
        %shift_right_arithmetic3A_1663 = arith.constant 1 : i32
        %shift_right_arithmetic3A_1664 = vector.broadcast %shift_right_arithmetic3A_1663 : i32 to vector<16xi32>
        %shift_right_arithmetic3A_1665 = arith.shrsi %bitcast3A_1662, %shift_right_arithmetic3A_1664 : vector<16xi32>
        %sub3A_1666 = arith.constant 1597463007 : i32
        %sub3A_1667 = vector.broadcast %sub3A_1666 : i32 to vector<16xi32>
        %sub3A_1668 = arith.subi %sub3A_1667, %shift_right_arithmetic3A_1665 : vector<16xi32>
        %bitcast3A_1669 = vector.bitcast %sub3A_1668 : vector<16xi32> to vector<16xf32>
        %mul3A_1670 = arith.constant 5.000000e-01 : f32
        %mul3A_1671 = vector.broadcast %mul3A_1670 : f32 to vector<16xf32>
        %mul3A_1672 = arith.mulf %add3A_1661, %mul3A_1671 : vector<16xf32>
        %mul3A_1673 = arith.mulf %mul3A_1672, %bitcast3A_1669 : vector<16xf32>
        %mul3A_1674 = arith.mulf %mul3A_1673, %bitcast3A_1669 : vector<16xf32>
        %sub3A_1675 = arith.constant 1.500000e+00 : f32
        %sub3A_1676 = vector.broadcast %sub3A_1675 : f32 to vector<16xf32>
        %sub3A_1677 = arith.subf %sub3A_1676, %mul3A_1674 : vector<16xf32>
        %mul3A_1678 = arith.mulf %bitcast3A_1669, %sub3A_1677 : vector<16xf32>
        %mul3A_1679 = arith.mulf %mul3A_1672, %mul3A_1678 : vector<16xf32>
        %mul3A_1680 = arith.mulf %mul3A_1679, %mul3A_1678 : vector<16xf32>
        %sub3A_1681 = arith.constant 1.500000e+00 : f32
        %sub3A_1682 = vector.broadcast %sub3A_1681 : f32 to vector<16xf32>
        %sub3A_1683 = arith.subf %sub3A_1682, %mul3A_1680 : vector<16xf32>
        %mul3A_1684 = arith.mulf %mul3A_1678, %sub3A_1683 : vector<16xf32>
        %mul3A_1685 = arith.mulf %mul3A_1672, %mul3A_1684 : vector<16xf32>
        %mul3A_1686 = arith.mulf %mul3A_1685, %mul3A_1684 : vector<16xf32>
        %sub3A_1687 = arith.constant 1.500000e+00 : f32
        %sub3A_1688 = vector.broadcast %sub3A_1687 : f32 to vector<16xf32>
        %sub3A_1689 = arith.subf %sub3A_1688, %mul3A_1686 : vector<16xf32>
        %mul3A_1690 = arith.mulf %mul3A_1684, %sub3A_1689 : vector<16xf32>
        %mul3A_1691 = arith.mulf %add3A_1633, %mul3A_1690 : vector<16xf32>
        %mul3A_1692 = arith.mulf %add3A_1640, %mul3A_1690 : vector<16xf32>
        %mul3A_1693 = arith.mulf %sub3A_1647, %mul3A_1690 : vector<16xf32>
        %mul3A_1694 = arith.mulf %add3A_1654, %mul3A_1690 : vector<16xf32>
        %broadcast_in_dim3A_1695 = arith.constant 4 : i32
        %broadcast_in_dim3A_1696 = vector.broadcast %broadcast_in_dim3A_1695 : i32 to vector<16xi32>
        tpu.vector_store_idx %arg15[%add3A_1454, %broadcast_in_dim3A_1696], %mul3A_1691 : memref<512x16xf32, #tpu.memory_space<vmem>>[vector<16xi32>, vector<16xi32>], vector<16xf32>,
        %broadcast_in_dim3A_1697 = arith.constant 5 : i32
        %broadcast_in_dim3A_1698 = vector.broadcast %broadcast_in_dim3A_1697 : i32 to vector<16xi32>
        tpu.vector_store_idx %arg15[%add3A_1454, %broadcast_in_dim3A_1698], %mul3A_1692 : memref<512x16xf32, #tpu.memory_space<vmem>>[vector<16xi32>, vector<16xi32>], vector<16xf32>,
        %broadcast_in_dim3A_1699 = arith.constant 6 : i32
        %broadcast_in_dim3A_1700 = vector.broadcast %broadcast_in_dim3A_1699 : i32 to vector<16xi32>
        tpu.vector_store_idx %arg15[%add3A_1454, %broadcast_in_dim3A_1700], %mul3A_1693 : memref<512x16xf32, #tpu.memory_space<vmem>>[vector<16xi32>, vector<16xi32>], vector<16xf32>,
        %broadcast_in_dim3A_1701 = arith.constant 7 : i32
        %broadcast_in_dim3A_1702 = vector.broadcast %broadcast_in_dim3A_1701 : i32 to vector<16xi32>
        tpu.vector_store_idx %arg15[%add3A_1454, %broadcast_in_dim3A_1702], %mul3A_1694 : memref<512x16xf32, #tpu.memory_space<vmem>>[vector<16xi32>, vector<16xi32>], vector<16xf32>,
        %mul3A_1703 = arith.mulf %gather3A_1481, %gather3A_1529 : vector<16xf32>
        %mul3A_1704 = arith.mulf %gather3A_1484, %gather3A_1532 : vector<16xf32>
        %add3A_1705 = arith.addf %mul3A_1703, %mul3A_1704 : vector<16xf32>
        %mul3A_1706 = arith.mulf %gather3A_1487, %gather3A_1535 : vector<16xf32>
        %add3A_1707 = arith.addf %add3A_1705, %mul3A_1706 : vector<16xf32>
        %mul3A_1708 = arith.mulf %gather3A_1490, %gather3A_1538 : vector<16xf32>
        %add3A_1709 = arith.addf %add3A_1707, %mul3A_1708 : vector<16xf32>
        %mul3A_1710 = arith.mulf %gather3A_1484, %gather3A_1529 : vector<16xf32>
        %mul3A_1711 = arith.mulf %gather3A_1481, %gather3A_1532 : vector<16xf32>
        %sub3A_1712 = arith.subf %mul3A_1710, %mul3A_1711 : vector<16xf32>
        %mul3A_1713 = arith.mulf %gather3A_1487, %gather3A_1538 : vector<16xf32>
        %sub3A_1714 = arith.subf %sub3A_1712, %mul3A_1713 : vector<16xf32>
        %mul3A_1715 = arith.mulf %gather3A_1490, %gather3A_1535 : vector<16xf32>
        %add3A_1716 = arith.addf %sub3A_1714, %mul3A_1715 : vector<16xf32>
        %mul3A_1717 = arith.mulf %gather3A_1487, %gather3A_1529 : vector<16xf32>
        %mul3A_1718 = arith.mulf %gather3A_1481, %gather3A_1535 : vector<16xf32>
        %sub3A_1719 = arith.subf %mul3A_1717, %mul3A_1718 : vector<16xf32>
        %mul3A_1720 = arith.mulf %gather3A_1484, %gather3A_1538 : vector<16xf32>
        %add3A_1721 = arith.addf %sub3A_1719, %mul3A_1720 : vector<16xf32>
        %mul3A_1722 = arith.mulf %gather3A_1490, %gather3A_1532 : vector<16xf32>
        %sub3A_1723 = arith.subf %add3A_1721, %mul3A_1722 : vector<16xf32>
        %mul3A_1724 = arith.mulf %gather3A_1490, %gather3A_1529 : vector<16xf32>
        %mul3A_1725 = arith.mulf %gather3A_1481, %gather3A_1538 : vector<16xf32>
        %sub3A_1726 = arith.subf %mul3A_1724, %mul3A_1725 : vector<16xf32>
        %mul3A_1727 = arith.mulf %gather3A_1484, %gather3A_1535 : vector<16xf32>
        %sub3A_1728 = arith.subf %sub3A_1726, %mul3A_1727 : vector<16xf32>
        %mul3A_1729 = arith.mulf %gather3A_1487, %gather3A_1532 : vector<16xf32>
        %add3A_1730 = arith.addf %sub3A_1728, %mul3A_1729 : vector<16xf32>
        %mul3A_1731 = arith.mulf %add3A_1709, %add3A_1709 : vector<16xf32>
        %mul3A_1732 = arith.mulf %add3A_1716, %add3A_1716 : vector<16xf32>
        %add3A_1733 = arith.addf %mul3A_1731, %mul3A_1732 : vector<16xf32>
        %mul3A_1734 = arith.mulf %sub3A_1723, %sub3A_1723 : vector<16xf32>
        %add3A_1735 = arith.addf %add3A_1733, %mul3A_1734 : vector<16xf32>
        %mul3A_1736 = arith.mulf %add3A_1730, %add3A_1730 : vector<16xf32>
        %add3A_1737 = arith.addf %add3A_1735, %mul3A_1736 : vector<16xf32>
        %bitcast3A_1738 = vector.bitcast %add3A_1737 : vector<16xf32> to vector<16xi32>
        %shift_right_arithmetic3A_1739 = arith.constant 1 : i32
        %shift_right_arithmetic3A_1740 = vector.broadcast %shift_right_arithmetic3A_1739 : i32 to vector<16xi32>
        %shift_right_arithmetic3A_1741 = arith.shrsi %bitcast3A_1738, %shift_right_arithmetic3A_1740 : vector<16xi32>
        %sub3A_1742 = arith.constant 1597463007 : i32
        %sub3A_1743 = vector.broadcast %sub3A_1742 : i32 to vector<16xi32>
        %sub3A_1744 = arith.subi %sub3A_1743, %shift_right_arithmetic3A_1741 : vector<16xi32>
        %bitcast3A_1745 = vector.bitcast %sub3A_1744 : vector<16xi32> to vector<16xf32>
        %mul3A_1746 = arith.constant 5.000000e-01 : f32
        %mul3A_1747 = vector.broadcast %mul3A_1746 : f32 to vector<16xf32>
        %mul3A_1748 = arith.mulf %add3A_1737, %mul3A_1747 : vector<16xf32>
        %mul3A_1749 = arith.mulf %mul3A_1748, %bitcast3A_1745 : vector<16xf32>
        %mul3A_1750 = arith.mulf %mul3A_1749, %bitcast3A_1745 : vector<16xf32>
        %sub3A_1751 = arith.constant 1.500000e+00 : f32
        %sub3A_1752 = vector.broadcast %sub3A_1751 : f32 to vector<16xf32>
        %sub3A_1753 = arith.subf %sub3A_1752, %mul3A_1750 : vector<16xf32>
        %mul3A_1754 = arith.mulf %bitcast3A_1745, %sub3A_1753 : vector<16xf32>
        %mul3A_1755 = arith.mulf %mul3A_1748, %mul3A_1754 : vector<16xf32>
        %mul3A_1756 = arith.mulf %mul3A_1755, %mul3A_1754 : vector<16xf32>
        %sub3A_1757 = arith.constant 1.500000e+00 : f32
        %sub3A_1758 = vector.broadcast %sub3A_1757 : f32 to vector<16xf32>
        %sub3A_1759 = arith.subf %sub3A_1758, %mul3A_1756 : vector<16xf32>
        %mul3A_1760 = arith.mulf %mul3A_1754, %sub3A_1759 : vector<16xf32>
        %mul3A_1761 = arith.mulf %mul3A_1748, %mul3A_1760 : vector<16xf32>
        %mul3A_1762 = arith.mulf %mul3A_1761, %mul3A_1760 : vector<16xf32>
        %sub3A_1763 = arith.constant 1.500000e+00 : f32
        %sub3A_1764 = vector.broadcast %sub3A_1763 : f32 to vector<16xf32>
        %sub3A_1765 = arith.subf %sub3A_1764, %mul3A_1762 : vector<16xf32>
        %mul3A_1766 = arith.mulf %mul3A_1760, %sub3A_1765 : vector<16xf32>
        %mul3A_1767 = arith.mulf %add3A_1709, %mul3A_1766 : vector<16xf32>
        %mul3A_1768 = arith.mulf %add3A_1716, %mul3A_1766 : vector<16xf32>
        %mul3A_1769 = arith.mulf %sub3A_1723, %mul3A_1766 : vector<16xf32>
        %mul3A_1770 = arith.mulf %add3A_1730, %mul3A_1766 : vector<16xf32>
        %broadcast_in_dim3A_1771 = arith.constant 8 : i32
        %broadcast_in_dim3A_1772 = vector.broadcast %broadcast_in_dim3A_1771 : i32 to vector<16xi32>
        tpu.vector_store_idx %arg15[%add3A_1454, %broadcast_in_dim3A_1772], %mul3A_1767 : memref<512x16xf32, #tpu.memory_space<vmem>>[vector<16xi32>, vector<16xi32>], vector<16xf32>,
        %broadcast_in_dim3A_1773 = arith.constant 9 : i32
        %broadcast_in_dim3A_1774 = vector.broadcast %broadcast_in_dim3A_1773 : i32 to vector<16xi32>
        tpu.vector_store_idx %arg15[%add3A_1454, %broadcast_in_dim3A_1774], %mul3A_1768 : memref<512x16xf32, #tpu.memory_space<vmem>>[vector<16xi32>, vector<16xi32>], vector<16xf32>,
        %broadcast_in_dim3A_1775 = arith.constant 10 : i32
        %broadcast_in_dim3A_1776 = vector.broadcast %broadcast_in_dim3A_1775 : i32 to vector<16xi32>
        tpu.vector_store_idx %arg15[%add3A_1454, %broadcast_in_dim3A_1776], %mul3A_1769 : memref<512x16xf32, #tpu.memory_space<vmem>>[vector<16xi32>, vector<16xi32>], vector<16xf32>,
        %broadcast_in_dim3A_1777 = arith.constant 11 : i32
        %broadcast_in_dim3A_1778 = vector.broadcast %broadcast_in_dim3A_1777 : i32 to vector<16xi32>
        tpu.vector_store_idx %arg15[%add3A_1454, %broadcast_in_dim3A_1778], %mul3A_1770 : memref<512x16xf32, #tpu.memory_space<vmem>>[vector<16xi32>, vector<16xi32>], vector<16xf32>,
        %mul3A_1779 = arith.mulf %gather3A_1493, %gather3A_1541 : vector<16xf32>
        %mul3A_1780 = arith.mulf %gather3A_1496, %gather3A_1544 : vector<16xf32>
        %add3A_1781 = arith.addf %mul3A_1779, %mul3A_1780 : vector<16xf32>
        %mul3A_1782 = arith.mulf %gather3A_1499, %gather3A_1547 : vector<16xf32>
        %add3A_1783 = arith.addf %add3A_1781, %mul3A_1782 : vector<16xf32>
        %mul3A_1784 = arith.mulf %gather3A_1502, %gather3A_1550 : vector<16xf32>
        %add3A_1785 = arith.addf %add3A_1783, %mul3A_1784 : vector<16xf32>
        %mul3A_1786 = arith.mulf %gather3A_1496, %gather3A_1541 : vector<16xf32>
        %mul3A_1787 = arith.mulf %gather3A_1493, %gather3A_1544 : vector<16xf32>
        %sub3A_1788 = arith.subf %mul3A_1786, %mul3A_1787 : vector<16xf32>
        %mul3A_1789 = arith.mulf %gather3A_1499, %gather3A_1550 : vector<16xf32>
        %sub3A_1790 = arith.subf %sub3A_1788, %mul3A_1789 : vector<16xf32>
        %mul3A_1791 = arith.mulf %gather3A_1502, %gather3A_1547 : vector<16xf32>
        %add3A_1792 = arith.addf %sub3A_1790, %mul3A_1791 : vector<16xf32>
        %mul3A_1793 = arith.mulf %gather3A_1499, %gather3A_1541 : vector<16xf32>
        %mul3A_1794 = arith.mulf %gather3A_1493, %gather3A_1547 : vector<16xf32>
        %sub3A_1795 = arith.subf %mul3A_1793, %mul3A_1794 : vector<16xf32>
        %mul3A_1796 = arith.mulf %gather3A_1496, %gather3A_1550 : vector<16xf32>
        %add3A_1797 = arith.addf %sub3A_1795, %mul3A_1796 : vector<16xf32>
        %mul3A_1798 = arith.mulf %gather3A_1502, %gather3A_1544 : vector<16xf32>
        %sub3A_1799 = arith.subf %add3A_1797, %mul3A_1798 : vector<16xf32>
        %mul3A_1800 = arith.mulf %gather3A_1502, %gather3A_1541 : vector<16xf32>
        %mul3A_1801 = arith.mulf %gather3A_1493, %gather3A_1550 : vector<16xf32>
        %sub3A_1802 = arith.subf %mul3A_1800, %mul3A_1801 : vector<16xf32>
        %mul3A_1803 = arith.mulf %gather3A_1496, %gather3A_1547 : vector<16xf32>
        %sub3A_1804 = arith.subf %sub3A_1802, %mul3A_1803 : vector<16xf32>
        %mul3A_1805 = arith.mulf %gather3A_1499, %gather3A_1544 : vector<16xf32>
        %add3A_1806 = arith.addf %sub3A_1804, %mul3A_1805 : vector<16xf32>
        %mul3A_1807 = arith.mulf %add3A_1785, %add3A_1785 : vector<16xf32>
        %mul3A_1808 = arith.mulf %add3A_1792, %add3A_1792 : vector<16xf32>
        %add3A_1809 = arith.addf %mul3A_1807, %mul3A_1808 : vector<16xf32>
        %mul3A_1810 = arith.mulf %sub3A_1799, %sub3A_1799 : vector<16xf32>
        %add3A_1811 = arith.addf %add3A_1809, %mul3A_1810 : vector<16xf32>
        %mul3A_1812 = arith.mulf %add3A_1806, %add3A_1806 : vector<16xf32>
        %add3A_1813 = arith.addf %add3A_1811, %mul3A_1812 : vector<16xf32>
        %bitcast3A_1814 = vector.bitcast %add3A_1813 : vector<16xf32> to vector<16xi32>
        %shift_right_arithmetic3A_1815 = arith.constant 1 : i32
        %shift_right_arithmetic3A_1816 = vector.broadcast %shift_right_arithmetic3A_1815 : i32 to vector<16xi32>
        %shift_right_arithmetic3A_1817 = arith.shrsi %bitcast3A_1814, %shift_right_arithmetic3A_1816 : vector<16xi32>
        %sub3A_1818 = arith.constant 1597463007 : i32
        %sub3A_1819 = vector.broadcast %sub3A_1818 : i32 to vector<16xi32>
        %sub3A_1820 = arith.subi %sub3A_1819, %shift_right_arithmetic3A_1817 : vector<16xi32>
        %bitcast3A_1821 = vector.bitcast %sub3A_1820 : vector<16xi32> to vector<16xf32>
        %mul3A_1822 = arith.constant 5.000000e-01 : f32
        %mul3A_1823 = vector.broadcast %mul3A_1822 : f32 to vector<16xf32>
        %mul3A_1824 = arith.mulf %add3A_1813, %mul3A_1823 : vector<16xf32>
        %mul3A_1825 = arith.mulf %mul3A_1824, %bitcast3A_1821 : vector<16xf32>
        %mul3A_1826 = arith.mulf %mul3A_1825, %bitcast3A_1821 : vector<16xf32>
        %sub3A_1827 = arith.constant 1.500000e+00 : f32
        %sub3A_1828 = vector.broadcast %sub3A_1827 : f32 to vector<16xf32>
        %sub3A_1829 = arith.subf %sub3A_1828, %mul3A_1826 : vector<16xf32>
        %mul3A_1830 = arith.mulf %bitcast3A_1821, %sub3A_1829 : vector<16xf32>
        %mul3A_1831 = arith.mulf %mul3A_1824, %mul3A_1830 : vector<16xf32>
        %mul3A_1832 = arith.mulf %mul3A_1831, %mul3A_1830 : vector<16xf32>
        %sub3A_1833 = arith.constant 1.500000e+00 : f32
        %sub3A_1834 = vector.broadcast %sub3A_1833 : f32 to vector<16xf32>
        %sub3A_1835 = arith.subf %sub3A_1834, %mul3A_1832 : vector<16xf32>
        %mul3A_1836 = arith.mulf %mul3A_1830, %sub3A_1835 : vector<16xf32>
        %mul3A_1837 = arith.mulf %mul3A_1824, %mul3A_1836 : vector<16xf32>
        %mul3A_1838 = arith.mulf %mul3A_1837, %mul3A_1836 : vector<16xf32>
        %sub3A_1839 = arith.constant 1.500000e+00 : f32
        %sub3A_1840 = vector.broadcast %sub3A_1839 : f32 to vector<16xf32>
        %sub3A_1841 = arith.subf %sub3A_1840, %mul3A_1838 : vector<16xf32>
        %mul3A_1842 = arith.mulf %mul3A_1836, %sub3A_1841 : vector<16xf32>
        %mul3A_1843 = arith.mulf %add3A_1785, %mul3A_1842 : vector<16xf32>
        %mul3A_1844 = arith.mulf %add3A_1792, %mul3A_1842 : vector<16xf32>
        %mul3A_1845 = arith.mulf %sub3A_1799, %mul3A_1842 : vector<16xf32>
        %mul3A_1846 = arith.mulf %add3A_1806, %mul3A_1842 : vector<16xf32>
        %broadcast_in_dim3A_1847 = arith.constant 12 : i32
        %broadcast_in_dim3A_1848 = vector.broadcast %broadcast_in_dim3A_1847 : i32 to vector<16xi32>
        tpu.vector_store_idx %arg15[%add3A_1454, %broadcast_in_dim3A_1848], %mul3A_1843 : memref<512x16xf32, #tpu.memory_space<vmem>>[vector<16xi32>, vector<16xi32>], vector<16xf32>,
        %broadcast_in_dim3A_1849 = arith.constant 13 : i32
        %broadcast_in_dim3A_1850 = vector.broadcast %broadcast_in_dim3A_1849 : i32 to vector<16xi32>
        tpu.vector_store_idx %arg15[%add3A_1454, %broadcast_in_dim3A_1850], %mul3A_1844 : memref<512x16xf32, #tpu.memory_space<vmem>>[vector<16xi32>, vector<16xi32>], vector<16xf32>,
        %broadcast_in_dim3A_1851 = arith.constant 14 : i32
        %broadcast_in_dim3A_1852 = vector.broadcast %broadcast_in_dim3A_1851 : i32 to vector<16xi32>
        tpu.vector_store_idx %arg15[%add3A_1454, %broadcast_in_dim3A_1852], %mul3A_1845 : memref<512x16xf32, #tpu.memory_space<vmem>>[vector<16xi32>, vector<16xi32>], vector<16xf32>,
        %broadcast_in_dim3A_1853 = arith.constant 15 : i32
        %broadcast_in_dim3A_1854 = vector.broadcast %broadcast_in_dim3A_1853 : i32 to vector<16xi32>
        tpu.vector_store_idx %arg15[%add3A_1454, %broadcast_in_dim3A_1854], %mul3A_1846 : memref<512x16xf32, #tpu.memory_space<vmem>>[vector<16xi32>, vector<16xi32>], vector<16xf32>,
      }
      %scan3A_229 = arith.constant 32 : i32
      %dma_start3A_230 = arith.constant 0 : i32
      %dma_start3A_231 = tpu.memref_slice %arg4[%add3A_174, %dma_start3A_230] : memref<1600000x16xf32, #tpu.memory_space<hbm>> -> memref<512x16xf32, #tpu.memory_space<hbm>>
      %dma_start3A_232 = arith.constant 0 : i32
      %dma_start3A_233 = tpu.memref_slice %arg4[%add3A_174, %dma_start3A_232] : memref<1600000x16xf32, #tpu.memory_space<hbm>> -> memref<512x16xf32, #tpu.memory_space<hbm>>
      tpu.enqueue_dma source(%arg15 : memref<512x16xf32, #tpu.memory_space<vmem>>) target(%dma_start3A_233 : memref<512x16xf32, #tpu.memory_space<hbm>>) target_semaphore(%arg21 : memref<!tpu.dma_semaphore, #tpu.memory_space<semaphore_mem>>)
    }
    %scan3A_66 = arith.constant 49 : i32
    %dma_wait3A_67 = arith.constant 0 : i32
    %dma_wait3A_68 = arith.constant 0 : i32
    %dma_wait3A_69 = tpu.memref_slice %arg2[%dma_wait3A_67, %dma_wait3A_68] : memref<100000x16xf32, #tpu.memory_space<hbm>> -> memref<100000x16xf32, #tpu.memory_space<hbm>>
    tpu.wait_indirect_dma semaphore(%arg18 : memref<!tpu.dma_semaphore, #tpu.memory_space<semaphore_mem>>) src(%dma_wait3A_69 : memref<100000x16xf32, #tpu.memory_space<hbm>>) dst(%arg10 : memref<512x16xf32, #tpu.memory_space<vmem>>)
    %dma_wait3A_70 = arith.constant 0 : i32
    %dma_wait3A_71 = arith.constant 0 : i32
    %dma_wait3A_72 = tpu.memref_slice %arg2[%dma_wait3A_70, %dma_wait3A_71] : memref<100000x16xf32, #tpu.memory_space<hbm>> -> memref<100000x16xf32, #tpu.memory_space<hbm>>
    tpu.wait_indirect_dma semaphore(%arg18 : memref<!tpu.dma_semaphore, #tpu.memory_space<semaphore_mem>>) src(%dma_wait3A_72 : memref<100000x16xf32, #tpu.memory_space<hbm>>) dst(%arg11 : memref<512x16xf32, #tpu.memory_space<vmem>>)
    %dma_wait3A_73 = arith.constant 0 : i32
    %dma_wait3A_74 = arith.constant 0 : i32
    %dma_wait3A_75 = tpu.memref_slice %arg3[%dma_wait3A_73, %dma_wait3A_74] : memref<2x1600000xi32, #tpu.memory_space<hbm>> -> memref<1x512xi32, #tpu.memory_space<hbm>>
    %dma_wait3A_76 = tpu.memref_squeeze %dma_wait3A_75 : memref<1x512xi32, #tpu.memory_space<hbm>> -> memref<512xi32, #tpu.memory_space<hbm>>
    %dma_wait3A_77 = arith.constant 0 : i32
    %dma_wait3A_78 = tpu.memref_slice %arg3[%dma_wait3A_73, %dma_wait3A_77] : memref<2x1600000xi32, #tpu.memory_space<hbm>> -> memref<1x512xi32, #tpu.memory_space<hbm>>
    %dma_wait3A_79 = tpu.memref_squeeze %dma_wait3A_78 : memref<1x512xi32, #tpu.memory_space<hbm>> -> memref<512xi32, #tpu.memory_space<hbm>>
    tpu.wait_dma2 semaphore(%arg17 : memref<!tpu.dma_semaphore, #tpu.memory_space<semaphore_mem>>) src(%dma_wait3A_79 : memref<512xi32, #tpu.memory_space<hbm>>) dst(%arg8 : memref<512xi32, #tpu.memory_space<vmem>>)
    %dma_wait3A_80 = arith.constant 1 : i32
    %dma_wait3A_81 = arith.constant 0 : i32
    %dma_wait3A_82 = tpu.memref_slice %arg3[%dma_wait3A_80, %dma_wait3A_81] : memref<2x1600000xi32, #tpu.memory_space<hbm>> -> memref<1x512xi32, #tpu.memory_space<hbm>>
    %dma_wait3A_83 = tpu.memref_squeeze %dma_wait3A_82 : memref<1x512xi32, #tpu.memory_space<hbm>> -> memref<512xi32, #tpu.memory_space<hbm>>
    %dma_wait3A_84 = arith.constant 0 : i32
    %dma_wait3A_85 = tpu.memref_slice %arg3[%dma_wait3A_80, %dma_wait3A_84] : memref<2x1600000xi32, #tpu.memory_space<hbm>> -> memref<1x512xi32, #tpu.memory_space<hbm>>
    %dma_wait3A_86 = tpu.memref_squeeze %dma_wait3A_85 : memref<1x512xi32, #tpu.memory_space<hbm>> -> memref<512xi32, #tpu.memory_space<hbm>>
    tpu.wait_dma2 semaphore(%arg17 : memref<!tpu.dma_semaphore, #tpu.memory_space<semaphore_mem>>) src(%dma_wait3A_86 : memref<512xi32, #tpu.memory_space<hbm>>) dst(%arg9 : memref<512xi32, #tpu.memory_space<vmem>>)
    %dma_wait3A_87 = arith.constant 0 : i32
    %dma_wait3A_88 = arith.constant 0 : i32
    %dma_wait3A_89 = tpu.memref_slice %arg4[%dma_wait3A_87, %dma_wait3A_88] : memref<1600000x16xf32, #tpu.memory_space<hbm>> -> memref<512x16xf32, #tpu.memory_space<hbm>>
    %dma_wait3A_90 = arith.constant 0 : i32
    %dma_wait3A_91 = arith.constant 0 : i32
    %dma_wait3A_92 = tpu.memref_slice %arg4[%dma_wait3A_90, %dma_wait3A_91] : memref<1600000x16xf32, #tpu.memory_space<hbm>> -> memref<512x16xf32, #tpu.memory_space<hbm>>
    tpu.wait_dma2 semaphore(%arg20 : memref<!tpu.dma_semaphore, #tpu.memory_space<semaphore_mem>>) src(%arg14 : memref<512x16xf32, #tpu.memory_space<vmem>>) dst(%dma_wait3A_92 : memref<512x16xf32, #tpu.memory_space<hbm>>)
    %dma_wait3A_93 = arith.constant 0 : i32
    %dma_wait3A_94 = arith.constant 0 : i32
    %dma_wait3A_95 = tpu.memref_slice %arg4[%dma_wait3A_93, %dma_wait3A_94] : memref<1600000x16xf32, #tpu.memory_space<hbm>> -> memref<512x16xf32, #tpu.memory_space<hbm>>
    %dma_wait3A_96 = arith.constant 0 : i32
    %dma_wait3A_97 = arith.constant 0 : i32
    %dma_wait3A_98 = tpu.memref_slice %arg4[%dma_wait3A_96, %dma_wait3A_97] : memref<1600000x16xf32, #tpu.memory_space<hbm>> -> memref<512x16xf32, #tpu.memory_space<hbm>>
    tpu.wait_dma2 semaphore(%arg21 : memref<!tpu.dma_semaphore, #tpu.memory_space<semaphore_mem>>) src(%arg15 : memref<512x16xf32, #tpu.memory_space<vmem>>) dst(%dma_wait3A_98 : memref<512x16xf32, #tpu.memory_space<hbm>>)
    return
  }
}

</mosaic_0001>

<sc_bundles>
// kernel: kernel.3.cloned.1.call-start
scs
__scs_entry_jumppad:
0x0: {  	(pc) =	sbr.rel $0x88, $3  }
0x1: {  	(tag) =	ssettag $0x0;
	lr =	simm.s32 $0x1  }
0x2: {  	[smem:$0x3F9F] =	sst lr;
	_ =	strace $0xD0000000  }
0x3: {  	_ = 	snop  }
0x4: {  	_ = 	snop  }
0x5: {  	_ = 	snop  }
0x6: {  	_ = 	snop  }
0x7: {  	_ = 	snop  }
__scs_overlays_trampoline_lowered:
0x8: {  	[smem:$0x3FAE] =	sst s0  }
0x9: {  	[smem:$0x3FAF] =	sst s1  }
0xa: {  	[smem:$0x3FB0] =	sst s2  }
0xb: {  	[smem:$0x3FB1] =	sst s3  }
0xc: {  	[smem:$0x3FB2] =	sst s4  }
0xd: {  	[smem:$0x3FB3] =	sst s5  }
0xe: {  	[smem:$0x3FB4] =	sst s6  }
0xf: {  	[smem:$0x3FB5] =	sst s7  }
0x10: {  	[smem:$0x3FB6] =	sst s8  }
0x11: {  	[smem:$0x3FB7] =	sst s9;
	s0 =	simm.s32 @!p0 $0x0  }
0x12: {  	s1 =	sld [smem:$0x3F9D];
	s0 =	simm.s32 @p0 $0x1  }
0x13: {  	[smem:$0x3FB8] =	sst s0;
	s0 =	simm.s32 @!p1 $0x0  }
0x14: {  	s2 =	sld [smem:$0x3F9C];
	s0 =	simm.s32 @p1 $0x1  }
0x15: {  	[smem:$0x3FB9] =	sst s0;
	s0 =	simm.s32 @!p2 $0x0  }
0x16: {  	s3 =	sld [smem:$0x3FDB];
	s0 =	simm.s32 @p2 $0x1  }
0x17: {  	s4 =	simm.s32 $0x1BF5;
	[smem:$0x3FBB] =	sst s0  }
0x18: {  	s0 =	sld [smem:$0x3F9E];
	_ =	swait.ge [sflag:s4], $0x0  }
0x19: {  	s7 =	sld [smem:$0x3F9F]  }
0x1a: {  	s8 =	sadd.s32 $0xFFFFE003, lr  }
0x1b: {  	s9 =	sadd.s32 $0xFFFFFEF7, lr;
	s5 =	simm.s32 $0xFFFFFFFF;
	p2 =	slt.u32 s8, $0xFFFFF086  }
0x1c: {  	p1 =	slt.u32 s9, $0xF7A;
	s5 =	simm.s32 @!p2 $0x0  }
0x1d: {  	s5 =	simm.s32 @p1 $0x1;
	p0 =	seq.s32 s7, s2  }
0x1e: {  	s7 =	smul.u32 @!p0 $0xF7A, s2;
	p2 =	seq.s32 @!p0 s5, $0x0  }
0x1f: {  	s9 =	smul.u32 $0xF7A, s1;
	s8 =	simm.s32 @!p0 $0x1BF5;
	p2 =	por !p2, p0  }
0x20: {  	[sflag:s8] =	ssyncset.s32 @!p0 $0xFFFFF086;
	s6 =	sadd.s32 @!p0 s3, s7;
	s7 =	simm.s32 @!p0 $0x108  }
0x21: {  	s3 =	sadd.s32 s3, s9;
	s6 =	sadd.s32 @!p0 $0x88, s6;
	s7 =	simm.s32 @p2 $0x1082  }
0x22: {  	[simem:s7], [sflag:s8] =	dma.local @!p0 [hbm:s6], $0xF7A  }
0x23: {  	s9 =	sor.u32 $0xD0000000, s2;
	s6 =	simm.s32 $0x108;
	_ =	swait.ge @!p0 [sflag:s8], $0x0  }
0x24: {  	s3 =	sadd.s32 $0x88, s3;
	s6 =	simm.s32 @!p1 $0x1082;
	[sflag:s4] =	ssyncset.s32 $0xFFFFF086  }
0x25: {  	[simem:s6], [sflag:s4] =	dma.local [hbm:s3], $0xF7A  }
0x26: {  	[smem:$0x3F9F] =	sst s1;
	(tag) =	ssettag s2;
	_ =	strace s9  }
0x27: {  	s1 =	sld [smem:$0x3FAF]  }
0x28: {  	s2 =	sld [smem:$0x3FB0]  }
0x29: {  	s4 =	sld [smem:$0x3FB2]  }
0x2a: {  	p0 =	seq.s32 s5, $0x0;
	s5 =	sld [smem:$0x3FB3]  }
0x2b: {  	s6 =	sld [smem:$0x3FB4]  }
0x2c: {  	s7 =	sld [smem:$0x3FB5]  }
0x2d: {  	s3 =	simm.s32 $0x108;
	s8 =	sld [smem:$0x3FB6]  }
0x2e: {  	s3 =	simm.s32 @!p0 $0x1082;
	s9 =	sld [smem:$0x3FB7]  }
0x2f: {  	lr =	sadd.s32 s0, s3;
	s0 =	sld [smem:$0x3FAE]  }
0x30: {  	s3 =	sld [smem:$0x3FB1]  }
0x31: {  	[smem:$0x3FBA] =	sst s10  }
0x32: {  	s10 =	sld [smem:$0x3FB8];
	_ =	sdelay $0x3  }
0x33: {  	p0 =	seq.s32 s10, $0x1;
	s10 =	sld [smem:$0x3FBA];
	_ =	sdelay $0x3  }
0x34: {  	[smem:$0x3FBA] =	sst s10  }
0x35: {  	s10 =	sld [smem:$0x3FB9];
	_ =	sdelay $0x3  }
0x36: {  	p1 =	seq.s32 s10, $0x1;
	s10 =	sld [smem:$0x3FBA];
	_ =	sdelay $0x3  }
0x37: {  	[smem:$0x3FBA] =	sst s10  }
0x38: {  	s10 =	sld [smem:$0x3FBB]  }
0x39: {  	_ = 	snop;
	(pc) =	sbr.ind lr, $3  }
0x3a: {  	_ = 	snop  }
0x3b: {  	_ = 	snop  }
0x3c: {  	p2 =	seq.s32 s10, $0x1;
	s10 =	sld [smem:$0x3FBA]  }
0x3d: {  	_ =	shalt  }
0x3e: {  	_ =	shalt  }
0x3f: {  	_ =	shalt  }
0x40: {  	_ =	shalt  }
0x41: {  	_ =	shalt  }
0x42: {  	_ =	shalt  }
0x43: {  	_ =	shalt  }
0x44: {  	_ =	shalt  }
0x45: {  	_ =	shalt  }
0x46: {  	_ =	shalt  }
0x47: {  	_ =	shalt  }
0x48: {  	_ =	shalt  }
0x49: {  	_ =	shalt  }
0x4a: {  	_ =	shalt  }
0x4b: {  	_ =	shalt  }
0x4c: {  	_ =	shalt  }
0x4d: {  	_ =	shalt  }
0x4e: {  	_ =	shalt  }
0x4f: {  	_ =	shalt  }
0x50: {  	_ =	shalt  }
0x51: {  	_ =	shalt  }
0x52: {  	_ =	shalt  }
0x53: {  	_ =	shalt  }
0x54: {  	_ =	shalt  }
0x55: {  	_ =	shalt  }
0x56: {  	_ =	shalt  }
0x57: {  	_ =	shalt  }
0x58: {  	_ =	shalt  }
0x59: {  	_ =	shalt  }
0x5a: {  	_ =	shalt  }
0x5b: {  	_ =	shalt  }
0x5c: {  	_ =	shalt  }
0x5d: {  	_ =	shalt  }
0x5e: {  	_ =	shalt  }
0x5f: {  	_ =	shalt  }
0x60: {  	_ =	shalt  }
0x61: {  	_ =	shalt  }
0x62: {  	_ =	shalt  }
0x63: {  	_ =	shalt  }
0x64: {  	_ =	shalt  }
0x65: {  	_ =	shalt  }
0x66: {  	_ =	shalt  }
0x67: {  	_ =	shalt  }
0x68: {  	_ =	shalt  }
0x69: {  	_ =	shalt  }
0x6a: {  	_ =	shalt  }
0x6b: {  	_ =	shalt  }
0x6c: {  	_ =	shalt  }
0x6d: {  	_ =	shalt  }
0x6e: {  	_ =	shalt  }
0x6f: {  	_ =	shalt  }
0x70: {  	_ =	shalt  }
0x71: {  	_ =	shalt  }
0x72: {  	_ =	shalt  }
0x73: {  	_ =	shalt  }
0x74: {  	_ =	shalt  }
0x75: {  	_ =	shalt  }
0x76: {  	_ =	shalt  }
0x77: {  	_ =	shalt  }
0x78: {  	_ =	shalt  }
0x79: {  	_ =	shalt  }
0x7a: {  	_ =	shalt  }
0x7b: {  	_ =	shalt  }
0x7c: {  	_ =	shalt  }
0x7d: {  	_ =	shalt  }
0x7e: {  	_ =	shalt  }
0x7f: {  	_ =	shalt  }
0x80: {  	_ =	shalt  }
0x81: {  	_ =	shalt  }
0x82: {  	_ =	shalt  }
0x83: {  	_ =	shalt  }
0x84: {  	_ =	shalt  }
0x85: {  	_ =	shalt  }
0x86: {  	_ =	shalt  }
0x87: {  	_ =	shalt  }
.Lfunc_end0:
.L_simem_size_0:
called_computation.1_lowered:
.L_overlay_start_0:
0x88: {  	s2 =	sld [smem:$0x3FD9]  }
0x89: {  	s3 =	sld [smem:$0x3FFE];
	_ =	sdelay $0x1  }
0x8a: {  	s1 =	srdreg.scid  }
0x8b: {  	s0 =	sand.u32 $0x1, s1  }
0x8c: {  	s17 =	sshll.u32 s0, $0xA;
	s2 =	sadd.s32 s3, s2  }
0x8d: {  	s2 =	sadd.s32 s2, s17  }
0x8e: {  	[smem:$0x3FC6] =	sst s2  }
0x8f: {  	_ = 	snop  }
0x90: {  	s2 =	sld [smem:$0x3FD0];
	(tm) =	ssettm $0x1  }
0x91: {  	s18 =	sld [smem:$0x3FFB];
	_ =	sdelay $0x3  }
0x92: {  	_ =	strace s18  }
0x93: {  	s3 =	sld [smem:$0x3FFC];
	_ =	sdelay $0x3  }
0x94: {  	_ =	strace s3  }
0x95: {  	s3 =	sld [smem:$0x3FFD];
	_ =	sdelay $0x3  }
0x96: {  	_ =	strace s3  }
0x97: {  	_ =	strace $0x8FFFFFFF  }
0x98: {  	s19 =	sld [smem:$0x3FDB];
	_ =	sdelay $0x1  }
0x99: {  	s4 =	simm.s32 $_scs_section_size  }
0x9a: {  	s5 =	simm.s32 $_size__tile_overlayer_lowered;
	s6 =	simm.s32 $_tile_overlayer_lowered  }
0x9b: {  	s22 =	simm.s32 $0x1BFF;
	s21 =	sshll.u32 s6, $0x1;
	s3 =	sadd.s32 s4, s19  }
0x9c: {  	s7 =	simm.s32 $0x0;
	s20 =	sshll.u32 s5, $0x1;
	s5 =	sadd.s32 s21, s3  }
0x9d: {  	[timem:s7], [sflag:s22] =	dma.local [hbm:s5], s20  }
0x9e: {  	_ =	swait.ge [sflag:s22], s20  }
0x9f: {  	s4 =	ssub.s32 $0x0, s20;
	[sflag:s22] =	ssyncset.done $0x0  }
0xa0: {  	[sflag:s22] =	ssyncadd.s32 s4;
	_ =	sdelay $0x1  }
0xa1: {  	s23 =	simm.s32 $0x1B8B  }
0xa2: {  	_ =	swait.ge [sflag:s23], $0x1  }
0xa3: {  	[sflag:s23] =	ssyncset.done $0x0  }
0xa4: {  	s25 =	simm.s32 $0x1B8E;
	s24 =	sld [smem:$0x3FFE];
	[sflag:s23] =	ssyncadd.s32 $0xFFFFFFFF  }
0xa5: {  	s26 =	simm.s32 $execute0_lowered;
	[smem:$0x3FD2] =	sst s25  }
0xa6: {  	s5 =	sshll.u32 s26, $0x1;
	_ =	strace $0x80000046;
	[dreg:$0x1] =	wrdreg $0xFFFFFFFF  }
0xa7: {  	s28 =	simm.s32 $_size_execute0_lowered;
	s3 =	sadd.s32 s3, s5;
	[dreg:$0x0] =	wrdreg $0x0  }
0xa8: {  	s5 =	sshll.u32 s28, $0x1;
	[dreg:$0x2] =	wrdreg s3  }
0xa9: {  	[dreg:$0x3] =	wrdreg s5  }
0xaa: {  	[dreg:$0x4] =	wrdreg $0xC0  }
0xab: {  	_ =	task [dreg:s7], $0x5FFFF  }
0xac: {  	[dreg:$0x1] =	wrdreg $0xFFFFFFFF  }
0xad: {  	[dreg:$0x0] =	wrdreg $0x60  }
0xae: {  	[dreg:$0x2] =	wrdreg s24  }
0xaf: {  	[dreg:$0x3] =	wrdreg s2  }
0xb0: {  	[dreg:$0x4] =	wrdreg $0x9  }
0xb1: {  	_ =	task.clear_ibuf [dreg:s7], $0x5FFFF;
	_ =	strace $0x90000046  }
0xb2: {  	s29 =	simm.s32 $0x9;
	_ =	strace $0x80000048  }
0xb3: {  	_ =	swait.ge [sflag:s29], $0x1  }
0xb4: {  	[sflag:s29] =	ssyncadd.s32 $0xFFFFFFFF  }
0xb5: {  	_ =	strace $0x90000048  }
0xb6: {  	_ =	sfence  }
0xb7: {  	s30 =	sld [smem:$0x0];
	_ =	sdelay $0x2  }
0xb8: {  	s31 =	sshll.u32 s1, $0xD;
	s1 =	sshrl.u32 s1, $0x2  }
0xb9: {  	s3 =	sand.u32 $0x4000, s31;
	s1 =	sadd.s32 s1, s30  }
0xba: {  	s0 =	sor.u32 s3, s0;
	s1 =	sshll.u32 s1, $0x11  }
0xbb: {  	s0 =	sor.u32 s1, s0  }
0xbc: {  	s0 =	sadd.s32 $0x8F2B, s0  }
0xbd: {  	[sflag:s0] =	ssyncadd.remote.s32 $0x1  }
0xbe: {  	_ =	sfence.sel $0xFFFF  }
0xbf: {  	[dreg:$0x0] =	wrdreg $0xFFFFFFFF;
	(pc) =	sbr.abs _section_cstart, $3  }
0xc0: {  	[dreg:$0x1] =	wrdreg $0xFFFFFFFF  }
0xc1: {  	_ =	task.clear_ibuf [dreg:s7], $0x2FFFF;
	_ =	strace $0x9FFFFFFF  }
0xc2: {  	(tm) =	ssettm $0x7FFFFFFF  }
0xc3: {  	_ =	shalt  }
tec
execute0_lowered:
.L_overlay_start_1:
0x0: {  	(tag) =	ssettag $0x1  }
0x1: {  	s0 =	rddreg [dreg:$0x0]  }
0x2: {  	s2 =	rddreg [dreg:$0x1];
	s1 =	srdreg.scid  }
0x3: {  	s4 =	stileid.u32;
	s3 =	simm.s32 $0x0;
	s16 =	simm.s32 $0x200  }
0x4: {  	s17 =	simm.s32 $0x400;
	s18 =	simm.s32 $0x600;
	s19 =	simm.s32 $0x1  }
0x5: {  	s20 =	simm.s32 $0x800;
	s21 =	simm.s32 $0x2800;
	s22 =	simm.s32 $0x8800  }
0x6: {  	s28 =	simm.s32 $0x3;
	s29 =	simm.s32 $0x5;
	s30 =	simm.s32 $0x4  }
0x7: {  	s31 =	simm.s32 $0x6;
	s1 =	sand.u32 $0x1, s1;
	s4 =	sshll.u32 s4, $0x1  }
0x8: {  	[smem:$0x7FF] =	sst s3;
	s5 =	sadd.s32 $0x62A00, s0;
	s7 =	sor.u32 s1, s4  }
0x9: {  	s6 =	sadd.s32 $0xE00, s0;
	s1 =	ssub.s32 $0x2, s1;
	s4 =	smul.u32 $0xC350, s7  }
0xa: {  	_ =	strace $0x80000047;
	s7 =	sshll.u32 s7, $0xB;
	s8 =	sshrl.u32 s1, $0x1  }
0xb: {  	s0 =	sadd.s32 s7, s0;
	s1 =	ssub.s32 s1, s8;
	s9 =	sshrl.u32 s4, $0x3  }
0xc: {  	s26 =	sadd.s32 $0x93800, s0;
	s12 =	sadd.s32 $0x93C00, s0;
	s7 =	sadd.s32 s6, s9  }
0xd: {  	s13 =	sadd.s32 $0x400, s4;
	[dreg:$0x6] =	wrdreg s26;
	s23 =	sadd.s32 $0x30D40, s7  }
0xe: {  	s14 =	sadd.s32 $0x600, s4;
	s24 =	sadd.s32 $0x40, s7;
	[dreg:$0x3] =	wrdreg s23  }
0xf: {  	s15 =	smax.u32 s1, $0x1;
	s25 =	sadd.s32 $0x30D80, s7;
	[dreg:$0x4] =	wrdreg s24  }
0x10: {  	v0 =	vlaneseq.u32;
	s0 =	simm.s32 $0x0;
	s26 =	simm.s32 $0x6800;
	[dreg:$0x5] =	wrdreg s25  }
0x11: {  	v0 =	vmul.u32 $0x10, v0;
	s23 =	simm.s32 $0xA800;
	s24 =	simm.s32 $0x2;
	s25 =	simm.s32 $0x4800  }
.LBB2_1:
0x12: {  	[tilespmem:s3], [sflag:$0x1] =	stream.linear.gather [hbm4b:s7+s3], $0x200, $0x38;
	[tilespmem:$0xC800] =	vst v63  }
0x13: {  	s1 =	rddreg [dreg:$0x3]  }
0x14: {  	[tilespmem:s16], [sflag:$0x1] =	stream.linear.gather [hbm4b:s1+s3], $0x200, $0x38;
	[tilespmem:$0xC800] =	vst v63  }
0x15: {  	s9 =	rddreg [dreg:$0x4]  }
0x16: {  	[tilespmem:s17], [sflag:$0x2] =	stream.linear.gather [hbm4b:s9+s3], $0x200, $0x38;
	[tilespmem:$0xC800] =	vst v63  }
0x17: {  	s10 =	rddreg [dreg:$0x5]  }
0x18: {  	[tilespmem:s18], [sflag:$0x2] =	stream.linear.gather [hbm4b:s10+s3], $0x200, $0x38;
	[tilespmem:$0xC800] =	vst v63  }
0x19: {  	_ =	swait.ge [sflag:s19], $0x200  }
0x1a: {  	[sflag:s19] =	ssyncset.done $0x0  }
0x1b: {  	[sflag:s19] =	ssyncadd.s32 $0xFFFFFE00  }
0x1c: {  	_ =	swait.ge [sflag:s19], $0x200  }
0x1d: {  	[sflag:s19] =	ssyncset.done $0x0  }
0x1e: {  	[sflag:s19] =	ssyncadd.s32 $0xFFFFFE00  }
0x1f: {  	[tilespmem:s20], [sflag:$0x3] =	stream.indirect.gather [hbm4b:s5+s16], $0x10, s3, s16, $0xb8;
	[tilespmem:$0xC800] =	vst v63  }
0x20: {  	_ = 	snop  }
0x21: {  	[tilespmem:s21], [sflag:$0x3] =	stream.indirect.gather [hbm4b:s5+s16], $0x10, s16, s16, $0xb8;
	[tilespmem:$0xC800] =	vst v63  }
0x22: {  	s11 =	rddreg [dreg:$0x6]  }
0x23: {  	[hbm4b:s11+s3] =	stream.linear.scatter [tilespmem:s22], [sflag:$0x5], $0x2000, $0x38;
	[tilespmem:$0xC800] =	vst v63  }
0x24: {  	s1 =	simm.s32 $0x0  }
0x25: {  	[hbm4b:s12+s3] =	stream.linear.scatter [tilespmem:s23], [sflag:$0x6], $0x2000, $0x38;
	[tilespmem:$0xC800] =	vst v63  }
.LBB2_2:
0x26: {  	_ =	swait.ge [sflag:s24], $0x200  }
0x27: {  	[sflag:s24] =	ssyncset.done $0x0  }
0x28: {  	[sflag:s24] =	ssyncadd.s32 $0xFFFFFE00  }
0x29: {  	_ =	swait.ge [sflag:s24], $0x200  }
0x2a: {  	[sflag:s24] =	ssyncset.done $0x0  }
0x2b: {  	[sflag:s24] =	ssyncadd.s32 $0xFFFFFE00  }
0x2c: {  	[tilespmem:s25], [sflag:$0x4] =	stream.indirect.gather [hbm4b:s5+s16], $0x10, s17, s16, $0xb8;
	[tilespmem:$0xC800] =	vst v63  }
0x2d: {  	_ = 	snop  }
0x2e: {  	[tilespmem:s26], [sflag:$0x4] =	stream.indirect.gather [hbm4b:s5+s16], $0x10, s18, s16, $0xb8;
	[tilespmem:$0xC800] =	vst v63  }
0x2f: {  	_ =	swait.ge [sflag:s28], $0x2000  }
0x30: {  	s8 =	sshll.u32 s1, $0xA;
	[sflag:s28] =	ssyncset.done $0x0  }
0x31: {  	s9 =	smin.u32 s8, $0xBD50;
	[sflag:s28] =	ssyncadd.s32 $0xFFFFE000  }
0x32: {  	s9 =	sadd.s32 s9, s13;
	_ =	swait.ge [sflag:s28], $0x2000  }
0x33: {  	s9 =	sshrl.u32 s9, $0x3;
	[sflag:s28] =	ssyncset.done $0x0  }
0x34: {  	s9 =	sadd.s32 s6, s9;
	[sflag:s28] =	ssyncadd.s32 $0xFFFFE000  }
0x35: {  	[tilespmem:s3], [sflag:$0x1] =	stream.linear.gather [hbm4b:s9+s3], $0x200, $0x38;
	[tilespmem:$0xC800] =	vst v63  }
0x36: {  	s9 =	sadd.s32 $0x30D40, s9  }
0x37: {  	[tilespmem:s16], [sflag:$0x1] =	stream.linear.gather [hbm4b:s9+s3], $0x200, $0x38;
	[tilespmem:$0xC800] =	vst v63  }
0x38: {  	_ =	swait.ge [sflag:s29], $0x2000  }
0x39: {  	[sflag:s29] =	ssyncset.done $0x0  }
0x3a: {  	s10 =	simm.s32 $0x30;
	s9 =	simm.s32 $0xFFFFFFFC;
	[sflag:s29] =	ssyncadd.s32 $0xFFFFE000  }
.LBB2_3:
0x3b: {  	s11 =	sadd.s32 $0xFFFFFFD0, s10  }
0x3c: {  	v1 =	vmov s11  }
0x3d: {  	v1 =	vshll.u32 v1, $0x4  }
0x3e: {  	v11 =	vor.u32 v0, v1;
	_ =	sdelay $0x1  }
0x3f: {  	v4 =	vor.u32 $0x1, v11;
	_ =	sdelay $0x1  }
0x40: {  	v5 =	vor.u32 $0x2, v11  }
0x41: {  	v12 =	vld.idx.msk [tilespmem:v11+s20+$0x0], $0xffff  }
0x42: {  	v2 =	vor.u32 $0x3, v11;
	v14 =	vld.idx.msk [tilespmem:v11+s21+$0x0], $0xffff  }
0x43: {  	v15 =	vld.idx.msk [tilespmem:v4+s20+$0x0], $0xffff  }
0x44: {  	v9 =	vor.u32 $0x4, v11;
	v16 =	vld.idx.msk [tilespmem:v4+s21+$0x0], $0xffff  }
0x45: {  	v3 =	vor.u32 $0x5, v11;
	v17 =	vld.idx.msk [tilespmem:v5+s20+$0x0], $0xffff  }
0x46: {  	v18 =	vld.idx.msk [tilespmem:v5+s21+$0x0], $0xffff  }
0x47: {  	v19 =	vld.idx.msk [tilespmem:v2+s21+$0x0], $0xffff  }
0x48: {  	v6 =	vor.u32 $0x6, v11;
	v20 =	vld.idx.msk [tilespmem:v2+s20+$0x0], $0xffff  }
0x49: {  	v23 =	vld.idx.msk [tilespmem:v9+s20+$0x0], $0xffff  }
0x4a: {  	v25 =	vld.idx.msk [tilespmem:v3+s20+$0x0], $0xffff;
	v10 =	vmul.f32 v14, v12  }
0x4b: {  	v7 =	vor.u32 $0x7, v11;
	v28 =	vld.idx.msk [tilespmem:v9+s21+$0x0], $0xffff;
	v13 =	vmul.f32 v16, v15;
	v21 =	vmul.f32 v14, v15  }
0x4c: {  	v63 =	vld.idx.msk [tilespmem:v3+s21+$0x0], $0xffff;
	v22 =	vmul.f32 v16, v12;
	v24 =	vmul.f32 v18, v17  }
0x4d: {  	v30 =	vld.idx.msk [tilespmem:v6+s20+$0x0], $0xffff;
	v61 =	vmul.f32 v19, v17;
	v26 =	vmul.f32 v14, v17  }
0x4e: {  	v38 =	vld.idx.msk [tilespmem:v6+s21+$0x0], $0xffff;
	v27 =	vmul.f32 v18, v12;
	v62 =	vmul.f32 v19, v20  }
0x4f: {  	v29 =	vmul.f32 v18, v20;
	v36 =	vmul.f32 v19, v15  }
0x50: {  	v40 =	vld.idx.msk [tilespmem:v7+s20+$0x0], $0xffff;
	v37 =	vmul.f32 v14, v20;
	v12 =	vmul.f32 v19, v12  }
0x51: {  	v43 =	vld.idx.msk [tilespmem:v7+s21+$0x0], $0xffff;
	v20 =	vmul.f32 v16, v20;
	v18 =	vmul.f32 v18, v15  }
0x52: {  	v16 =	vmul.f32 v16, v17;
	v44 =	vmul.f32 v28, v23  }
0x53: {  	v45 =	vmul.f32 v63, v25;
	v48 =	vmul.f32 v38, v30  }
0x54: {  	v50 =	vmul.f32 v28, v25;
	v51 =	vmul.f32 v63, v23  }
0x55: {  	v8 =	vor.u32 $0x8, v11;
	v52 =	vmul.f32 v28, v30;
	v53 =	vmul.f32 v38, v23  }
0x56: {  	v1 =	vor.u32 $0x9, v11;
	v31 =	vmul.f32 v43, v40;
	v54 =	vmul.f32 v43, v30  }
0x57: {  	v32 =	vmul.f32 v38, v40;
	v55 =	vmul.f32 v43, v25;
	v13 =	vadd.f32 v13, v10  }
0x58: {  	v28 =	vmul.f32 v28, v40;
	v21 =	vsub.f32 v21, v22;
	v26 =	vsub.f32 v26, v27  }
0x59: {  	v23 =	vmul.f32 v43, v23;
	v12 =	vsub.f32 v37, v12;
	v47 =	vadd.f32 v45, v44  }
0x5a: {  	v10 =	vor.u32 $0xA, v11;
	v39 =	vadd.f32 v36, v26;
	v26 =	vsub.f32 v52, v53  }
0x5b: {  	v19 =	vmul.f32 v38, v25;
	v25 =	vld.idx.msk [tilespmem:v1+s20+$0x0], $0xffff;
	v13 =	vadd.f32 v24, v13;
	v21 =	vsub.f32 v21, v61  }
0x5c: {  	v17 =	vmul.f32 v63, v40;
	v18 =	vsub.f32 v12, v18;
	v56 =	vadd.f32 v55, v26;
	v26 =	vld.idx.msk [tilespmem:v8+s20+$0x0], $0xffff  }
0x5d: {  	v12 =	vor.u32 $0xB, v11;
	v24 =	vsub.f32 v28, v23;
	v14 =	vadd.f32 v21, v29;
	v29 =	vld.idx.msk [tilespmem:v8+s21+$0x0], $0xffff  }
0x5e: {  	v58 =	vmul.f32 v63, v30;
	v13 =	vadd.f32 v62, v13;
	v15 =	vsub.f32 v39, v20;
	v62 =	vld.idx.msk [tilespmem:v1+s21+$0x0], $0xffff  }
0x5f: {  	v22 =	vor.u32 $0xF, v11;
	v16 =	vadd.f32 v18, v16;
	v59 =	vsub.f32 v24, v19;
	v63 =	vld.idx.msk [tilespmem:v10+s20+$0x0], $0xffff  }
0x60: {  	v18 =	vadd.f32 v48, v47;
	v53 =	vld.idx.msk [tilespmem:v10+s21+$0x0], $0xffff;
	v41 =	vmul.f32 v13, v13;
	v23 =	vsub.f32 v56, v17  }
0x61: {  	v42 =	vmul.f32 v14, v14;
	v46 =	vmul.f32 v15, v15;
	v24 =	vadd.f32 v59, v58  }
0x62: {  	v19 =	vor.u32 $0xE, v11;
	v57 =	vmul.f32 v16, v16;
	v55 =	vld.idx.msk [tilespmem:v12+s21+$0x0], $0xffff;
	v52 =	vmul.f32 v23, v23  }
0x63: {  	v36 =	vld.idx.msk [tilespmem:v12+s20+$0x0], $0xffff;
	v20 =	vadd.f32 v42, v41;
	v34 =	vmul.f32 v24, v24;
	v37 =	vmul.f32 v29, v26  }
0x64: {  	v17 =	vor.u32 $0xC, v11;
	v38 =	vmul.f32 v62, v25;
	v39 =	vmul.f32 v29, v25  }
0x65: {  	v40 =	vmul.f32 v62, v26;
	v49 =	vadd.f32 v20, v46;
	v42 =	vmul.f32 v53, v63  }
0x66: {  	v20 =	vsub.f32 v50, v51;
	v44 =	vmul.f32 v29, v63;
	v45 =	vmul.f32 v53, v26  }
0x67: {  	v28 =	vmul.f32 v62, v63;
	v37 =	vadd.f32 v38, v37;
	v39 =	vsub.f32 v39, v40  }
0x68: {  	v27 =	vadd.f32 v49, v57;
	v57 =	vmul.f32 v55, v63;
	v58 =	vmul.f32 v55, v36  }
0x69: {  	v48 =	vld.idx.msk [tilespmem:v19+s20+$0x0], $0xffff;
	v21 =	vsub.f32 v20, v54;
	v47 =	vmul.f32 v53, v36;
	v59 =	vmul.f32 v55, v25  }
0x6a: {  	v38 =	vld.idx.msk [tilespmem:v17+s20+$0x0], $0xffff;
	v20 =	vadd.f32 v31, v18;
	v29 =	vmul.f32 v29, v36;
	v26 =	vmul.f32 v55, v26  }
0x6b: {  	v46 =	vld.idx.msk [tilespmem:v17+s21+$0x0], $0xffff;
	v18 =	vor.u32 $0xD, v11;
	v36 =	vmul.f32 v62, v36;
	v25 =	vmul.f32 v53, v25  }
0x6c: {  	v63 =	vld.idx.msk [tilespmem:v22+s21+$0x0], $0xffff;
	v37 =	vadd.f32 v42, v37;
	v54 =	vshra.s32 v27, $0x1;
	v27 =	vmul.f32 $5.000000000e-01, v27  }
0x6d: {  	v21 =	vadd.f32 v21, v32;
	v39 =	vsub.f32 v39, v57;
	v32 =	vld.idx.msk [tilespmem:v19+s21+$0x0], $0xffff;
	v33 =	vsub.s32 $0x5F3759DF, v54  }
0x6e: {  	v60 =	vmul.f32 v20, v20;
	v26 =	vsub.f32 v29, v26;
	v29 =	vld.idx.msk [tilespmem:v22+s20+$0x0], $0xffff;
	v35 =	vmul.f32 v33, v27  }
0x6f: {  	v37 =	vadd.f32 v58, v37;
	v61 =	vmul.f32 v21, v21;
	v39 =	vadd.f32 v39, v47  }
0x70: {  	v44 =	vsub.f32 v44, v45;
	v57 =	vmul.f32 v46, v48;
	v43 =	vld.idx.msk [tilespmem:v18+s20+$0x0], $0xffff;
	v35 =	vmul.f32 v33, v35  }
0x71: {  	v40 =	vld.idx.msk [tilespmem:v18+s21+$0x0], $0xffff;
	v51 =	vadd.f32 v61, v60;
	v61 =	vmul.f32 v37, v37;
	v62 =	vmul.f32 v39, v39  }
0x72: {  	v60 =	vadd.f32 v59, v44;
	v54 =	vmul.f32 v32, v48;
	v58 =	vmul.f32 v32, v38  }
0x73: {  	v59 =	vmul.f32 v63, v29;
	v49 =	vmul.f32 v32, v29  }
0x74: {  	v56 =	vadd.f32 v51, v52;
	v30 =	vsub.f32 v60, v36;
	v51 =	vmul.f32 v46, v38  }
0x75: {  	v31 =	vadd.f32 v62, v61;
	v60 =	vmul.f32 v63, v48;
	v62 =	vmul.f32 v46, v29  }
0x76: {  	v25 =	vsub.f32 v26, v25;
	v52 =	vmul.f32 v40, v43;
	v53 =	vmul.f32 v30, v30  }
0x77: {  	v34 =	vadd.f32 v56, v34;
	v55 =	vmul.f32 v46, v43;
	v56 =	vmul.f32 v40, v38  }
0x78: {  	v25 =	vadd.f32 v25, v28;
	v61 =	vmul.f32 v63, v43;
	v38 =	vmul.f32 v63, v38  }
0x79: {  	v29 =	vmul.f32 v40, v29;
	v26 =	vadd.f32 v52, v51;
	v36 =	vsub.f32 v55, v56  }
0x7a: {  	v28 =	vsub.f32 v57, v58;
	v32 =	vmul.f32 v32, v43;
	v63 =	vmul.f32 v25, v25  }
0x7b: {  	v45 =	vmul.f32 v40, v48;
	v26 =	vadd.f32 v54, v26;
	v36 =	vsub.f32 v36, v60  }
0x7c: {  	v41 =	vshra.s32 v34, $0x1;
	v28 =	vadd.f32 v61, v28;
	v38 =	vsub.f32 v62, v38  }
0x7d: {  	v34 =	vmul.f32 $5.000000000e-01, v34;
	v26 =	vadd.f32 v59, v26;
	v36 =	vadd.f32 v36, v49  }
0x7e: {  	v31 =	vadd.f32 v31, v53;
	v41 =	vsub.s32 $0x5F3759DF, v41;
	v28 =	vsub.f32 v28, v29  }
0x7f: {  	v32 =	vsub.f32 v38, v32;
	v46 =	vmul.f32 v26, v26;
	v47 =	vmul.f32 v36, v36  }
0x80: {  	v35 =	vsub.f32 $1.500000000e+00, v35;
	v48 =	vmul.f32 v41, v34;
	v31 =	vadd.f32 v31, v63  }
0x81: {  	v29 =	vadd.f32 v32, v45;
	v50 =	vmul.f32 v28, v28;
	v49 =	vadd.f32 v47, v46  }
0x82: {  	v33 =	vmul.f32 v33, v35;
	v51 =	vmul.f32 v41, v48;
	v52 =	vshra.s32 v31, $0x1  }
0x83: {  	v31 =	vmul.f32 $5.000000000e-01, v31;
	v53 =	vmul.f32 v29, v29;
	v32 =	vadd.f32 v49, v50  }
0x84: {  	v54 =	vmul.f32 v33, v27;
	v40 =	vsub.s32 $0x5F3759DF, v52;
	v35 =	vsub.f32 $1.500000000e+00, v51  }
0x85: {  	v55 =	vmul.f32 v40, v31;
	v32 =	vadd.f32 v32, v53  }
0x86: {  	v56 =	vmul.f32 v54, v33;
	v35 =	vmul.f32 v41, v35  }
0x87: {  	v57 =	vmul.f32 v40, v55;
	v58 =	vshra.s32 v32, $0x1;
	v32 =	vmul.f32 $5.000000000e-01, v32  }
0x88: {  	v38 =	vsub.f32 $1.500000000e+00, v56;
	v59 =	vmul.f32 v35, v34;
	v42 =	vsub.s32 $0x5F3759DF, v58  }
0x89: {  	v41 =	vsub.f32 $1.500000000e+00, v57;
	v60 =	vmul.f32 v42, v32  }
0x8a: {  	v33 =	vmul.f32 v38, v33;
	v61 =	vmul.f32 v59, v35  }
0x8b: {  	v40 =	vmul.f32 v40, v41;
	v62 =	vmul.f32 v42, v60  }
0x8c: {  	v27 =	vmul.f32 v33, v27;
	v38 =	vsub.f32 $1.500000000e+00, v61  }
0x8d: {  	v63 =	vmul.f32 v40, v31;
	v41 =	vsub.f32 $1.500000000e+00, v62  }
0x8e: {  	v27 =	vmul.f32 v27, v33;
	v35 =	vmul.f32 v38, v35  }
0x8f: {  	v45 =	vmul.f32 v63, v40;
	v41 =	vmul.f32 v42, v41  }
0x90: {  	v27 =	vsub.f32 $1.500000000e+00, v27;
	v34 =	vmul.f32 v35, v34  }
0x91: {  	v38 =	vsub.f32 $1.500000000e+00, v45;
	v42 =	vmul.f32 v41, v32  }
0x92: {  	v27 =	vmul.f32 v27, v33;
	v46 =	vmul.f32 v34, v35  }
0x93: {  	v47 =	vmul.f32 v38, v40;
	v48 =	vmul.f32 v42, v41  }
0x94: {  	v13 =	vmul.f32 v27, v13;
	v33 =	vsub.f32 $1.500000000e+00, v46  }
0x95: {  	v14 =	vmul.f32 v27, v14;
	v31 =	vmul.f32 v47, v31;
	v38 =	vsub.f32 $1.500000000e+00, v48  }
0x96: {  	v15 =	vmul.f32 v27, v15;
	v33 =	vmul.f32 v33, v35  }
0x97: {  	[tilespmem:v11+s22+$0x0] =	vst.idx.msk $0xffff, v13;
	v49 =	vmul.f32 v31, v47;
	v50 =	vmul.f32 v38, v41  }
0x98: {  	v16 =	vmul.f32 v27, v16;
	[tilespmem:v4+s22+$0x0] =	vst.idx.msk $0xffff, v14  }
0x99: {  	[tilespmem:v5+s22+$0x0] =	vst.idx.msk $0xffff, v15;
	v51 =	vmul.f32 v33, v20;
	v52 =	vsub.f32 $1.500000000e+00, v49;
	v53 =	vmul.f32 v50, v32  }
0x9a: {  	[tilespmem:v2+s22+$0x0] =	vst.idx.msk $0xffff, v16;
	v2 =	vmul.f32 v33, v21;
	v54 =	vmul.f32 v33, v23  }
0x9b: {  	[tilespmem:v9+s22+$0x0] =	vst.idx.msk $0xffff, v51;
	v55 =	vmul.f32 v52, v47;
	v56 =	vmul.f32 v53, v50  }
0x9c: {  	v57 =	vmul.f32 v33, v24;
	[tilespmem:v3+s22+$0x0] =	vst.idx.msk $0xffff, v2  }
0x9d: {  	[tilespmem:v6+s22+$0x0] =	vst.idx.msk $0xffff, v54;
	v2 =	vmul.f32 v55, v37;
	v3 =	vsub.f32 $1.500000000e+00, v56  }
0x9e: {  	v58 =	vmul.f32 v55, v39;
	[tilespmem:v7+s22+$0x0] =	vst.idx.msk $0xffff, v57  }
0x9f: {  	s11 =	sadd.s32 $0xFFFFFFE0, s10;
	v59 =	vmul.f32 v55, v30;
	[tilespmem:v8+s22+$0x0] =	vst.idx.msk $0xffff, v2;
	v3 =	vmul.f32 v3, v50  }
0xa0: {  	v2 =	vmul.f32 v55, v25;
	[tilespmem:v1+s22+$0x0] =	vst.idx.msk $0xffff, v58;
	v1 =	vmov s11  }
0xa1: {  	[tilespmem:v10+s22+$0x0] =	vst.idx.msk $0xffff, v59;
	v1 =	vshll.u32 v1, $0x4;
	v60 =	vmul.f32 v3, v26  }
0xa2: {  	[tilespmem:v12+s22+$0x0] =	vst.idx.msk $0xffff, v2;
	v2 =	vor.u32 v0, v1;
	v61 =	vmul.f32 v3, v36  }
0xa3: {  	v1 =	vor.u32 $0x1, v2;
	v62 =	vmul.f32 v3, v28;
	[tilespmem:v17+s22+$0x0] =	vst.idx.msk $0xffff, v60  }
0xa4: {  	v3 =	vmul.f32 v3, v29;
	[tilespmem:v18+s22+$0x0] =	vst.idx.msk $0xffff, v61  }
0xa5: {  	[tilespmem:v19+s22+$0x0] =	vst.idx.msk $0xffff, v62  }
0xa6: {  	v6 =	vor.u32 $0x2, v2;
	[tilespmem:v22+s22+$0x0] =	vst.idx.msk $0xffff, v3  }
0xa7: {  	v12 =	vld.idx.msk [tilespmem:v2+s20+$0x0], $0xffff  }
0xa8: {  	v4 =	vor.u32 $0x3, v2;
	v15 =	vld.idx.msk [tilespmem:v1+s20+$0x0], $0xffff  }
0xa9: {  	v14 =	vld.idx.msk [tilespmem:v2+s21+$0x0], $0xffff  }
0xaa: {  	v10 =	vor.u32 $0x4, v2;
	v16 =	vld.idx.msk [tilespmem:v1+s21+$0x0], $0xffff  }
0xab: {  	v5 =	vor.u32 $0x5, v2;
	v17 =	vld.idx.msk [tilespmem:v6+s20+$0x0], $0xffff  }
0xac: {  	v18 =	vld.idx.msk [tilespmem:v6+s21+$0x0], $0xffff  }
0xad: {  	v19 =	vld.idx.msk [tilespmem:v4+s21+$0x0], $0xffff  }
0xae: {  	v7 =	vor.u32 $0x6, v2;
	v63 =	vld.idx.msk [tilespmem:v4+s20+$0x0], $0xffff  }
0xaf: {  	v23 =	vld.idx.msk [tilespmem:v10+s20+$0x0], $0xffff  }
0xb0: {  	v25 =	vld.idx.msk [tilespmem:v5+s20+$0x0], $0xffff;
	v33 =	vmul.f32 v14, v12  }
0xb1: {  	v8 =	vor.u32 $0x7, v2;
	v41 =	vld.idx.msk [tilespmem:v10+s21+$0x0], $0xffff;
	v34 =	vmul.f32 v16, v15;
	v35 =	vmul.f32 v14, v15  }
0xb2: {  	v43 =	vld.idx.msk [tilespmem:v5+s21+$0x0], $0xffff;
	v36 =	vmul.f32 v16, v12;
	v37 =	vmul.f32 v18, v17  }
0xb3: {  	v46 =	vld.idx.msk [tilespmem:v7+s20+$0x0], $0xffff;
	v38 =	vmul.f32 v19, v17;
	v39 =	vmul.f32 v14, v17  }
0xb4: {  	v48 =	vld.idx.msk [tilespmem:v7+s21+$0x0], $0xffff;
	v40 =	vmul.f32 v18, v12;
	v42 =	vmul.f32 v19, v63  }
0xb5: {  	v44 =	vmul.f32 v18, v63;
	v45 =	vmul.f32 v19, v15  }
0xb6: {  	v50 =	vld.idx.msk [tilespmem:v8+s20+$0x0], $0xffff;
	v47 =	vmul.f32 v14, v63;
	v12 =	vmul.f32 v19, v12  }
0xb7: {  	v53 =	vld.idx.msk [tilespmem:v8+s21+$0x0], $0xffff;
	v20 =	vmul.f32 v16, v63;
	v18 =	vmul.f32 v18, v15  }
0xb8: {  	v16 =	vmul.f32 v16, v17;
	v54 =	vmul.f32 v41, v23  }
0xb9: {  	v9 =	vor.u32 $0x8, v2;
	v55 =	vmul.f32 v43, v25;
	v58 =	vmul.f32 v48, v46  }
0xba: {  	v3 =	vor.u32 $0x9, v2;
	v60 =	vmul.f32 v41, v25;
	v61 =	vmul.f32 v43, v23  }
0xbb: {  	v11 =	vor.u32 $0xA, v2;
	v62 =	vmul.f32 v41, v46;
	v63 =	vmul.f32 v48, v23  }
0xbc: {  	v22 =	vor.u32 $0xF, v2;
	v28 =	vmul.f32 v41, v50;
	v23 =	vmul.f32 v53, v23  }
0xbd: {  	v17 =	vmul.f32 v43, v50;
	v13 =	vadd.f32 v34, v33;
	v21 =	vsub.f32 v35, v36  }
0xbe: {  	v29 =	vld.idx.msk [tilespmem:v9+s21+$0x0], $0xffff;
	v19 =	vmul.f32 v48, v25;
	v26 =	vsub.f32 v39, v40;
	v12 =	vsub.f32 v47, v12  }
0xbf: {  	v30 =	vld.idx.msk [tilespmem:v3+s21+$0x0], $0xffff;
	v57 =	vadd.f32 v55, v54;
	v36 =	vmul.f32 v53, v50;
	v24 =	vsub.f32 v28, v23  }
0xc0: {  	v39 =	vmul.f32 v53, v25;
	v25 =	vld.idx.msk [tilespmem:v3+s20+$0x0], $0xffff;
	v13 =	vadd.f32 v37, v13;
	v21 =	vsub.f32 v21, v38  }
0xc1: {  	v31 =	vld.idx.msk [tilespmem:v11+s21+$0x0], $0xffff;
	v49 =	vadd.f32 v45, v26;
	v18 =	vsub.f32 v12, v18;
	v12 =	vor.u32 $0xB, v2  }
0xc2: {  	v28 =	vld.idx.msk [tilespmem:v11+s20+$0x0], $0xffff;
	v37 =	vmul.f32 v53, v46;
	v26 =	vsub.f32 v62, v63;
	v13 =	vadd.f32 v42, v13  }
0xc3: {  	v38 =	vmul.f32 v48, v50;
	v14 =	vadd.f32 v21, v44;
	v15 =	vsub.f32 v49, v20  }
0xc4: {  	v16 =	vadd.f32 v18, v16;
	v40 =	vadd.f32 v39, v26;
	v26 =	vld.idx.msk [tilespmem:v9+s20+$0x0], $0xffff;
	v42 =	vmul.f32 v43, v46  }
0xc5: {  	v18 =	vadd.f32 v58, v57;
	v53 =	vmul.f32 v30, v25;
	v54 =	vmul.f32 v29, v25  }
0xc6: {  	v43 =	vsub.f32 v24, v19;
	v51 =	vmul.f32 v13, v13;
	v52 =	vmul.f32 v14, v14  }
0xc7: {  	v19 =	vor.u32 $0xE, v2;
	v57 =	vmul.f32 v31, v28;
	v56 =	vmul.f32 v15, v15  }
0xc8: {  	v41 =	vmul.f32 v16, v16;
	v23 =	vsub.f32 v40, v17;
	v32 =	vld.idx.msk [tilespmem:v12+s21+$0x0], $0xffff;
	v20 =	vadd.f32 v52, v51  }
0xc9: {  	v24 =	vadd.f32 v43, v42;
	v17 =	vor.u32 $0xC, v2;
	v55 =	vmul.f32 v30, v26  }
0xca: {  	v47 =	vmul.f32 v23, v23;
	v59 =	vadd.f32 v20, v56;
	v20 =	vsub.f32 v60, v61  }
0xcb: {  	v50 =	vmul.f32 v24, v24;
	v52 =	vmul.f32 v29, v26;
	v39 =	vsub.f32 v54, v55  }
0xcc: {  	v60 =	vmul.f32 v31, v26;
	v21 =	vsub.f32 v20, v37;
	v20 =	vadd.f32 v36, v18  }
0xcd: {  	v27 =	vadd.f32 v59, v41;
	v18 =	vor.u32 $0xD, v2;
	v36 =	vld.idx.msk [tilespmem:v12+s20+$0x0], $0xffff;
	v58 =	vmul.f32 v32, v28  }
0xce: {  	v37 =	vadd.f32 v53, v52;
	v59 =	vmul.f32 v29, v28;
	v63 =	vmul.f32 v32, v25  }
0xcf: {  	v42 =	vld.idx.msk [tilespmem:v22+s21+$0x0], $0xffff;
	v26 =	vmul.f32 v32, v26;
	v25 =	vmul.f32 v31, v25;
	v21 =	vadd.f32 v21, v38  }
0xd0: {  	v28 =	vmul.f32 v30, v28;
	v44 =	vmul.f32 v20, v20;
	v48 =	vshra.s32 v27, $0x1;
	v38 =	vld.idx.msk [tilespmem:v17+s20+$0x0], $0xffff  }
0xd1: {  	v27 =	vmul.f32 $5.000000000e-01, v27;
	v33 =	vsub.s32 $0x5F3759DF, v48;
	v48 =	vld.idx.msk [tilespmem:v19+s20+$0x0], $0xffff;
	v45 =	vmul.f32 v21, v21  }
0xd2: {  	v37 =	vadd.f32 v57, v37;
	v39 =	vsub.f32 v39, v58;
	v43 =	vld.idx.msk [tilespmem:v18+s20+$0x0], $0xffff;
	v61 =	vmul.f32 v32, v36  }
0xd3: {  	v51 =	vmul.f32 v33, v27;
	v40 =	vld.idx.msk [tilespmem:v18+s21+$0x0], $0xffff;
	v62 =	vmul.f32 v31, v36;
	v46 =	vadd.f32 v45, v44  }
0xd4: {  	v29 =	vmul.f32 v29, v36;
	v32 =	vld.idx.msk [tilespmem:v19+s21+$0x0], $0xffff;
	v44 =	vsub.f32 v59, v60;
	v37 =	vadd.f32 v61, v37  }
0xd5: {  	v36 =	vmul.f32 v30, v36;
	v39 =	vadd.f32 v39, v62;
	v49 =	vadd.f32 v46, v47  }
0xd6: {  	v35 =	vmul.f32 v33, v51;
	v26 =	vsub.f32 v29, v26;
	v46 =	vld.idx.msk [tilespmem:v17+s21+$0x0], $0xffff;
	v47 =	vadd.f32 v63, v44  }
0xd7: {  	v60 =	vmul.f32 v42, v48;
	v34 =	vadd.f32 v49, v50;
	v49 =	vmul.f32 v37, v37  }
0xd8: {  	v29 =	vld.idx.msk [tilespmem:v22+s20+$0x0], $0xffff;
	v25 =	vsub.f32 v26, v25;
	v50 =	vmul.f32 v39, v39;
	v52 =	vmul.f32 v40, v43  }
0xd9: {  	v30 =	vsub.f32 v47, v36;
	v54 =	vmul.f32 v32, v48;
	v58 =	vmul.f32 v32, v38  }
0xda: {  	v62 =	vmul.f32 v42, v43;
	v56 =	vshra.s32 v34, $0x1;
	v34 =	vmul.f32 $5.000000000e-01, v34  }
0xdb: {  	v25 =	vadd.f32 v25, v28;
	v53 =	vmul.f32 v30, v30;
	v51 =	vmul.f32 v46, v38  }
0xdc: {  	v41 =	vsub.s32 $0x5F3759DF, v56;
	v55 =	vmul.f32 v46, v43;
	v56 =	vmul.f32 v40, v38  }
0xdd: {  	v31 =	vadd.f32 v50, v49;
	v59 =	vmul.f32 v42, v29;
	v57 =	vmul.f32 v46, v48  }
0xde: {  	v61 =	vmul.f32 v32, v29;
	v26 =	vadd.f32 v52, v51;
	v36 =	vsub.f32 v55, v56  }
0xdf: {  	v63 =	vmul.f32 v46, v29;
	v38 =	vmul.f32 v42, v38;
	v28 =	vsub.f32 v57, v58  }
0xe0: {  	v32 =	vmul.f32 v32, v43;
	v26 =	vadd.f32 v54, v26;
	v36 =	vsub.f32 v36, v60  }
0xe1: {  	v29 =	vmul.f32 v40, v29;
	v38 =	vsub.f32 v63, v38;
	v28 =	vadd.f32 v62, v28  }
0xe2: {  	v47 =	vmul.f32 v25, v25;
	v26 =	vadd.f32 v59, v26;
	v36 =	vadd.f32 v36, v61  }
0xe3: {  	v48 =	vmul.f32 v40, v48;
	v31 =	vadd.f32 v31, v53;
	v32 =	vsub.f32 v38, v32  }
0xe4: {  	v28 =	vsub.f32 v28, v29;
	v49 =	vmul.f32 v26, v26;
	v50 =	vmul.f32 v36, v36  }
0xe5: {  	v35 =	vsub.f32 $1.500000000e+00, v35;
	v51 =	vmul.f32 v41, v34;
	v31 =	vadd.f32 v31, v47  }
0xe6: {  	v29 =	vadd.f32 v32, v48;
	v53 =	vmul.f32 v28, v28;
	v52 =	vadd.f32 v50, v49  }
0xe7: {  	v33 =	vmul.f32 v33, v35;
	v54 =	vmul.f32 v41, v51;
	v55 =	vshra.s32 v31, $0x1  }
0xe8: {  	v31 =	vmul.f32 $5.000000000e-01, v31;
	v56 =	vmul.f32 v29, v29;
	v32 =	vadd.f32 v52, v53  }
0xe9: {  	v57 =	vmul.f32 v33, v27;
	v35 =	vsub.f32 $1.500000000e+00, v54;
	v40 =	vsub.s32 $0x5F3759DF, v55  }
0xea: {  	v58 =	vmul.f32 v40, v31;
	v32 =	vadd.f32 v32, v56  }
0xeb: {  	v59 =	vmul.f32 v57, v33;
	v35 =	vmul.f32 v41, v35  }
0xec: {  	v60 =	vmul.f32 v40, v58;
	v61 =	vshra.s32 v32, $0x1;
	v32 =	vmul.f32 $5.000000000e-01, v32  }
0xed: {  	v38 =	vsub.f32 $1.500000000e+00, v59;
	v62 =	vmul.f32 v35, v34;
	v42 =	vsub.s32 $0x5F3759DF, v61  }
0xee: {  	v41 =	vsub.f32 $1.500000000e+00, v60;
	v63 =	vmul.f32 v42, v32  }
0xef: {  	v33 =	vmul.f32 v38, v33;
	v45 =	vmul.f32 v62, v35  }
0xf0: {  	v40 =	vmul.f32 v40, v41;
	v46 =	vmul.f32 v42, v63  }
0xf1: {  	v27 =	vmul.f32 v33, v27;
	v38 =	vsub.f32 $1.500000000e+00, v45  }
0xf2: {  	v47 =	vmul.f32 v40, v31;
	v41 =	vsub.f32 $1.500000000e+00, v46  }
0xf3: {  	v27 =	vmul.f32 v27, v33;
	v35 =	vmul.f32 v38, v35  }
0xf4: {  	v48 =	vmul.f32 v47, v40;
	v41 =	vmul.f32 v42, v41  }
0xf5: {  	v27 =	vsub.f32 $1.500000000e+00, v27;
	v34 =	vmul.f32 v35, v34  }
0xf6: {  	v38 =	vsub.f32 $1.500000000e+00, v48;
	v42 =	vmul.f32 v41, v32  }
0xf7: {  	v27 =	vmul.f32 v27, v33;
	v49 =	vmul.f32 v34, v35  }
0xf8: {  	v50 =	vmul.f32 v38, v40;
	v51 =	vmul.f32 v42, v41  }
0xf9: {  	v13 =	vmul.f32 v27, v13;
	v33 =	vsub.f32 $1.500000000e+00, v49  }
0xfa: {  	v14 =	vmul.f32 v27, v14;
	v31 =	vmul.f32 v50, v31;
	v38 =	vsub.f32 $1.500000000e+00, v51  }
0xfb: {  	v15 =	vmul.f32 v27, v15;
	v33 =	vmul.f32 v33, v35  }
0xfc: {  	[tilespmem:v2+s22+$0x0] =	vst.idx.msk $0xffff, v13;
	v2 =	vmul.f32 v31, v50;
	v52 =	vmul.f32 v38, v41  }
0xfd: {  	v16 =	vmul.f32 v27, v16;
	[tilespmem:v1+s22+$0x0] =	vst.idx.msk $0xffff, v14  }
0xfe: {  	[tilespmem:v6+s22+$0x0] =	vst.idx.msk $0xffff, v15;
	v1 =	vmul.f32 v33, v20;
	v2 =	vsub.f32 $1.500000000e+00, v2;
	v53 =	vmul.f32 v52, v32  }
0xff: {  	[tilespmem:v4+s22+$0x0] =	vst.idx.msk $0xffff, v16;
	v54 =	vmul.f32 v33, v21;
	v55 =	vmul.f32 v33, v23  }
0x100: {  	[tilespmem:v10+s22+$0x0] =	vst.idx.msk $0xffff, v1;
	v1 =	vmul.f32 v2, v50;
	v2 =	vmul.f32 v53, v52  }
0x101: {  	v56 =	vmul.f32 v33, v24;
	[tilespmem:v5+s22+$0x0] =	vst.idx.msk $0xffff, v54  }
0x102: {  	[tilespmem:v7+s22+$0x0] =	vst.idx.msk $0xffff, v55;
	v57 =	vmul.f32 v1, v37;
	v2 =	vsub.f32 $1.500000000e+00, v2  }
0x103: {  	[tilespmem:v8+s22+$0x0] =	vst.idx.msk $0xffff, v56;
	v58 =	vmul.f32 v1, v39  }
0x104: {  	s11 =	sadd.s32 $0xFFFFFFF0, s10;
	v59 =	vmul.f32 v1, v30;
	[tilespmem:v9+s22+$0x0] =	vst.idx.msk $0xffff, v57;
	v60 =	vmul.f32 v2, v52  }
0x105: {  	v1 =	vmul.f32 v1, v25;
	[tilespmem:v3+s22+$0x0] =	vst.idx.msk $0xffff, v58;
	v2 =	vmov s11  }
0x106: {  	[tilespmem:v11+s22+$0x0] =	vst.idx.msk $0xffff, v59;
	v2 =	vshll.u32 v2, $0x4;
	v3 =	vmul.f32 v60, v26  }
0x107: {  	[tilespmem:v12+s22+$0x0] =	vst.idx.msk $0xffff, v1;
	v61 =	vmul.f32 v60, v36;
	v2 =	vor.u32 v0, v2  }
0x108: {  	v62 =	vmul.f32 v60, v28;
	v1 =	vor.u32 $0x1, v2;
	[tilespmem:v17+s22+$0x0] =	vst.idx.msk $0xffff, v3  }
0x109: {  	v3 =	vmul.f32 v60, v29;
	[tilespmem:v18+s22+$0x0] =	vst.idx.msk $0xffff, v61  }
0x10a: {  	[tilespmem:v19+s22+$0x0] =	vst.idx.msk $0xffff, v62  }
0x10b: {  	v6 =	vor.u32 $0x2, v2;
	[tilespmem:v22+s22+$0x0] =	vst.idx.msk $0xffff, v3  }
0x10c: {  	v12 =	vld.idx.msk [tilespmem:v2+s20+$0x0], $0xffff  }
0x10d: {  	v4 =	vor.u32 $0x3, v2;
	v15 =	vld.idx.msk [tilespmem:v1+s20+$0x0], $0xffff  }
0x10e: {  	v14 =	vld.idx.msk [tilespmem:v2+s21+$0x0], $0xffff  }
0x10f: {  	v10 =	vor.u32 $0x4, v2;
	v16 =	vld.idx.msk [tilespmem:v1+s21+$0x0], $0xffff  }
0x110: {  	v5 =	vor.u32 $0x5, v2;
	v17 =	vld.idx.msk [tilespmem:v6+s20+$0x0], $0xffff  }
0x111: {  	v18 =	vld.idx.msk [tilespmem:v6+s21+$0x0], $0xffff  }
0x112: {  	v19 =	vld.idx.msk [tilespmem:v4+s21+$0x0], $0xffff  }
0x113: {  	v7 =	vor.u32 $0x6, v2;
	v63 =	vld.idx.msk [tilespmem:v4+s20+$0x0], $0xffff  }
0x114: {  	v23 =	vld.idx.msk [tilespmem:v10+s20+$0x0], $0xffff  }
0x115: {  	v25 =	vld.idx.msk [tilespmem:v5+s20+$0x0], $0xffff;
	v33 =	vmul.f32 v14, v12  }
0x116: {  	v8 =	vor.u32 $0x7, v2;
	v41 =	vld.idx.msk [tilespmem:v10+s21+$0x0], $0xffff;
	v34 =	vmul.f32 v16, v15;
	v35 =	vmul.f32 v14, v15  }
0x117: {  	v43 =	vld.idx.msk [tilespmem:v5+s21+$0x0], $0xffff;
	v36 =	vmul.f32 v16, v12;
	v37 =	vmul.f32 v18, v17  }
0x118: {  	v46 =	vld.idx.msk [tilespmem:v7+s20+$0x0], $0xffff;
	v38 =	vmul.f32 v19, v17;
	v39 =	vmul.f32 v14, v17  }
0x119: {  	v48 =	vld.idx.msk [tilespmem:v7+s21+$0x0], $0xffff;
	v40 =	vmul.f32 v18, v12;
	v42 =	vmul.f32 v19, v63  }
0x11a: {  	v44 =	vmul.f32 v18, v63;
	v45 =	vmul.f32 v19, v15  }
0x11b: {  	v50 =	vld.idx.msk [tilespmem:v8+s20+$0x0], $0xffff;
	v47 =	vmul.f32 v14, v63;
	v12 =	vmul.f32 v19, v12  }
0x11c: {  	v53 =	vld.idx.msk [tilespmem:v8+s21+$0x0], $0xffff;
	v20 =	vmul.f32 v16, v63;
	v18 =	vmul.f32 v18, v15  }
0x11d: {  	v16 =	vmul.f32 v16, v17;
	v54 =	vmul.f32 v41, v23  }
0x11e: {  	v9 =	vor.u32 $0x8, v2;
	v55 =	vmul.f32 v43, v25;
	v58 =	vmul.f32 v48, v46  }
0x11f: {  	v3 =	vor.u32 $0x9, v2;
	v60 =	vmul.f32 v41, v25;
	v61 =	vmul.f32 v43, v23  }
0x120: {  	v11 =	vor.u32 $0xA, v2;
	v62 =	vmul.f32 v41, v46;
	v63 =	vmul.f32 v48, v23  }
0x121: {  	v22 =	vor.u32 $0xF, v2;
	v28 =	vmul.f32 v41, v50;
	v23 =	vmul.f32 v53, v23  }
0x122: {  	v17 =	vmul.f32 v43, v50;
	v13 =	vadd.f32 v34, v33;
	v21 =	vsub.f32 v35, v36  }
0x123: {  	v29 =	vld.idx.msk [tilespmem:v9+s21+$0x0], $0xffff;
	v19 =	vmul.f32 v48, v25;
	v26 =	vsub.f32 v39, v40;
	v12 =	vsub.f32 v47, v12  }
0x124: {  	v30 =	vld.idx.msk [tilespmem:v3+s21+$0x0], $0xffff;
	v57 =	vadd.f32 v55, v54;
	v36 =	vmul.f32 v53, v50;
	v24 =	vsub.f32 v28, v23  }
0x125: {  	v39 =	vmul.f32 v53, v25;
	v25 =	vld.idx.msk [tilespmem:v3+s20+$0x0], $0xffff;
	v13 =	vadd.f32 v37, v13;
	v21 =	vsub.f32 v21, v38  }
0x126: {  	v31 =	vld.idx.msk [tilespmem:v11+s21+$0x0], $0xffff;
	v49 =	vadd.f32 v45, v26;
	v18 =	vsub.f32 v12, v18;
	v12 =	vor.u32 $0xB, v2  }
0x127: {  	v28 =	vld.idx.msk [tilespmem:v11+s20+$0x0], $0xffff;
	v37 =	vmul.f32 v53, v46;
	v26 =	vsub.f32 v62, v63;
	v13 =	vadd.f32 v42, v13  }
0x128: {  	v38 =	vmul.f32 v48, v50;
	v14 =	vadd.f32 v21, v44;
	v15 =	vsub.f32 v49, v20  }
0x129: {  	v16 =	vadd.f32 v18, v16;
	v40 =	vadd.f32 v39, v26;
	v26 =	vld.idx.msk [tilespmem:v9+s20+$0x0], $0xffff;
	v42 =	vmul.f32 v43, v46  }
0x12a: {  	v18 =	vadd.f32 v58, v57;
	v53 =	vmul.f32 v30, v25;
	v54 =	vmul.f32 v29, v25  }
0x12b: {  	v43 =	vsub.f32 v24, v19;
	v51 =	vmul.f32 v13, v13;
	v52 =	vmul.f32 v14, v14  }
0x12c: {  	v19 =	vor.u32 $0xE, v2;
	v57 =	vmul.f32 v31, v28;
	v56 =	vmul.f32 v15, v15  }
0x12d: {  	v41 =	vmul.f32 v16, v16;
	v23 =	vsub.f32 v40, v17;
	v32 =	vld.idx.msk [tilespmem:v12+s21+$0x0], $0xffff;
	v20 =	vadd.f32 v52, v51  }
0x12e: {  	v24 =	vadd.f32 v43, v42;
	v17 =	vor.u32 $0xC, v2;
	v55 =	vmul.f32 v30, v26  }
0x12f: {  	v47 =	vmul.f32 v23, v23;
	v59 =	vadd.f32 v20, v56;
	v20 =	vsub.f32 v60, v61  }
0x130: {  	v50 =	vmul.f32 v24, v24;
	v52 =	vmul.f32 v29, v26;
	v39 =	vsub.f32 v54, v55  }
0x131: {  	v60 =	vmul.f32 v31, v26;
	v21 =	vsub.f32 v20, v37;
	v20 =	vadd.f32 v36, v18  }
0x132: {  	v27 =	vadd.f32 v59, v41;
	v18 =	vor.u32 $0xD, v2;
	v36 =	vld.idx.msk [tilespmem:v12+s20+$0x0], $0xffff;
	v58 =	vmul.f32 v32, v28  }
0x133: {  	v37 =	vadd.f32 v53, v52;
	v59 =	vmul.f32 v29, v28;
	v63 =	vmul.f32 v32, v25  }
0x134: {  	v42 =	vld.idx.msk [tilespmem:v22+s21+$0x0], $0xffff;
	v26 =	vmul.f32 v32, v26;
	v25 =	vmul.f32 v31, v25;
	v21 =	vadd.f32 v21, v38  }
0x135: {  	v28 =	vmul.f32 v30, v28;
	v44 =	vmul.f32 v20, v20;
	v48 =	vshra.s32 v27, $0x1;
	v38 =	vld.idx.msk [tilespmem:v17+s20+$0x0], $0xffff  }
0x136: {  	v27 =	vmul.f32 $5.000000000e-01, v27;
	v33 =	vsub.s32 $0x5F3759DF, v48;
	v48 =	vld.idx.msk [tilespmem:v19+s20+$0x0], $0xffff;
	v45 =	vmul.f32 v21, v21  }
0x137: {  	v37 =	vadd.f32 v57, v37;
	v39 =	vsub.f32 v39, v58;
	v43 =	vld.idx.msk [tilespmem:v18+s20+$0x0], $0xffff;
	v61 =	vmul.f32 v32, v36  }
0x138: {  	v51 =	vmul.f32 v33, v27;
	v40 =	vld.idx.msk [tilespmem:v18+s21+$0x0], $0xffff;
	v62 =	vmul.f32 v31, v36;
	v46 =	vadd.f32 v45, v44  }
0x139: {  	v29 =	vmul.f32 v29, v36;
	v32 =	vld.idx.msk [tilespmem:v19+s21+$0x0], $0xffff;
	v44 =	vsub.f32 v59, v60;
	v37 =	vadd.f32 v61, v37  }
0x13a: {  	v36 =	vmul.f32 v30, v36;
	v39 =	vadd.f32 v39, v62;
	v49 =	vadd.f32 v46, v47  }
0x13b: {  	v35 =	vmul.f32 v33, v51;
	v26 =	vsub.f32 v29, v26;
	v46 =	vld.idx.msk [tilespmem:v17+s21+$0x0], $0xffff;
	v47 =	vadd.f32 v63, v44  }
0x13c: {  	v60 =	vmul.f32 v42, v48;
	v34 =	vadd.f32 v49, v50;
	v49 =	vmul.f32 v37, v37  }
0x13d: {  	v29 =	vld.idx.msk [tilespmem:v22+s20+$0x0], $0xffff;
	v25 =	vsub.f32 v26, v25;
	v50 =	vmul.f32 v39, v39;
	v52 =	vmul.f32 v40, v43  }
0x13e: {  	v30 =	vsub.f32 v47, v36;
	v54 =	vmul.f32 v32, v48;
	v58 =	vmul.f32 v32, v38  }
0x13f: {  	v62 =	vmul.f32 v42, v43;
	v56 =	vshra.s32 v34, $0x1;
	v34 =	vmul.f32 $5.000000000e-01, v34  }
0x140: {  	v25 =	vadd.f32 v25, v28;
	v53 =	vmul.f32 v30, v30;
	v51 =	vmul.f32 v46, v38  }
0x141: {  	v41 =	vsub.s32 $0x5F3759DF, v56;
	v55 =	vmul.f32 v46, v43;
	v56 =	vmul.f32 v40, v38  }
0x142: {  	v31 =	vadd.f32 v50, v49;
	v59 =	vmul.f32 v42, v29;
	v57 =	vmul.f32 v46, v48  }
0x143: {  	v61 =	vmul.f32 v32, v29;
	v26 =	vadd.f32 v52, v51;
	v36 =	vsub.f32 v55, v56  }
0x144: {  	v63 =	vmul.f32 v46, v29;
	v38 =	vmul.f32 v42, v38;
	v28 =	vsub.f32 v57, v58  }
0x145: {  	v32 =	vmul.f32 v32, v43;
	v26 =	vadd.f32 v54, v26;
	v36 =	vsub.f32 v36, v60  }
0x146: {  	v29 =	vmul.f32 v40, v29;
	v38 =	vsub.f32 v63, v38;
	v28 =	vadd.f32 v62, v28  }
0x147: {  	v47 =	vmul.f32 v25, v25;
	v26 =	vadd.f32 v59, v26;
	v36 =	vadd.f32 v36, v61  }
0x148: {  	v48 =	vmul.f32 v40, v48;
	v31 =	vadd.f32 v31, v53;
	v32 =	vsub.f32 v38, v32  }
0x149: {  	v28 =	vsub.f32 v28, v29;
	v49 =	vmul.f32 v26, v26;
	v50 =	vmul.f32 v36, v36  }
0x14a: {  	v35 =	vsub.f32 $1.500000000e+00, v35;
	v51 =	vmul.f32 v41, v34;
	v31 =	vadd.f32 v31, v47  }
0x14b: {  	v29 =	vadd.f32 v32, v48;
	v53 =	vmul.f32 v28, v28;
	v52 =	vadd.f32 v50, v49  }
0x14c: {  	v33 =	vmul.f32 v33, v35;
	v54 =	vmul.f32 v41, v51;
	v55 =	vshra.s32 v31, $0x1  }
0x14d: {  	v31 =	vmul.f32 $5.000000000e-01, v31;
	v56 =	vmul.f32 v29, v29;
	v32 =	vadd.f32 v52, v53  }
0x14e: {  	v57 =	vmul.f32 v33, v27;
	v35 =	vsub.f32 $1.500000000e+00, v54;
	v40 =	vsub.s32 $0x5F3759DF, v55  }
0x14f: {  	v58 =	vmul.f32 v40, v31;
	v32 =	vadd.f32 v32, v56  }
0x150: {  	v59 =	vmul.f32 v57, v33;
	v35 =	vmul.f32 v41, v35  }
0x151: {  	v60 =	vmul.f32 v40, v58;
	v61 =	vshra.s32 v32, $0x1;
	v32 =	vmul.f32 $5.000000000e-01, v32  }
0x152: {  	v38 =	vsub.f32 $1.500000000e+00, v59;
	v62 =	vmul.f32 v35, v34;
	v42 =	vsub.s32 $0x5F3759DF, v61  }
0x153: {  	v41 =	vsub.f32 $1.500000000e+00, v60;
	v63 =	vmul.f32 v42, v32  }
0x154: {  	v33 =	vmul.f32 v38, v33;
	v45 =	vmul.f32 v62, v35  }
0x155: {  	v40 =	vmul.f32 v40, v41;
	v46 =	vmul.f32 v42, v63  }
0x156: {  	v27 =	vmul.f32 v33, v27;
	v38 =	vsub.f32 $1.500000000e+00, v45  }
0x157: {  	v47 =	vmul.f32 v40, v31;
	v41 =	vsub.f32 $1.500000000e+00, v46  }
0x158: {  	v27 =	vmul.f32 v27, v33;
	v35 =	vmul.f32 v38, v35  }
0x159: {  	v48 =	vmul.f32 v47, v40;
	v41 =	vmul.f32 v42, v41  }
0x15a: {  	v27 =	vsub.f32 $1.500000000e+00, v27;
	v34 =	vmul.f32 v35, v34  }
0x15b: {  	v38 =	vsub.f32 $1.500000000e+00, v48;
	v42 =	vmul.f32 v41, v32  }
0x15c: {  	v27 =	vmul.f32 v27, v33;
	v49 =	vmul.f32 v34, v35  }
0x15d: {  	v50 =	vmul.f32 v38, v40;
	v51 =	vmul.f32 v42, v41  }
0x15e: {  	v13 =	vmul.f32 v27, v13;
	v33 =	vsub.f32 $1.500000000e+00, v49  }
0x15f: {  	v14 =	vmul.f32 v27, v14;
	v31 =	vmul.f32 v50, v31;
	v38 =	vsub.f32 $1.500000000e+00, v51  }
0x160: {  	v15 =	vmul.f32 v27, v15;
	v33 =	vmul.f32 v33, v35  }
0x161: {  	[tilespmem:v2+s22+$0x0] =	vst.idx.msk $0xffff, v13;
	v2 =	vmul.f32 v31, v50;
	v52 =	vmul.f32 v38, v41  }
0x162: {  	v16 =	vmul.f32 v27, v16;
	[tilespmem:v1+s22+$0x0] =	vst.idx.msk $0xffff, v14  }
0x163: {  	[tilespmem:v6+s22+$0x0] =	vst.idx.msk $0xffff, v15;
	v1 =	vmul.f32 v33, v20;
	v2 =	vsub.f32 $1.500000000e+00, v2;
	v53 =	vmul.f32 v52, v32  }
0x164: {  	[tilespmem:v4+s22+$0x0] =	vst.idx.msk $0xffff, v16;
	v54 =	vmul.f32 v33, v21;
	v55 =	vmul.f32 v33, v23  }
0x165: {  	[tilespmem:v10+s22+$0x0] =	vst.idx.msk $0xffff, v1;
	v1 =	vmul.f32 v2, v50;
	v2 =	vmul.f32 v53, v52  }
0x166: {  	v56 =	vmul.f32 v33, v24;
	[tilespmem:v5+s22+$0x0] =	vst.idx.msk $0xffff, v54  }
0x167: {  	[tilespmem:v7+s22+$0x0] =	vst.idx.msk $0xffff, v55;
	v57 =	vmul.f32 v1, v37;
	v2 =	vsub.f32 $1.500000000e+00, v2  }
0x168: {  	[tilespmem:v8+s22+$0x0] =	vst.idx.msk $0xffff, v56;
	v58 =	vmul.f32 v1, v39  }
0x169: {  	v59 =	vmul.f32 v1, v30;
	[tilespmem:v9+s22+$0x0] =	vst.idx.msk $0xffff, v57;
	v60 =	vmul.f32 v2, v52  }
0x16a: {  	v1 =	vmul.f32 v1, v25;
	[tilespmem:v3+s22+$0x0] =	vst.idx.msk $0xffff, v58;
	v2 =	vmov s10  }
0x16b: {  	[tilespmem:v11+s22+$0x0] =	vst.idx.msk $0xffff, v59;
	v2 =	vshll.u32 v2, $0x4;
	v3 =	vmul.f32 v60, v26  }
0x16c: {  	[tilespmem:v12+s22+$0x0] =	vst.idx.msk $0xffff, v1;
	v61 =	vmul.f32 v60, v36;
	v2 =	vor.u32 v0, v2  }
0x16d: {  	v62 =	vmul.f32 v60, v28;
	v1 =	vor.u32 $0x1, v2;
	[tilespmem:v17+s22+$0x0] =	vst.idx.msk $0xffff, v3  }
0x16e: {  	v3 =	vmul.f32 v60, v29;
	[tilespmem:v18+s22+$0x0] =	vst.idx.msk $0xffff, v61  }
0x16f: {  	[tilespmem:v19+s22+$0x0] =	vst.idx.msk $0xffff, v62  }
0x170: {  	v6 =	vor.u32 $0x2, v2;
	[tilespmem:v22+s22+$0x0] =	vst.idx.msk $0xffff, v3  }
0x171: {  	v12 =	vld.idx.msk [tilespmem:v2+s20+$0x0], $0xffff  }
0x172: {  	v4 =	vor.u32 $0x3, v2;
	v15 =	vld.idx.msk [tilespmem:v1+s20+$0x0], $0xffff  }
0x173: {  	v14 =	vld.idx.msk [tilespmem:v2+s21+$0x0], $0xffff  }
0x174: {  	v10 =	vor.u32 $0x4, v2;
	v16 =	vld.idx.msk [tilespmem:v1+s21+$0x0], $0xffff  }
0x175: {  	v5 =	vor.u32 $0x5, v2;
	v17 =	vld.idx.msk [tilespmem:v6+s20+$0x0], $0xffff  }
0x176: {  	v18 =	vld.idx.msk [tilespmem:v6+s21+$0x0], $0xffff  }
0x177: {  	v19 =	vld.idx.msk [tilespmem:v4+s21+$0x0], $0xffff  }
0x178: {  	v7 =	vor.u32 $0x6, v2;
	v63 =	vld.idx.msk [tilespmem:v4+s20+$0x0], $0xffff  }
0x179: {  	v23 =	vld.idx.msk [tilespmem:v10+s20+$0x0], $0xffff  }
0x17a: {  	v25 =	vld.idx.msk [tilespmem:v5+s20+$0x0], $0xffff;
	v32 =	vmul.f32 v14, v12  }
0x17b: {  	v8 =	vor.u32 $0x7, v2;
	v40 =	vld.idx.msk [tilespmem:v10+s21+$0x0], $0xffff;
	v33 =	vmul.f32 v16, v15;
	v34 =	vmul.f32 v14, v15  }
0x17c: {  	v42 =	vld.idx.msk [tilespmem:v5+s21+$0x0], $0xffff;
	v35 =	vmul.f32 v16, v12;
	v36 =	vmul.f32 v18, v17  }
0x17d: {  	v45 =	vld.idx.msk [tilespmem:v7+s20+$0x0], $0xffff;
	v37 =	vmul.f32 v19, v17;
	v38 =	vmul.f32 v14, v17  }
0x17e: {  	v47 =	vld.idx.msk [tilespmem:v7+s21+$0x0], $0xffff;
	v39 =	vmul.f32 v18, v12;
	v41 =	vmul.f32 v19, v63  }
0x17f: {  	v43 =	vmul.f32 v18, v63;
	v44 =	vmul.f32 v19, v15  }
0x180: {  	v49 =	vld.idx.msk [tilespmem:v8+s20+$0x0], $0xffff;
	v46 =	vmul.f32 v14, v63;
	v12 =	vmul.f32 v19, v12  }
0x181: {  	v52 =	vld.idx.msk [tilespmem:v8+s21+$0x0], $0xffff;
	v20 =	vmul.f32 v16, v63;
	v18 =	vmul.f32 v18, v15  }
0x182: {  	v16 =	vmul.f32 v16, v17;
	v53 =	vmul.f32 v40, v23  }
0x183: {  	v9 =	vor.u32 $0x8, v2;
	v54 =	vmul.f32 v42, v25;
	v57 =	vmul.f32 v47, v45  }
0x184: {  	v11 =	vor.u32 $0xA, v2;
	v59 =	vmul.f32 v40, v25;
	v60 =	vmul.f32 v42, v23  }
0x185: {  	v3 =	vor.u32 $0x9, v2;
	v61 =	vmul.f32 v40, v45;
	v62 =	vmul.f32 v47, v23  }
0x186: {  	v22 =	vor.u32 $0xF, v2;
	v63 =	vmul.f32 v52, v49;
	v28 =	vmul.f32 v40, v49  }
0x187: {  	v17 =	vmul.f32 v42, v49;
	v13 =	vadd.f32 v33, v32;
	v21 =	vsub.f32 v34, v35  }
0x188: {  	v40 =	vmul.f32 v47, v25;
	v26 =	vsub.f32 v38, v39;
	v12 =	vsub.f32 v46, v12  }
0x189: {  	v27 =	vld.idx.msk [tilespmem:v9+s20+$0x0], $0xffff;
	v42 =	vmul.f32 v42, v45;
	v56 =	vadd.f32 v54, v53;
	v24 =	vsub.f32 v61, v62  }
0x18a: {  	v29 =	vld.idx.msk [tilespmem:v9+s21+$0x0], $0xffff;
	v38 =	vmul.f32 v52, v25;
	v13 =	vadd.f32 v36, v13;
	v21 =	vsub.f32 v21, v37  }
0x18b: {  	v30 =	vld.idx.msk [tilespmem:v3+s21+$0x0], $0xffff;
	v48 =	vadd.f32 v44, v26;
	v18 =	vsub.f32 v12, v18;
	v12 =	vor.u32 $0xB, v2  }
0x18c: {  	v25 =	vld.idx.msk [tilespmem:v3+s20+$0x0], $0xffff;
	v36 =	vmul.f32 v52, v45;
	v39 =	vadd.f32 v38, v24;
	v13 =	vadd.f32 v41, v13  }
0x18d: {  	v37 =	vmul.f32 v47, v49;
	v14 =	vadd.f32 v21, v43;
	v15 =	vsub.f32 v48, v20  }
0x18e: {  	v16 =	vadd.f32 v18, v16;
	v18 =	vadd.f32 v57, v56;
	v21 =	vmul.f32 v52, v23  }
0x18f: {  	v31 =	vld.idx.msk [tilespmem:v11+s21+$0x0], $0xffff;
	v23 =	vsub.f32 v39, v17;
	v50 =	vmul.f32 v13, v13;
	v51 =	vmul.f32 v14, v14  }
0x190: {  	v17 =	vor.u32 $0xC, v2;
	v52 =	vmul.f32 v29, v27;
	v21 =	vsub.f32 v28, v21;
	v28 =	vld.idx.msk [tilespmem:v11+s20+$0x0], $0xffff  }
0x191: {  	v53 =	vmul.f32 v30, v25;
	v55 =	vmul.f32 v15, v15;
	v19 =	vadd.f32 v51, v50  }
0x192: {  	v54 =	vmul.f32 v29, v25;
	v41 =	vmul.f32 v16, v16;
	v32 =	vld.idx.msk [tilespmem:v12+s21+$0x0], $0xffff;
	v43 =	vsub.f32 v21, v40  }
0x193: {  	v47 =	vmul.f32 v23, v23;
	v58 =	vadd.f32 v19, v55;
	v19 =	vsub.f32 v59, v60  }
0x194: {  	v21 =	vor.u32 $0xD, v2;
	v24 =	vadd.f32 v43, v42;
	v55 =	vmul.f32 v30, v27  }
0x195: {  	v60 =	vmul.f32 v31, v27;
	v57 =	vmul.f32 v31, v28;
	v20 =	vsub.f32 v19, v36  }
0x196: {  	v59 =	vmul.f32 v29, v28;
	v19 =	vadd.f32 v63, v18;
	v26 =	vadd.f32 v58, v41  }
0x197: {  	v50 =	vmul.f32 v24, v24;
	v18 =	vor.u32 $0xE, v2;
	v36 =	vld.idx.msk [tilespmem:v12+s20+$0x0], $0xffff;
	v58 =	vmul.f32 v32, v28  }
0x198: {  	v39 =	vsub.f32 v54, v55;
	v63 =	vmul.f32 v32, v25;
	v27 =	vmul.f32 v32, v27  }
0x199: {  	v38 =	vld.idx.msk [tilespmem:v17+s20+$0x0], $0xffff;
	v25 =	vmul.f32 v31, v25;
	v28 =	vmul.f32 v30, v28;
	v20 =	vadd.f32 v20, v37  }
0x19a: {  	v43 =	vld.idx.msk [tilespmem:v21+s20+$0x0], $0xffff;
	v44 =	vmul.f32 v19, v19;
	v48 =	vshra.s32 v26, $0x1;
	v26 =	vmul.f32 $5.000000000e-01, v26  }
0x19b: {  	v40 =	vld.idx.msk [tilespmem:v21+s21+$0x0], $0xffff;
	v37 =	vadd.f32 v53, v52;
	v33 =	vsub.s32 $0x5F3759DF, v48;
	v45 =	vmul.f32 v20, v20  }
0x19c: {  	v42 =	vld.idx.msk [tilespmem:v22+s21+$0x0], $0xffff;
	v39 =	vsub.f32 v39, v58;
	v51 =	vmul.f32 v33, v26;
	v61 =	vmul.f32 v32, v36  }
0x19d: {  	v37 =	vadd.f32 v57, v37;
	v62 =	vmul.f32 v31, v36;
	v48 =	vld.idx.msk [tilespmem:v18+s20+$0x0], $0xffff;
	v29 =	vmul.f32 v29, v36  }
0x19e: {  	v32 =	vld.idx.msk [tilespmem:v18+s21+$0x0], $0xffff;
	v36 =	vmul.f32 v30, v36;
	v46 =	vadd.f32 v45, v44;
	v44 =	vsub.f32 v59, v60  }
0x19f: {  	v35 =	vmul.f32 v33, v51;
	v37 =	vadd.f32 v61, v37;
	v27 =	vsub.f32 v29, v27  }
0x1a0: {  	v52 =	vmul.f32 v40, v43;
	v39 =	vadd.f32 v39, v62;
	v49 =	vadd.f32 v46, v47;
	v46 =	vld.idx.msk [tilespmem:v17+s21+$0x0], $0xffff  }
0x1a1: {  	v62 =	vmul.f32 v42, v43;
	v47 =	vadd.f32 v63, v44;
	v25 =	vsub.f32 v27, v25  }
0x1a2: {  	v29 =	vld.idx.msk [tilespmem:v22+s20+$0x0], $0xffff;
	v34 =	vadd.f32 v49, v50;
	v49 =	vmul.f32 v37, v37;
	v50 =	vmul.f32 v39, v39  }
0x1a3: {  	v30 =	vsub.f32 v47, v36;
	v54 =	vmul.f32 v32, v48;
	v58 =	vmul.f32 v32, v38  }
0x1a4: {  	v60 =	vmul.f32 v42, v48;
	v56 =	vshra.s32 v34, $0x1;
	v34 =	vmul.f32 $5.000000000e-01, v34  }
0x1a5: {  	v25 =	vadd.f32 v25, v28;
	v53 =	vmul.f32 v30, v30;
	v51 =	vmul.f32 v46, v38  }
0x1a6: {  	v41 =	vsub.s32 $0x5F3759DF, v56;
	v55 =	vmul.f32 v46, v43;
	v56 =	vmul.f32 v40, v38  }
0x1a7: {  	v31 =	vadd.f32 v50, v49;
	v59 =	vmul.f32 v42, v29;
	v57 =	vmul.f32 v46, v48  }
0x1a8: {  	v61 =	vmul.f32 v32, v29;
	v27 =	vadd.f32 v52, v51;
	v36 =	vsub.f32 v55, v56  }
0x1a9: {  	v63 =	vmul.f32 v46, v29;
	v38 =	vmul.f32 v42, v38;
	v28 =	vsub.f32 v57, v58  }
0x1aa: {  	v32 =	vmul.f32 v32, v43;
	v27 =	vadd.f32 v54, v27;
	v36 =	vsub.f32 v36, v60  }
0x1ab: {  	v29 =	vmul.f32 v40, v29;
	v38 =	vsub.f32 v63, v38;
	v28 =	vadd.f32 v62, v28  }
0x1ac: {  	v47 =	vmul.f32 v25, v25;
	v27 =	vadd.f32 v59, v27;
	v36 =	vadd.f32 v36, v61  }
0x1ad: {  	v48 =	vmul.f32 v40, v48;
	v31 =	vadd.f32 v31, v53;
	v32 =	vsub.f32 v38, v32  }
0x1ae: {  	v28 =	vsub.f32 v28, v29;
	v49 =	vmul.f32 v27, v27;
	v50 =	vmul.f32 v36, v36  }
0x1af: {  	v35 =	vsub.f32 $1.500000000e+00, v35;
	v51 =	vmul.f32 v41, v34;
	v31 =	vadd.f32 v31, v47  }
0x1b0: {  	v29 =	vadd.f32 v32, v48;
	v53 =	vmul.f32 v28, v28;
	v52 =	vadd.f32 v50, v49  }
0x1b1: {  	v33 =	vmul.f32 v33, v35;
	v54 =	vmul.f32 v41, v51;
	v55 =	vshra.s32 v31, $0x1  }
0x1b2: {  	v31 =	vmul.f32 $5.000000000e-01, v31;
	v56 =	vmul.f32 v29, v29;
	v32 =	vadd.f32 v52, v53  }
0x1b3: {  	v57 =	vmul.f32 v33, v26;
	v35 =	vsub.f32 $1.500000000e+00, v54;
	v40 =	vsub.s32 $0x5F3759DF, v55  }
0x1b4: {  	v58 =	vmul.f32 v40, v31;
	v32 =	vadd.f32 v32, v56  }
0x1b5: {  	v59 =	vmul.f32 v57, v33;
	v35 =	vmul.f32 v41, v35  }
0x1b6: {  	v60 =	vmul.f32 v40, v58;
	v61 =	vshra.s32 v32, $0x1;
	v32 =	vmul.f32 $5.000000000e-01, v32  }
0x1b7: {  	v38 =	vsub.f32 $1.500000000e+00, v59;
	v62 =	vmul.f32 v35, v34;
	v42 =	vsub.s32 $0x5F3759DF, v61  }
0x1b8: {  	v41 =	vsub.f32 $1.500000000e+00, v60;
	v63 =	vmul.f32 v42, v32  }
0x1b9: {  	v33 =	vmul.f32 v38, v33;
	v48 =	vmul.f32 v62, v35  }
0x1ba: {  	v40 =	vmul.f32 v40, v41;
	v49 =	vmul.f32 v42, v63  }
0x1bb: {  	v26 =	vmul.f32 v33, v26;
	v38 =	vsub.f32 $1.500000000e+00, v48  }
0x1bc: {  	v50 =	vmul.f32 v40, v31;
	v41 =	vsub.f32 $1.500000000e+00, v49  }
0x1bd: {  	v26 =	vmul.f32 v26, v33;
	v35 =	vmul.f32 v38, v35  }
0x1be: {  	v51 =	vmul.f32 v50, v40;
	v41 =	vmul.f32 v42, v41  }
0x1bf: {  	v26 =	vsub.f32 $1.500000000e+00, v26;
	v34 =	vmul.f32 v35, v34  }
0x1c0: {  	v38 =	vsub.f32 $1.500000000e+00, v51;
	v42 =	vmul.f32 v41, v32  }
0x1c1: {  	v26 =	vmul.f32 v26, v33;
	v52 =	vmul.f32 v34, v35  }
0x1c2: {  	v53 =	vmul.f32 v38, v40;
	v54 =	vmul.f32 v42, v41  }
0x1c3: {  	v13 =	vmul.f32 v26, v13;
	v33 =	vsub.f32 $1.500000000e+00, v52  }
0x1c4: {  	v14 =	vmul.f32 v26, v14;
	v31 =	vmul.f32 v53, v31;
	v38 =	vsub.f32 $1.500000000e+00, v54  }
0x1c5: {  	v15 =	vmul.f32 v26, v15;
	v33 =	vmul.f32 v33, v35  }
0x1c6: {  	[tilespmem:v2+s22+$0x0] =	vst.idx.msk $0xffff, v13;
	v2 =	vmul.f32 v31, v53;
	v55 =	vmul.f32 v38, v41  }
0x1c7: {  	v16 =	vmul.f32 v26, v16;
	[tilespmem:v1+s22+$0x0] =	vst.idx.msk $0xffff, v14  }
0x1c8: {  	[tilespmem:v6+s22+$0x0] =	vst.idx.msk $0xffff, v15;
	v1 =	vmul.f32 v33, v19;
	v2 =	vsub.f32 $1.500000000e+00, v2;
	v56 =	vmul.f32 v55, v32  }
0x1c9: {  	[tilespmem:v4+s22+$0x0] =	vst.idx.msk $0xffff, v16;
	v57 =	vmul.f32 v33, v20;
	v58 =	vmul.f32 v33, v23  }
0x1ca: {  	[tilespmem:v10+s22+$0x0] =	vst.idx.msk $0xffff, v1;
	v1 =	vmul.f32 v2, v53;
	v2 =	vmul.f32 v56, v55  }
0x1cb: {  	v59 =	vmul.f32 v33, v24;
	[tilespmem:v5+s22+$0x0] =	vst.idx.msk $0xffff, v57  }
0x1cc: {  	[tilespmem:v7+s22+$0x0] =	vst.idx.msk $0xffff, v58;
	v60 =	vmul.f32 v1, v37;
	v2 =	vsub.f32 $1.500000000e+00, v2  }
0x1cd: {  	[tilespmem:v8+s22+$0x0] =	vst.idx.msk $0xffff, v59;
	v61 =	vmul.f32 v1, v39  }
0x1ce: {  	v62 =	vmul.f32 v1, v30;
	[tilespmem:v9+s22+$0x0] =	vst.idx.msk $0xffff, v60;
	v2 =	vmul.f32 v2, v55  }
0x1cf: {  	s9 =	sadd.s32 $0x4, s9;
	v1 =	vmul.f32 v1, v25;
	[tilespmem:v3+s22+$0x0] =	vst.idx.msk $0xffff, v61  }
0x1d0: {  	p0 =	slt.u32 s9, $0x1C;
	[tilespmem:v11+s22+$0x0] =	vst.idx.msk $0xffff, v62;
	v3 =	vmul.f32 v2, v27  }
.Ltmp0:
0x1d1: {  	[tilespmem:v12+s22+$0x0] =	vst.idx.msk $0xffff, v1;
	v1 =	vmul.f32 v2, v36;
	(pc) =	sbr.rel @p0 .LBB2_3-.Ltmp0, $4  }
0x1d2: {  	v63 =	vmul.f32 v2, v28;
	[tilespmem:v17+s22+$0x0] =	vst.idx.msk $0xffff, v3  }
0x1d3: {  	v2 =	vmul.f32 v2, v29;
	[tilespmem:v21+s22+$0x0] =	vst.idx.msk $0xffff, v1  }
0x1d4: {  	[tilespmem:v18+s22+$0x0] =	vst.idx.msk $0xffff, v63  }
0x1d5: {  	s10 =	sadd.s32 $0x40, s10;
	[tilespmem:v22+s22+$0x0] =	vst.idx.msk $0xffff, v2  }
0x1d6: {  	s9 =	sadd.s32 s4, s8  }
0x1d7: {  	s9 =	sshll.u32 s9, $0x1  }
0x1d8: {  	s9 =	sadd.s32 s2, s9  }
0x1d9: {  	[hbm4b:s9+s3] =	stream.linear.scatter [tilespmem:s22], [sflag:$0x5], $0x2000, $0x38;
	[tilespmem:$0xC800] =	vst v63  }
0x1da: {  	_ =	swait.ge [sflag:s19], $0x200  }
0x1db: {  	[sflag:s19] =	ssyncset.done $0x0  }
0x1dc: {  	[sflag:s19] =	ssyncadd.s32 $0xFFFFFE00  }
0x1dd: {  	_ =	swait.ge [sflag:s19], $0x200  }
0x1de: {  	[sflag:s19] =	ssyncset.done $0x0  }
0x1df: {  	[sflag:s19] =	ssyncadd.s32 $0xFFFFFE00  }
0x1e0: {  	[tilespmem:s20], [sflag:$0x3] =	stream.indirect.gather [hbm4b:s5+s16], $0x10, s3, s16, $0xb8;
	[tilespmem:$0xC800] =	vst v63  }
0x1e1: {  	_ = 	snop  }
0x1e2: {  	[tilespmem:s21], [sflag:$0x3] =	stream.indirect.gather [hbm4b:s5+s16], $0x10, s16, s16, $0xb8;
	[tilespmem:$0xC800] =	vst v63  }
0x1e3: {  	_ =	swait.ge [sflag:s30], $0x2000  }
0x1e4: {  	[sflag:s30] =	ssyncset.done $0x0  }
0x1e5: {  	s11 =	smin.u32 s8, $0xBB50;
	[sflag:s30] =	ssyncadd.s32 $0xFFFFE000  }
0x1e6: {  	s9 =	sadd.s32 s11, s14;
	_ =	swait.ge [sflag:s30], $0x2000  }
0x1e7: {  	s9 =	sshrl.u32 s9, $0x3;
	[sflag:s30] =	ssyncset.done $0x0  }
0x1e8: {  	s9 =	sadd.s32 s6, s9;
	[sflag:s30] =	ssyncadd.s32 $0xFFFFE000  }
0x1e9: {  	[tilespmem:s17], [sflag:$0x2] =	stream.linear.gather [hbm4b:s9+s3], $0x200, $0x38;
	[tilespmem:$0xC800] =	vst v63  }
0x1ea: {  	s9 =	sadd.s32 $0x30D40, s9  }
0x1eb: {  	[tilespmem:s18], [sflag:$0x2] =	stream.linear.gather [hbm4b:s9+s3], $0x200, $0x38;
	[tilespmem:$0xC800] =	vst v63  }
0x1ec: {  	_ =	swait.ge [sflag:s31], $0x2000  }
0x1ed: {  	[sflag:s31] =	ssyncset.done $0x0  }
0x1ee: {  	s10 =	simm.s32 $0x30;
	s9 =	simm.s32 $0xFFFFFFFC;
	[sflag:s31] =	ssyncadd.s32 $0xFFFFE000  }
.LBB2_5:
0x1ef: {  	s11 =	sadd.s32 $0xFFFFFFD0, s10  }
0x1f0: {  	v1 =	vmov s11  }
0x1f1: {  	v1 =	vshll.u32 v1, $0x4  }
0x1f2: {  	v11 =	vor.u32 v0, v1;
	_ =	sdelay $0x1  }
0x1f3: {  	v4 =	vor.u32 $0x1, v11;
	_ =	sdelay $0x1  }
0x1f4: {  	v5 =	vor.u32 $0x2, v11  }
0x1f5: {  	v12 =	vld.idx.msk [tilespmem:v11+s25+$0x0], $0xffff  }
0x1f6: {  	v2 =	vor.u32 $0x3, v11;
	v14 =	vld.idx.msk [tilespmem:v11+s26+$0x0], $0xffff  }
0x1f7: {  	v15 =	vld.idx.msk [tilespmem:v4+s25+$0x0], $0xffff  }
0x1f8: {  	v9 =	vor.u32 $0x4, v11;
	v16 =	vld.idx.msk [tilespmem:v4+s26+$0x0], $0xffff  }
0x1f9: {  	v3 =	vor.u32 $0x5, v11;
	v17 =	vld.idx.msk [tilespmem:v5+s25+$0x0], $0xffff  }
0x1fa: {  	v18 =	vld.idx.msk [tilespmem:v5+s26+$0x0], $0xffff  }
0x1fb: {  	v19 =	vld.idx.msk [tilespmem:v2+s26+$0x0], $0xffff  }
0x1fc: {  	v6 =	vor.u32 $0x6, v11;
	v20 =	vld.idx.msk [tilespmem:v2+s25+$0x0], $0xffff  }
0x1fd: {  	v23 =	vld.idx.msk [tilespmem:v9+s25+$0x0], $0xffff  }
0x1fe: {  	v25 =	vld.idx.msk [tilespmem:v3+s25+$0x0], $0xffff;
	v10 =	vmul.f32 v14, v12  }
0x1ff: {  	v7 =	vor.u32 $0x7, v11;
	v28 =	vld.idx.msk [tilespmem:v9+s26+$0x0], $0xffff;
	v13 =	vmul.f32 v16, v15;
	v21 =	vmul.f32 v14, v15  }
0x200: {  	v63 =	vld.idx.msk [tilespmem:v3+s26+$0x0], $0xffff;
	v22 =	vmul.f32 v16, v12;
	v24 =	vmul.f32 v18, v17  }
0x201: {  	v30 =	vld.idx.msk [tilespmem:v6+s25+$0x0], $0xffff;
	v61 =	vmul.f32 v19, v17;
	v26 =	vmul.f32 v14, v17  }
0x202: {  	v38 =	vld.idx.msk [tilespmem:v6+s26+$0x0], $0xffff;
	v27 =	vmul.f32 v18, v12;
	v62 =	vmul.f32 v19, v20  }
0x203: {  	v29 =	vmul.f32 v18, v20;
	v36 =	vmul.f32 v19, v15  }
0x204: {  	v40 =	vld.idx.msk [tilespmem:v7+s25+$0x0], $0xffff;
	v37 =	vmul.f32 v14, v20;
	v12 =	vmul.f32 v19, v12  }
0x205: {  	v43 =	vld.idx.msk [tilespmem:v7+s26+$0x0], $0xffff;
	v20 =	vmul.f32 v16, v20;
	v18 =	vmul.f32 v18, v15  }
0x206: {  	v16 =	vmul.f32 v16, v17;
	v44 =	vmul.f32 v28, v23  }
0x207: {  	v45 =	vmul.f32 v63, v25;
	v48 =	vmul.f32 v38, v30  }
0x208: {  	v50 =	vmul.f32 v28, v25;
	v51 =	vmul.f32 v63, v23  }
0x209: {  	v8 =	vor.u32 $0x8, v11;
	v52 =	vmul.f32 v28, v30;
	v53 =	vmul.f32 v38, v23  }
0x20a: {  	v1 =	vor.u32 $0x9, v11;
	v31 =	vmul.f32 v43, v40;
	v54 =	vmul.f32 v43, v30  }
0x20b: {  	v32 =	vmul.f32 v38, v40;
	v55 =	vmul.f32 v43, v25;
	v13 =	vadd.f32 v13, v10  }
0x20c: {  	v28 =	vmul.f32 v28, v40;
	v21 =	vsub.f32 v21, v22;
	v26 =	vsub.f32 v26, v27  }
0x20d: {  	v23 =	vmul.f32 v43, v23;
	v12 =	vsub.f32 v37, v12;
	v47 =	vadd.f32 v45, v44  }
0x20e: {  	v10 =	vor.u32 $0xA, v11;
	v39 =	vadd.f32 v36, v26;
	v26 =	vsub.f32 v52, v53  }
0x20f: {  	v19 =	vmul.f32 v38, v25;
	v25 =	vld.idx.msk [tilespmem:v1+s25+$0x0], $0xffff;
	v13 =	vadd.f32 v24, v13;
	v21 =	vsub.f32 v21, v61  }
0x210: {  	v17 =	vmul.f32 v63, v40;
	v18 =	vsub.f32 v12, v18;
	v56 =	vadd.f32 v55, v26;
	v26 =	vld.idx.msk [tilespmem:v8+s25+$0x0], $0xffff  }
0x211: {  	v12 =	vor.u32 $0xB, v11;
	v24 =	vsub.f32 v28, v23;
	v14 =	vadd.f32 v21, v29;
	v29 =	vld.idx.msk [tilespmem:v8+s26+$0x0], $0xffff  }
0x212: {  	v58 =	vmul.f32 v63, v30;
	v13 =	vadd.f32 v62, v13;
	v15 =	vsub.f32 v39, v20;
	v62 =	vld.idx.msk [tilespmem:v1+s26+$0x0], $0xffff  }
0x213: {  	v22 =	vor.u32 $0xF, v11;
	v16 =	vadd.f32 v18, v16;
	v59 =	vsub.f32 v24, v19;
	v63 =	vld.idx.msk [tilespmem:v10+s25+$0x0], $0xffff  }
0x214: {  	v18 =	vadd.f32 v48, v47;
	v53 =	vld.idx.msk [tilespmem:v10+s26+$0x0], $0xffff;
	v41 =	vmul.f32 v13, v13;
	v23 =	vsub.f32 v56, v17  }
0x215: {  	v42 =	vmul.f32 v14, v14;
	v46 =	vmul.f32 v15, v15;
	v24 =	vadd.f32 v59, v58  }
0x216: {  	v19 =	vor.u32 $0xE, v11;
	v57 =	vmul.f32 v16, v16;
	v55 =	vld.idx.msk [tilespmem:v12+s26+$0x0], $0xffff;
	v52 =	vmul.f32 v23, v23  }
0x217: {  	v36 =	vld.idx.msk [tilespmem:v12+s25+$0x0], $0xffff;
	v20 =	vadd.f32 v42, v41;
	v34 =	vmul.f32 v24, v24;
	v37 =	vmul.f32 v29, v26  }
0x218: {  	v17 =	vor.u32 $0xC, v11;
	v38 =	vmul.f32 v62, v25;
	v39 =	vmul.f32 v29, v25  }
0x219: {  	v40 =	vmul.f32 v62, v26;
	v49 =	vadd.f32 v20, v46;
	v42 =	vmul.f32 v53, v63  }
0x21a: {  	v20 =	vsub.f32 v50, v51;
	v44 =	vmul.f32 v29, v63;
	v45 =	vmul.f32 v53, v26  }
0x21b: {  	v28 =	vmul.f32 v62, v63;
	v37 =	vadd.f32 v38, v37;
	v39 =	vsub.f32 v39, v40  }
0x21c: {  	v27 =	vadd.f32 v49, v57;
	v57 =	vmul.f32 v55, v63;
	v58 =	vmul.f32 v55, v36  }
0x21d: {  	v48 =	vld.idx.msk [tilespmem:v19+s25+$0x0], $0xffff;
	v21 =	vsub.f32 v20, v54;
	v47 =	vmul.f32 v53, v36;
	v59 =	vmul.f32 v55, v25  }
0x21e: {  	v38 =	vld.idx.msk [tilespmem:v17+s25+$0x0], $0xffff;
	v20 =	vadd.f32 v31, v18;
	v29 =	vmul.f32 v29, v36;
	v26 =	vmul.f32 v55, v26  }
0x21f: {  	v46 =	vld.idx.msk [tilespmem:v17+s26+$0x0], $0xffff;
	v18 =	vor.u32 $0xD, v11;
	v36 =	vmul.f32 v62, v36;
	v25 =	vmul.f32 v53, v25  }
0x220: {  	v63 =	vld.idx.msk [tilespmem:v22+s26+$0x0], $0xffff;
	v37 =	vadd.f32 v42, v37;
	v54 =	vshra.s32 v27, $0x1;
	v27 =	vmul.f32 $5.000000000e-01, v27  }
0x221: {  	v21 =	vadd.f32 v21, v32;
	v39 =	vsub.f32 v39, v57;
	v32 =	vld.idx.msk [tilespmem:v19+s26+$0x0], $0xffff;
	v33 =	vsub.s32 $0x5F3759DF, v54  }
0x222: {  	v60 =	vmul.f32 v20, v20;
	v26 =	vsub.f32 v29, v26;
	v29 =	vld.idx.msk [tilespmem:v22+s25+$0x0], $0xffff;
	v35 =	vmul.f32 v33, v27  }
0x223: {  	v37 =	vadd.f32 v58, v37;
	v61 =	vmul.f32 v21, v21;
	v39 =	vadd.f32 v39, v47  }
0x224: {  	v44 =	vsub.f32 v44, v45;
	v57 =	vmul.f32 v46, v48;
	v43 =	vld.idx.msk [tilespmem:v18+s25+$0x0], $0xffff;
	v35 =	vmul.f32 v33, v35  }
0x225: {  	v40 =	vld.idx.msk [tilespmem:v18+s26+$0x0], $0xffff;
	v51 =	vadd.f32 v61, v60;
	v61 =	vmul.f32 v37, v37;
	v62 =	vmul.f32 v39, v39  }
0x226: {  	v60 =	vadd.f32 v59, v44;
	v54 =	vmul.f32 v32, v48;
	v58 =	vmul.f32 v32, v38  }
0x227: {  	v59 =	vmul.f32 v63, v29;
	v49 =	vmul.f32 v32, v29  }
0x228: {  	v56 =	vadd.f32 v51, v52;
	v30 =	vsub.f32 v60, v36;
	v51 =	vmul.f32 v46, v38  }
0x229: {  	v31 =	vadd.f32 v62, v61;
	v60 =	vmul.f32 v63, v48;
	v62 =	vmul.f32 v46, v29  }
0x22a: {  	v25 =	vsub.f32 v26, v25;
	v52 =	vmul.f32 v40, v43;
	v53 =	vmul.f32 v30, v30  }
0x22b: {  	v34 =	vadd.f32 v56, v34;
	v55 =	vmul.f32 v46, v43;
	v56 =	vmul.f32 v40, v38  }
0x22c: {  	v25 =	vadd.f32 v25, v28;
	v61 =	vmul.f32 v63, v43;
	v38 =	vmul.f32 v63, v38  }
0x22d: {  	v29 =	vmul.f32 v40, v29;
	v26 =	vadd.f32 v52, v51;
	v36 =	vsub.f32 v55, v56  }
0x22e: {  	v28 =	vsub.f32 v57, v58;
	v32 =	vmul.f32 v32, v43;
	v63 =	vmul.f32 v25, v25  }
0x22f: {  	v45 =	vmul.f32 v40, v48;
	v26 =	vadd.f32 v54, v26;
	v36 =	vsub.f32 v36, v60  }
0x230: {  	v41 =	vshra.s32 v34, $0x1;
	v28 =	vadd.f32 v61, v28;
	v38 =	vsub.f32 v62, v38  }
0x231: {  	v34 =	vmul.f32 $5.000000000e-01, v34;
	v26 =	vadd.f32 v59, v26;
	v36 =	vadd.f32 v36, v49  }
0x232: {  	v31 =	vadd.f32 v31, v53;
	v41 =	vsub.s32 $0x5F3759DF, v41;
	v28 =	vsub.f32 v28, v29  }
0x233: {  	v32 =	vsub.f32 v38, v32;
	v46 =	vmul.f32 v26, v26;
	v47 =	vmul.f32 v36, v36  }
0x234: {  	v35 =	vsub.f32 $1.500000000e+00, v35;
	v48 =	vmul.f32 v41, v34;
	v31 =	vadd.f32 v31, v63  }
0x235: {  	v29 =	vadd.f32 v32, v45;
	v50 =	vmul.f32 v28, v28;
	v49 =	vadd.f32 v47, v46  }
0x236: {  	v33 =	vmul.f32 v33, v35;
	v51 =	vmul.f32 v41, v48;
	v52 =	vshra.s32 v31, $0x1  }
0x237: {  	v31 =	vmul.f32 $5.000000000e-01, v31;
	v53 =	vmul.f32 v29, v29;
	v32 =	vadd.f32 v49, v50  }
0x238: {  	v54 =	vmul.f32 v33, v27;
	v40 =	vsub.s32 $0x5F3759DF, v52;
	v35 =	vsub.f32 $1.500000000e+00, v51  }
0x239: {  	v55 =	vmul.f32 v40, v31;
	v32 =	vadd.f32 v32, v53  }
0x23a: {  	v56 =	vmul.f32 v54, v33;
	v35 =	vmul.f32 v41, v35  }
0x23b: {  	v57 =	vmul.f32 v40, v55;
	v58 =	vshra.s32 v32, $0x1;
	v32 =	vmul.f32 $5.000000000e-01, v32  }
0x23c: {  	v38 =	vsub.f32 $1.500000000e+00, v56;
	v59 =	vmul.f32 v35, v34;
	v42 =	vsub.s32 $0x5F3759DF, v58  }
0x23d: {  	v41 =	vsub.f32 $1.500000000e+00, v57;
	v60 =	vmul.f32 v42, v32  }
0x23e: {  	v33 =	vmul.f32 v38, v33;
	v61 =	vmul.f32 v59, v35  }
0x23f: {  	v40 =	vmul.f32 v40, v41;
	v62 =	vmul.f32 v42, v60  }
0x240: {  	v27 =	vmul.f32 v33, v27;
	v38 =	vsub.f32 $1.500000000e+00, v61  }
0x241: {  	v63 =	vmul.f32 v40, v31;
	v41 =	vsub.f32 $1.500000000e+00, v62  }
0x242: {  	v27 =	vmul.f32 v27, v33;
	v35 =	vmul.f32 v38, v35  }
0x243: {  	v45 =	vmul.f32 v63, v40;
	v41 =	vmul.f32 v42, v41  }
0x244: {  	v27 =	vsub.f32 $1.500000000e+00, v27;
	v34 =	vmul.f32 v35, v34  }
0x245: {  	v38 =	vsub.f32 $1.500000000e+00, v45;
	v42 =	vmul.f32 v41, v32  }
0x246: {  	v27 =	vmul.f32 v27, v33;
	v46 =	vmul.f32 v34, v35  }
0x247: {  	v47 =	vmul.f32 v38, v40;
	v48 =	vmul.f32 v42, v41  }
0x248: {  	v13 =	vmul.f32 v27, v13;
	v33 =	vsub.f32 $1.500000000e+00, v46  }
0x249: {  	v14 =	vmul.f32 v27, v14;
	v31 =	vmul.f32 v47, v31;
	v38 =	vsub.f32 $1.500000000e+00, v48  }
0x24a: {  	v15 =	vmul.f32 v27, v15;
	v33 =	vmul.f32 v33, v35  }
0x24b: {  	[tilespmem:v11+s23+$0x0] =	vst.idx.msk $0xffff, v13;
	v49 =	vmul.f32 v31, v47;
	v50 =	vmul.f32 v38, v41  }
0x24c: {  	v16 =	vmul.f32 v27, v16;
	[tilespmem:v4+s23+$0x0] =	vst.idx.msk $0xffff, v14  }
0x24d: {  	[tilespmem:v5+s23+$0x0] =	vst.idx.msk $0xffff, v15;
	v51 =	vmul.f32 v33, v20;
	v52 =	vsub.f32 $1.500000000e+00, v49;
	v53 =	vmul.f32 v50, v32  }
0x24e: {  	[tilespmem:v2+s23+$0x0] =	vst.idx.msk $0xffff, v16;
	v2 =	vmul.f32 v33, v21;
	v54 =	vmul.f32 v33, v23  }
0x24f: {  	[tilespmem:v9+s23+$0x0] =	vst.idx.msk $0xffff, v51;
	v55 =	vmul.f32 v52, v47;
	v56 =	vmul.f32 v53, v50  }
0x250: {  	v57 =	vmul.f32 v33, v24;
	[tilespmem:v3+s23+$0x0] =	vst.idx.msk $0xffff, v2  }
0x251: {  	[tilespmem:v6+s23+$0x0] =	vst.idx.msk $0xffff, v54;
	v2 =	vmul.f32 v55, v37;
	v3 =	vsub.f32 $1.500000000e+00, v56  }
0x252: {  	v58 =	vmul.f32 v55, v39;
	[tilespmem:v7+s23+$0x0] =	vst.idx.msk $0xffff, v57  }
0x253: {  	s11 =	sadd.s32 $0xFFFFFFE0, s10;
	v59 =	vmul.f32 v55, v30;
	[tilespmem:v8+s23+$0x0] =	vst.idx.msk $0xffff, v2;
	v3 =	vmul.f32 v3, v50  }
0x254: {  	v2 =	vmul.f32 v55, v25;
	[tilespmem:v1+s23+$0x0] =	vst.idx.msk $0xffff, v58;
	v1 =	vmov s11  }
0x255: {  	[tilespmem:v10+s23+$0x0] =	vst.idx.msk $0xffff, v59;
	v1 =	vshll.u32 v1, $0x4;
	v60 =	vmul.f32 v3, v26  }
0x256: {  	[tilespmem:v12+s23+$0x0] =	vst.idx.msk $0xffff, v2;
	v2 =	vor.u32 v0, v1;
	v61 =	vmul.f32 v3, v36  }
0x257: {  	v1 =	vor.u32 $0x1, v2;
	v62 =	vmul.f32 v3, v28;
	[tilespmem:v17+s23+$0x0] =	vst.idx.msk $0xffff, v60  }
0x258: {  	v3 =	vmul.f32 v3, v29;
	[tilespmem:v18+s23+$0x0] =	vst.idx.msk $0xffff, v61  }
0x259: {  	[tilespmem:v19+s23+$0x0] =	vst.idx.msk $0xffff, v62  }
0x25a: {  	v6 =	vor.u32 $0x2, v2;
	[tilespmem:v22+s23+$0x0] =	vst.idx.msk $0xffff, v3  }
0x25b: {  	v12 =	vld.idx.msk [tilespmem:v2+s25+$0x0], $0xffff  }
0x25c: {  	v4 =	vor.u32 $0x3, v2;
	v15 =	vld.idx.msk [tilespmem:v1+s25+$0x0], $0xffff  }
0x25d: {  	v14 =	vld.idx.msk [tilespmem:v2+s26+$0x0], $0xffff  }
0x25e: {  	v10 =	vor.u32 $0x4, v2;
	v16 =	vld.idx.msk [tilespmem:v1+s26+$0x0], $0xffff  }
0x25f: {  	v5 =	vor.u32 $0x5, v2;
	v17 =	vld.idx.msk [tilespmem:v6+s25+$0x0], $0xffff  }
0x260: {  	v18 =	vld.idx.msk [tilespmem:v6+s26+$0x0], $0xffff  }
0x261: {  	v19 =	vld.idx.msk [tilespmem:v4+s26+$0x0], $0xffff  }
0x262: {  	v7 =	vor.u32 $0x6, v2;
	v63 =	vld.idx.msk [tilespmem:v4+s25+$0x0], $0xffff  }
0x263: {  	v23 =	vld.idx.msk [tilespmem:v10+s25+$0x0], $0xffff  }
0x264: {  	v25 =	vld.idx.msk [tilespmem:v5+s25+$0x0], $0xffff;
	v33 =	vmul.f32 v14, v12  }
0x265: {  	v8 =	vor.u32 $0x7, v2;
	v41 =	vld.idx.msk [tilespmem:v10+s26+$0x0], $0xffff;
	v34 =	vmul.f32 v16, v15;
	v35 =	vmul.f32 v14, v15  }
0x266: {  	v43 =	vld.idx.msk [tilespmem:v5+s26+$0x0], $0xffff;
	v36 =	vmul.f32 v16, v12;
	v37 =	vmul.f32 v18, v17  }
0x267: {  	v46 =	vld.idx.msk [tilespmem:v7+s25+$0x0], $0xffff;
	v38 =	vmul.f32 v19, v17;
	v39 =	vmul.f32 v14, v17  }
0x268: {  	v48 =	vld.idx.msk [tilespmem:v7+s26+$0x0], $0xffff;
	v40 =	vmul.f32 v18, v12;
	v42 =	vmul.f32 v19, v63  }
0x269: {  	v44 =	vmul.f32 v18, v63;
	v45 =	vmul.f32 v19, v15  }
0x26a: {  	v50 =	vld.idx.msk [tilespmem:v8+s25+$0x0], $0xffff;
	v47 =	vmul.f32 v14, v63;
	v12 =	vmul.f32 v19, v12  }
0x26b: {  	v53 =	vld.idx.msk [tilespmem:v8+s26+$0x0], $0xffff;
	v20 =	vmul.f32 v16, v63;
	v18 =	vmul.f32 v18, v15  }
0x26c: {  	v16 =	vmul.f32 v16, v17;
	v54 =	vmul.f32 v41, v23  }
0x26d: {  	v9 =	vor.u32 $0x8, v2;
	v55 =	vmul.f32 v43, v25;
	v58 =	vmul.f32 v48, v46  }
0x26e: {  	v3 =	vor.u32 $0x9, v2;
	v60 =	vmul.f32 v41, v25;
	v61 =	vmul.f32 v43, v23  }
0x26f: {  	v11 =	vor.u32 $0xA, v2;
	v62 =	vmul.f32 v41, v46;
	v63 =	vmul.f32 v48, v23  }
0x270: {  	v22 =	vor.u32 $0xF, v2;
	v28 =	vmul.f32 v41, v50;
	v23 =	vmul.f32 v53, v23  }
0x271: {  	v17 =	vmul.f32 v43, v50;
	v13 =	vadd.f32 v34, v33;
	v21 =	vsub.f32 v35, v36  }
0x272: {  	v29 =	vld.idx.msk [tilespmem:v9+s26+$0x0], $0xffff;
	v19 =	vmul.f32 v48, v25;
	v26 =	vsub.f32 v39, v40;
	v12 =	vsub.f32 v47, v12  }
0x273: {  	v30 =	vld.idx.msk [tilespmem:v3+s26+$0x0], $0xffff;
	v57 =	vadd.f32 v55, v54;
	v36 =	vmul.f32 v53, v50;
	v24 =	vsub.f32 v28, v23  }
0x274: {  	v39 =	vmul.f32 v53, v25;
	v25 =	vld.idx.msk [tilespmem:v3+s25+$0x0], $0xffff;
	v13 =	vadd.f32 v37, v13;
	v21 =	vsub.f32 v21, v38  }
0x275: {  	v31 =	vld.idx.msk [tilespmem:v11+s26+$0x0], $0xffff;
	v49 =	vadd.f32 v45, v26;
	v18 =	vsub.f32 v12, v18;
	v12 =	vor.u32 $0xB, v2  }
0x276: {  	v28 =	vld.idx.msk [tilespmem:v11+s25+$0x0], $0xffff;
	v37 =	vmul.f32 v53, v46;
	v26 =	vsub.f32 v62, v63;
	v13 =	vadd.f32 v42, v13  }
0x277: {  	v38 =	vmul.f32 v48, v50;
	v14 =	vadd.f32 v21, v44;
	v15 =	vsub.f32 v49, v20  }
0x278: {  	v16 =	vadd.f32 v18, v16;
	v40 =	vadd.f32 v39, v26;
	v26 =	vld.idx.msk [tilespmem:v9+s25+$0x0], $0xffff;
	v42 =	vmul.f32 v43, v46  }
0x279: {  	v18 =	vadd.f32 v58, v57;
	v53 =	vmul.f32 v30, v25;
	v54 =	vmul.f32 v29, v25  }
0x27a: {  	v43 =	vsub.f32 v24, v19;
	v51 =	vmul.f32 v13, v13;
	v52 =	vmul.f32 v14, v14  }
0x27b: {  	v19 =	vor.u32 $0xE, v2;
	v57 =	vmul.f32 v31, v28;
	v56 =	vmul.f32 v15, v15  }
0x27c: {  	v41 =	vmul.f32 v16, v16;
	v23 =	vsub.f32 v40, v17;
	v32 =	vld.idx.msk [tilespmem:v12+s26+$0x0], $0xffff;
	v20 =	vadd.f32 v52, v51  }
0x27d: {  	v24 =	vadd.f32 v43, v42;
	v17 =	vor.u32 $0xC, v2;
	v55 =	vmul.f32 v30, v26  }
0x27e: {  	v47 =	vmul.f32 v23, v23;
	v59 =	vadd.f32 v20, v56;
	v20 =	vsub.f32 v60, v61  }
0x27f: {  	v50 =	vmul.f32 v24, v24;
	v52 =	vmul.f32 v29, v26;
	v39 =	vsub.f32 v54, v55  }
0x280: {  	v60 =	vmul.f32 v31, v26;
	v21 =	vsub.f32 v20, v37;
	v20 =	vadd.f32 v36, v18  }
0x281: {  	v27 =	vadd.f32 v59, v41;
	v18 =	vor.u32 $0xD, v2;
	v36 =	vld.idx.msk [tilespmem:v12+s25+$0x0], $0xffff;
	v58 =	vmul.f32 v32, v28  }
0x282: {  	v37 =	vadd.f32 v53, v52;
	v59 =	vmul.f32 v29, v28;
	v63 =	vmul.f32 v32, v25  }
0x283: {  	v42 =	vld.idx.msk [tilespmem:v22+s26+$0x0], $0xffff;
	v26 =	vmul.f32 v32, v26;
	v25 =	vmul.f32 v31, v25;
	v21 =	vadd.f32 v21, v38  }
0x284: {  	v28 =	vmul.f32 v30, v28;
	v44 =	vmul.f32 v20, v20;
	v48 =	vshra.s32 v27, $0x1;
	v38 =	vld.idx.msk [tilespmem:v17+s25+$0x0], $0xffff  }
0x285: {  	v27 =	vmul.f32 $5.000000000e-01, v27;
	v33 =	vsub.s32 $0x5F3759DF, v48;
	v48 =	vld.idx.msk [tilespmem:v19+s25+$0x0], $0xffff;
	v45 =	vmul.f32 v21, v21  }
0x286: {  	v37 =	vadd.f32 v57, v37;
	v39 =	vsub.f32 v39, v58;
	v43 =	vld.idx.msk [tilespmem:v18+s25+$0x0], $0xffff;
	v61 =	vmul.f32 v32, v36  }
0x287: {  	v51 =	vmul.f32 v33, v27;
	v40 =	vld.idx.msk [tilespmem:v18+s26+$0x0], $0xffff;
	v62 =	vmul.f32 v31, v36;
	v46 =	vadd.f32 v45, v44  }
0x288: {  	v29 =	vmul.f32 v29, v36;
	v32 =	vld.idx.msk [tilespmem:v19+s26+$0x0], $0xffff;
	v44 =	vsub.f32 v59, v60;
	v37 =	vadd.f32 v61, v37  }
0x289: {  	v36 =	vmul.f32 v30, v36;
	v39 =	vadd.f32 v39, v62;
	v49 =	vadd.f32 v46, v47  }
0x28a: {  	v35 =	vmul.f32 v33, v51;
	v26 =	vsub.f32 v29, v26;
	v46 =	vld.idx.msk [tilespmem:v17+s26+$0x0], $0xffff;
	v47 =	vadd.f32 v63, v44  }
0x28b: {  	v60 =	vmul.f32 v42, v48;
	v34 =	vadd.f32 v49, v50;
	v49 =	vmul.f32 v37, v37  }
0x28c: {  	v29 =	vld.idx.msk [tilespmem:v22+s25+$0x0], $0xffff;
	v25 =	vsub.f32 v26, v25;
	v50 =	vmul.f32 v39, v39;
	v52 =	vmul.f32 v40, v43  }
0x28d: {  	v30 =	vsub.f32 v47, v36;
	v54 =	vmul.f32 v32, v48;
	v58 =	vmul.f32 v32, v38  }
0x28e: {  	v62 =	vmul.f32 v42, v43;
	v56 =	vshra.s32 v34, $0x1;
	v34 =	vmul.f32 $5.000000000e-01, v34  }
0x28f: {  	v25 =	vadd.f32 v25, v28;
	v53 =	vmul.f32 v30, v30;
	v51 =	vmul.f32 v46, v38  }
0x290: {  	v41 =	vsub.s32 $0x5F3759DF, v56;
	v55 =	vmul.f32 v46, v43;
	v56 =	vmul.f32 v40, v38  }
0x291: {  	v31 =	vadd.f32 v50, v49;
	v59 =	vmul.f32 v42, v29;
	v57 =	vmul.f32 v46, v48  }
0x292: {  	v61 =	vmul.f32 v32, v29;
	v26 =	vadd.f32 v52, v51;
	v36 =	vsub.f32 v55, v56  }
0x293: {  	v63 =	vmul.f32 v46, v29;
	v38 =	vmul.f32 v42, v38;
	v28 =	vsub.f32 v57, v58  }
0x294: {  	v32 =	vmul.f32 v32, v43;
	v26 =	vadd.f32 v54, v26;
	v36 =	vsub.f32 v36, v60  }
0x295: {  	v29 =	vmul.f32 v40, v29;
	v38 =	vsub.f32 v63, v38;
	v28 =	vadd.f32 v62, v28  }
0x296: {  	v47 =	vmul.f32 v25, v25;
	v26 =	vadd.f32 v59, v26;
	v36 =	vadd.f32 v36, v61  }
0x297: {  	v48 =	vmul.f32 v40, v48;
	v31 =	vadd.f32 v31, v53;
	v32 =	vsub.f32 v38, v32  }
0x298: {  	v28 =	vsub.f32 v28, v29;
	v49 =	vmul.f32 v26, v26;
	v50 =	vmul.f32 v36, v36  }
0x299: {  	v35 =	vsub.f32 $1.500000000e+00, v35;
	v51 =	vmul.f32 v41, v34;
	v31 =	vadd.f32 v31, v47  }
0x29a: {  	v29 =	vadd.f32 v32, v48;
	v53 =	vmul.f32 v28, v28;
	v52 =	vadd.f32 v50, v49  }
0x29b: {  	v33 =	vmul.f32 v33, v35;
	v54 =	vmul.f32 v41, v51;
	v55 =	vshra.s32 v31, $0x1  }
0x29c: {  	v31 =	vmul.f32 $5.000000000e-01, v31;
	v56 =	vmul.f32 v29, v29;
	v32 =	vadd.f32 v52, v53  }
0x29d: {  	v57 =	vmul.f32 v33, v27;
	v35 =	vsub.f32 $1.500000000e+00, v54;
	v40 =	vsub.s32 $0x5F3759DF, v55  }
0x29e: {  	v58 =	vmul.f32 v40, v31;
	v32 =	vadd.f32 v32, v56  }
0x29f: {  	v59 =	vmul.f32 v57, v33;
	v35 =	vmul.f32 v41, v35  }
0x2a0: {  	v60 =	vmul.f32 v40, v58;
	v61 =	vshra.s32 v32, $0x1;
	v32 =	vmul.f32 $5.000000000e-01, v32  }
0x2a1: {  	v38 =	vsub.f32 $1.500000000e+00, v59;
	v62 =	vmul.f32 v35, v34;
	v42 =	vsub.s32 $0x5F3759DF, v61  }
0x2a2: {  	v41 =	vsub.f32 $1.500000000e+00, v60;
	v63 =	vmul.f32 v42, v32  }
0x2a3: {  	v33 =	vmul.f32 v38, v33;
	v45 =	vmul.f32 v62, v35  }
0x2a4: {  	v40 =	vmul.f32 v40, v41;
	v46 =	vmul.f32 v42, v63  }
0x2a5: {  	v27 =	vmul.f32 v33, v27;
	v38 =	vsub.f32 $1.500000000e+00, v45  }
0x2a6: {  	v47 =	vmul.f32 v40, v31;
	v41 =	vsub.f32 $1.500000000e+00, v46  }
0x2a7: {  	v27 =	vmul.f32 v27, v33;
	v35 =	vmul.f32 v38, v35  }
0x2a8: {  	v48 =	vmul.f32 v47, v40;
	v41 =	vmul.f32 v42, v41  }
0x2a9: {  	v27 =	vsub.f32 $1.500000000e+00, v27;
	v34 =	vmul.f32 v35, v34  }
0x2aa: {  	v38 =	vsub.f32 $1.500000000e+00, v48;
	v42 =	vmul.f32 v41, v32  }
0x2ab: {  	v27 =	vmul.f32 v27, v33;
	v49 =	vmul.f32 v34, v35  }
0x2ac: {  	v50 =	vmul.f32 v38, v40;
	v51 =	vmul.f32 v42, v41  }
0x2ad: {  	v13 =	vmul.f32 v27, v13;
	v33 =	vsub.f32 $1.500000000e+00, v49  }
0x2ae: {  	v14 =	vmul.f32 v27, v14;
	v31 =	vmul.f32 v50, v31;
	v38 =	vsub.f32 $1.500000000e+00, v51  }
0x2af: {  	v15 =	vmul.f32 v27, v15;
	v33 =	vmul.f32 v33, v35  }
0x2b0: {  	[tilespmem:v2+s23+$0x0] =	vst.idx.msk $0xffff, v13;
	v2 =	vmul.f32 v31, v50;
	v52 =	vmul.f32 v38, v41  }
0x2b1: {  	v16 =	vmul.f32 v27, v16;
	[tilespmem:v1+s23+$0x0] =	vst.idx.msk $0xffff, v14  }
0x2b2: {  	[tilespmem:v6+s23+$0x0] =	vst.idx.msk $0xffff, v15;
	v1 =	vmul.f32 v33, v20;
	v2 =	vsub.f32 $1.500000000e+00, v2;
	v53 =	vmul.f32 v52, v32  }
0x2b3: {  	[tilespmem:v4+s23+$0x0] =	vst.idx.msk $0xffff, v16;
	v54 =	vmul.f32 v33, v21;
	v55 =	vmul.f32 v33, v23  }
0x2b4: {  	[tilespmem:v10+s23+$0x0] =	vst.idx.msk $0xffff, v1;
	v1 =	vmul.f32 v2, v50;
	v2 =	vmul.f32 v53, v52  }
0x2b5: {  	v56 =	vmul.f32 v33, v24;
	[tilespmem:v5+s23+$0x0] =	vst.idx.msk $0xffff, v54  }
0x2b6: {  	[tilespmem:v7+s23+$0x0] =	vst.idx.msk $0xffff, v55;
	v57 =	vmul.f32 v1, v37;
	v2 =	vsub.f32 $1.500000000e+00, v2  }
0x2b7: {  	[tilespmem:v8+s23+$0x0] =	vst.idx.msk $0xffff, v56;
	v58 =	vmul.f32 v1, v39  }
0x2b8: {  	s11 =	sadd.s32 $0xFFFFFFF0, s10;
	v59 =	vmul.f32 v1, v30;
	[tilespmem:v9+s23+$0x0] =	vst.idx.msk $0xffff, v57;
	v60 =	vmul.f32 v2, v52  }
0x2b9: {  	v1 =	vmul.f32 v1, v25;
	[tilespmem:v3+s23+$0x0] =	vst.idx.msk $0xffff, v58;
	v2 =	vmov s11  }
0x2ba: {  	[tilespmem:v11+s23+$0x0] =	vst.idx.msk $0xffff, v59;
	v2 =	vshll.u32 v2, $0x4;
	v3 =	vmul.f32 v60, v26  }
0x2bb: {  	[tilespmem:v12+s23+$0x0] =	vst.idx.msk $0xffff, v1;
	v61 =	vmul.f32 v60, v36;
	v2 =	vor.u32 v0, v2  }
0x2bc: {  	v62 =	vmul.f32 v60, v28;
	v1 =	vor.u32 $0x1, v2;
	[tilespmem:v17+s23+$0x0] =	vst.idx.msk $0xffff, v3  }
0x2bd: {  	v3 =	vmul.f32 v60, v29;
	[tilespmem:v18+s23+$0x0] =	vst.idx.msk $0xffff, v61  }
0x2be: {  	[tilespmem:v19+s23+$0x0] =	vst.idx.msk $0xffff, v62  }
0x2bf: {  	v6 =	vor.u32 $0x2, v2;
	[tilespmem:v22+s23+$0x0] =	vst.idx.msk $0xffff, v3  }
0x2c0: {  	v12 =	vld.idx.msk [tilespmem:v2+s25+$0x0], $0xffff  }
0x2c1: {  	v4 =	vor.u32 $0x3, v2;
	v15 =	vld.idx.msk [tilespmem:v1+s25+$0x0], $0xffff  }
0x2c2: {  	v14 =	vld.idx.msk [tilespmem:v2+s26+$0x0], $0xffff  }
0x2c3: {  	v10 =	vor.u32 $0x4, v2;
	v16 =	vld.idx.msk [tilespmem:v1+s26+$0x0], $0xffff  }
0x2c4: {  	v5 =	vor.u32 $0x5, v2;
	v17 =	vld.idx.msk [tilespmem:v6+s25+$0x0], $0xffff  }
0x2c5: {  	v18 =	vld.idx.msk [tilespmem:v6+s26+$0x0], $0xffff  }
0x2c6: {  	v19 =	vld.idx.msk [tilespmem:v4+s26+$0x0], $0xffff  }
0x2c7: {  	v7 =	vor.u32 $0x6, v2;
	v63 =	vld.idx.msk [tilespmem:v4+s25+$0x0], $0xffff  }
0x2c8: {  	v23 =	vld.idx.msk [tilespmem:v10+s25+$0x0], $0xffff  }
0x2c9: {  	v25 =	vld.idx.msk [tilespmem:v5+s25+$0x0], $0xffff;
	v33 =	vmul.f32 v14, v12  }
0x2ca: {  	v8 =	vor.u32 $0x7, v2;
	v41 =	vld.idx.msk [tilespmem:v10+s26+$0x0], $0xffff;
	v34 =	vmul.f32 v16, v15;
	v35 =	vmul.f32 v14, v15  }
0x2cb: {  	v43 =	vld.idx.msk [tilespmem:v5+s26+$0x0], $0xffff;
	v36 =	vmul.f32 v16, v12;
	v37 =	vmul.f32 v18, v17  }
0x2cc: {  	v46 =	vld.idx.msk [tilespmem:v7+s25+$0x0], $0xffff;
	v38 =	vmul.f32 v19, v17;
	v39 =	vmul.f32 v14, v17  }
0x2cd: {  	v48 =	vld.idx.msk [tilespmem:v7+s26+$0x0], $0xffff;
	v40 =	vmul.f32 v18, v12;
	v42 =	vmul.f32 v19, v63  }
0x2ce: {  	v44 =	vmul.f32 v18, v63;
	v45 =	vmul.f32 v19, v15  }
0x2cf: {  	v50 =	vld.idx.msk [tilespmem:v8+s25+$0x0], $0xffff;
	v47 =	vmul.f32 v14, v63;
	v12 =	vmul.f32 v19, v12  }
0x2d0: {  	v53 =	vld.idx.msk [tilespmem:v8+s26+$0x0], $0xffff;
	v20 =	vmul.f32 v16, v63;
	v18 =	vmul.f32 v18, v15  }
0x2d1: {  	v16 =	vmul.f32 v16, v17;
	v54 =	vmul.f32 v41, v23  }
0x2d2: {  	v9 =	vor.u32 $0x8, v2;
	v55 =	vmul.f32 v43, v25;
	v58 =	vmul.f32 v48, v46  }
0x2d3: {  	v3 =	vor.u32 $0x9, v2;
	v60 =	vmul.f32 v41, v25;
	v61 =	vmul.f32 v43, v23  }
0x2d4: {  	v11 =	vor.u32 $0xA, v2;
	v62 =	vmul.f32 v41, v46;
	v63 =	vmul.f32 v48, v23  }
0x2d5: {  	v22 =	vor.u32 $0xF, v2;
	v28 =	vmul.f32 v41, v50;
	v23 =	vmul.f32 v53, v23  }
0x2d6: {  	v17 =	vmul.f32 v43, v50;
	v13 =	vadd.f32 v34, v33;
	v21 =	vsub.f32 v35, v36  }
0x2d7: {  	v29 =	vld.idx.msk [tilespmem:v9+s26+$0x0], $0xffff;
	v19 =	vmul.f32 v48, v25;
	v26 =	vsub.f32 v39, v40;
	v12 =	vsub.f32 v47, v12  }
0x2d8: {  	v30 =	vld.idx.msk [tilespmem:v3+s26+$0x0], $0xffff;
	v57 =	vadd.f32 v55, v54;
	v36 =	vmul.f32 v53, v50;
	v24 =	vsub.f32 v28, v23  }
0x2d9: {  	v39 =	vmul.f32 v53, v25;
	v25 =	vld.idx.msk [tilespmem:v3+s25+$0x0], $0xffff;
	v13 =	vadd.f32 v37, v13;
	v21 =	vsub.f32 v21, v38  }
0x2da: {  	v31 =	vld.idx.msk [tilespmem:v11+s26+$0x0], $0xffff;
	v49 =	vadd.f32 v45, v26;
	v18 =	vsub.f32 v12, v18;
	v12 =	vor.u32 $0xB, v2  }
0x2db: {  	v28 =	vld.idx.msk [tilespmem:v11+s25+$0x0], $0xffff;
	v37 =	vmul.f32 v53, v46;
	v26 =	vsub.f32 v62, v63;
	v13 =	vadd.f32 v42, v13  }
0x2dc: {  	v38 =	vmul.f32 v48, v50;
	v14 =	vadd.f32 v21, v44;
	v15 =	vsub.f32 v49, v20  }
0x2dd: {  	v16 =	vadd.f32 v18, v16;
	v40 =	vadd.f32 v39, v26;
	v26 =	vld.idx.msk [tilespmem:v9+s25+$0x0], $0xffff;
	v42 =	vmul.f32 v43, v46  }
0x2de: {  	v18 =	vadd.f32 v58, v57;
	v53 =	vmul.f32 v30, v25;
	v54 =	vmul.f32 v29, v25  }
0x2df: {  	v43 =	vsub.f32 v24, v19;
	v51 =	vmul.f32 v13, v13;
	v52 =	vmul.f32 v14, v14  }
0x2e0: {  	v19 =	vor.u32 $0xE, v2;
	v57 =	vmul.f32 v31, v28;
	v56 =	vmul.f32 v15, v15  }
0x2e1: {  	v41 =	vmul.f32 v16, v16;
	v23 =	vsub.f32 v40, v17;
	v32 =	vld.idx.msk [tilespmem:v12+s26+$0x0], $0xffff;
	v20 =	vadd.f32 v52, v51  }
0x2e2: {  	v24 =	vadd.f32 v43, v42;
	v17 =	vor.u32 $0xC, v2;
	v55 =	vmul.f32 v30, v26  }
0x2e3: {  	v47 =	vmul.f32 v23, v23;
	v59 =	vadd.f32 v20, v56;
	v20 =	vsub.f32 v60, v61  }
0x2e4: {  	v50 =	vmul.f32 v24, v24;
	v52 =	vmul.f32 v29, v26;
	v39 =	vsub.f32 v54, v55  }
0x2e5: {  	v60 =	vmul.f32 v31, v26;
	v21 =	vsub.f32 v20, v37;
	v20 =	vadd.f32 v36, v18  }
0x2e6: {  	v27 =	vadd.f32 v59, v41;
	v18 =	vor.u32 $0xD, v2;
	v36 =	vld.idx.msk [tilespmem:v12+s25+$0x0], $0xffff;
	v58 =	vmul.f32 v32, v28  }
0x2e7: {  	v37 =	vadd.f32 v53, v52;
	v59 =	vmul.f32 v29, v28;
	v63 =	vmul.f32 v32, v25  }
0x2e8: {  	v42 =	vld.idx.msk [tilespmem:v22+s26+$0x0], $0xffff;
	v26 =	vmul.f32 v32, v26;
	v25 =	vmul.f32 v31, v25;
	v21 =	vadd.f32 v21, v38  }
0x2e9: {  	v28 =	vmul.f32 v30, v28;
	v44 =	vmul.f32 v20, v20;
	v48 =	vshra.s32 v27, $0x1;
	v38 =	vld.idx.msk [tilespmem:v17+s25+$0x0], $0xffff  }
0x2ea: {  	v27 =	vmul.f32 $5.000000000e-01, v27;
	v33 =	vsub.s32 $0x5F3759DF, v48;
	v48 =	vld.idx.msk [tilespmem:v19+s25+$0x0], $0xffff;
	v45 =	vmul.f32 v21, v21  }
0x2eb: {  	v37 =	vadd.f32 v57, v37;
	v39 =	vsub.f32 v39, v58;
	v43 =	vld.idx.msk [tilespmem:v18+s25+$0x0], $0xffff;
	v61 =	vmul.f32 v32, v36  }
0x2ec: {  	v51 =	vmul.f32 v33, v27;
	v40 =	vld.idx.msk [tilespmem:v18+s26+$0x0], $0xffff;
	v62 =	vmul.f32 v31, v36;
	v46 =	vadd.f32 v45, v44  }
0x2ed: {  	v29 =	vmul.f32 v29, v36;
	v32 =	vld.idx.msk [tilespmem:v19+s26+$0x0], $0xffff;
	v44 =	vsub.f32 v59, v60;
	v37 =	vadd.f32 v61, v37  }
0x2ee: {  	v36 =	vmul.f32 v30, v36;
	v39 =	vadd.f32 v39, v62;
	v49 =	vadd.f32 v46, v47  }
0x2ef: {  	v35 =	vmul.f32 v33, v51;
	v26 =	vsub.f32 v29, v26;
	v46 =	vld.idx.msk [tilespmem:v17+s26+$0x0], $0xffff;
	v47 =	vadd.f32 v63, v44  }
0x2f0: {  	v60 =	vmul.f32 v42, v48;
	v34 =	vadd.f32 v49, v50;
	v49 =	vmul.f32 v37, v37  }
0x2f1: {  	v29 =	vld.idx.msk [tilespmem:v22+s25+$0x0], $0xffff;
	v25 =	vsub.f32 v26, v25;
	v50 =	vmul.f32 v39, v39;
	v52 =	vmul.f32 v40, v43  }
0x2f2: {  	v30 =	vsub.f32 v47, v36;
	v54 =	vmul.f32 v32, v48;
	v58 =	vmul.f32 v32, v38  }
0x2f3: {  	v62 =	vmul.f32 v42, v43;
	v56 =	vshra.s32 v34, $0x1;
	v34 =	vmul.f32 $5.000000000e-01, v34  }
0x2f4: {  	v25 =	vadd.f32 v25, v28;
	v53 =	vmul.f32 v30, v30;
	v51 =	vmul.f32 v46, v38  }
0x2f5: {  	v41 =	vsub.s32 $0x5F3759DF, v56;
	v55 =	vmul.f32 v46, v43;
	v56 =	vmul.f32 v40, v38  }
0x2f6: {  	v31 =	vadd.f32 v50, v49;
	v59 =	vmul.f32 v42, v29;
	v57 =	vmul.f32 v46, v48  }
0x2f7: {  	v61 =	vmul.f32 v32, v29;
	v26 =	vadd.f32 v52, v51;
	v36 =	vsub.f32 v55, v56  }
0x2f8: {  	v63 =	vmul.f32 v46, v29;
	v38 =	vmul.f32 v42, v38;
	v28 =	vsub.f32 v57, v58  }
0x2f9: {  	v32 =	vmul.f32 v32, v43;
	v26 =	vadd.f32 v54, v26;
	v36 =	vsub.f32 v36, v60  }
0x2fa: {  	v29 =	vmul.f32 v40, v29;
	v38 =	vsub.f32 v63, v38;
	v28 =	vadd.f32 v62, v28  }
0x2fb: {  	v47 =	vmul.f32 v25, v25;
	v26 =	vadd.f32 v59, v26;
	v36 =	vadd.f32 v36, v61  }
0x2fc: {  	v48 =	vmul.f32 v40, v48;
	v31 =	vadd.f32 v31, v53;
	v32 =	vsub.f32 v38, v32  }
0x2fd: {  	v28 =	vsub.f32 v28, v29;
	v49 =	vmul.f32 v26, v26;
	v50 =	vmul.f32 v36, v36  }
0x2fe: {  	v35 =	vsub.f32 $1.500000000e+00, v35;
	v51 =	vmul.f32 v41, v34;
	v31 =	vadd.f32 v31, v47  }
0x2ff: {  	v29 =	vadd.f32 v32, v48;
	v53 =	vmul.f32 v28, v28;
	v52 =	vadd.f32 v50, v49  }
0x300: {  	v33 =	vmul.f32 v33, v35;
	v54 =	vmul.f32 v41, v51;
	v55 =	vshra.s32 v31, $0x1  }
0x301: {  	v31 =	vmul.f32 $5.000000000e-01, v31;
	v56 =	vmul.f32 v29, v29;
	v32 =	vadd.f32 v52, v53  }
0x302: {  	v57 =	vmul.f32 v33, v27;
	v35 =	vsub.f32 $1.500000000e+00, v54;
	v40 =	vsub.s32 $0x5F3759DF, v55  }
0x303: {  	v58 =	vmul.f32 v40, v31;
	v32 =	vadd.f32 v32, v56  }
0x304: {  	v59 =	vmul.f32 v57, v33;
	v35 =	vmul.f32 v41, v35  }
0x305: {  	v60 =	vmul.f32 v40, v58;
	v61 =	vshra.s32 v32, $0x1;
	v32 =	vmul.f32 $5.000000000e-01, v32  }
0x306: {  	v38 =	vsub.f32 $1.500000000e+00, v59;
	v62 =	vmul.f32 v35, v34;
	v42 =	vsub.s32 $0x5F3759DF, v61  }
0x307: {  	v41 =	vsub.f32 $1.500000000e+00, v60;
	v63 =	vmul.f32 v42, v32  }
0x308: {  	v33 =	vmul.f32 v38, v33;
	v45 =	vmul.f32 v62, v35  }
0x309: {  	v40 =	vmul.f32 v40, v41;
	v46 =	vmul.f32 v42, v63  }
0x30a: {  	v27 =	vmul.f32 v33, v27;
	v38 =	vsub.f32 $1.500000000e+00, v45  }
0x30b: {  	v47 =	vmul.f32 v40, v31;
	v41 =	vsub.f32 $1.500000000e+00, v46  }
0x30c: {  	v27 =	vmul.f32 v27, v33;
	v35 =	vmul.f32 v38, v35  }
0x30d: {  	v48 =	vmul.f32 v47, v40;
	v41 =	vmul.f32 v42, v41  }
0x30e: {  	v27 =	vsub.f32 $1.500000000e+00, v27;
	v34 =	vmul.f32 v35, v34  }
0x30f: {  	v38 =	vsub.f32 $1.500000000e+00, v48;
	v42 =	vmul.f32 v41, v32  }
0x310: {  	v27 =	vmul.f32 v27, v33;
	v49 =	vmul.f32 v34, v35  }
0x311: {  	v50 =	vmul.f32 v38, v40;
	v51 =	vmul.f32 v42, v41  }
0x312: {  	v13 =	vmul.f32 v27, v13;
	v33 =	vsub.f32 $1.500000000e+00, v49  }
0x313: {  	v14 =	vmul.f32 v27, v14;
	v31 =	vmul.f32 v50, v31;
	v38 =	vsub.f32 $1.500000000e+00, v51  }
0x314: {  	v15 =	vmul.f32 v27, v15;
	v33 =	vmul.f32 v33, v35  }
0x315: {  	[tilespmem:v2+s23+$0x0] =	vst.idx.msk $0xffff, v13;
	v2 =	vmul.f32 v31, v50;
	v52 =	vmul.f32 v38, v41  }
0x316: {  	v16 =	vmul.f32 v27, v16;
	[tilespmem:v1+s23+$0x0] =	vst.idx.msk $0xffff, v14  }
0x317: {  	[tilespmem:v6+s23+$0x0] =	vst.idx.msk $0xffff, v15;
	v1 =	vmul.f32 v33, v20;
	v2 =	vsub.f32 $1.500000000e+00, v2;
	v53 =	vmul.f32 v52, v32  }
0x318: {  	[tilespmem:v4+s23+$0x0] =	vst.idx.msk $0xffff, v16;
	v54 =	vmul.f32 v33, v21;
	v55 =	vmul.f32 v33, v23  }
0x319: {  	[tilespmem:v10+s23+$0x0] =	vst.idx.msk $0xffff, v1;
	v1 =	vmul.f32 v2, v50;
	v2 =	vmul.f32 v53, v52  }
0x31a: {  	v56 =	vmul.f32 v33, v24;
	[tilespmem:v5+s23+$0x0] =	vst.idx.msk $0xffff, v54  }
0x31b: {  	[tilespmem:v7+s23+$0x0] =	vst.idx.msk $0xffff, v55;
	v57 =	vmul.f32 v1, v37;
	v2 =	vsub.f32 $1.500000000e+00, v2  }
0x31c: {  	[tilespmem:v8+s23+$0x0] =	vst.idx.msk $0xffff, v56;
	v58 =	vmul.f32 v1, v39  }
0x31d: {  	v59 =	vmul.f32 v1, v30;
	[tilespmem:v9+s23+$0x0] =	vst.idx.msk $0xffff, v57;
	v60 =	vmul.f32 v2, v52  }
0x31e: {  	v1 =	vmul.f32 v1, v25;
	[tilespmem:v3+s23+$0x0] =	vst.idx.msk $0xffff, v58;
	v2 =	vmov s10  }
0x31f: {  	[tilespmem:v11+s23+$0x0] =	vst.idx.msk $0xffff, v59;
	v2 =	vshll.u32 v2, $0x4;
	v3 =	vmul.f32 v60, v26  }
0x320: {  	[tilespmem:v12+s23+$0x0] =	vst.idx.msk $0xffff, v1;
	v61 =	vmul.f32 v60, v36;
	v2 =	vor.u32 v0, v2  }
0x321: {  	v62 =	vmul.f32 v60, v28;
	v1 =	vor.u32 $0x1, v2;
	[tilespmem:v17+s23+$0x0] =	vst.idx.msk $0xffff, v3  }
0x322: {  	v3 =	vmul.f32 v60, v29;
	[tilespmem:v18+s23+$0x0] =	vst.idx.msk $0xffff, v61  }
0x323: {  	[tilespmem:v19+s23+$0x0] =	vst.idx.msk $0xffff, v62  }
0x324: {  	v6 =	vor.u32 $0x2, v2;
	[tilespmem:v22+s23+$0x0] =	vst.idx.msk $0xffff, v3  }
0x325: {  	v12 =	vld.idx.msk [tilespmem:v2+s25+$0x0], $0xffff  }
0x326: {  	v4 =	vor.u32 $0x3, v2;
	v15 =	vld.idx.msk [tilespmem:v1+s25+$0x0], $0xffff  }
0x327: {  	v14 =	vld.idx.msk [tilespmem:v2+s26+$0x0], $0xffff  }
0x328: {  	v10 =	vor.u32 $0x4, v2;
	v16 =	vld.idx.msk [tilespmem:v1+s26+$0x0], $0xffff  }
0x329: {  	v5 =	vor.u32 $0x5, v2;
	v17 =	vld.idx.msk [tilespmem:v6+s25+$0x0], $0xffff  }
0x32a: {  	v18 =	vld.idx.msk [tilespmem:v6+s26+$0x0], $0xffff  }
0x32b: {  	v19 =	vld.idx.msk [tilespmem:v4+s26+$0x0], $0xffff  }
0x32c: {  	v7 =	vor.u32 $0x6, v2;
	v63 =	vld.idx.msk [tilespmem:v4+s25+$0x0], $0xffff  }
0x32d: {  	v23 =	vld.idx.msk [tilespmem:v10+s25+$0x0], $0xffff  }
0x32e: {  	v25 =	vld.idx.msk [tilespmem:v5+s25+$0x0], $0xffff;
	v32 =	vmul.f32 v14, v12  }
0x32f: {  	v8 =	vor.u32 $0x7, v2;
	v40 =	vld.idx.msk [tilespmem:v10+s26+$0x0], $0xffff;
	v33 =	vmul.f32 v16, v15;
	v34 =	vmul.f32 v14, v15  }
0x330: {  	v42 =	vld.idx.msk [tilespmem:v5+s26+$0x0], $0xffff;
	v35 =	vmul.f32 v16, v12;
	v36 =	vmul.f32 v18, v17  }
0x331: {  	v45 =	vld.idx.msk [tilespmem:v7+s25+$0x0], $0xffff;
	v37 =	vmul.f32 v19, v17;
	v38 =	vmul.f32 v14, v17  }
0x332: {  	v47 =	vld.idx.msk [tilespmem:v7+s26+$0x0], $0xffff;
	v39 =	vmul.f32 v18, v12;
	v41 =	vmul.f32 v19, v63  }
0x333: {  	v43 =	vmul.f32 v18, v63;
	v44 =	vmul.f32 v19, v15  }
0x334: {  	v49 =	vld.idx.msk [tilespmem:v8+s25+$0x0], $0xffff;
	v46 =	vmul.f32 v14, v63;
	v12 =	vmul.f32 v19, v12  }
0x335: {  	v52 =	vld.idx.msk [tilespmem:v8+s26+$0x0], $0xffff;
	v20 =	vmul.f32 v16, v63;
	v18 =	vmul.f32 v18, v15  }
0x336: {  	v16 =	vmul.f32 v16, v17;
	v53 =	vmul.f32 v40, v23  }
0x337: {  	v9 =	vor.u32 $0x8, v2;
	v54 =	vmul.f32 v42, v25;
	v57 =	vmul.f32 v47, v45  }
0x338: {  	v11 =	vor.u32 $0xA, v2;
	v59 =	vmul.f32 v40, v25;
	v60 =	vmul.f32 v42, v23  }
0x339: {  	v3 =	vor.u32 $0x9, v2;
	v61 =	vmul.f32 v40, v45;
	v62 =	vmul.f32 v47, v23  }
0x33a: {  	v22 =	vor.u32 $0xF, v2;
	v63 =	vmul.f32 v52, v49;
	v28 =	vmul.f32 v40, v49  }
0x33b: {  	v17 =	vmul.f32 v42, v49;
	v13 =	vadd.f32 v33, v32;
	v21 =	vsub.f32 v34, v35  }
0x33c: {  	v40 =	vmul.f32 v47, v25;
	v26 =	vsub.f32 v38, v39;
	v12 =	vsub.f32 v46, v12  }
0x33d: {  	v27 =	vld.idx.msk [tilespmem:v9+s25+$0x0], $0xffff;
	v42 =	vmul.f32 v42, v45;
	v56 =	vadd.f32 v54, v53;
	v24 =	vsub.f32 v61, v62  }
0x33e: {  	v29 =	vld.idx.msk [tilespmem:v9+s26+$0x0], $0xffff;
	v38 =	vmul.f32 v52, v25;
	v13 =	vadd.f32 v36, v13;
	v21 =	vsub.f32 v21, v37  }
0x33f: {  	v30 =	vld.idx.msk [tilespmem:v3+s26+$0x0], $0xffff;
	v48 =	vadd.f32 v44, v26;
	v18 =	vsub.f32 v12, v18;
	v12 =	vor.u32 $0xB, v2  }
0x340: {  	v25 =	vld.idx.msk [tilespmem:v3+s25+$0x0], $0xffff;
	v36 =	vmul.f32 v52, v45;
	v39 =	vadd.f32 v38, v24;
	v13 =	vadd.f32 v41, v13  }
0x341: {  	v37 =	vmul.f32 v47, v49;
	v14 =	vadd.f32 v21, v43;
	v15 =	vsub.f32 v48, v20  }
0x342: {  	v16 =	vadd.f32 v18, v16;
	v18 =	vadd.f32 v57, v56;
	v21 =	vmul.f32 v52, v23  }
0x343: {  	v31 =	vld.idx.msk [tilespmem:v11+s26+$0x0], $0xffff;
	v23 =	vsub.f32 v39, v17;
	v50 =	vmul.f32 v13, v13;
	v51 =	vmul.f32 v14, v14  }
0x344: {  	v17 =	vor.u32 $0xC, v2;
	v52 =	vmul.f32 v29, v27;
	v21 =	vsub.f32 v28, v21;
	v28 =	vld.idx.msk [tilespmem:v11+s25+$0x0], $0xffff  }
0x345: {  	v53 =	vmul.f32 v30, v25;
	v55 =	vmul.f32 v15, v15;
	v19 =	vadd.f32 v51, v50  }
0x346: {  	v54 =	vmul.f32 v29, v25;
	v41 =	vmul.f32 v16, v16;
	v32 =	vld.idx.msk [tilespmem:v12+s26+$0x0], $0xffff;
	v43 =	vsub.f32 v21, v40  }
0x347: {  	v47 =	vmul.f32 v23, v23;
	v58 =	vadd.f32 v19, v55;
	v19 =	vsub.f32 v59, v60  }
0x348: {  	v21 =	vor.u32 $0xD, v2;
	v24 =	vadd.f32 v43, v42;
	v55 =	vmul.f32 v30, v27  }
0x349: {  	v60 =	vmul.f32 v31, v27;
	v57 =	vmul.f32 v31, v28;
	v20 =	vsub.f32 v19, v36  }
0x34a: {  	v59 =	vmul.f32 v29, v28;
	v19 =	vadd.f32 v63, v18;
	v26 =	vadd.f32 v58, v41  }
0x34b: {  	v50 =	vmul.f32 v24, v24;
	v18 =	vor.u32 $0xE, v2;
	v36 =	vld.idx.msk [tilespmem:v12+s25+$0x0], $0xffff;
	v58 =	vmul.f32 v32, v28  }
0x34c: {  	v39 =	vsub.f32 v54, v55;
	v63 =	vmul.f32 v32, v25;
	v27 =	vmul.f32 v32, v27  }
0x34d: {  	v38 =	vld.idx.msk [tilespmem:v17+s25+$0x0], $0xffff;
	v25 =	vmul.f32 v31, v25;
	v28 =	vmul.f32 v30, v28;
	v20 =	vadd.f32 v20, v37  }
0x34e: {  	v43 =	vld.idx.msk [tilespmem:v21+s25+$0x0], $0xffff;
	v44 =	vmul.f32 v19, v19;
	v48 =	vshra.s32 v26, $0x1;
	v26 =	vmul.f32 $5.000000000e-01, v26  }
0x34f: {  	v40 =	vld.idx.msk [tilespmem:v21+s26+$0x0], $0xffff;
	v37 =	vadd.f32 v53, v52;
	v33 =	vsub.s32 $0x5F3759DF, v48;
	v45 =	vmul.f32 v20, v20  }
0x350: {  	v42 =	vld.idx.msk [tilespmem:v22+s26+$0x0], $0xffff;
	v39 =	vsub.f32 v39, v58;
	v51 =	vmul.f32 v33, v26;
	v61 =	vmul.f32 v32, v36  }
0x351: {  	v37 =	vadd.f32 v57, v37;
	v62 =	vmul.f32 v31, v36;
	v48 =	vld.idx.msk [tilespmem:v18+s25+$0x0], $0xffff;
	v29 =	vmul.f32 v29, v36  }
0x352: {  	v32 =	vld.idx.msk [tilespmem:v18+s26+$0x0], $0xffff;
	v36 =	vmul.f32 v30, v36;
	v46 =	vadd.f32 v45, v44;
	v44 =	vsub.f32 v59, v60  }
0x353: {  	v35 =	vmul.f32 v33, v51;
	v37 =	vadd.f32 v61, v37;
	v27 =	vsub.f32 v29, v27  }
0x354: {  	v52 =	vmul.f32 v40, v43;
	v39 =	vadd.f32 v39, v62;
	v49 =	vadd.f32 v46, v47;
	v46 =	vld.idx.msk [tilespmem:v17+s26+$0x0], $0xffff  }
0x355: {  	v62 =	vmul.f32 v42, v43;
	v47 =	vadd.f32 v63, v44;
	v25 =	vsub.f32 v27, v25  }
0x356: {  	v29 =	vld.idx.msk [tilespmem:v22+s25+$0x0], $0xffff;
	v34 =	vadd.f32 v49, v50;
	v49 =	vmul.f32 v37, v37;
	v50 =	vmul.f32 v39, v39  }
0x357: {  	v30 =	vsub.f32 v47, v36;
	v54 =	vmul.f32 v32, v48;
	v58 =	vmul.f32 v32, v38  }
0x358: {  	v60 =	vmul.f32 v42, v48;
	v56 =	vshra.s32 v34, $0x1;
	v34 =	vmul.f32 $5.000000000e-01, v34  }
0x359: {  	v25 =	vadd.f32 v25, v28;
	v53 =	vmul.f32 v30, v30;
	v51 =	vmul.f32 v46, v38  }
0x35a: {  	v41 =	vsub.s32 $0x5F3759DF, v56;
	v55 =	vmul.f32 v46, v43;
	v56 =	vmul.f32 v40, v38  }
0x35b: {  	v31 =	vadd.f32 v50, v49;
	v59 =	vmul.f32 v42, v29;
	v57 =	vmul.f32 v46, v48  }
0x35c: {  	v61 =	vmul.f32 v32, v29;
	v27 =	vadd.f32 v52, v51;
	v36 =	vsub.f32 v55, v56  }
0x35d: {  	v63 =	vmul.f32 v46, v29;
	v38 =	vmul.f32 v42, v38;
	v28 =	vsub.f32 v57, v58  }
0x35e: {  	v32 =	vmul.f32 v32, v43;
	v27 =	vadd.f32 v54, v27;
	v36 =	vsub.f32 v36, v60  }
0x35f: {  	v29 =	vmul.f32 v40, v29;
	v38 =	vsub.f32 v63, v38;
	v28 =	vadd.f32 v62, v28  }
0x360: {  	v47 =	vmul.f32 v25, v25;
	v27 =	vadd.f32 v59, v27;
	v36 =	vadd.f32 v36, v61  }
0x361: {  	v48 =	vmul.f32 v40, v48;
	v31 =	vadd.f32 v31, v53;
	v32 =	vsub.f32 v38, v32  }
0x362: {  	v28 =	vsub.f32 v28, v29;
	v49 =	vmul.f32 v27, v27;
	v50 =	vmul.f32 v36, v36  }
0x363: {  	v35 =	vsub.f32 $1.500000000e+00, v35;
	v51 =	vmul.f32 v41, v34;
	v31 =	vadd.f32 v31, v47  }
0x364: {  	v29 =	vadd.f32 v32, v48;
	v53 =	vmul.f32 v28, v28;
	v52 =	vadd.f32 v50, v49  }
0x365: {  	v33 =	vmul.f32 v33, v35;
	v54 =	vmul.f32 v41, v51;
	v55 =	vshra.s32 v31, $0x1  }
0x366: {  	v31 =	vmul.f32 $5.000000000e-01, v31;
	v56 =	vmul.f32 v29, v29;
	v32 =	vadd.f32 v52, v53  }
0x367: {  	v57 =	vmul.f32 v33, v26;
	v35 =	vsub.f32 $1.500000000e+00, v54;
	v40 =	vsub.s32 $0x5F3759DF, v55  }
0x368: {  	v58 =	vmul.f32 v40, v31;
	v32 =	vadd.f32 v32, v56  }
0x369: {  	v59 =	vmul.f32 v57, v33;
	v35 =	vmul.f32 v41, v35  }
0x36a: {  	v60 =	vmul.f32 v40, v58;
	v61 =	vshra.s32 v32, $0x1;
	v32 =	vmul.f32 $5.000000000e-01, v32  }
0x36b: {  	v38 =	vsub.f32 $1.500000000e+00, v59;
	v62 =	vmul.f32 v35, v34;
	v42 =	vsub.s32 $0x5F3759DF, v61  }
0x36c: {  	v41 =	vsub.f32 $1.500000000e+00, v60;
	v63 =	vmul.f32 v42, v32  }
0x36d: {  	v33 =	vmul.f32 v38, v33;
	v48 =	vmul.f32 v62, v35  }
0x36e: {  	v40 =	vmul.f32 v40, v41;
	v49 =	vmul.f32 v42, v63  }
0x36f: {  	v26 =	vmul.f32 v33, v26;
	v38 =	vsub.f32 $1.500000000e+00, v48  }
0x370: {  	v50 =	vmul.f32 v40, v31;
	v41 =	vsub.f32 $1.500000000e+00, v49  }
0x371: {  	v26 =	vmul.f32 v26, v33;
	v35 =	vmul.f32 v38, v35  }
0x372: {  	v51 =	vmul.f32 v50, v40;
	v41 =	vmul.f32 v42, v41  }
0x373: {  	v26 =	vsub.f32 $1.500000000e+00, v26;
	v34 =	vmul.f32 v35, v34  }
0x374: {  	v38 =	vsub.f32 $1.500000000e+00, v51;
	v42 =	vmul.f32 v41, v32  }
0x375: {  	v26 =	vmul.f32 v26, v33;
	v52 =	vmul.f32 v34, v35  }
0x376: {  	v53 =	vmul.f32 v38, v40;
	v54 =	vmul.f32 v42, v41  }
0x377: {  	v13 =	vmul.f32 v26, v13;
	v33 =	vsub.f32 $1.500000000e+00, v52  }
0x378: {  	v14 =	vmul.f32 v26, v14;
	v31 =	vmul.f32 v53, v31;
	v38 =	vsub.f32 $1.500000000e+00, v54  }
0x379: {  	v15 =	vmul.f32 v26, v15;
	v33 =	vmul.f32 v33, v35  }
0x37a: {  	[tilespmem:v2+s23+$0x0] =	vst.idx.msk $0xffff, v13;
	v2 =	vmul.f32 v31, v53;
	v55 =	vmul.f32 v38, v41  }
0x37b: {  	v16 =	vmul.f32 v26, v16;
	[tilespmem:v1+s23+$0x0] =	vst.idx.msk $0xffff, v14  }
0x37c: {  	[tilespmem:v6+s23+$0x0] =	vst.idx.msk $0xffff, v15;
	v1 =	vmul.f32 v33, v19;
	v2 =	vsub.f32 $1.500000000e+00, v2;
	v56 =	vmul.f32 v55, v32  }
0x37d: {  	[tilespmem:v4+s23+$0x0] =	vst.idx.msk $0xffff, v16;
	v57 =	vmul.f32 v33, v20;
	v58 =	vmul.f32 v33, v23  }
0x37e: {  	[tilespmem:v10+s23+$0x0] =	vst.idx.msk $0xffff, v1;
	v1 =	vmul.f32 v2, v53;
	v2 =	vmul.f32 v56, v55  }
0x37f: {  	v59 =	vmul.f32 v33, v24;
	[tilespmem:v5+s23+$0x0] =	vst.idx.msk $0xffff, v57  }
0x380: {  	[tilespmem:v7+s23+$0x0] =	vst.idx.msk $0xffff, v58;
	v60 =	vmul.f32 v1, v37;
	v2 =	vsub.f32 $1.500000000e+00, v2  }
0x381: {  	[tilespmem:v8+s23+$0x0] =	vst.idx.msk $0xffff, v59;
	v61 =	vmul.f32 v1, v39  }
0x382: {  	v62 =	vmul.f32 v1, v30;
	[tilespmem:v9+s23+$0x0] =	vst.idx.msk $0xffff, v60;
	v2 =	vmul.f32 v2, v55  }
0x383: {  	s9 =	sadd.s32 $0x4, s9;
	v1 =	vmul.f32 v1, v25;
	[tilespmem:v3+s23+$0x0] =	vst.idx.msk $0xffff, v61  }
0x384: {  	p0 =	slt.u32 s9, $0x1C;
	[tilespmem:v11+s23+$0x0] =	vst.idx.msk $0xffff, v62;
	v3 =	vmul.f32 v2, v27  }
.Ltmp1:
0x385: {  	[tilespmem:v12+s23+$0x0] =	vst.idx.msk $0xffff, v1;
	v1 =	vmul.f32 v2, v36;
	(pc) =	sbr.rel @p0 .LBB2_5-.Ltmp1, $4  }
0x386: {  	v63 =	vmul.f32 v2, v28;
	[tilespmem:v17+s23+$0x0] =	vst.idx.msk $0xffff, v3  }
0x387: {  	v2 =	vmul.f32 v2, v29;
	[tilespmem:v21+s23+$0x0] =	vst.idx.msk $0xffff, v1  }
0x388: {  	[tilespmem:v18+s23+$0x0] =	vst.idx.msk $0xffff, v63  }
0x389: {  	s10 =	sadd.s32 $0x40, s10;
	[tilespmem:v22+s23+$0x0] =	vst.idx.msk $0xffff, v2  }
0x38a: {  	s8 =	sor.u32 $0x200, s8;
	s1 =	sadd.s32 $0x1, s1  }
0x38b: {  	s8 =	smin.u32 s8, $0xC150;
	p0 =	sne.s32 s1, $0x31  }
.Ltmp2:
0x38c: {  	s8 =	sadd.s32 s4, s8;
	(pc) =	sbr.rel @p0 .LBB2_2-.Ltmp2, $4  }
0x38d: {  	s8 =	sshll.u32 s8, $0x1  }
0x38e: {  	s8 =	sand.u32 $0x7FFFE0, s8  }
0x38f: {  	s8 =	sadd.s32 s2, s8  }
0x390: {  	[hbm4b:s8+s3] =	stream.linear.scatter [tilespmem:s23], [sflag:$0x6], $0x2000, $0x38;
	[tilespmem:$0xC800] =	vst v63  }
0x391: {  	_ =	swait.ge [sflag:s28], $0x2000  }
0x392: {  	[sflag:s28] =	ssyncset.done $0x0  }
0x393: {  	[sflag:s28] =	ssyncadd.s32 $0xFFFFE000  }
0x394: {  	_ =	swait.ge [sflag:s28], $0x2000  }
0x395: {  	[sflag:s28] =	ssyncset.done $0x0  }
0x396: {  	[sflag:s28] =	ssyncadd.s32 $0xFFFFE000  }
0x397: {  	_ =	swait.ge [sflag:s24], $0x200  }
0x398: {  	[sflag:s24] =	ssyncset.done $0x0  }
0x399: {  	[sflag:s24] =	ssyncadd.s32 $0xFFFFFE00  }
0x39a: {  	_ =	swait.ge [sflag:s24], $0x200  }
0x39b: {  	[sflag:s24] =	ssyncset.done $0x0  }
0x39c: {  	s0 =	sadd.s32 $0x1, s0;
	[sflag:s24] =	ssyncadd.s32 $0xFFFFFE00  }
0x39d: {  	p0 =	sne.s32 s0, s15;
	_ =	swait.ge [sflag:s29], $0x2000  }
.Ltmp3:
0x39e: {  	[sflag:s29] =	ssyncset.done $0x0;
	(pc) =	sbr.rel @p0 .LBB2_1-.Ltmp3, $4  }
0x39f: {  	[sflag:s29] =	ssyncadd.s32 $0xFFFFE000  }
0x3a0: {  	_ =	swait.ge [sflag:s31], $0x2000  }
0x3a1: {  	[sflag:s31] =	ssyncset.done $0x0  }
0x3a2: {  	[sflag:s31] =	ssyncadd.s32 $0xFFFFE000  }
0x3a3: {  	_ =	sfence.sel $0x180000  }
0x3a4: {  	[bflag:$0x0] =	sbarrier.arrive $0xFFFF  }
0x3a5: {  	_ =	strace $0x90000047  }
0x3a6: {  	s0 =	stileid.u32;
	[bflag:$0x2] =	sbarrier.arrive $0xFFFF  }
0x3a7: {  	p0 =	sne.s32 s0, $0x0;
	s0 =	rddreg [dreg:$0x2]  }
0x3a8: {  	s0 =	sadd.s32 @!p0 $0x100000, s0  }
0x3a9: {  	[sflag:s0] =	ssyncadd.tile.s32 @!p0 $0x1;
	_ =	shalt  }
.Lfunc_end2:
_tile_overlayer_lowered:
.L_overlay_start_2:
0x3aa: {  	(tag) =	ssettag $0x2  }
0x3ab: {  	s0 =	rddreg [dreg:$0x0];
	s2 =	stileid.u32  }
0x3ac: {  	s1 =	rddreg [dreg:$0x1];
	p0 =	sne.s32 s2, $0x0  }
0x3ad: {  	s3 =	rddreg [dreg:$0x2];
	[bflag:$0x3] =	sbarrier.arrive $0xFFFF;
	s2 =	simm.s32 @!p0 $0x1C07  }
0x3ae: {  	[timem:s3], [sflag:s2] =	dma.local @!p0 [hbm:s0], s1  }
0x3af: {  	s0 =	simm.s32 @!p0 $0x7  }
0x3b0: {  	_ =	swait.ge @!p0 [sflag:s0], s1  }
0x3b1: {  	s1 =	ssub.s32 @!p0 $0x0, s1;
	[sflag:s0] =	ssyncset.done @!p0 $0x0  }
0x3b2: {  	[sflag:s0] =	ssyncadd.s32 @!p0 s1  }
0x3b3: {  	[bflag:$0x3] =	sbarrier.arrive $0xFFFF  }
0x3b4: {  	_ =	shalt  }

// kernel: sparse-core-data-format-call.cloned.1.call-start
scs
called_computation_lowered:
.L_overlay_start_0:
0x0: {  	s1 =	sld [smem:$0x3FD9]  }
0x1: {  	s2 =	sld [smem:$0x3FFE];
	_ =	sdelay $0x1  }
0x2: {  	s3 =	srdreg.scid  }
0x3: {  	s0 =	sand.u32 $0x1, s3  }
0x4: {  	s17 =	sshll.u32 s0, $0xA;
	s1 =	sadd.s32 s2, s1  }
0x5: {  	s1 =	sadd.s32 s1, s17  }
0x6: {  	[smem:$0x3FC6] =	sst s1  }
0x7: {  	_ = 	snop  }
0x8: {  	(tm) =	ssettm $0x1  }
0x9: {  	s18 =	sld [smem:$0x3FFB];
	_ =	sdelay $0x3  }
0xa: {  	_ =	strace s18  }
0xb: {  	s1 =	sld [smem:$0x3FFC];
	_ =	sdelay $0x3  }
0xc: {  	_ =	strace s1  }
0xd: {  	s1 =	sld [smem:$0x3FFD];
	_ =	sdelay $0x3  }
0xe: {  	_ =	strace s1  }
0xf: {  	_ =	strace $0x8FFFFFFF  }
0x10: {  	s19 =	sld [smem:$0x3FDB];
	_ =	sdelay $0x1  }
0x11: {  	s20 =	simm.s32 $_scs_section_size  }
0x12: {  	s4 =	simm.s32 $_size__tile_overlayer_lowered;
	s5 =	simm.s32 $_tile_overlayer_lowered  }
0x13: {  	s23 =	simm.s32 $0x1BFF;
	s22 =	sshll.u32 s5, $0x1;
	s1 =	sadd.s32 s20, s19  }
0x14: {  	s6 =	simm.s32 $0x0;
	s21 =	sshll.u32 s4, $0x1;
	s4 =	sadd.s32 s22, s1  }
0x15: {  	[timem:s6], [sflag:s23] =	dma.local [hbm:s4], s21  }
0x16: {  	_ =	swait.ge [sflag:s23], s21  }
0x17: {  	s2 =	ssub.s32 $0x0, s21;
	[sflag:s23] =	ssyncset.done $0x0  }
0x18: {  	[sflag:s23] =	ssyncadd.s32 s2;
	_ =	sdelay $0x1  }
0x19: {  	s24 =	simm.s32 $0x1B8B  }
0x1a: {  	_ =	swait.ge [sflag:s24], $0x1  }
0x1b: {  	[sflag:s24] =	ssyncset.done $0x0  }
0x1c: {  	s26 =	simm.s32 $0x1B8E;
	s25 =	sld [smem:$0x3FFE];
	[sflag:s24] =	ssyncadd.s32 $0xFFFFFFFF  }
0x1d: {  	s27 =	simm.s32 $execute0_lowered;
	[smem:$0x3FD2] =	sst s26  }
0x1e: {  	s4 =	sshll.u32 s27, $0x1;
	_ =	strace $0x80000049;
	[dreg:$0x1] =	wrdreg $0xFFFFFFFF  }
0x1f: {  	s28 =	simm.s32 $_size_execute0_lowered;
	s1 =	sadd.s32 s1, s4;
	[dreg:$0x0] =	wrdreg $0x0  }
0x20: {  	s4 =	sshll.u32 s28, $0x1;
	[dreg:$0x2] =	wrdreg s1  }
0x21: {  	[dreg:$0x3] =	wrdreg s4  }
0x22: {  	[dreg:$0x4] =	wrdreg $0xC0  }
0x23: {  	_ =	task [dreg:s6], $0x5FFFF  }
0x24: {  	[dreg:$0x1] =	wrdreg $0xFFFFFFFF  }
0x25: {  	[dreg:$0x0] =	wrdreg $0x60  }
0x26: {  	[dreg:$0x2] =	wrdreg s25  }
0x27: {  	[dreg:$0x3] =	wrdreg $0x9  }
0x28: {  	_ =	task.clear_ibuf [dreg:s6], $0x4FFFF;
	_ =	strace $0x90000049  }
0x29: {  	s29 =	simm.s32 $0x9;
	_ =	strace $0x8000004B  }
0x2a: {  	_ =	swait.ge [sflag:s29], $0x1  }
0x2b: {  	[sflag:s29] =	ssyncadd.s32 $0xFFFFFFFF  }
0x2c: {  	_ =	strace $0x9000004B  }
0x2d: {  	_ =	sfence  }
0x2e: {  	s30 =	sld [smem:$0x0];
	_ =	sdelay $0x2  }
0x2f: {  	s31 =	sshll.u32 s3, $0xD;
	s3 =	sshrl.u32 s3, $0x2  }
0x30: {  	s2 =	sand.u32 $0x4000, s31;
	s1 =	sadd.s32 s3, s30  }
0x31: {  	s0 =	sor.u32 s2, s0;
	s1 =	sshll.u32 s1, $0x11  }
0x32: {  	s0 =	sor.u32 s1, s0  }
0x33: {  	s0 =	sadd.s32 $0x8F2B, s0  }
0x34: {  	[sflag:s0] =	ssyncadd.remote.s32 $0x1  }
0x35: {  	_ =	sfence.sel $0xFFFF  }
0x36: {  	[dreg:$0x0] =	wrdreg $0xFFFFFFFF;
	(pc) =	sbr.abs _section_cstart, $3  }
0x37: {  	[dreg:$0x1] =	wrdreg $0xFFFFFFFF  }
0x38: {  	_ =	task.clear_ibuf [dreg:s6], $0x2FFFF;
	_ =	strace $0x9FFFFFFF  }
0x39: {  	(tm) =	ssettm $0x7FFFFFFF  }
tec
execute0_lowered:
.L_overlay_start_1:
0x0: {  	(tag) =	ssettag $0x1  }
0x1: {  	s0 =	srdreg.scid  }
0x2: {  	s1 =	sshll.u32 s0, $0x4  }
0x3: {  	s4 =	rddreg [dreg:$0x0];
	s0 =	stileid.u32;
	s1 =	sand.u32 $0x10, s1  }
0x4: {  	s7 =	simm.s32 $0x1;
	s8 =	simm.s32 $0x2;
	s1 =	sor.u32 s0, s1  }
0x5: {  	s11 =	simm.s32 $0x0;
	s3 =	sadd.s32 $0xE00, s4;
	s2 =	sshll.u32 s1, $0x7  }
0x6: {  	s10 =	simm.s32 $0x0;
	s4 =	sadd.s32 $0x186AE00, s4;
	s6 =	ssub.s32 $0x186A00, s2  }
.Ltmp0:
0x7: {  	s1 =	rddreg [dreg:$0x1];
	s5 =	sand.u32 $0xF80, s6;
	(pc) =	sbr.rel .LBB1_1-.Ltmp0, $4  }
0x8: {  	_ =	strace $0x8000004A;
	s9 =	smov.u32 s2;
	p0 =	sne.s32 s5, $0x0  }
0x9: {  	s6 =	sshrl.u32 s6, $0xC;
	s5 =	simm.s32 $0x1;
	s7 =	simm.s32 @!p0 $0x0  }
0xa: {  	[sflag:s5] =	ssyncpa.u1 $0x0;
	p0 =	por $0x0, $0x0;
	s6 =	sadd.s32 s7, s6  }
0xb: {  	[sflag:s8] =	ssyncpa.u1 $0x0;
	s8 =	simm.s32 $0xC35000;
	s7 =	sadd.s32 $0x1, s6  }
.LBB1_4:
0xc: {  	s14 =	sshll.u32 s11, $0x3  }
0xd: {  	s14 =	sand.u32 $0xFFFFFC00, s14  }
0xe: {  	s15 =	sshrl.u32 s14, $0x9  }
0xf: {  	s15 =	smulhi.u32 $0xA7C5AD, s15;
	_ =	sdelay $0x1  }
0x10: {  	s15 =	sshrl.u32 s15, $0x3  }
0x11: {  	s28 =	sand.u32 $0x7F, s11;
	s16 =	smul.u32 $0x186A00, s15  }
0x12: {  	[tilespmem:s12+$0xFFFFFFFC ss:$0x81] =	vst.msk $0xffff, v0;
	s11 =	sor.u32 s28, s14  }
0x13: {  	[tilespmem:s12+$0xFFFFFFFD ss:$0x81] =	vst.msk $0xffff, v3;
	s29 =	sand.u32 $0xF, s15;
	s11 =	ssub.s32 s11, s16  }
0x14: {  	[tilespmem:s12+$0xFFFFFFFE ss:$0x81] =	vst.msk $0xffff, v1;
	s14 =	smul.u32 $0x30D40, s29;
	s30 =	sshrl.u32 s11, $0x3;
	s11 =	sand.u32 $0x7, s11  }
0x15: {  	[tilespmem:s12+$0xFFFFFFFF ss:$0x81] =	vst.msk $0xffff, v4;
	s15 =	sadd.s32 s4, s30;
	s11 =	sshll.u32 s11, $0x12  }
0x16: {  	[tilespmem:s12+$0xFFFFFFF9 ss:$0x81] =	vst.msk $0xffff, v2;
	s31 =	sadd.s32 s14, s15;
	s11 =	sor.u32 $0x400, s11  }
0x17: {  	[hbm4b:s31+s11] =	stream.strided.scatter [tilespmem:s13], [sflag:$0x2], $0x800, s8, s11, $0x20;
	[tilespmem:$0x2020] =	vst v63  }
.LBB1_5:
0x18: {  	s13 =	sadd.s32 $0x1000, s9  }
0x19: {  	p2 =	sgt.s32 s13, $0x1869FF  }
0x1a: {  	s13 =	smov.u32 @p2 s2;
	p2 =	sne.s32 s10, s7  }
.Ltmp1:
0x1b: {  	p1 =	slt.u32 s10, $0x2;
	(pc) =	sbr.rel @!p2 .LBB1_6-.Ltmp1, $4  }
0x1c: {  	s12 =	simm.s32 @!p1 $0x2  }
0x1d: {  	s14 =	sadd.s32 $0x1, s10;
	_ =	swait.ge @!p1 [sflag:s12], $0x800  }
0x1e: {  	s11 =	smov.u32 s9;
	p0 =	por !p0, !p0;
	[sflag:s12] =	ssyncset.done @!p1 $0x0  }
0x1f: {  	s10 =	smov.u32 s14;
	s9 =	smov.u32 s13;
	[sflag:s12] =	ssyncadd.s32 @!p1 $0xFFFFF800  }
.LBB1_1:
0x20: {  	p1 =	sge.u32 s10, s6  }
0x21: {  	s12 =	sand.u32 @!p1 $0x1FFFFFF, s9  }
0x22: {  	s13 =	smulhi.u32 @!p1 $0x14F8B59, s12;
	_ =	sdelay $0x1  }
0x23: {  	s13 =	sshrl.u32 @!p1 s13, $0xD  }
0x24: {  	s13 =	smul.u32 @!p1 $0x186A00, s13;
	_ =	sdelay $0x1  }
0x25: {  	s31 =	sadd.s32 $0xFFFFFFFF, s10;
	s14 =	sxor.u32 @!p1 $0xFFFFFFFF, s10;
	s12 =	ssub.s32 @!p1 s12, s13  }
0x26: {  	s15 =	simm.s32 @!p1 $0x80;
	s14 =	sshll.u32 @!p1 s14, $0xB;
	s12 =	sshll.u32 @!p1 s12, $0x4  }
0x27: {  	s13 =	sand.u32 @!p1 $0x800, s14;
	s14 =	simm.s32 @!p1 $0x10;
	s12 =	sadd.s32 @!p1 s3, s12  }
0x28: {  	[tilespmem:s13], [sflag:$0x1] =	stream.strided.gather @!p1 [hbm4b:s12+s14], $0x800, s15, s14, $0x38;
	[tilespmem:$0x2020] =	vst v63  }
0x29: {  	p1 =	sge.u32 s31, s6  }
.Ltmp2:
0x2a: {  	_ = 	snop;
	(pc) =	sbr.rel @p1 .LBB1_5-.Ltmp2, $1  }
0x2b: {  	_ =	sdelay $0x3  }
0x2c: {  	s12 =	simm.s32 $0x1  }
0x2d: {  	_ =	swait.ge [sflag:s5], $0x800;
	s12 =	simm.s32 @!p0 $0x0  }
0x2e: {  	[sflag:s5] =	ssyncset.done $0x0;
	s13 =	sshll.u32 s12, $0xB  }
0x2f: {  	[sflag:s5] =	ssyncadd.s32 $0xFFFFF800;
	s15 =	sor.u32 $0x40, s13  }
0x30: {  	v2 =	vld [tilespmem:s15+$0x30]  }
0x31: {  	s12 =	smul.u32 $0x2040, s12;
	v4 =	vld [tilespmem:s15+$0xFFFFFFD0]  }
0x32: {  	v5 =	vld [tilespmem:s15+$0xFFFFFFE0]  }
0x33: {  	s31 =	sand.u32 $0x1, s10;
	s12 =	sshrl.u32 s12, $0x2;
	v0 =	vld [tilespmem:s15+$0xFFFFFFF0]  }
0x34: {  	s13 =	smul.u32 $0x2040, s31;
	v3 =	vld [tilespmem:s15+$0x0];
	s12 =	sor.u32 $0x1007, s12  }
0x35: {  	v1 =	vld [tilespmem:s15+$0x10];
	[tilespmem:s12+$0x0 ss:$0x81] =	vst.msk $0xffff, v2  }
0x36: {  	s13 =	sshrl.u32 s13, $0x2;
	[tilespmem:s12+$0xFFFFFFFA ss:$0x81] =	vst.msk $0xffff, v4;
	v4 =	vld [tilespmem:s15+$0x20]  }
0x37: {  	s14 =	simm.s32 $0x0;
	s13 =	sor.u32 $0x1000, s13;
	v2 =	vld [tilespmem:s15+$0xFFFFFFC0];
	[tilespmem:s12+$0xFFFFFFFB ss:$0x81] =	vst.msk $0xffff, v5;
	s15 =	sadd.s32 $0x80, s15  }
.LBB1_3:
0x38: {  	v5 =	vld [tilespmem:s15+$0x30];
	s14 =	sadd.s32 $0x8, s14;
	[tilespmem:s12+$0xFFFFFFFC ss:$0x81] =	vst.msk $0xffff, v0  }
0x39: {  	v6 =	vld [tilespmem:s15+$0xFFFFFFD0];
	p1 =	slt.u32 s14, $0x78;
	[tilespmem:s12+$0xFFFFFFFD ss:$0x81] =	vst.msk $0xffff, v3  }
0x3a: {  	v7 =	vld [tilespmem:s15+$0xFFFFFFE0];
	[tilespmem:s12+$0xFFFFFFFE ss:$0x81] =	vst.msk $0xffff, v1  }
.Ltmp3:
0x3b: {  	v0 =	vld [tilespmem:s15+$0xFFFFFFF0];
	[tilespmem:s12+$0xFFFFFFFF ss:$0x81] =	vst.msk $0xffff, v4;
	(pc) =	sbr.rel @p1 .LBB1_3-.Ltmp3, $4  }
0x3c: {  	v3 =	vld [tilespmem:s15+$0x0];
	[tilespmem:s12+$0xFFFFFFF9 ss:$0x81] =	vst.msk $0xffff, v2;
	s12 =	sadd.s32 $0x8, s12  }
0x3d: {  	v1 =	vld [tilespmem:s15+$0x10];
	[tilespmem:s12+$0x0 ss:$0x81] =	vst.msk $0xffff, v5  }
0x3e: {  	[tilespmem:s12+$0xFFFFFFFA ss:$0x81] =	vst.msk $0xffff, v6;
	v4 =	vld [tilespmem:s15+$0x20]  }
0x3f: {  	v2 =	vld [tilespmem:s15+$0xFFFFFFC0];
	[tilespmem:s12+$0xFFFFFFFB ss:$0x81] =	vst.msk $0xffff, v7;
	s15 =	sadd.s32 $0x80, s15  }
.Ltmp4:
0x40: {  	_ = 	snop;
	(pc) =	sbr.rel .LBB1_4-.Ltmp4, $1  }
0x41: {  	_ =	sdelay $0x3  }
.LBB1_6:
0x42: {  	_ =	sfence.sel $0x180000  }
0x43: {  	s2 =	simm.s32 $0x1;
	[bflag:$0x0] =	sbarrier.arrive $0xFFFF  }
0x44: {  	s31 =	simm.s32 $0x2;
	[sflag:s2] =	ssyncpa.u1 $0x1  }
0x45: {  	[sflag:s31] =	ssyncpa.u1 $0x1  }
0x46: {  	p0 =	sne.s32 s0, $0x0;
	_ =	strace $0x9000004A  }
0x47: {  	s0 =	sadd.s32 @!p0 $0x100000, s1;
	[bflag:$0x2] =	sbarrier.arrive $0xFFFF  }
0x48: {  	[sflag:s0] =	ssyncadd.tile.s32 @!p0 $0x1;
	_ =	shalt  }
.Lfunc_end1:
_tile_overlayer_lowered:
.L_overlay_start_2:
0x49: {  	(tag) =	ssettag $0x2  }
0x4a: {  	s0 =	rddreg [dreg:$0x0];
	s2 =	stileid.u32  }
0x4b: {  	s1 =	rddreg [dreg:$0x1];
	p0 =	sne.s32 s2, $0x0  }
0x4c: {  	s3 =	rddreg [dreg:$0x2];
	[bflag:$0x3] =	sbarrier.arrive $0xFFFF;
	s2 =	simm.s32 @!p0 $0x1C01  }
0x4d: {  	[timem:s3], [sflag:s2] =	dma.local @!p0 [hbm:s0], s1  }
0x4e: {  	s0 =	simm.s32 @!p0 $0x1  }
0x4f: {  	_ =	swait.ge @!p0 [sflag:s0], s1  }
0x50: {  	s1 =	ssub.s32 @!p0 $0x0, s1;
	[sflag:s0] =	ssyncset.done @!p0 $0x0  }
0x51: {  	[sflag:s0] =	ssyncadd.s32 @!p0 s1  }
0x52: {  	[bflag:$0x3] =	sbarrier.arrive $0xFFFF  }
0x53: {  	_ =	shalt  }

</sc_bundles>
